<compile_context>
chip_gen: v7x
topology: tpu7x:2x2x1
jax: 0.10.2.dev20260603
libtpu: 0.0.44.dev20260713+nightly
codegen_flags: <defaults>
</compile_context>

<pallas_src>
import functools

import jax
import jax.numpy as jnp
from jax import lax
from jax.experimental import pallas as pl
from jax.experimental.pallas import tpu as pltpu
from jax.experimental.pallas import tpu_sc as plsc

VOCAB = 100000
EMB = 128
OUT = 256
H = OUT // 2
T = 200
B = 1024
G4 = 4 * H

NC = 2
NS = 16
NW = NC * NS
CHUNK = 128
NSTEP = 8
SEG = 48


@functools.cache
def _make_sc_gather(rows_per_w, nchunk):
  mesh = plsc.VectorSubcoreMesh(core_axis_name="c", subcore_axis_name="s")

  @functools.partial(
      pl.kernel,
      mesh=mesh,
      out_type=jax.ShapeDtypeStruct((NW * rows_per_w, EMB), jnp.float32),
      scratch_types=[
          pltpu.VMEM((nchunk, CHUNK), jnp.int32),
          pltpu.VMEM((CHUNK, EMB), jnp.float32),
          pltpu.VMEM((CHUNK, EMB), jnp.float32),
          pltpu.SemaphoreType.DMA,
          pltpu.SemaphoreType.DMA,
          pltpu.SemaphoreType.DMA,
          pltpu.SemaphoreType.DMA,
      ],
  )
  def gather_kernel(table_hbm, idx_hbm, out_hbm, idx_v, rows0, rows1,
                    g0, g1, s0, s1):
    wid = lax.axis_index("s") * NC + lax.axis_index("c")
    base = wid * rows_per_w
    pltpu.sync_copy(idx_hbm.at[wid], idx_v)

    bufs = ((rows0, g0, s0), (rows1, g1, s1))

    def out_at(c):
      return out_hbm.at[pl.ds(base + c * CHUNK, CHUNK)]

    pltpu.async_copy(table_hbm.at[idx_v.at[0]], rows0, g0)
    pltpu.async_copy(table_hbm.at[idx_v.at[1]], rows1, g1)

    def body(i, carry):
      j = i * 2
      for k, (buf, gsem, ssem) in enumerate(bufs):
        c = j + k
        pltpu.make_async_copy(table_hbm.at[idx_v.at[c]], buf, gsem).wait()
        pltpu.async_copy(buf, out_at(c), ssem)

      for k, (buf, gsem, ssem) in enumerate(bufs):
        c = j + k + 2

        @pl.when(c < nchunk)
        def _():
          pltpu.make_async_copy(buf, out_at(c - 2), ssem).wait()
          pltpu.async_copy(table_hbm.at[idx_v.at[c]], buf, gsem)

      return carry

    lax.fori_loop(0, nchunk // 2, body, 0)
    pltpu.make_async_copy(rows0, out_at(nchunk - 2), s0).wait()
    pltpu.make_async_copy(rows1, out_at(nchunk - 1), s1).wait()

  return gather_kernel


def _gather(table, idx_flat):
  n = idx_flat.shape[0]
  rows_per_w = n // NW
  nchunk = rows_per_w // CHUNK
  idx3 = idx_flat.reshape(NW, nchunk, CHUNK)
  return _make_sc_gather(rows_per_w, nchunk)(table, idx3)


def _stage_kernel(xf_ref, xb_ref, wf_ref, bf_ref, wb_ref, bb_ref,
                  hf_in, cf_in, hb_in, cb_in,
                  hf_out, cf_out, hb_out, cb_out,
                  xhf, cf, xhb, cb):
  t = pl.program_id(0)
  nt = pl.num_programs(0)

  @pl.when(t == 0)
  def _init():
    xhf[:, EMB:] = hf_in[...].astype(jnp.bfloat16)
    cf[...] = cf_in[...]
    xhb[:, EMB:] = hb_in[...].astype(jnp.bfloat16)
    cb[...] = cb_in[...]

  def sig_pre(x):
    return 0.5 * jnp.tanh(x) + 0.5

  def step(x, xh, c_ref, w, b):
    xh[:, :EMB] = x.astype(jnp.bfloat16)
    gates = jnp.dot(xh[...], w,
                    preferred_element_type=jnp.float32).astype(jnp.bfloat16) + b
    i = sig_pre(gates[:, 0:H])
    f = sig_pre(gates[:, H:2 * H])
    g = jnp.tanh(gates[:, 2 * H:3 * H])
    o = sig_pre(gates[:, 3 * H:4 * H])
    c_new = f.astype(jnp.float32) * c_ref[...] + (i * g).astype(jnp.float32)
    h_new = o.astype(jnp.float32) * jnp.tanh(c_new)
    c_ref[...] = c_new
    xh[:, EMB:] = h_new.astype(jnp.bfloat16)
    return h_new

  for k in range(NSTEP):
    hf_new = step(xf_ref[k], xhf, cf, wf_ref[...], bf_ref[...])
    hb_new = step(xb_ref[NSTEP - 1 - k], xhb, cb, wb_ref[...], bb_ref[...])

  @pl.when(t == nt - 1)
  def _emit():
    hf_out[...] = hf_new
    cf_out[...] = cf[...]
    hb_out[...] = hb_new
    cb_out[...] = cb[...]


def _lstm_stage(xf_src, xb_src, f_map, b_map, nblocks,
                wf, bf, wb, bb, hf, cf, hb, cb):
  state_spec = pl.BlockSpec((B, H), lambda t: (0, 0))
  return pl.pallas_call(
      _stage_kernel,
      grid=(nblocks,),
      in_specs=[
          pl.BlockSpec((NSTEP, B, EMB), f_map),
          pl.BlockSpec((NSTEP, B, EMB), b_map),
          pl.BlockSpec((EMB + H, G4), lambda t: (0, 0)),
          pl.BlockSpec((1, G4), lambda t: (0, 0)),
          pl.BlockSpec((EMB + H, G4), lambda t: (0, 0)),
          pl.BlockSpec((1, G4), lambda t: (0, 0)),
          state_spec, state_spec, state_spec, state_spec,
      ],
      out_specs=[state_spec, state_spec, state_spec, state_spec],
      out_shape=[jax.ShapeDtypeStruct((B, H), jnp.float32)] * 4,
      scratch_shapes=[
          pltpu.VMEM((B, EMB + H), jnp.bfloat16),
          pltpu.VMEM((B, H), jnp.float32),
          pltpu.VMEM((B, EMB + H), jnp.bfloat16),
          pltpu.VMEM((B, H), jnp.float32),
      ],
      compiler_params=pltpu.CompilerParams(
          dimension_semantics=("arbitrary",),
      ),
  )(xf_src, xb_src, wf, bf, wb, bb, hf, cf, hb, cb)


def kernel(data, emb_table, Wf_ih, Wf_hh, bf_ih, bf_hh,
           Wb_ih, Wb_hh, bb_ih, bb_hh):
  data = data.astype(jnp.int32)
  idx_a = jnp.concatenate([data[:SEG], data[T - SEG:]], axis=0).reshape(-1)
  idx_b = data[SEG:T - SEG].reshape(-1)
  emb_a = _gather(emb_table, idx_a).reshape(2 * SEG, B, EMB)
  emb_b = _gather(emb_table, idx_b).reshape(T - 2 * SEG, B, EMB)

  gate_scale = jnp.concatenate([
      jnp.full((1, H), 0.5, jnp.float32),
      jnp.full((1, H), 0.5, jnp.float32),
      jnp.ones((1, H), jnp.float32),
      jnp.full((1, H), 0.5, jnp.float32),
  ], axis=1)
  wf = (jnp.concatenate([Wf_ih.T, Wf_hh.T], axis=0) * gate_scale).astype(jnp.bfloat16)
  bf = ((bf_ih + bf_hh).reshape(1, G4) * gate_scale).astype(jnp.bfloat16)
  wb = (jnp.concatenate([Wb_ih.T, Wb_hh.T], axis=0) * gate_scale).astype(jnp.bfloat16)
  bb = ((bb_ih + bb_hh).reshape(1, G4) * gate_scale).astype(jnp.bfloat16)

  z = jnp.zeros((B, H), jnp.float32)
  na = SEG // NSTEP
  nb = (T - 2 * SEG) // NSTEP
  st = _lstm_stage(emb_a, emb_a,
                   lambda t: (t, 0, 0), lambda t: (2 * na - 1 - t, 0, 0),
                   na, wf, bf, wb, bb, z, z, z, z)
  st = _lstm_stage(emb_b, emb_b,
                   lambda t: (t, 0, 0), lambda t: (nb - 1 - t, 0, 0),
                   nb, wf, bf, wb, bb, *st)
  hf, _, hb, _ = _lstm_stage(emb_a, emb_a,
                             lambda t: (na + t, 0, 0), lambda t: (na - 1 - t, 0, 0),
                             na, wf, bf, wb, bb, *st)
  return jnp.concatenate([hf, hb], axis=1)

# --- scband reference (transcript-rebuilt; emitter-appended) ---
"""Pipeline reference for scband-nlpnet-24661702213866 (READ-ONLY COPY).

The authoritative reference and input builder live on the scoring server;
editing this copy changes nothing except your own understanding.
"""

import jax, jax.numpy as jnp
import numpy as np

VOCAB = 100000
EMB = 128
OUT = 256
H = OUT // 2  # 128
T = 200
B = 1024


def setup_inputs(seed: int = 0) -> dict:
    key = jax.random.key(seed)
    ks = jax.random.split(key, 10)
    text = jax.random.randint(ks[0], (T, B), 0, VOCAB, dtype=jnp.int64) if jax.config.jax_enable_x64 else jax.random.randint(ks[0], (T, B), 0, VOCAB, dtype=jnp.int32)
    s_emb = 1.0
    s = 1.0 / np.sqrt(H)
    emb_table = jax.random.normal(ks[1], (VOCAB, EMB), dtype=jnp.float32) * s_emb
    Wf_ih = jax.random.uniform(ks[2], (4 * H, EMB), dtype=jnp.float32, minval=-s, maxval=s)
    Wf_hh = jax.random.uniform(ks[3], (4 * H, H), dtype=jnp.float32, minval=-s, maxval=s)
    bf_ih = jax.random.uniform(ks[4], (4 * H,), dtype=jnp.float32, minval=-s, maxval=s)
    bf_hh = jax.random.uniform(ks[5], (4 * H,), dtype=jnp.float32, minval=-s, maxval=s)
    Wb_ih = jax.random.uniform(ks[6], (4 * H, EMB), dtype=jnp.float32, minval=-s, maxval=s)
    Wb_hh = jax.random.uniform(ks[7], (4 * H, H), dtype=jnp.float32, minval=-s, maxval=s)
    bb_ih = jax.random.uniform(ks[8], (4 * H,), dtype=jnp.float32, minval=-s, maxval=s)
    bb_hh = jax.random.uniform(ks[9], (4 * H,), dtype=jnp.float32, minval=-s, maxval=s)
    return {"data": text, "emb_table": emb_table,
            "Wf_ih": Wf_ih, "Wf_hh": Wf_hh, "bf_ih": bf_ih, "bf_hh": bf_hh,
            "Wb_ih": Wb_ih, "Wb_hh": Wb_hh, "bb_ih": bb_ih, "bb_hh": bb_hh}


def _lstm_final_hidden(x, W_ih, W_hh, b_ih, b_hh):
    # x: [T, B, E]; returns final hidden state h_T: [B, H]
    Bsz = x.shape[1]
    h0 = jnp.zeros((Bsz, H), dtype=x.dtype)
    c0 = jnp.zeros((Bsz, H), dtype=x.dtype)

    def step(carry, xt):
        h, c = carry
        gates = xt @ W_ih.T + h @ W_hh.T + b_ih + b_hh  # [B, 4H]
        i, f, g, o = jnp.split(gates, 4, axis=-1)  # PyTorch gate order: i, f, g, o
        i = jax.nn.sigmoid(i)
        f = jax.nn.sigmoid(f)
        g = jnp.tanh(g)
        o = jax.nn.sigmoid(o)
        c_new = f * c + i * g
        h_new = o * jnp.tanh(c_new)
        return (h_new, c_new), h_new

    (hT, cT), _ = jax.lax.scan(step, (h0, c0), x)
    return hT


def reference(data, emb_table, Wf_ih, Wf_hh, bf_ih, bf_hh, Wb_ih, Wb_hh, bb_ih, bb_hh):
    # Embedding lookup: [T, B] -> [T, B, E]
    emb = jnp.take(emb_table, data, axis=0)
    # Bidirectional LSTM, 1 layer. hidden[-2] = forward final h, hidden[-1] = backward final h
    h_fwd = _lstm_final_hidden(emb, Wf_ih, Wf_hh, bf_ih, bf_hh)
    h_bwd = _lstm_final_hidden(emb[::-1], Wb_ih, Wb_hh, bb_ih, bb_hh)
    hidden = jnp.concatenate([h_fwd, h_bwd], axis=1)  # [B, 2H] == [B, OUT]
    return hidden

if __name__ == "__main__":
    import jax
    _d = setup_inputs()
    print(jax.jit(kernel)(*tuple(_d.values())))

</pallas_src>

<mosaic_0001>
#map = affine_map<(d0, d1) -> (0, 0)>
#map1 = affine_map<(d0, d1) -> (0, 0, 0)>
module attributes {stable_mosaic.version = 14 : i64} {
  func.func @gather_kernel(%arg0: i32, %arg1: i32, %arg2: memref<100000x128xf32, #tpu.memory_space<hbm>>, %arg3: memref<32x24x128xi32, #tpu.memory_space<hbm>>, %arg4: memref<98304x128xf32, #tpu.memory_space<hbm>>, %arg5: memref<24x128xi32, #tpu.memory_space<vmem>>, %arg6: memref<128x128xf32, #tpu.memory_space<vmem>>, %arg7: memref<128x128xf32, #tpu.memory_space<vmem>>, %arg8: memref<!tpu.dma_semaphore, #tpu.memory_space<semaphore_mem>>, %arg9: memref<!tpu.dma_semaphore, #tpu.memory_space<semaphore_mem>>, %arg10: memref<!tpu.dma_semaphore, #tpu.memory_space<semaphore_mem>>, %arg11: memref<!tpu.dma_semaphore, #tpu.memory_space<semaphore_mem>>) attributes {dimension_semantics = [#tpu.dimension_semantics<core_parallel>, #tpu.dimension_semantics<subcore_parallel>], iteration_bounds = array<i64: 2, 16>, scalar_prefetch = 0 : i64, scratch_operands = 7 : i64, tpu.core_type = #tpu.core_type<sc_vector_subcore>, window_params = [{transform_indices = #map}, {transform_indices = #map1}, {transform_indices = #map}]} {
    %mul3A = arith.constant 2 : i32
    %mul3A_0 = arith.muli %arg1, %mul3A : i32
    %add3A = arith.addi %mul3A_0, %arg0 : i32
    %mul3A_1 = arith.constant 3072 : i32
    %mul3A_2 = arith.muli %add3A, %mul3A_1 : i32
    "tpu.region"() ({
      %run_scoped3A = tpu.sem_alloc : memref<!tpu.dma_semaphore, #tpu.memory_space<semaphore_mem>>
      %dma_start3A_32 = arith.constant 0 : i32
      %dma_start3A_33 = arith.constant 0 : i32
      %dma_start3A_34 = tpu.memref_slice %arg3[%add3A, %dma_start3A_32, %dma_start3A_33] : memref<32x24x128xi32, #tpu.memory_space<hbm>> -> memref<1x24x128xi32, #tpu.memory_space<hbm>>
      %dma_start3A_35 = tpu.memref_squeeze %dma_start3A_34 : memref<1x24x128xi32, #tpu.memory_space<hbm>> -> memref<24x128xi32, #tpu.memory_space<hbm>>
      %dma_start3A_36 = arith.constant 0 : i32
      %dma_start3A_37 = arith.constant 0 : i32
      %dma_start3A_38 = tpu.memref_slice %arg3[%add3A, %dma_start3A_36, %dma_start3A_37] : memref<32x24x128xi32, #tpu.memory_space<hbm>> -> memref<1x24x128xi32, #tpu.memory_space<hbm>>
      %dma_start3A_39 = tpu.memref_squeeze %dma_start3A_38 : memref<1x24x128xi32, #tpu.memory_space<hbm>> -> memref<24x128xi32, #tpu.memory_space<hbm>>
      tpu.enqueue_dma source(%dma_start3A_39 : memref<24x128xi32, #tpu.memory_space<hbm>>) target(%arg5 : memref<24x128xi32, #tpu.memory_space<vmem>>) target_semaphore(%run_scoped3A : memref<!tpu.dma_semaphore, #tpu.memory_space<semaphore_mem>>)
      %dma_wait3A_40 = arith.constant 0 : i32
      %dma_wait3A_41 = arith.constant 0 : i32
      %dma_wait3A_42 = tpu.memref_slice %arg3[%add3A, %dma_wait3A_40, %dma_wait3A_41] : memref<32x24x128xi32, #tpu.memory_space<hbm>> -> memref<1x24x128xi32, #tpu.memory_space<hbm>>
      %dma_wait3A_43 = tpu.memref_squeeze %dma_wait3A_42 : memref<1x24x128xi32, #tpu.memory_space<hbm>> -> memref<24x128xi32, #tpu.memory_space<hbm>>
      %dma_wait3A_44 = arith.constant 0 : i32
      %dma_wait3A_45 = arith.constant 0 : i32
      %dma_wait3A_46 = tpu.memref_slice %arg3[%add3A, %dma_wait3A_44, %dma_wait3A_45] : memref<32x24x128xi32, #tpu.memory_space<hbm>> -> memref<1x24x128xi32, #tpu.memory_space<hbm>>
      %dma_wait3A_47 = tpu.memref_squeeze %dma_wait3A_46 : memref<1x24x128xi32, #tpu.memory_space<hbm>> -> memref<24x128xi32, #tpu.memory_space<hbm>>
      tpu.wait_dma2 semaphore(%run_scoped3A : memref<!tpu.dma_semaphore, #tpu.memory_space<semaphore_mem>>) src(%dma_wait3A_47 : memref<24x128xi32, #tpu.memory_space<hbm>>) dst(%arg5 : memref<24x128xi32, #tpu.memory_space<vmem>>)
      tpu.yield
    }) : () -> ()
    %dma_start3A = arith.constant 0 : i32
    %dma_start3A_3 = arith.constant 0 : i32
    %dma_start3A_4 = tpu.memref_slice %arg5[%dma_start3A, %dma_start3A_3] : memref<24x128xi32, #tpu.memory_space<vmem>> -> memref<1x128xi32, #tpu.memory_space<vmem>>
    %dma_start3A_5 = tpu.memref_squeeze %dma_start3A_4 : memref<1x128xi32, #tpu.memory_space<vmem>> -> memref<128xi32, #tpu.memory_space<vmem>>
    %dma_start3A_6 = arith.constant 0 : i32
    %dma_start3A_7 = arith.constant 0 : i32
    %dma_start3A_8 = tpu.memref_slice %arg2[%dma_start3A_6, %dma_start3A_7] : memref<100000x128xf32, #tpu.memory_space<hbm>> -> memref<100000x128xf32, #tpu.memory_space<hbm>>
    tpu.enqueue_indirect_dma source(%dma_start3A_8 : memref<100000x128xf32, #tpu.memory_space<hbm>>) target(%arg6 : memref<128x128xf32, #tpu.memory_space<vmem>>) offsets(%dma_start3A_5 : memref<128xi32, #tpu.memory_space<vmem>>) semaphore(%arg8 : memref<!tpu.dma_semaphore, #tpu.memory_space<semaphore_mem>>)
    %dma_start3A_9 = arith.constant 1 : i32
    %dma_start3A_10 = arith.constant 0 : i32
    %dma_start3A_11 = tpu.memref_slice %arg5[%dma_start3A_9, %dma_start3A_10] : memref<24x128xi32, #tpu.memory_space<vmem>> -> memref<1x128xi32, #tpu.memory_space<vmem>>
    %dma_start3A_12 = tpu.memref_squeeze %dma_start3A_11 : memref<1x128xi32, #tpu.memory_space<vmem>> -> memref<128xi32, #tpu.memory_space<vmem>>
    %dma_start3A_13 = arith.constant 0 : i32
    %dma_start3A_14 = arith.constant 0 : i32
    %dma_start3A_15 = tpu.memref_slice %arg2[%dma_start3A_13, %dma_start3A_14] : memref<100000x128xf32, #tpu.memory_space<hbm>> -> memref<100000x128xf32, #tpu.memory_space<hbm>>
    tpu.enqueue_indirect_dma source(%dma_start3A_15 : memref<100000x128xf32, #tpu.memory_space<hbm>>) target(%arg7 : memref<128x128xf32, #tpu.memory_space<vmem>>) offsets(%dma_start3A_12 : memref<128xi32, #tpu.memory_space<vmem>>) semaphore(%arg9 : memref<!tpu.dma_semaphore, #tpu.memory_space<semaphore_mem>>)
    %scan3A = arith.constant 0 : i32
    %scan3A_16 = arith.constant 0 : i32
    %scan3A_17 = arith.constant 12 : i32
    %scan3A_18 = arith.addi %scan3A_16, %scan3A_17 : i32
    %scan3A_19 = arith.constant 1 : i32
    scf.for %scan3A_32 = %scan3A_16 to %scan3A_18 step %scan3A_19  : i32 {
      %mul3A_33 = arith.constant 2 : i32
      %mul3A_34 = arith.muli %scan3A_32, %mul3A_33 : i32
      %add3A_35 = arith.constant 0 : i32
      %add3A_36 = arith.addi %mul3A_34, %add3A_35 : i32
      %dma_wait3A_37 = arith.constant 0 : i32
      %dma_wait3A_38 = tpu.memref_slice %arg5[%add3A_36, %dma_wait3A_37] : memref<24x128xi32, #tpu.memory_space<vmem>> -> memref<1x128xi32, #tpu.memory_space<vmem>>
      %dma_wait3A_39 = tpu.memref_squeeze %dma_wait3A_38 : memref<1x128xi32, #tpu.memory_space<vmem>> -> memref<128xi32, #tpu.memory_space<vmem>>
      %dma_wait3A_40 = arith.constant 0 : i32
      %dma_wait3A_41 = arith.constant 0 : i32
      %dma_wait3A_42 = tpu.memref_slice %arg2[%dma_wait3A_40, %dma_wait3A_41] : memref<100000x128xf32, #tpu.memory_space<hbm>> -> memref<100000x128xf32, #tpu.memory_space<hbm>>
      tpu.wait_indirect_dma semaphore(%arg8 : memref<!tpu.dma_semaphore, #tpu.memory_space<semaphore_mem>>) src(%dma_wait3A_42 : memref<100000x128xf32, #tpu.memory_space<hbm>>) dst(%arg6 : memref<128x128xf32, #tpu.memory_space<vmem>>)
      %mul3A_43 = arith.constant 128 : i32
      %mul3A_44 = arith.muli %add3A_36, %mul3A_43 : i32
      %add3A_45 = arith.addi %mul3A_2, %mul3A_44 : i32
      %dma_start3A_46 = arith.constant 0 : i32
      %dma_start3A_47 = tpu.memref_slice %arg4[%add3A_45, %dma_start3A_46] : memref<98304x128xf32, #tpu.memory_space<hbm>> -> memref<128x128xf32, #tpu.memory_space<hbm>>
      %dma_start3A_48 = arith.constant 0 : i32
      %dma_start3A_49 = tpu.memref_slice %arg4[%add3A_45, %dma_start3A_48] : memref<98304x128xf32, #tpu.memory_space<hbm>> -> memref<128x128xf32, #tpu.memory_space<hbm>>
      tpu.enqueue_dma source(%arg6 : memref<128x128xf32, #tpu.memory_space<vmem>>) target(%dma_start3A_49 : memref<128x128xf32, #tpu.memory_space<hbm>>) target_semaphore(%arg10 : memref<!tpu.dma_semaphore, #tpu.memory_space<semaphore_mem>>)
      %add3A_50 = arith.constant 1 : i32
      %add3A_51 = arith.addi %mul3A_34, %add3A_50 : i32
      %dma_wait3A_52 = arith.constant 0 : i32
      %dma_wait3A_53 = tpu.memref_slice %arg5[%add3A_51, %dma_wait3A_52] : memref<24x128xi32, #tpu.memory_space<vmem>> -> memref<1x128xi32, #tpu.memory_space<vmem>>
      %dma_wait3A_54 = tpu.memref_squeeze %dma_wait3A_53 : memref<1x128xi32, #tpu.memory_space<vmem>> -> memref<128xi32, #tpu.memory_space<vmem>>
      %dma_wait3A_55 = arith.constant 0 : i32
      %dma_wait3A_56 = arith.constant 0 : i32
      %dma_wait3A_57 = tpu.memref_slice %arg2[%dma_wait3A_55, %dma_wait3A_56] : memref<100000x128xf32, #tpu.memory_space<hbm>> -> memref<100000x128xf32, #tpu.memory_space<hbm>>
      tpu.wait_indirect_dma semaphore(%arg9 : memref<!tpu.dma_semaphore, #tpu.memory_space<semaphore_mem>>) src(%dma_wait3A_57 : memref<100000x128xf32, #tpu.memory_space<hbm>>) dst(%arg7 : memref<128x128xf32, #tpu.memory_space<vmem>>)
      %mul3A_58 = arith.constant 128 : i32
      %mul3A_59 = arith.muli %add3A_51, %mul3A_58 : i32
      %add3A_60 = arith.addi %mul3A_2, %mul3A_59 : i32
      %dma_start3A_61 = arith.constant 0 : i32
      %dma_start3A_62 = tpu.memref_slice %arg4[%add3A_60, %dma_start3A_61] : memref<98304x128xf32, #tpu.memory_space<hbm>> -> memref<128x128xf32, #tpu.memory_space<hbm>>
      %dma_start3A_63 = arith.constant 0 : i32
      %dma_start3A_64 = tpu.memref_slice %arg4[%add3A_60, %dma_start3A_63] : memref<98304x128xf32, #tpu.memory_space<hbm>> -> memref<128x128xf32, #tpu.memory_space<hbm>>
      tpu.enqueue_dma source(%arg7 : memref<128x128xf32, #tpu.memory_space<vmem>>) target(%dma_start3A_64 : memref<128x128xf32, #tpu.memory_space<hbm>>) target_semaphore(%arg11 : memref<!tpu.dma_semaphore, #tpu.memory_space<semaphore_mem>>)
      %add3A_65 = arith.constant 0 : i32
      %add3A_66 = arith.addi %mul3A_34, %add3A_65 : i32
      %add3A_67 = arith.constant 2 : i32
      %add3A_68 = arith.addi %add3A_66, %add3A_67 : i32
      %lt3A = arith.constant 24 : i32
      %lt3A_69 = arith.cmpi slt, %add3A_68, %lt3A : i32
      %convert_element_type3A = arith.extui %lt3A_69 : i1 to i32
      %cond3A = arith.constant 0 : i32
      %cond3A_70 = arith.cmpi ne, %convert_element_type3A, %cond3A : i32
      scf.if %cond3A_70 {
        %sub3A = arith.constant 2 : i32
        %sub3A_80 = arith.subi %add3A_68, %sub3A : i32
        %mul3A_81 = arith.constant 128 : i32
        %mul3A_82 = arith.muli %sub3A_80, %mul3A_81 : i32
        %add3A_83 = arith.addi %mul3A_2, %mul3A_82 : i32
        %dma_wait3A_84 = arith.constant 0 : i32
        %dma_wait3A_85 = tpu.memref_slice %arg4[%add3A_83, %dma_wait3A_84] : memref<98304x128xf32, #tpu.memory_space<hbm>> -> memref<128x128xf32, #tpu.memory_space<hbm>>
        %dma_wait3A_86 = arith.constant 0 : i32
        %dma_wait3A_87 = tpu.memref_slice %arg4[%add3A_83, %dma_wait3A_86] : memref<98304x128xf32, #tpu.memory_space<hbm>> -> memref<128x128xf32, #tpu.memory_space<hbm>>
        tpu.wait_dma2 semaphore(%arg10 : memref<!tpu.dma_semaphore, #tpu.memory_space<semaphore_mem>>) src(%arg6 : memref<128x128xf32, #tpu.memory_space<vmem>>) dst(%dma_wait3A_87 : memref<128x128xf32, #tpu.memory_space<hbm>>)
        %dma_start3A_88 = arith.constant 0 : i32
        %dma_start3A_89 = tpu.memref_slice %arg5[%add3A_68, %dma_start3A_88] : memref<24x128xi32, #tpu.memory_space<vmem>> -> memref<1x128xi32, #tpu.memory_space<vmem>>
        %dma_start3A_90 = tpu.memref_squeeze %dma_start3A_89 : memref<1x128xi32, #tpu.memory_space<vmem>> -> memref<128xi32, #tpu.memory_space<vmem>>
        %dma_start3A_91 = arith.constant 0 : i32
        %dma_start3A_92 = arith.constant 0 : i32
        %dma_start3A_93 = tpu.memref_slice %arg2[%dma_start3A_91, %dma_start3A_92] : memref<100000x128xf32, #tpu.memory_space<hbm>> -> memref<100000x128xf32, #tpu.memory_space<hbm>>
        tpu.enqueue_indirect_dma source(%dma_start3A_93 : memref<100000x128xf32, #tpu.memory_space<hbm>>) target(%arg6 : memref<128x128xf32, #tpu.memory_space<vmem>>) offsets(%dma_start3A_90 : memref<128xi32, #tpu.memory_space<vmem>>) semaphore(%arg8 : memref<!tpu.dma_semaphore, #tpu.memory_space<semaphore_mem>>)
      } else {
      }
      %add3A_71 = arith.constant 1 : i32
      %add3A_72 = arith.addi %mul3A_34, %add3A_71 : i32
      %add3A_73 = arith.constant 2 : i32
      %add3A_74 = arith.addi %add3A_72, %add3A_73 : i32
      %lt3A_75 = arith.constant 24 : i32
      %lt3A_76 = arith.cmpi slt, %add3A_74, %lt3A_75 : i32
      %convert_element_type3A_77 = arith.extui %lt3A_76 : i1 to i32
      %cond3A_78 = arith.constant 0 : i32
      %cond3A_79 = arith.cmpi ne, %convert_element_type3A_77, %cond3A_78 : i32
      scf.if %cond3A_79 {
        %sub3A = arith.constant 2 : i32
        %sub3A_80 = arith.subi %add3A_74, %sub3A : i32
        %mul3A_81 = arith.constant 128 : i32
        %mul3A_82 = arith.muli %sub3A_80, %mul3A_81 : i32
        %add3A_83 = arith.addi %mul3A_2, %mul3A_82 : i32
        %dma_wait3A_84 = arith.constant 0 : i32
        %dma_wait3A_85 = tpu.memref_slice %arg4[%add3A_83, %dma_wait3A_84] : memref<98304x128xf32, #tpu.memory_space<hbm>> -> memref<128x128xf32, #tpu.memory_space<hbm>>
        %dma_wait3A_86 = arith.constant 0 : i32
        %dma_wait3A_87 = tpu.memref_slice %arg4[%add3A_83, %dma_wait3A_86] : memref<98304x128xf32, #tpu.memory_space<hbm>> -> memref<128x128xf32, #tpu.memory_space<hbm>>
        tpu.wait_dma2 semaphore(%arg11 : memref<!tpu.dma_semaphore, #tpu.memory_space<semaphore_mem>>) src(%arg7 : memref<128x128xf32, #tpu.memory_space<vmem>>) dst(%dma_wait3A_87 : memref<128x128xf32, #tpu.memory_space<hbm>>)
        %dma_start3A_88 = arith.constant 0 : i32
        %dma_start3A_89 = tpu.memref_slice %arg5[%add3A_74, %dma_start3A_88] : memref<24x128xi32, #tpu.memory_space<vmem>> -> memref<1x128xi32, #tpu.memory_space<vmem>>
        %dma_start3A_90 = tpu.memref_squeeze %dma_start3A_89 : memref<1x128xi32, #tpu.memory_space<vmem>> -> memref<128xi32, #tpu.memory_space<vmem>>
        %dma_start3A_91 = arith.constant 0 : i32
        %dma_start3A_92 = arith.constant 0 : i32
        %dma_start3A_93 = tpu.memref_slice %arg2[%dma_start3A_91, %dma_start3A_92] : memref<100000x128xf32, #tpu.memory_space<hbm>> -> memref<100000x128xf32, #tpu.memory_space<hbm>>
        tpu.enqueue_indirect_dma source(%dma_start3A_93 : memref<100000x128xf32, #tpu.memory_space<hbm>>) target(%arg7 : memref<128x128xf32, #tpu.memory_space<vmem>>) offsets(%dma_start3A_90 : memref<128xi32, #tpu.memory_space<vmem>>) semaphore(%arg9 : memref<!tpu.dma_semaphore, #tpu.memory_space<semaphore_mem>>)
      } else {
      }
    }
    %scan3A_20 = arith.constant 12 : i32
    %add3A_21 = arith.constant 2816 : i32
    %add3A_22 = arith.addi %mul3A_2, %add3A_21 : i32
    %dma_wait3A = arith.constant 0 : i32
    %dma_wait3A_23 = tpu.memref_slice %arg4[%add3A_22, %dma_wait3A] : memref<98304x128xf32, #tpu.memory_space<hbm>> -> memref<128x128xf32, #tpu.memory_space<hbm>>
    %dma_wait3A_24 = arith.constant 0 : i32
    %dma_wait3A_25 = tpu.memref_slice %arg4[%add3A_22, %dma_wait3A_24] : memref<98304x128xf32, #tpu.memory_space<hbm>> -> memref<128x128xf32, #tpu.memory_space<hbm>>
    tpu.wait_dma2 semaphore(%arg10 : memref<!tpu.dma_semaphore, #tpu.memory_space<semaphore_mem>>) src(%arg6 : memref<128x128xf32, #tpu.memory_space<vmem>>) dst(%dma_wait3A_25 : memref<128x128xf32, #tpu.memory_space<hbm>>)
    %add3A_26 = arith.constant 2944 : i32
    %add3A_27 = arith.addi %mul3A_2, %add3A_26 : i32
    %dma_wait3A_28 = arith.constant 0 : i32
    %dma_wait3A_29 = tpu.memref_slice %arg4[%add3A_27, %dma_wait3A_28] : memref<98304x128xf32, #tpu.memory_space<hbm>> -> memref<128x128xf32, #tpu.memory_space<hbm>>
    %dma_wait3A_30 = arith.constant 0 : i32
    %dma_wait3A_31 = tpu.memref_slice %arg4[%add3A_27, %dma_wait3A_30] : memref<98304x128xf32, #tpu.memory_space<hbm>> -> memref<128x128xf32, #tpu.memory_space<hbm>>
    tpu.wait_dma2 semaphore(%arg11 : memref<!tpu.dma_semaphore, #tpu.memory_space<semaphore_mem>>) src(%arg7 : memref<128x128xf32, #tpu.memory_space<vmem>>) dst(%dma_wait3A_31 : memref<128x128xf32, #tpu.memory_space<hbm>>)
    return
  }
}

#map = affine_map<(d0, d1) -> (0, 0)>
#map1 = affine_map<(d0, d1) -> (0, 0, 0)>
module attributes {stable_mosaic.version = 14 : i64} {
  func.func @gather_kernel(%arg0: i32, %arg1: i32, %arg2: memref<100000x128xf32, #tpu.memory_space<hbm>>, %arg3: memref<32x26x128xi32, #tpu.memory_space<hbm>>, %arg4: memref<106496x128xf32, #tpu.memory_space<hbm>>, %arg5: memref<26x128xi32, #tpu.memory_space<vmem>>, %arg6: memref<128x128xf32, #tpu.memory_space<vmem>>, %arg7: memref<128x128xf32, #tpu.memory_space<vmem>>, %arg8: memref<!tpu.dma_semaphore, #tpu.memory_space<semaphore_mem>>, %arg9: memref<!tpu.dma_semaphore, #tpu.memory_space<semaphore_mem>>, %arg10: memref<!tpu.dma_semaphore, #tpu.memory_space<semaphore_mem>>, %arg11: memref<!tpu.dma_semaphore, #tpu.memory_space<semaphore_mem>>) attributes {dimension_semantics = [#tpu.dimension_semantics<core_parallel>, #tpu.dimension_semantics<subcore_parallel>], iteration_bounds = array<i64: 2, 16>, scalar_prefetch = 0 : i64, scratch_operands = 7 : i64, tpu.core_type = #tpu.core_type<sc_vector_subcore>, window_params = [{transform_indices = #map}, {transform_indices = #map1}, {transform_indices = #map}]} {
    %mul3A = arith.constant 2 : i32
    %mul3A_0 = arith.muli %arg1, %mul3A : i32
    %add3A = arith.addi %mul3A_0, %arg0 : i32
    %mul3A_1 = arith.constant 3328 : i32
    %mul3A_2 = arith.muli %add3A, %mul3A_1 : i32
    "tpu.region"() ({
      %run_scoped3A = tpu.sem_alloc : memref<!tpu.dma_semaphore, #tpu.memory_space<semaphore_mem>>
      %dma_start3A_32 = arith.constant 0 : i32
      %dma_start3A_33 = arith.constant 0 : i32
      %dma_start3A_34 = tpu.memref_slice %arg3[%add3A, %dma_start3A_32, %dma_start3A_33] : memref<32x26x128xi32, #tpu.memory_space<hbm>> -> memref<1x26x128xi32, #tpu.memory_space<hbm>>
      %dma_start3A_35 = tpu.memref_squeeze %dma_start3A_34 : memref<1x26x128xi32, #tpu.memory_space<hbm>> -> memref<26x128xi32, #tpu.memory_space<hbm>>
      %dma_start3A_36 = arith.constant 0 : i32
      %dma_start3A_37 = arith.constant 0 : i32
      %dma_start3A_38 = tpu.memref_slice %arg3[%add3A, %dma_start3A_36, %dma_start3A_37] : memref<32x26x128xi32, #tpu.memory_space<hbm>> -> memref<1x26x128xi32, #tpu.memory_space<hbm>>
      %dma_start3A_39 = tpu.memref_squeeze %dma_start3A_38 : memref<1x26x128xi32, #tpu.memory_space<hbm>> -> memref<26x128xi32, #tpu.memory_space<hbm>>
      tpu.enqueue_dma source(%dma_start3A_39 : memref<26x128xi32, #tpu.memory_space<hbm>>) target(%arg5 : memref<26x128xi32, #tpu.memory_space<vmem>>) target_semaphore(%run_scoped3A : memref<!tpu.dma_semaphore, #tpu.memory_space<semaphore_mem>>)
      %dma_wait3A_40 = arith.constant 0 : i32
      %dma_wait3A_41 = arith.constant 0 : i32
      %dma_wait3A_42 = tpu.memref_slice %arg3[%add3A, %dma_wait3A_40, %dma_wait3A_41] : memref<32x26x128xi32, #tpu.memory_space<hbm>> -> memref<1x26x128xi32, #tpu.memory_space<hbm>>
      %dma_wait3A_43 = tpu.memref_squeeze %dma_wait3A_42 : memref<1x26x128xi32, #tpu.memory_space<hbm>> -> memref<26x128xi32, #tpu.memory_space<hbm>>
      %dma_wait3A_44 = arith.constant 0 : i32
      %dma_wait3A_45 = arith.constant 0 : i32
      %dma_wait3A_46 = tpu.memref_slice %arg3[%add3A, %dma_wait3A_44, %dma_wait3A_45] : memref<32x26x128xi32, #tpu.memory_space<hbm>> -> memref<1x26x128xi32, #tpu.memory_space<hbm>>
      %dma_wait3A_47 = tpu.memref_squeeze %dma_wait3A_46 : memref<1x26x128xi32, #tpu.memory_space<hbm>> -> memref<26x128xi32, #tpu.memory_space<hbm>>
      tpu.wait_dma2 semaphore(%run_scoped3A : memref<!tpu.dma_semaphore, #tpu.memory_space<semaphore_mem>>) src(%dma_wait3A_47 : memref<26x128xi32, #tpu.memory_space<hbm>>) dst(%arg5 : memref<26x128xi32, #tpu.memory_space<vmem>>)
      tpu.yield
    }) : () -> ()
    %dma_start3A = arith.constant 0 : i32
    %dma_start3A_3 = arith.constant 0 : i32
    %dma_start3A_4 = tpu.memref_slice %arg5[%dma_start3A, %dma_start3A_3] : memref<26x128xi32, #tpu.memory_space<vmem>> -> memref<1x128xi32, #tpu.memory_space<vmem>>
    %dma_start3A_5 = tpu.memref_squeeze %dma_start3A_4 : memref<1x128xi32, #tpu.memory_space<vmem>> -> memref<128xi32, #tpu.memory_space<vmem>>
    %dma_start3A_6 = arith.constant 0 : i32
    %dma_start3A_7 = arith.constant 0 : i32
    %dma_start3A_8 = tpu.memref_slice %arg2[%dma_start3A_6, %dma_start3A_7] : memref<100000x128xf32, #tpu.memory_space<hbm>> -> memref<100000x128xf32, #tpu.memory_space<hbm>>
    tpu.enqueue_indirect_dma source(%dma_start3A_8 : memref<100000x128xf32, #tpu.memory_space<hbm>>) target(%arg6 : memref<128x128xf32, #tpu.memory_space<vmem>>) offsets(%dma_start3A_5 : memref<128xi32, #tpu.memory_space<vmem>>) semaphore(%arg8 : memref<!tpu.dma_semaphore, #tpu.memory_space<semaphore_mem>>)
    %dma_start3A_9 = arith.constant 1 : i32
    %dma_start3A_10 = arith.constant 0 : i32
    %dma_start3A_11 = tpu.memref_slice %arg5[%dma_start3A_9, %dma_start3A_10] : memref<26x128xi32, #tpu.memory_space<vmem>> -> memref<1x128xi32, #tpu.memory_space<vmem>>
    %dma_start3A_12 = tpu.memref_squeeze %dma_start3A_11 : memref<1x128xi32, #tpu.memory_space<vmem>> -> memref<128xi32, #tpu.memory_space<vmem>>
    %dma_start3A_13 = arith.constant 0 : i32
    %dma_start3A_14 = arith.constant 0 : i32
    %dma_start3A_15 = tpu.memref_slice %arg2[%dma_start3A_13, %dma_start3A_14] : memref<100000x128xf32, #tpu.memory_space<hbm>> -> memref<100000x128xf32, #tpu.memory_space<hbm>>
    tpu.enqueue_indirect_dma source(%dma_start3A_15 : memref<100000x128xf32, #tpu.memory_space<hbm>>) target(%arg7 : memref<128x128xf32, #tpu.memory_space<vmem>>) offsets(%dma_start3A_12 : memref<128xi32, #tpu.memory_space<vmem>>) semaphore(%arg9 : memref<!tpu.dma_semaphore, #tpu.memory_space<semaphore_mem>>)
    %scan3A = arith.constant 0 : i32
    %scan3A_16 = arith.constant 0 : i32
    %scan3A_17 = arith.constant 13 : i32
    %scan3A_18 = arith.addi %scan3A_16, %scan3A_17 : i32
    %scan3A_19 = arith.constant 1 : i32
    scf.for %scan3A_32 = %scan3A_16 to %scan3A_18 step %scan3A_19  : i32 {
      %mul3A_33 = arith.constant 2 : i32
      %mul3A_34 = arith.muli %scan3A_32, %mul3A_33 : i32
      %add3A_35 = arith.constant 0 : i32
      %add3A_36 = arith.addi %mul3A_34, %add3A_35 : i32
      %dma_wait3A_37 = arith.constant 0 : i32
      %dma_wait3A_38 = tpu.memref_slice %arg5[%add3A_36, %dma_wait3A_37] : memref<26x128xi32, #tpu.memory_space<vmem>> -> memref<1x128xi32, #tpu.memory_space<vmem>>
      %dma_wait3A_39 = tpu.memref_squeeze %dma_wait3A_38 : memref<1x128xi32, #tpu.memory_space<vmem>> -> memref<128xi32, #tpu.memory_space<vmem>>
      %dma_wait3A_40 = arith.constant 0 : i32
      %dma_wait3A_41 = arith.constant 0 : i32
      %dma_wait3A_42 = tpu.memref_slice %arg2[%dma_wait3A_40, %dma_wait3A_41] : memref<100000x128xf32, #tpu.memory_space<hbm>> -> memref<100000x128xf32, #tpu.memory_space<hbm>>
      tpu.wait_indirect_dma semaphore(%arg8 : memref<!tpu.dma_semaphore, #tpu.memory_space<semaphore_mem>>) src(%dma_wait3A_42 : memref<100000x128xf32, #tpu.memory_space<hbm>>) dst(%arg6 : memref<128x128xf32, #tpu.memory_space<vmem>>)
      %mul3A_43 = arith.constant 128 : i32
      %mul3A_44 = arith.muli %add3A_36, %mul3A_43 : i32
      %add3A_45 = arith.addi %mul3A_2, %mul3A_44 : i32
      %dma_start3A_46 = arith.constant 0 : i32
      %dma_start3A_47 = tpu.memref_slice %arg4[%add3A_45, %dma_start3A_46] : memref<106496x128xf32, #tpu.memory_space<hbm>> -> memref<128x128xf32, #tpu.memory_space<hbm>>
      %dma_start3A_48 = arith.constant 0 : i32
      %dma_start3A_49 = tpu.memref_slice %arg4[%add3A_45, %dma_start3A_48] : memref<106496x128xf32, #tpu.memory_space<hbm>> -> memref<128x128xf32, #tpu.memory_space<hbm>>
      tpu.enqueue_dma source(%arg6 : memref<128x128xf32, #tpu.memory_space<vmem>>) target(%dma_start3A_49 : memref<128x128xf32, #tpu.memory_space<hbm>>) target_semaphore(%arg10 : memref<!tpu.dma_semaphore, #tpu.memory_space<semaphore_mem>>)
      %add3A_50 = arith.constant 1 : i32
      %add3A_51 = arith.addi %mul3A_34, %add3A_50 : i32
      %dma_wait3A_52 = arith.constant 0 : i32
      %dma_wait3A_53 = tpu.memref_slice %arg5[%add3A_51, %dma_wait3A_52] : memref<26x128xi32, #tpu.memory_space<vmem>> -> memref<1x128xi32, #tpu.memory_space<vmem>>
      %dma_wait3A_54 = tpu.memref_squeeze %dma_wait3A_53 : memref<1x128xi32, #tpu.memory_space<vmem>> -> memref<128xi32, #tpu.memory_space<vmem>>
      %dma_wait3A_55 = arith.constant 0 : i32
      %dma_wait3A_56 = arith.constant 0 : i32
      %dma_wait3A_57 = tpu.memref_slice %arg2[%dma_wait3A_55, %dma_wait3A_56] : memref<100000x128xf32, #tpu.memory_space<hbm>> -> memref<100000x128xf32, #tpu.memory_space<hbm>>
      tpu.wait_indirect_dma semaphore(%arg9 : memref<!tpu.dma_semaphore, #tpu.memory_space<semaphore_mem>>) src(%dma_wait3A_57 : memref<100000x128xf32, #tpu.memory_space<hbm>>) dst(%arg7 : memref<128x128xf32, #tpu.memory_space<vmem>>)
      %mul3A_58 = arith.constant 128 : i32
      %mul3A_59 = arith.muli %add3A_51, %mul3A_58 : i32
      %add3A_60 = arith.addi %mul3A_2, %mul3A_59 : i32
      %dma_start3A_61 = arith.constant 0 : i32
      %dma_start3A_62 = tpu.memref_slice %arg4[%add3A_60, %dma_start3A_61] : memref<106496x128xf32, #tpu.memory_space<hbm>> -> memref<128x128xf32, #tpu.memory_space<hbm>>
      %dma_start3A_63 = arith.constant 0 : i32
      %dma_start3A_64 = tpu.memref_slice %arg4[%add3A_60, %dma_start3A_63] : memref<106496x128xf32, #tpu.memory_space<hbm>> -> memref<128x128xf32, #tpu.memory_space<hbm>>
      tpu.enqueue_dma source(%arg7 : memref<128x128xf32, #tpu.memory_space<vmem>>) target(%dma_start3A_64 : memref<128x128xf32, #tpu.memory_space<hbm>>) target_semaphore(%arg11 : memref<!tpu.dma_semaphore, #tpu.memory_space<semaphore_mem>>)
      %add3A_65 = arith.constant 0 : i32
      %add3A_66 = arith.addi %mul3A_34, %add3A_65 : i32
      %add3A_67 = arith.constant 2 : i32
      %add3A_68 = arith.addi %add3A_66, %add3A_67 : i32
      %lt3A = arith.constant 26 : i32
      %lt3A_69 = arith.cmpi slt, %add3A_68, %lt3A : i32
      %convert_element_type3A = arith.extui %lt3A_69 : i1 to i32
      %cond3A = arith.constant 0 : i32
      %cond3A_70 = arith.cmpi ne, %convert_element_type3A, %cond3A : i32
      scf.if %cond3A_70 {
        %sub3A = arith.constant 2 : i32
        %sub3A_80 = arith.subi %add3A_68, %sub3A : i32
        %mul3A_81 = arith.constant 128 : i32
        %mul3A_82 = arith.muli %sub3A_80, %mul3A_81 : i32
        %add3A_83 = arith.addi %mul3A_2, %mul3A_82 : i32
        %dma_wait3A_84 = arith.constant 0 : i32
        %dma_wait3A_85 = tpu.memref_slice %arg4[%add3A_83, %dma_wait3A_84] : memref<106496x128xf32, #tpu.memory_space<hbm>> -> memref<128x128xf32, #tpu.memory_space<hbm>>
        %dma_wait3A_86 = arith.constant 0 : i32
        %dma_wait3A_87 = tpu.memref_slice %arg4[%add3A_83, %dma_wait3A_86] : memref<106496x128xf32, #tpu.memory_space<hbm>> -> memref<128x128xf32, #tpu.memory_space<hbm>>
        tpu.wait_dma2 semaphore(%arg10 : memref<!tpu.dma_semaphore, #tpu.memory_space<semaphore_mem>>) src(%arg6 : memref<128x128xf32, #tpu.memory_space<vmem>>) dst(%dma_wait3A_87 : memref<128x128xf32, #tpu.memory_space<hbm>>)
        %dma_start3A_88 = arith.constant 0 : i32
        %dma_start3A_89 = tpu.memref_slice %arg5[%add3A_68, %dma_start3A_88] : memref<26x128xi32, #tpu.memory_space<vmem>> -> memref<1x128xi32, #tpu.memory_space<vmem>>
        %dma_start3A_90 = tpu.memref_squeeze %dma_start3A_89 : memref<1x128xi32, #tpu.memory_space<vmem>> -> memref<128xi32, #tpu.memory_space<vmem>>
        %dma_start3A_91 = arith.constant 0 : i32
        %dma_start3A_92 = arith.constant 0 : i32
        %dma_start3A_93 = tpu.memref_slice %arg2[%dma_start3A_91, %dma_start3A_92] : memref<100000x128xf32, #tpu.memory_space<hbm>> -> memref<100000x128xf32, #tpu.memory_space<hbm>>
        tpu.enqueue_indirect_dma source(%dma_start3A_93 : memref<100000x128xf32, #tpu.memory_space<hbm>>) target(%arg6 : memref<128x128xf32, #tpu.memory_space<vmem>>) offsets(%dma_start3A_90 : memref<128xi32, #tpu.memory_space<vmem>>) semaphore(%arg8 : memref<!tpu.dma_semaphore, #tpu.memory_space<semaphore_mem>>)
      } else {
      }
      %add3A_71 = arith.constant 1 : i32
      %add3A_72 = arith.addi %mul3A_34, %add3A_71 : i32
      %add3A_73 = arith.constant 2 : i32
      %add3A_74 = arith.addi %add3A_72, %add3A_73 : i32
      %lt3A_75 = arith.constant 26 : i32
      %lt3A_76 = arith.cmpi slt, %add3A_74, %lt3A_75 : i32
      %convert_element_type3A_77 = arith.extui %lt3A_76 : i1 to i32
      %cond3A_78 = arith.constant 0 : i32
      %cond3A_79 = arith.cmpi ne, %convert_element_type3A_77, %cond3A_78 : i32
      scf.if %cond3A_79 {
        %sub3A = arith.constant 2 : i32
        %sub3A_80 = arith.subi %add3A_74, %sub3A : i32
        %mul3A_81 = arith.constant 128 : i32
        %mul3A_82 = arith.muli %sub3A_80, %mul3A_81 : i32
        %add3A_83 = arith.addi %mul3A_2, %mul3A_82 : i32
        %dma_wait3A_84 = arith.constant 0 : i32
        %dma_wait3A_85 = tpu.memref_slice %arg4[%add3A_83, %dma_wait3A_84] : memref<106496x128xf32, #tpu.memory_space<hbm>> -> memref<128x128xf32, #tpu.memory_space<hbm>>
        %dma_wait3A_86 = arith.constant 0 : i32
        %dma_wait3A_87 = tpu.memref_slice %arg4[%add3A_83, %dma_wait3A_86] : memref<106496x128xf32, #tpu.memory_space<hbm>> -> memref<128x128xf32, #tpu.memory_space<hbm>>
        tpu.wait_dma2 semaphore(%arg11 : memref<!tpu.dma_semaphore, #tpu.memory_space<semaphore_mem>>) src(%arg7 : memref<128x128xf32, #tpu.memory_space<vmem>>) dst(%dma_wait3A_87 : memref<128x128xf32, #tpu.memory_space<hbm>>)
        %dma_start3A_88 = arith.constant 0 : i32
        %dma_start3A_89 = tpu.memref_slice %arg5[%add3A_74, %dma_start3A_88] : memref<26x128xi32, #tpu.memory_space<vmem>> -> memref<1x128xi32, #tpu.memory_space<vmem>>
        %dma_start3A_90 = tpu.memref_squeeze %dma_start3A_89 : memref<1x128xi32, #tpu.memory_space<vmem>> -> memref<128xi32, #tpu.memory_space<vmem>>
        %dma_start3A_91 = arith.constant 0 : i32
        %dma_start3A_92 = arith.constant 0 : i32
        %dma_start3A_93 = tpu.memref_slice %arg2[%dma_start3A_91, %dma_start3A_92] : memref<100000x128xf32, #tpu.memory_space<hbm>> -> memref<100000x128xf32, #tpu.memory_space<hbm>>
        tpu.enqueue_indirect_dma source(%dma_start3A_93 : memref<100000x128xf32, #tpu.memory_space<hbm>>) target(%arg7 : memref<128x128xf32, #tpu.memory_space<vmem>>) offsets(%dma_start3A_90 : memref<128xi32, #tpu.memory_space<vmem>>) semaphore(%arg9 : memref<!tpu.dma_semaphore, #tpu.memory_space<semaphore_mem>>)
      } else {
      }
    }
    %scan3A_20 = arith.constant 13 : i32
    %add3A_21 = arith.constant 3072 : i32
    %add3A_22 = arith.addi %mul3A_2, %add3A_21 : i32
    %dma_wait3A = arith.constant 0 : i32
    %dma_wait3A_23 = tpu.memref_slice %arg4[%add3A_22, %dma_wait3A] : memref<106496x128xf32, #tpu.memory_space<hbm>> -> memref<128x128xf32, #tpu.memory_space<hbm>>
    %dma_wait3A_24 = arith.constant 0 : i32
    %dma_wait3A_25 = tpu.memref_slice %arg4[%add3A_22, %dma_wait3A_24] : memref<106496x128xf32, #tpu.memory_space<hbm>> -> memref<128x128xf32, #tpu.memory_space<hbm>>
    tpu.wait_dma2 semaphore(%arg10 : memref<!tpu.dma_semaphore, #tpu.memory_space<semaphore_mem>>) src(%arg6 : memref<128x128xf32, #tpu.memory_space<vmem>>) dst(%dma_wait3A_25 : memref<128x128xf32, #tpu.memory_space<hbm>>)
    %add3A_26 = arith.constant 3200 : i32
    %add3A_27 = arith.addi %mul3A_2, %add3A_26 : i32
    %dma_wait3A_28 = arith.constant 0 : i32
    %dma_wait3A_29 = tpu.memref_slice %arg4[%add3A_27, %dma_wait3A_28] : memref<106496x128xf32, #tpu.memory_space<hbm>> -> memref<128x128xf32, #tpu.memory_space<hbm>>
    %dma_wait3A_30 = arith.constant 0 : i32
    %dma_wait3A_31 = tpu.memref_slice %arg4[%add3A_27, %dma_wait3A_30] : memref<106496x128xf32, #tpu.memory_space<hbm>> -> memref<128x128xf32, #tpu.memory_space<hbm>>
    tpu.wait_dma2 semaphore(%arg11 : memref<!tpu.dma_semaphore, #tpu.memory_space<semaphore_mem>>) src(%arg7 : memref<128x128xf32, #tpu.memory_space<vmem>>) dst(%dma_wait3A_31 : memref<128x128xf32, #tpu.memory_space<hbm>>)
    return
  }
}

module attributes {stable_mosaic.version = 14 : i64} {
  func.func @_stage_kernel(%arg0: i32, %arg1: memref<8x1024x128xf32, #tpu.memory_space<vmem>>, %arg2: memref<8x1024x128xf32, #tpu.memory_space<vmem>>, %arg3: memref<256x512xbf16, #tpu.memory_space<vmem>>, %arg4: memref<1x512xbf16, #tpu.memory_space<vmem>>, %arg5: memref<256x512xbf16, #tpu.memory_space<vmem>>, %arg6: memref<1x512xbf16, #tpu.memory_space<vmem>>, %arg7: memref<1024x128xf32, #tpu.memory_space<vmem>>, %arg8: memref<1024x128xf32, #tpu.memory_space<vmem>>, %arg9: memref<1024x128xf32, #tpu.memory_space<vmem>>, %arg10: memref<1024x128xf32, #tpu.memory_space<vmem>>, %arg11: memref<1024x128xf32, #tpu.memory_space<vmem>>, %arg12: memref<1024x128xf32, #tpu.memory_space<vmem>>, %arg13: memref<1024x128xf32, #tpu.memory_space<vmem>>, %arg14: memref<1024x128xf32, #tpu.memory_space<vmem>>, %arg15: memref<1024x256xbf16, #tpu.memory_space<vmem>>, %arg16: memref<1024x128xf32, #tpu.memory_space<vmem>>, %arg17: memref<1024x256xbf16, #tpu.memory_space<vmem>>, %arg18: memref<1024x128xf32, #tpu.memory_space<vmem>>) attributes {dimension_semantics = [#tpu.dimension_semantics<arbitrary>], iteration_bounds = array<i64: 13>, scalar_prefetch = 0 : i64, scratch_operands = 4 : i64, tpu.core_type = #tpu.core_type<tc>, window_params = [{transform_indices = @transform_0, window_bounds = array<i64: 8, 1024, 128>}, {transform_indices = @transform_1, window_bounds = array<i64: 8, 1024, 128>}, {pipeline_mode = #tpu.pipeline_mode<synchronous>, transform_indices = @transform_2, window_bounds = array<i64: 256, 512>}, {pipeline_mode = #tpu.pipeline_mode<synchronous>, transform_indices = @transform_3, window_bounds = array<i64: 1, 512>}, {pipeline_mode = #tpu.pipeline_mode<synchronous>, transform_indices = @transform_4, window_bounds = array<i64: 256, 512>}, {pipeline_mode = #tpu.pipeline_mode<synchronous>, transform_indices = @transform_5, window_bounds = array<i64: 1, 512>}, {pipeline_mode = #tpu.pipeline_mode<synchronous>, transform_indices = @transform_6, window_bounds = array<i64: 1024, 128>}, {pipeline_mode = #tpu.pipeline_mode<synchronous>, transform_indices = @transform_7, window_bounds = array<i64: 1024, 128>}, {pipeline_mode = #tpu.pipeline_mode<synchronous>, transform_indices = @transform_8, window_bounds = array<i64: 1024, 128>}, {pipeline_mode = #tpu.pipeline_mode<synchronous>, transform_indices = @transform_9, window_bounds = array<i64: 1024, 128>}, {pipeline_mode = #tpu.pipeline_mode<synchronous>, transform_indices = @transform_10, window_bounds = array<i64: 1024, 128>}, {pipeline_mode = #tpu.pipeline_mode<synchronous>, transform_indices = @transform_11, window_bounds = array<i64: 1024, 128>}, {pipeline_mode = #tpu.pipeline_mode<synchronous>, transform_indices = @transform_12, window_bounds = array<i64: 1024, 128>}, {pipeline_mode = #tpu.pipeline_mode<synchronous>, transform_indices = @transform_13, window_bounds = array<i64: 1024, 128>}]} {
    %eq3A = arith.constant 0 : i32
    %eq3A_0 = arith.cmpi eq, %arg0, %eq3A : i32
    %convert_element_type3A = arith.extui %eq3A_0 : i1 to i32
    %cond3A = arith.constant 0 : i32
    %cond3A_1 = arith.cmpi ne, %convert_element_type3A, %cond3A : i32
    scf.if %cond3A_1 {
      %get3A_1072 = arith.constant 0 : index
      %get3A_1073 = arith.constant 0 : index
      %get3A_1074 = vector.load %arg7[%get3A_1072, %get3A_1073] : memref<1024x128xf32, #tpu.memory_space<vmem>>, vector<1024x128xf32>
      %convert_element_type3A_1075 = arith.truncf %get3A_1074 : vector<1024x128xf32> to vector<1024x128xbf16>
      %swap3A_1076 = arith.constant 0 : index
      %swap3A_1077 = arith.constant 128 : index
      %swap3A_1078 = vector.load %arg15[%swap3A_1076, %swap3A_1077] : memref<1024x256xbf16, #tpu.memory_space<vmem>>, vector<1024x128xbf16>
      tpu.vector_store %arg15[%swap3A_1076, %swap3A_1077], %convert_element_type3A_1075 {strides = array<i32>} : memref<1024x256xbf16, #tpu.memory_space<vmem>>, vector<1024x128xbf16>,
      %get3A_1079 = arith.constant 0 : index
      %get3A_1080 = arith.constant 0 : index
      %get3A_1081 = vector.load %arg8[%get3A_1079, %get3A_1080] : memref<1024x128xf32, #tpu.memory_space<vmem>>, vector<1024x128xf32>
      %swap3A_1082 = arith.constant 0 : index
      %swap3A_1083 = arith.constant 0 : index
      %swap3A_1084 = vector.load %arg16[%swap3A_1082, %swap3A_1083] : memref<1024x128xf32, #tpu.memory_space<vmem>>, vector<1024x128xf32>
      tpu.vector_store %arg16[%swap3A_1082, %swap3A_1083], %get3A_1081 {strides = array<i32>} : memref<1024x128xf32, #tpu.memory_space<vmem>>, vector<1024x128xf32>,
      %get3A_1085 = arith.constant 0 : index
      %get3A_1086 = arith.constant 0 : index
      %get3A_1087 = vector.load %arg9[%get3A_1085, %get3A_1086] : memref<1024x128xf32, #tpu.memory_space<vmem>>, vector<1024x128xf32>
      %convert_element_type3A_1088 = arith.truncf %get3A_1087 : vector<1024x128xf32> to vector<1024x128xbf16>
      %swap3A_1089 = arith.constant 0 : index
      %swap3A_1090 = arith.constant 128 : index
      %swap3A_1091 = vector.load %arg17[%swap3A_1089, %swap3A_1090] : memref<1024x256xbf16, #tpu.memory_space<vmem>>, vector<1024x128xbf16>
      tpu.vector_store %arg17[%swap3A_1089, %swap3A_1090], %convert_element_type3A_1088 {strides = array<i32>} : memref<1024x256xbf16, #tpu.memory_space<vmem>>, vector<1024x128xbf16>,
      %get3A_1092 = arith.constant 0 : index
      %get3A_1093 = arith.constant 0 : index
      %get3A_1094 = vector.load %arg10[%get3A_1092, %get3A_1093] : memref<1024x128xf32, #tpu.memory_space<vmem>>, vector<1024x128xf32>
      %swap3A_1095 = arith.constant 0 : index
      %swap3A_1096 = arith.constant 0 : index
      %swap3A_1097 = vector.load %arg18[%swap3A_1095, %swap3A_1096] : memref<1024x128xf32, #tpu.memory_space<vmem>>, vector<1024x128xf32>
      tpu.vector_store %arg18[%swap3A_1095, %swap3A_1096], %get3A_1094 {strides = array<i32>} : memref<1024x128xf32, #tpu.memory_space<vmem>>, vector<1024x128xf32>,
    } else {
    }
    %get3A = arith.constant 0 : index
    %get3A_2 = arith.constant 0 : index
    %get3A_3 = arith.constant 0 : index
    %get3A_4 = vector.load %arg1[%get3A, %get3A_2, %get3A_3] : memref<8x1024x128xf32, #tpu.memory_space<vmem>>, vector<1x1024x128xf32>
    %get3A_5 = vector.shape_cast %get3A_4 : vector<1x1024x128xf32> to vector<1024x128xf32>
    %get3A_6 = arith.constant 0 : index
    %get3A_7 = arith.constant 0 : index
    %get3A_8 = vector.load %arg3[%get3A_6, %get3A_7] : memref<256x512xbf16, #tpu.memory_space<vmem>>, vector<256x512xbf16>
    %get3A_9 = arith.constant 0 : index
    %get3A_10 = arith.constant 0 : index
    %get3A_11 = vector.load %arg4[%get3A_9, %get3A_10] : memref<1x512xbf16, #tpu.memory_space<vmem>>, vector<1x512xbf16>
    %convert_element_type3A_12 = arith.truncf %get3A_5 : vector<1024x128xf32> to vector<1024x128xbf16>
    %swap3A = arith.constant 0 : index
    %swap3A_13 = arith.constant 0 : index
    %swap3A_14 = vector.load %arg15[%swap3A, %swap3A_13] : memref<1024x256xbf16, #tpu.memory_space<vmem>>, vector<1024x128xbf16>
    tpu.vector_store %arg15[%swap3A, %swap3A_13], %convert_element_type3A_12 {strides = array<i32>} : memref<1024x256xbf16, #tpu.memory_space<vmem>>, vector<1024x128xbf16>,
    %get3A_15 = arith.constant 0 : index
    %get3A_16 = arith.constant 0 : index
    %get3A_17 = vector.load %arg15[%get3A_15, %get3A_16] : memref<1024x256xbf16, #tpu.memory_space<vmem>>, vector<1024x256xbf16>
    %dot_general3A = arith.constant dense<0.000000e+00> : vector<1024x512xf32>
    %dot_general3A_18 = tpu.matmul %get3A_17, %get3A_8, %dot_general3A {dimension_numbers = #tpu.dot_dimension_numbers<[1], [0], [0], [1], [0, 0, 1, 1], [], []>, transpose_lhs_hint = false} : vector<1024x256xbf16>, vector<256x512xbf16>, vector<1024x512xf32> -> vector<1024x512xf32>
    %convert_element_type3A_19 = arith.truncf %dot_general3A_18 : vector<1024x512xf32> to vector<1024x512xbf16>
    %add3A = vector.broadcast %get3A_11 : vector<1x512xbf16> to vector<1024x512xbf16>
    %add3A_20 = arith.addf %convert_element_type3A_19, %add3A : vector<1024x512xbf16>
    %slice3A = vector.extract_strided_slice %add3A_20 {offsets = [0, 0], sizes = [1024, 128], strides = [1, 1]} : vector<1024x512xbf16> to vector<1024x128xbf16>
    %tanh3A = math.tanh %slice3A : vector<1024x128xbf16>
    %mul3A = arith.constant 5.000000e-01 : bf16
    %mul3A_21 = vector.broadcast %mul3A : bf16 to vector<1024x128xbf16>
    %mul3A_22 = arith.mulf %mul3A_21, %tanh3A : vector<1024x128xbf16>
    %add3A_23 = arith.constant 5.000000e-01 : bf16
    %add3A_24 = vector.broadcast %add3A_23 : bf16 to vector<1024x128xbf16>
    %add3A_25 = arith.addf %mul3A_22, %add3A_24 : vector<1024x128xbf16>
    %slice3A_26 = vector.extract_strided_slice %add3A_20 {offsets = [0, 128], sizes = [1024, 128], strides = [1, 1]} : vector<1024x512xbf16> to vector<1024x128xbf16>
    %tanh3A_27 = math.tanh %slice3A_26 : vector<1024x128xbf16>
    %mul3A_28 = arith.constant 5.000000e-01 : bf16
    %mul3A_29 = vector.broadcast %mul3A_28 : bf16 to vector<1024x128xbf16>
    %mul3A_30 = arith.mulf %mul3A_29, %tanh3A_27 : vector<1024x128xbf16>
    %add3A_31 = arith.constant 5.000000e-01 : bf16
    %add3A_32 = vector.broadcast %add3A_31 : bf16 to vector<1024x128xbf16>
    %add3A_33 = arith.addf %mul3A_30, %add3A_32 : vector<1024x128xbf16>
    %slice3A_34 = vector.extract_strided_slice %add3A_20 {offsets = [0, 256], sizes = [1024, 128], strides = [1, 1]} : vector<1024x512xbf16> to vector<1024x128xbf16>
    %tanh3A_35 = math.tanh %slice3A_34 : vector<1024x128xbf16>
    %slice3A_36 = vector.extract_strided_slice %add3A_20 {offsets = [0, 384], sizes = [1024, 128], strides = [1, 1]} : vector<1024x512xbf16> to vector<1024x128xbf16>
    %tanh3A_37 = math.tanh %slice3A_36 : vector<1024x128xbf16>
    %mul3A_38 = arith.constant 5.000000e-01 : bf16
    %mul3A_39 = vector.broadcast %mul3A_38 : bf16 to vector<1024x128xbf16>
    %mul3A_40 = arith.mulf %mul3A_39, %tanh3A_37 : vector<1024x128xbf16>
    %add3A_41 = arith.constant 5.000000e-01 : bf16
    %add3A_42 = vector.broadcast %add3A_41 : bf16 to vector<1024x128xbf16>
    %add3A_43 = arith.addf %mul3A_40, %add3A_42 : vector<1024x128xbf16>
    %convert_element_type3A_44 = arith.extf %add3A_33 : vector<1024x128xbf16> to vector<1024x128xf32>
    %get3A_45 = arith.constant 0 : index
    %get3A_46 = arith.constant 0 : index
    %get3A_47 = vector.load %arg16[%get3A_45, %get3A_46] : memref<1024x128xf32, #tpu.memory_space<vmem>>, vector<1024x128xf32>
    %mul3A_48 = arith.mulf %convert_element_type3A_44, %get3A_47 : vector<1024x128xf32>
    %mul3A_49 = arith.mulf %add3A_25, %tanh3A_35 : vector<1024x128xbf16>
    %convert_element_type3A_50 = arith.extf %mul3A_49 : vector<1024x128xbf16> to vector<1024x128xf32>
    %add3A_51 = arith.addf %mul3A_48, %convert_element_type3A_50 : vector<1024x128xf32>
    %convert_element_type3A_52 = arith.extf %add3A_43 : vector<1024x128xbf16> to vector<1024x128xf32>
    %tanh3A_53 = math.tanh %add3A_51 : vector<1024x128xf32>
    %mul3A_54 = arith.mulf %convert_element_type3A_52, %tanh3A_53 : vector<1024x128xf32>
    %swap3A_55 = arith.constant 0 : index
    %swap3A_56 = arith.constant 0 : index
    %swap3A_57 = vector.load %arg16[%swap3A_55, %swap3A_56] : memref<1024x128xf32, #tpu.memory_space<vmem>>, vector<1024x128xf32>
    tpu.vector_store %arg16[%swap3A_55, %swap3A_56], %add3A_51 {strides = array<i32>} : memref<1024x128xf32, #tpu.memory_space<vmem>>, vector<1024x128xf32>,
    %convert_element_type3A_58 = arith.truncf %mul3A_54 : vector<1024x128xf32> to vector<1024x128xbf16>
    %swap3A_59 = arith.constant 0 : index
    %swap3A_60 = arith.constant 128 : index
    %swap3A_61 = vector.load %arg15[%swap3A_59, %swap3A_60] : memref<1024x256xbf16, #tpu.memory_space<vmem>>, vector<1024x128xbf16>
    tpu.vector_store %arg15[%swap3A_59, %swap3A_60], %convert_element_type3A_58 {strides = array<i32>} : memref<1024x256xbf16, #tpu.memory_space<vmem>>, vector<1024x128xbf16>,
    %get3A_62 = arith.constant 7 : index
    %get3A_63 = arith.constant 0 : index
    %get3A_64 = arith.constant 0 : index
    %get3A_65 = vector.load %arg2[%get3A_62, %get3A_63, %get3A_64] : memref<8x1024x128xf32, #tpu.memory_space<vmem>>, vector<1x1024x128xf32>
    %get3A_66 = vector.shape_cast %get3A_65 : vector<1x1024x128xf32> to vector<1024x128xf32>
    %get3A_67 = arith.constant 0 : index
    %get3A_68 = arith.constant 0 : index
    %get3A_69 = vector.load %arg5[%get3A_67, %get3A_68] : memref<256x512xbf16, #tpu.memory_space<vmem>>, vector<256x512xbf16>
    %get3A_70 = arith.constant 0 : index
    %get3A_71 = arith.constant 0 : index
    %get3A_72 = vector.load %arg6[%get3A_70, %get3A_71] : memref<1x512xbf16, #tpu.memory_space<vmem>>, vector<1x512xbf16>
    %convert_element_type3A_73 = arith.truncf %get3A_66 : vector<1024x128xf32> to vector<1024x128xbf16>
    %swap3A_74 = arith.constant 0 : index
    %swap3A_75 = arith.constant 0 : index
    %swap3A_76 = vector.load %arg17[%swap3A_74, %swap3A_75] : memref<1024x256xbf16, #tpu.memory_space<vmem>>, vector<1024x128xbf16>
    tpu.vector_store %arg17[%swap3A_74, %swap3A_75], %convert_element_type3A_73 {strides = array<i32>} : memref<1024x256xbf16, #tpu.memory_space<vmem>>, vector<1024x128xbf16>,
    %get3A_77 = arith.constant 0 : index
    %get3A_78 = arith.constant 0 : index
    %get3A_79 = vector.load %arg17[%get3A_77, %get3A_78] : memref<1024x256xbf16, #tpu.memory_space<vmem>>, vector<1024x256xbf16>
    %dot_general3A_80 = arith.constant dense<0.000000e+00> : vector<1024x512xf32>
    %dot_general3A_81 = tpu.matmul %get3A_79, %get3A_69, %dot_general3A_80 {dimension_numbers = #tpu.dot_dimension_numbers<[1], [0], [0], [1], [0, 0, 1, 1], [], []>, transpose_lhs_hint = false} : vector<1024x256xbf16>, vector<256x512xbf16>, vector<1024x512xf32> -> vector<1024x512xf32>
    %convert_element_type3A_82 = arith.truncf %dot_general3A_81 : vector<1024x512xf32> to vector<1024x512xbf16>
    %add3A_83 = vector.broadcast %get3A_72 : vector<1x512xbf16> to vector<1024x512xbf16>
    %add3A_84 = arith.addf %convert_element_type3A_82, %add3A_83 : vector<1024x512xbf16>
    %slice3A_85 = vector.extract_strided_slice %add3A_84 {offsets = [0, 0], sizes = [1024, 128], strides = [1, 1]} : vector<1024x512xbf16> to vector<1024x128xbf16>
    %tanh3A_86 = math.tanh %slice3A_85 : vector<1024x128xbf16>
    %mul3A_87 = arith.constant 5.000000e-01 : bf16
    %mul3A_88 = vector.broadcast %mul3A_87 : bf16 to vector<1024x128xbf16>
    %mul3A_89 = arith.mulf %mul3A_88, %tanh3A_86 : vector<1024x128xbf16>
    %add3A_90 = arith.constant 5.000000e-01 : bf16
    %add3A_91 = vector.broadcast %add3A_90 : bf16 to vector<1024x128xbf16>
    %add3A_92 = arith.addf %mul3A_89, %add3A_91 : vector<1024x128xbf16>
    %slice3A_93 = vector.extract_strided_slice %add3A_84 {offsets = [0, 128], sizes = [1024, 128], strides = [1, 1]} : vector<1024x512xbf16> to vector<1024x128xbf16>
    %tanh3A_94 = math.tanh %slice3A_93 : vector<1024x128xbf16>
    %mul3A_95 = arith.constant 5.000000e-01 : bf16
    %mul3A_96 = vector.broadcast %mul3A_95 : bf16 to vector<1024x128xbf16>
    %mul3A_97 = arith.mulf %mul3A_96, %tanh3A_94 : vector<1024x128xbf16>
    %add3A_98 = arith.constant 5.000000e-01 : bf16
    %add3A_99 = vector.broadcast %add3A_98 : bf16 to vector<1024x128xbf16>
    %add3A_100 = arith.addf %mul3A_97, %add3A_99 : vector<1024x128xbf16>
    %slice3A_101 = vector.extract_strided_slice %add3A_84 {offsets = [0, 256], sizes = [1024, 128], strides = [1, 1]} : vector<1024x512xbf16> to vector<1024x128xbf16>
    %tanh3A_102 = math.tanh %slice3A_101 : vector<1024x128xbf16>
    %slice3A_103 = vector.extract_strided_slice %add3A_84 {offsets = [0, 384], sizes = [1024, 128], strides = [1, 1]} : vector<1024x512xbf16> to vector<1024x128xbf16>
    %tanh3A_104 = math.tanh %slice3A_103 : vector<1024x128xbf16>
    %mul3A_105 = arith.constant 5.000000e-01 : bf16
    %mul3A_106 = vector.broadcast %mul3A_105 : bf16 to vector<1024x128xbf16>
    %mul3A_107 = arith.mulf %mul3A_106, %tanh3A_104 : vector<1024x128xbf16>
    %add3A_108 = arith.constant 5.000000e-01 : bf16
    %add3A_109 = vector.broadcast %add3A_108 : bf16 to vector<1024x128xbf16>
    %add3A_110 = arith.addf %mul3A_107, %add3A_109 : vector<1024x128xbf16>
    %convert_element_type3A_111 = arith.extf %add3A_100 : vector<1024x128xbf16> to vector<1024x128xf32>
    %get3A_112 = arith.constant 0 : index
    %get3A_113 = arith.constant 0 : index
    %get3A_114 = vector.load %arg18[%get3A_112, %get3A_113] : memref<1024x128xf32, #tpu.memory_space<vmem>>, vector<1024x128xf32>
    %mul3A_115 = arith.mulf %convert_element_type3A_111, %get3A_114 : vector<1024x128xf32>
    %mul3A_116 = arith.mulf %add3A_92, %tanh3A_102 : vector<1024x128xbf16>
    %convert_element_type3A_117 = arith.extf %mul3A_116 : vector<1024x128xbf16> to vector<1024x128xf32>
    %add3A_118 = arith.addf %mul3A_115, %convert_element_type3A_117 : vector<1024x128xf32>
    %convert_element_type3A_119 = arith.extf %add3A_110 : vector<1024x128xbf16> to vector<1024x128xf32>
    %tanh3A_120 = math.tanh %add3A_118 : vector<1024x128xf32>
    %mul3A_121 = arith.mulf %convert_element_type3A_119, %tanh3A_120 : vector<1024x128xf32>
    %swap3A_122 = arith.constant 0 : index
    %swap3A_123 = arith.constant 0 : index
    %swap3A_124 = vector.load %arg18[%swap3A_122, %swap3A_123] : memref<1024x128xf32, #tpu.memory_space<vmem>>, vector<1024x128xf32>
    tpu.vector_store %arg18[%swap3A_122, %swap3A_123], %add3A_118 {strides = array<i32>} : memref<1024x128xf32, #tpu.memory_space<vmem>>, vector<1024x128xf32>,
    %convert_element_type3A_125 = arith.truncf %mul3A_121 : vector<1024x128xf32> to vector<1024x128xbf16>
    %swap3A_126 = arith.constant 0 : index
    %swap3A_127 = arith.constant 128 : index
    %swap3A_128 = vector.load %arg17[%swap3A_126, %swap3A_127] : memref<1024x256xbf16, #tpu.memory_space<vmem>>, vector<1024x128xbf16>
    tpu.vector_store %arg17[%swap3A_126, %swap3A_127], %convert_element_type3A_125 {strides = array<i32>} : memref<1024x256xbf16, #tpu.memory_space<vmem>>, vector<1024x128xbf16>,
    %get3A_129 = arith.constant 1 : index
    %get3A_130 = arith.constant 0 : index
    %get3A_131 = arith.constant 0 : index
    %get3A_132 = vector.load %arg1[%get3A_129, %get3A_130, %get3A_131] : memref<8x1024x128xf32, #tpu.memory_space<vmem>>, vector<1x1024x128xf32>
    %get3A_133 = vector.shape_cast %get3A_132 : vector<1x1024x128xf32> to vector<1024x128xf32>
    %get3A_134 = arith.constant 0 : index
    %get3A_135 = arith.constant 0 : index
    %get3A_136 = vector.load %arg3[%get3A_134, %get3A_135] : memref<256x512xbf16, #tpu.memory_space<vmem>>, vector<256x512xbf16>
    %get3A_137 = arith.constant 0 : index
    %get3A_138 = arith.constant 0 : index
    %get3A_139 = vector.load %arg4[%get3A_137, %get3A_138] : memref<1x512xbf16, #tpu.memory_space<vmem>>, vector<1x512xbf16>
    %convert_element_type3A_140 = arith.truncf %get3A_133 : vector<1024x128xf32> to vector<1024x128xbf16>
    %swap3A_141 = arith.constant 0 : index
    %swap3A_142 = arith.constant 0 : index
    %swap3A_143 = vector.load %arg15[%swap3A_141, %swap3A_142] : memref<1024x256xbf16, #tpu.memory_space<vmem>>, vector<1024x128xbf16>
    tpu.vector_store %arg15[%swap3A_141, %swap3A_142], %convert_element_type3A_140 {strides = array<i32>} : memref<1024x256xbf16, #tpu.memory_space<vmem>>, vector<1024x128xbf16>,
    %get3A_144 = arith.constant 0 : index
    %get3A_145 = arith.constant 0 : index
    %get3A_146 = vector.load %arg15[%get3A_144, %get3A_145] : memref<1024x256xbf16, #tpu.memory_space<vmem>>, vector<1024x256xbf16>
    %dot_general3A_147 = arith.constant dense<0.000000e+00> : vector<1024x512xf32>
    %dot_general3A_148 = tpu.matmul %get3A_146, %get3A_136, %dot_general3A_147 {dimension_numbers = #tpu.dot_dimension_numbers<[1], [0], [0], [1], [0, 0, 1, 1], [], []>, transpose_lhs_hint = false} : vector<1024x256xbf16>, vector<256x512xbf16>, vector<1024x512xf32> -> vector<1024x512xf32>
    %convert_element_type3A_149 = arith.truncf %dot_general3A_148 : vector<1024x512xf32> to vector<1024x512xbf16>
    %add3A_150 = vector.broadcast %get3A_139 : vector<1x512xbf16> to vector<1024x512xbf16>
    %add3A_151 = arith.addf %convert_element_type3A_149, %add3A_150 : vector<1024x512xbf16>
    %slice3A_152 = vector.extract_strided_slice %add3A_151 {offsets = [0, 0], sizes = [1024, 128], strides = [1, 1]} : vector<1024x512xbf16> to vector<1024x128xbf16>
    %tanh3A_153 = math.tanh %slice3A_152 : vector<1024x128xbf16>
    %mul3A_154 = arith.constant 5.000000e-01 : bf16
    %mul3A_155 = vector.broadcast %mul3A_154 : bf16 to vector<1024x128xbf16>
    %mul3A_156 = arith.mulf %mul3A_155, %tanh3A_153 : vector<1024x128xbf16>
    %add3A_157 = arith.constant 5.000000e-01 : bf16
    %add3A_158 = vector.broadcast %add3A_157 : bf16 to vector<1024x128xbf16>
    %add3A_159 = arith.addf %mul3A_156, %add3A_158 : vector<1024x128xbf16>
    %slice3A_160 = vector.extract_strided_slice %add3A_151 {offsets = [0, 128], sizes = [1024, 128], strides = [1, 1]} : vector<1024x512xbf16> to vector<1024x128xbf16>
    %tanh3A_161 = math.tanh %slice3A_160 : vector<1024x128xbf16>
    %mul3A_162 = arith.constant 5.000000e-01 : bf16
    %mul3A_163 = vector.broadcast %mul3A_162 : bf16 to vector<1024x128xbf16>
    %mul3A_164 = arith.mulf %mul3A_163, %tanh3A_161 : vector<1024x128xbf16>
    %add3A_165 = arith.constant 5.000000e-01 : bf16
    %add3A_166 = vector.broadcast %add3A_165 : bf16 to vector<1024x128xbf16>
    %add3A_167 = arith.addf %mul3A_164, %add3A_166 : vector<1024x128xbf16>
    %slice3A_168 = vector.extract_strided_slice %add3A_151 {offsets = [0, 256], sizes = [1024, 128], strides = [1, 1]} : vector<1024x512xbf16> to vector<1024x128xbf16>
    %tanh3A_169 = math.tanh %slice3A_168 : vector<1024x128xbf16>
    %slice3A_170 = vector.extract_strided_slice %add3A_151 {offsets = [0, 384], sizes = [1024, 128], strides = [1, 1]} : vector<1024x512xbf16> to vector<1024x128xbf16>
    %tanh3A_171 = math.tanh %slice3A_170 : vector<1024x128xbf16>
    %mul3A_172 = arith.constant 5.000000e-01 : bf16
    %mul3A_173 = vector.broadcast %mul3A_172 : bf16 to vector<1024x128xbf16>
    %mul3A_174 = arith.mulf %mul3A_173, %tanh3A_171 : vector<1024x128xbf16>
    %add3A_175 = arith.constant 5.000000e-01 : bf16
    %add3A_176 = vector.broadcast %add3A_175 : bf16 to vector<1024x128xbf16>
    %add3A_177 = arith.addf %mul3A_174, %add3A_176 : vector<1024x128xbf16>
    %convert_element_type3A_178 = arith.extf %add3A_167 : vector<1024x128xbf16> to vector<1024x128xf32>
    %get3A_179 = arith.constant 0 : index
    %get3A_180 = arith.constant 0 : index
    %get3A_181 = vector.load %arg16[%get3A_179, %get3A_180] : memref<1024x128xf32, #tpu.memory_space<vmem>>, vector<1024x128xf32>
    %mul3A_182 = arith.mulf %convert_element_type3A_178, %get3A_181 : vector<1024x128xf32>
    %mul3A_183 = arith.mulf %add3A_159, %tanh3A_169 : vector<1024x128xbf16>
    %convert_element_type3A_184 = arith.extf %mul3A_183 : vector<1024x128xbf16> to vector<1024x128xf32>
    %add3A_185 = arith.addf %mul3A_182, %convert_element_type3A_184 : vector<1024x128xf32>
    %convert_element_type3A_186 = arith.extf %add3A_177 : vector<1024x128xbf16> to vector<1024x128xf32>
    %tanh3A_187 = math.tanh %add3A_185 : vector<1024x128xf32>
    %mul3A_188 = arith.mulf %convert_element_type3A_186, %tanh3A_187 : vector<1024x128xf32>
    %swap3A_189 = arith.constant 0 : index
    %swap3A_190 = arith.constant 0 : index
    %swap3A_191 = vector.load %arg16[%swap3A_189, %swap3A_190] : memref<1024x128xf32, #tpu.memory_space<vmem>>, vector<1024x128xf32>
    tpu.vector_store %arg16[%swap3A_189, %swap3A_190], %add3A_185 {strides = array<i32>} : memref<1024x128xf32, #tpu.memory_space<vmem>>, vector<1024x128xf32>,
    %convert_element_type3A_192 = arith.truncf %mul3A_188 : vector<1024x128xf32> to vector<1024x128xbf16>
    %swap3A_193 = arith.constant 0 : index
    %swap3A_194 = arith.constant 128 : index
    %swap3A_195 = vector.load %arg15[%swap3A_193, %swap3A_194] : memref<1024x256xbf16, #tpu.memory_space<vmem>>, vector<1024x128xbf16>
    tpu.vector_store %arg15[%swap3A_193, %swap3A_194], %convert_element_type3A_192 {strides = array<i32>} : memref<1024x256xbf16, #tpu.memory_space<vmem>>, vector<1024x128xbf16>,
    %get3A_196 = arith.constant 6 : index
    %get3A_197 = arith.constant 0 : index
    %get3A_198 = arith.constant 0 : index
    %get3A_199 = vector.load %arg2[%get3A_196, %get3A_197, %get3A_198] : memref<8x1024x128xf32, #tpu.memory_space<vmem>>, vector<1x1024x128xf32>
    %get3A_200 = vector.shape_cast %get3A_199 : vector<1x1024x128xf32> to vector<1024x128xf32>
    %get3A_201 = arith.constant 0 : index
    %get3A_202 = arith.constant 0 : index
    %get3A_203 = vector.load %arg5[%get3A_201, %get3A_202] : memref<256x512xbf16, #tpu.memory_space<vmem>>, vector<256x512xbf16>
    %get3A_204 = arith.constant 0 : index
    %get3A_205 = arith.constant 0 : index
    %get3A_206 = vector.load %arg6[%get3A_204, %get3A_205] : memref<1x512xbf16, #tpu.memory_space<vmem>>, vector<1x512xbf16>
    %convert_element_type3A_207 = arith.truncf %get3A_200 : vector<1024x128xf32> to vector<1024x128xbf16>
    %swap3A_208 = arith.constant 0 : index
    %swap3A_209 = arith.constant 0 : index
    %swap3A_210 = vector.load %arg17[%swap3A_208, %swap3A_209] : memref<1024x256xbf16, #tpu.memory_space<vmem>>, vector<1024x128xbf16>
    tpu.vector_store %arg17[%swap3A_208, %swap3A_209], %convert_element_type3A_207 {strides = array<i32>} : memref<1024x256xbf16, #tpu.memory_space<vmem>>, vector<1024x128xbf16>,
    %get3A_211 = arith.constant 0 : index
    %get3A_212 = arith.constant 0 : index
    %get3A_213 = vector.load %arg17[%get3A_211, %get3A_212] : memref<1024x256xbf16, #tpu.memory_space<vmem>>, vector<1024x256xbf16>
    %dot_general3A_214 = arith.constant dense<0.000000e+00> : vector<1024x512xf32>
    %dot_general3A_215 = tpu.matmul %get3A_213, %get3A_203, %dot_general3A_214 {dimension_numbers = #tpu.dot_dimension_numbers<[1], [0], [0], [1], [0, 0, 1, 1], [], []>, transpose_lhs_hint = false} : vector<1024x256xbf16>, vector<256x512xbf16>, vector<1024x512xf32> -> vector<1024x512xf32>
    %convert_element_type3A_216 = arith.truncf %dot_general3A_215 : vector<1024x512xf32> to vector<1024x512xbf16>
    %add3A_217 = vector.broadcast %get3A_206 : vector<1x512xbf16> to vector<1024x512xbf16>
    %add3A_218 = arith.addf %convert_element_type3A_216, %add3A_217 : vector<1024x512xbf16>
    %slice3A_219 = vector.extract_strided_slice %add3A_218 {offsets = [0, 0], sizes = [1024, 128], strides = [1, 1]} : vector<1024x512xbf16> to vector<1024x128xbf16>
    %tanh3A_220 = math.tanh %slice3A_219 : vector<1024x128xbf16>
    %mul3A_221 = arith.constant 5.000000e-01 : bf16
    %mul3A_222 = vector.broadcast %mul3A_221 : bf16 to vector<1024x128xbf16>
    %mul3A_223 = arith.mulf %mul3A_222, %tanh3A_220 : vector<1024x128xbf16>
    %add3A_224 = arith.constant 5.000000e-01 : bf16
    %add3A_225 = vector.broadcast %add3A_224 : bf16 to vector<1024x128xbf16>
    %add3A_226 = arith.addf %mul3A_223, %add3A_225 : vector<1024x128xbf16>
    %slice3A_227 = vector.extract_strided_slice %add3A_218 {offsets = [0, 128], sizes = [1024, 128], strides = [1, 1]} : vector<1024x512xbf16> to vector<1024x128xbf16>
    %tanh3A_228 = math.tanh %slice3A_227 : vector<1024x128xbf16>
    %mul3A_229 = arith.constant 5.000000e-01 : bf16
    %mul3A_230 = vector.broadcast %mul3A_229 : bf16 to vector<1024x128xbf16>
    %mul3A_231 = arith.mulf %mul3A_230, %tanh3A_228 : vector<1024x128xbf16>
    %add3A_232 = arith.constant 5.000000e-01 : bf16
    %add3A_233 = vector.broadcast %add3A_232 : bf16 to vector<1024x128xbf16>
    %add3A_234 = arith.addf %mul3A_231, %add3A_233 : vector<1024x128xbf16>
    %slice3A_235 = vector.extract_strided_slice %add3A_218 {offsets = [0, 256], sizes = [1024, 128], strides = [1, 1]} : vector<1024x512xbf16> to vector<1024x128xbf16>
    %tanh3A_236 = math.tanh %slice3A_235 : vector<1024x128xbf16>
    %slice3A_237 = vector.extract_strided_slice %add3A_218 {offsets = [0, 384], sizes = [1024, 128], strides = [1, 1]} : vector<1024x512xbf16> to vector<1024x128xbf16>
    %tanh3A_238 = math.tanh %slice3A_237 : vector<1024x128xbf16>
    %mul3A_239 = arith.constant 5.000000e-01 : bf16
    %mul3A_240 = vector.broadcast %mul3A_239 : bf16 to vector<1024x128xbf16>
    %mul3A_241 = arith.mulf %mul3A_240, %tanh3A_238 : vector<1024x128xbf16>
    %add3A_242 = arith.constant 5.000000e-01 : bf16
    %add3A_243 = vector.broadcast %add3A_242 : bf16 to vector<1024x128xbf16>
    %add3A_244 = arith.addf %mul3A_241, %add3A_243 : vector<1024x128xbf16>
    %convert_element_type3A_245 = arith.extf %add3A_234 : vector<1024x128xbf16> to vector<1024x128xf32>
    %get3A_246 = arith.constant 0 : index
    %get3A_247 = arith.constant 0 : index
    %get3A_248 = vector.load %arg18[%get3A_246, %get3A_247] : memref<1024x128xf32, #tpu.memory_space<vmem>>, vector<1024x128xf32>
    %mul3A_249 = arith.mulf %convert_element_type3A_245, %get3A_248 : vector<1024x128xf32>
    %mul3A_250 = arith.mulf %add3A_226, %tanh3A_236 : vector<1024x128xbf16>
    %convert_element_type3A_251 = arith.extf %mul3A_250 : vector<1024x128xbf16> to vector<1024x128xf32>
    %add3A_252 = arith.addf %mul3A_249, %convert_element_type3A_251 : vector<1024x128xf32>
    %convert_element_type3A_253 = arith.extf %add3A_244 : vector<1024x128xbf16> to vector<1024x128xf32>
    %tanh3A_254 = math.tanh %add3A_252 : vector<1024x128xf32>
    %mul3A_255 = arith.mulf %convert_element_type3A_253, %tanh3A_254 : vector<1024x128xf32>
    %swap3A_256 = arith.constant 0 : index
    %swap3A_257 = arith.constant 0 : index
    %swap3A_258 = vector.load %arg18[%swap3A_256, %swap3A_257] : memref<1024x128xf32, #tpu.memory_space<vmem>>, vector<1024x128xf32>
    tpu.vector_store %arg18[%swap3A_256, %swap3A_257], %add3A_252 {strides = array<i32>} : memref<1024x128xf32, #tpu.memory_space<vmem>>, vector<1024x128xf32>,
    %convert_element_type3A_259 = arith.truncf %mul3A_255 : vector<1024x128xf32> to vector<1024x128xbf16>
    %swap3A_260 = arith.constant 0 : index
    %swap3A_261 = arith.constant 128 : index
    %swap3A_262 = vector.load %arg17[%swap3A_260, %swap3A_261] : memref<1024x256xbf16, #tpu.memory_space<vmem>>, vector<1024x128xbf16>
    tpu.vector_store %arg17[%swap3A_260, %swap3A_261], %convert_element_type3A_259 {strides = array<i32>} : memref<1024x256xbf16, #tpu.memory_space<vmem>>, vector<1024x128xbf16>,
    %get3A_263 = arith.constant 2 : index
    %get3A_264 = arith.constant 0 : index
    %get3A_265 = arith.constant 0 : index
    %get3A_266 = vector.load %arg1[%get3A_263, %get3A_264, %get3A_265] : memref<8x1024x128xf32, #tpu.memory_space<vmem>>, vector<1x1024x128xf32>
    %get3A_267 = vector.shape_cast %get3A_266 : vector<1x1024x128xf32> to vector<1024x128xf32>
    %get3A_268 = arith.constant 0 : index
    %get3A_269 = arith.constant 0 : index
    %get3A_270 = vector.load %arg3[%get3A_268, %get3A_269] : memref<256x512xbf16, #tpu.memory_space<vmem>>, vector<256x512xbf16>
    %get3A_271 = arith.constant 0 : index
    %get3A_272 = arith.constant 0 : index
    %get3A_273 = vector.load %arg4[%get3A_271, %get3A_272] : memref<1x512xbf16, #tpu.memory_space<vmem>>, vector<1x512xbf16>
    %convert_element_type3A_274 = arith.truncf %get3A_267 : vector<1024x128xf32> to vector<1024x128xbf16>
    %swap3A_275 = arith.constant 0 : index
    %swap3A_276 = arith.constant 0 : index
    %swap3A_277 = vector.load %arg15[%swap3A_275, %swap3A_276] : memref<1024x256xbf16, #tpu.memory_space<vmem>>, vector<1024x128xbf16>
    tpu.vector_store %arg15[%swap3A_275, %swap3A_276], %convert_element_type3A_274 {strides = array<i32>} : memref<1024x256xbf16, #tpu.memory_space<vmem>>, vector<1024x128xbf16>,
    %get3A_278 = arith.constant 0 : index
    %get3A_279 = arith.constant 0 : index
    %get3A_280 = vector.load %arg15[%get3A_278, %get3A_279] : memref<1024x256xbf16, #tpu.memory_space<vmem>>, vector<1024x256xbf16>
    %dot_general3A_281 = arith.constant dense<0.000000e+00> : vector<1024x512xf32>
    %dot_general3A_282 = tpu.matmul %get3A_280, %get3A_270, %dot_general3A_281 {dimension_numbers = #tpu.dot_dimension_numbers<[1], [0], [0], [1], [0, 0, 1, 1], [], []>, transpose_lhs_hint = false} : vector<1024x256xbf16>, vector<256x512xbf16>, vector<1024x512xf32> -> vector<1024x512xf32>
    %convert_element_type3A_283 = arith.truncf %dot_general3A_282 : vector<1024x512xf32> to vector<1024x512xbf16>
    %add3A_284 = vector.broadcast %get3A_273 : vector<1x512xbf16> to vector<1024x512xbf16>
    %add3A_285 = arith.addf %convert_element_type3A_283, %add3A_284 : vector<1024x512xbf16>
    %slice3A_286 = vector.extract_strided_slice %add3A_285 {offsets = [0, 0], sizes = [1024, 128], strides = [1, 1]} : vector<1024x512xbf16> to vector<1024x128xbf16>
    %tanh3A_287 = math.tanh %slice3A_286 : vector<1024x128xbf16>
    %mul3A_288 = arith.constant 5.000000e-01 : bf16
    %mul3A_289 = vector.broadcast %mul3A_288 : bf16 to vector<1024x128xbf16>
    %mul3A_290 = arith.mulf %mul3A_289, %tanh3A_287 : vector<1024x128xbf16>
    %add3A_291 = arith.constant 5.000000e-01 : bf16
    %add3A_292 = vector.broadcast %add3A_291 : bf16 to vector<1024x128xbf16>
    %add3A_293 = arith.addf %mul3A_290, %add3A_292 : vector<1024x128xbf16>
    %slice3A_294 = vector.extract_strided_slice %add3A_285 {offsets = [0, 128], sizes = [1024, 128], strides = [1, 1]} : vector<1024x512xbf16> to vector<1024x128xbf16>
    %tanh3A_295 = math.tanh %slice3A_294 : vector<1024x128xbf16>
    %mul3A_296 = arith.constant 5.000000e-01 : bf16
    %mul3A_297 = vector.broadcast %mul3A_296 : bf16 to vector<1024x128xbf16>
    %mul3A_298 = arith.mulf %mul3A_297, %tanh3A_295 : vector<1024x128xbf16>
    %add3A_299 = arith.constant 5.000000e-01 : bf16
    %add3A_300 = vector.broadcast %add3A_299 : bf16 to vector<1024x128xbf16>
    %add3A_301 = arith.addf %mul3A_298, %add3A_300 : vector<1024x128xbf16>
    %slice3A_302 = vector.extract_strided_slice %add3A_285 {offsets = [0, 256], sizes = [1024, 128], strides = [1, 1]} : vector<1024x512xbf16> to vector<1024x128xbf16>
    %tanh3A_303 = math.tanh %slice3A_302 : vector<1024x128xbf16>
    %slice3A_304 = vector.extract_strided_slice %add3A_285 {offsets = [0, 384], sizes = [1024, 128], strides = [1, 1]} : vector<1024x512xbf16> to vector<1024x128xbf16>
    %tanh3A_305 = math.tanh %slice3A_304 : vector<1024x128xbf16>
    %mul3A_306 = arith.constant 5.000000e-01 : bf16
    %mul3A_307 = vector.broadcast %mul3A_306 : bf16 to vector<1024x128xbf16>
    %mul3A_308 = arith.mulf %mul3A_307, %tanh3A_305 : vector<1024x128xbf16>
    %add3A_309 = arith.constant 5.000000e-01 : bf16
    %add3A_310 = vector.broadcast %add3A_309 : bf16 to vector<1024x128xbf16>
    %add3A_311 = arith.addf %mul3A_308, %add3A_310 : vector<1024x128xbf16>
    %convert_element_type3A_312 = arith.extf %add3A_301 : vector<1024x128xbf16> to vector<1024x128xf32>
    %get3A_313 = arith.constant 0 : index
    %get3A_314 = arith.constant 0 : index
    %get3A_315 = vector.load %arg16[%get3A_313, %get3A_314] : memref<1024x128xf32, #tpu.memory_space<vmem>>, vector<1024x128xf32>
    %mul3A_316 = arith.mulf %convert_element_type3A_312, %get3A_315 : vector<1024x128xf32>
    %mul3A_317 = arith.mulf %add3A_293, %tanh3A_303 : vector<1024x128xbf16>
    %convert_element_type3A_318 = arith.extf %mul3A_317 : vector<1024x128xbf16> to vector<1024x128xf32>
    %add3A_319 = arith.addf %mul3A_316, %convert_element_type3A_318 : vector<1024x128xf32>
    %convert_element_type3A_320 = arith.extf %add3A_311 : vector<1024x128xbf16> to vector<1024x128xf32>
    %tanh3A_321 = math.tanh %add3A_319 : vector<1024x128xf32>
    %mul3A_322 = arith.mulf %convert_element_type3A_320, %tanh3A_321 : vector<1024x128xf32>
    %swap3A_323 = arith.constant 0 : index
    %swap3A_324 = arith.constant 0 : index
    %swap3A_325 = vector.load %arg16[%swap3A_323, %swap3A_324] : memref<1024x128xf32, #tpu.memory_space<vmem>>, vector<1024x128xf32>
    tpu.vector_store %arg16[%swap3A_323, %swap3A_324], %add3A_319 {strides = array<i32>} : memref<1024x128xf32, #tpu.memory_space<vmem>>, vector<1024x128xf32>,
    %convert_element_type3A_326 = arith.truncf %mul3A_322 : vector<1024x128xf32> to vector<1024x128xbf16>
    %swap3A_327 = arith.constant 0 : index
    %swap3A_328 = arith.constant 128 : index
    %swap3A_329 = vector.load %arg15[%swap3A_327, %swap3A_328] : memref<1024x256xbf16, #tpu.memory_space<vmem>>, vector<1024x128xbf16>
    tpu.vector_store %arg15[%swap3A_327, %swap3A_328], %convert_element_type3A_326 {strides = array<i32>} : memref<1024x256xbf16, #tpu.memory_space<vmem>>, vector<1024x128xbf16>,
    %get3A_330 = arith.constant 5 : index
    %get3A_331 = arith.constant 0 : index
    %get3A_332 = arith.constant 0 : index
    %get3A_333 = vector.load %arg2[%get3A_330, %get3A_331, %get3A_332] : memref<8x1024x128xf32, #tpu.memory_space<vmem>>, vector<1x1024x128xf32>
    %get3A_334 = vector.shape_cast %get3A_333 : vector<1x1024x128xf32> to vector<1024x128xf32>
    %get3A_335 = arith.constant 0 : index
    %get3A_336 = arith.constant 0 : index
    %get3A_337 = vector.load %arg5[%get3A_335, %get3A_336] : memref<256x512xbf16, #tpu.memory_space<vmem>>, vector<256x512xbf16>
    %get3A_338 = arith.constant 0 : index
    %get3A_339 = arith.constant 0 : index
    %get3A_340 = vector.load %arg6[%get3A_338, %get3A_339] : memref<1x512xbf16, #tpu.memory_space<vmem>>, vector<1x512xbf16>
    %convert_element_type3A_341 = arith.truncf %get3A_334 : vector<1024x128xf32> to vector<1024x128xbf16>
    %swap3A_342 = arith.constant 0 : index
    %swap3A_343 = arith.constant 0 : index
    %swap3A_344 = vector.load %arg17[%swap3A_342, %swap3A_343] : memref<1024x256xbf16, #tpu.memory_space<vmem>>, vector<1024x128xbf16>
    tpu.vector_store %arg17[%swap3A_342, %swap3A_343], %convert_element_type3A_341 {strides = array<i32>} : memref<1024x256xbf16, #tpu.memory_space<vmem>>, vector<1024x128xbf16>,
    %get3A_345 = arith.constant 0 : index
    %get3A_346 = arith.constant 0 : index
    %get3A_347 = vector.load %arg17[%get3A_345, %get3A_346] : memref<1024x256xbf16, #tpu.memory_space<vmem>>, vector<1024x256xbf16>
    %dot_general3A_348 = arith.constant dense<0.000000e+00> : vector<1024x512xf32>
    %dot_general3A_349 = tpu.matmul %get3A_347, %get3A_337, %dot_general3A_348 {dimension_numbers = #tpu.dot_dimension_numbers<[1], [0], [0], [1], [0, 0, 1, 1], [], []>, transpose_lhs_hint = false} : vector<1024x256xbf16>, vector<256x512xbf16>, vector<1024x512xf32> -> vector<1024x512xf32>
    %convert_element_type3A_350 = arith.truncf %dot_general3A_349 : vector<1024x512xf32> to vector<1024x512xbf16>
    %add3A_351 = vector.broadcast %get3A_340 : vector<1x512xbf16> to vector<1024x512xbf16>
    %add3A_352 = arith.addf %convert_element_type3A_350, %add3A_351 : vector<1024x512xbf16>
    %slice3A_353 = vector.extract_strided_slice %add3A_352 {offsets = [0, 0], sizes = [1024, 128], strides = [1, 1]} : vector<1024x512xbf16> to vector<1024x128xbf16>
    %tanh3A_354 = math.tanh %slice3A_353 : vector<1024x128xbf16>
    %mul3A_355 = arith.constant 5.000000e-01 : bf16
    %mul3A_356 = vector.broadcast %mul3A_355 : bf16 to vector<1024x128xbf16>
    %mul3A_357 = arith.mulf %mul3A_356, %tanh3A_354 : vector<1024x128xbf16>
    %add3A_358 = arith.constant 5.000000e-01 : bf16
    %add3A_359 = vector.broadcast %add3A_358 : bf16 to vector<1024x128xbf16>
    %add3A_360 = arith.addf %mul3A_357, %add3A_359 : vector<1024x128xbf16>
    %slice3A_361 = vector.extract_strided_slice %add3A_352 {offsets = [0, 128], sizes = [1024, 128], strides = [1, 1]} : vector<1024x512xbf16> to vector<1024x128xbf16>
    %tanh3A_362 = math.tanh %slice3A_361 : vector<1024x128xbf16>
    %mul3A_363 = arith.constant 5.000000e-01 : bf16
    %mul3A_364 = vector.broadcast %mul3A_363 : bf16 to vector<1024x128xbf16>
    %mul3A_365 = arith.mulf %mul3A_364, %tanh3A_362 : vector<1024x128xbf16>
    %add3A_366 = arith.constant 5.000000e-01 : bf16
    %add3A_367 = vector.broadcast %add3A_366 : bf16 to vector<1024x128xbf16>
    %add3A_368 = arith.addf %mul3A_365, %add3A_367 : vector<1024x128xbf16>
    %slice3A_369 = vector.extract_strided_slice %add3A_352 {offsets = [0, 256], sizes = [1024, 128], strides = [1, 1]} : vector<1024x512xbf16> to vector<1024x128xbf16>
    %tanh3A_370 = math.tanh %slice3A_369 : vector<1024x128xbf16>
    %slice3A_371 = vector.extract_strided_slice %add3A_352 {offsets = [0, 384], sizes = [1024, 128], strides = [1, 1]} : vector<1024x512xbf16> to vector<1024x128xbf16>
    %tanh3A_372 = math.tanh %slice3A_371 : vector<1024x128xbf16>
    %mul3A_373 = arith.constant 5.000000e-01 : bf16
    %mul3A_374 = vector.broadcast %mul3A_373 : bf16 to vector<1024x128xbf16>
    %mul3A_375 = arith.mulf %mul3A_374, %tanh3A_372 : vector<1024x128xbf16>
    %add3A_376 = arith.constant 5.000000e-01 : bf16
    %add3A_377 = vector.broadcast %add3A_376 : bf16 to vector<1024x128xbf16>
    %add3A_378 = arith.addf %mul3A_375, %add3A_377 : vector<1024x128xbf16>
    %convert_element_type3A_379 = arith.extf %add3A_368 : vector<1024x128xbf16> to vector<1024x128xf32>
    %get3A_380 = arith.constant 0 : index
    %get3A_381 = arith.constant 0 : index
    %get3A_382 = vector.load %arg18[%get3A_380, %get3A_381] : memref<1024x128xf32, #tpu.memory_space<vmem>>, vector<1024x128xf32>
    %mul3A_383 = arith.mulf %convert_element_type3A_379, %get3A_382 : vector<1024x128xf32>
    %mul3A_384 = arith.mulf %add3A_360, %tanh3A_370 : vector<1024x128xbf16>
    %convert_element_type3A_385 = arith.extf %mul3A_384 : vector<1024x128xbf16> to vector<1024x128xf32>
    %add3A_386 = arith.addf %mul3A_383, %convert_element_type3A_385 : vector<1024x128xf32>
    %convert_element_type3A_387 = arith.extf %add3A_378 : vector<1024x128xbf16> to vector<1024x128xf32>
    %tanh3A_388 = math.tanh %add3A_386 : vector<1024x128xf32>
    %mul3A_389 = arith.mulf %convert_element_type3A_387, %tanh3A_388 : vector<1024x128xf32>
    %swap3A_390 = arith.constant 0 : index
    %swap3A_391 = arith.constant 0 : index
    %swap3A_392 = vector.load %arg18[%swap3A_390, %swap3A_391] : memref<1024x128xf32, #tpu.memory_space<vmem>>, vector<1024x128xf32>
    tpu.vector_store %arg18[%swap3A_390, %swap3A_391], %add3A_386 {strides = array<i32>} : memref<1024x128xf32, #tpu.memory_space<vmem>>, vector<1024x128xf32>,
    %convert_element_type3A_393 = arith.truncf %mul3A_389 : vector<1024x128xf32> to vector<1024x128xbf16>
    %swap3A_394 = arith.constant 0 : index
    %swap3A_395 = arith.constant 128 : index
    %swap3A_396 = vector.load %arg17[%swap3A_394, %swap3A_395] : memref<1024x256xbf16, #tpu.memory_space<vmem>>, vector<1024x128xbf16>
    tpu.vector_store %arg17[%swap3A_394, %swap3A_395], %convert_element_type3A_393 {strides = array<i32>} : memref<1024x256xbf16, #tpu.memory_space<vmem>>, vector<1024x128xbf16>,
    %get3A_397 = arith.constant 3 : index
    %get3A_398 = arith.constant 0 : index
    %get3A_399 = arith.constant 0 : index
    %get3A_400 = vector.load %arg1[%get3A_397, %get3A_398, %get3A_399] : memref<8x1024x128xf32, #tpu.memory_space<vmem>>, vector<1x1024x128xf32>
    %get3A_401 = vector.shape_cast %get3A_400 : vector<1x1024x128xf32> to vector<1024x128xf32>
    %get3A_402 = arith.constant 0 : index
    %get3A_403 = arith.constant 0 : index
    %get3A_404 = vector.load %arg3[%get3A_402, %get3A_403] : memref<256x512xbf16, #tpu.memory_space<vmem>>, vector<256x512xbf16>
    %get3A_405 = arith.constant 0 : index
    %get3A_406 = arith.constant 0 : index
    %get3A_407 = vector.load %arg4[%get3A_405, %get3A_406] : memref<1x512xbf16, #tpu.memory_space<vmem>>, vector<1x512xbf16>
    %convert_element_type3A_408 = arith.truncf %get3A_401 : vector<1024x128xf32> to vector<1024x128xbf16>
    %swap3A_409 = arith.constant 0 : index
    %swap3A_410 = arith.constant 0 : index
    %swap3A_411 = vector.load %arg15[%swap3A_409, %swap3A_410] : memref<1024x256xbf16, #tpu.memory_space<vmem>>, vector<1024x128xbf16>
    tpu.vector_store %arg15[%swap3A_409, %swap3A_410], %convert_element_type3A_408 {strides = array<i32>} : memref<1024x256xbf16, #tpu.memory_space<vmem>>, vector<1024x128xbf16>,
    %get3A_412 = arith.constant 0 : index
    %get3A_413 = arith.constant 0 : index
    %get3A_414 = vector.load %arg15[%get3A_412, %get3A_413] : memref<1024x256xbf16, #tpu.memory_space<vmem>>, vector<1024x256xbf16>
    %dot_general3A_415 = arith.constant dense<0.000000e+00> : vector<1024x512xf32>
    %dot_general3A_416 = tpu.matmul %get3A_414, %get3A_404, %dot_general3A_415 {dimension_numbers = #tpu.dot_dimension_numbers<[1], [0], [0], [1], [0, 0, 1, 1], [], []>, transpose_lhs_hint = false} : vector<1024x256xbf16>, vector<256x512xbf16>, vector<1024x512xf32> -> vector<1024x512xf32>
    %convert_element_type3A_417 = arith.truncf %dot_general3A_416 : vector<1024x512xf32> to vector<1024x512xbf16>
    %add3A_418 = vector.broadcast %get3A_407 : vector<1x512xbf16> to vector<1024x512xbf16>
    %add3A_419 = arith.addf %convert_element_type3A_417, %add3A_418 : vector<1024x512xbf16>
    %slice3A_420 = vector.extract_strided_slice %add3A_419 {offsets = [0, 0], sizes = [1024, 128], strides = [1, 1]} : vector<1024x512xbf16> to vector<1024x128xbf16>
    %tanh3A_421 = math.tanh %slice3A_420 : vector<1024x128xbf16>
    %mul3A_422 = arith.constant 5.000000e-01 : bf16
    %mul3A_423 = vector.broadcast %mul3A_422 : bf16 to vector<1024x128xbf16>
    %mul3A_424 = arith.mulf %mul3A_423, %tanh3A_421 : vector<1024x128xbf16>
    %add3A_425 = arith.constant 5.000000e-01 : bf16
    %add3A_426 = vector.broadcast %add3A_425 : bf16 to vector<1024x128xbf16>
    %add3A_427 = arith.addf %mul3A_424, %add3A_426 : vector<1024x128xbf16>
    %slice3A_428 = vector.extract_strided_slice %add3A_419 {offsets = [0, 128], sizes = [1024, 128], strides = [1, 1]} : vector<1024x512xbf16> to vector<1024x128xbf16>
    %tanh3A_429 = math.tanh %slice3A_428 : vector<1024x128xbf16>
    %mul3A_430 = arith.constant 5.000000e-01 : bf16
    %mul3A_431 = vector.broadcast %mul3A_430 : bf16 to vector<1024x128xbf16>
    %mul3A_432 = arith.mulf %mul3A_431, %tanh3A_429 : vector<1024x128xbf16>
    %add3A_433 = arith.constant 5.000000e-01 : bf16
    %add3A_434 = vector.broadcast %add3A_433 : bf16 to vector<1024x128xbf16>
    %add3A_435 = arith.addf %mul3A_432, %add3A_434 : vector<1024x128xbf16>
    %slice3A_436 = vector.extract_strided_slice %add3A_419 {offsets = [0, 256], sizes = [1024, 128], strides = [1, 1]} : vector<1024x512xbf16> to vector<1024x128xbf16>
    %tanh3A_437 = math.tanh %slice3A_436 : vector<1024x128xbf16>
    %slice3A_438 = vector.extract_strided_slice %add3A_419 {offsets = [0, 384], sizes = [1024, 128], strides = [1, 1]} : vector<1024x512xbf16> to vector<1024x128xbf16>
    %tanh3A_439 = math.tanh %slice3A_438 : vector<1024x128xbf16>
    %mul3A_440 = arith.constant 5.000000e-01 : bf16
    %mul3A_441 = vector.broadcast %mul3A_440 : bf16 to vector<1024x128xbf16>
    %mul3A_442 = arith.mulf %mul3A_441, %tanh3A_439 : vector<1024x128xbf16>
    %add3A_443 = arith.constant 5.000000e-01 : bf16
    %add3A_444 = vector.broadcast %add3A_443 : bf16 to vector<1024x128xbf16>
    %add3A_445 = arith.addf %mul3A_442, %add3A_444 : vector<1024x128xbf16>
    %convert_element_type3A_446 = arith.extf %add3A_435 : vector<1024x128xbf16> to vector<1024x128xf32>
    %get3A_447 = arith.constant 0 : index
    %get3A_448 = arith.constant 0 : index
    %get3A_449 = vector.load %arg16[%get3A_447, %get3A_448] : memref<1024x128xf32, #tpu.memory_space<vmem>>, vector<1024x128xf32>
    %mul3A_450 = arith.mulf %convert_element_type3A_446, %get3A_449 : vector<1024x128xf32>
    %mul3A_451 = arith.mulf %add3A_427, %tanh3A_437 : vector<1024x128xbf16>
    %convert_element_type3A_452 = arith.extf %mul3A_451 : vector<1024x128xbf16> to vector<1024x128xf32>
    %add3A_453 = arith.addf %mul3A_450, %convert_element_type3A_452 : vector<1024x128xf32>
    %convert_element_type3A_454 = arith.extf %add3A_445 : vector<1024x128xbf16> to vector<1024x128xf32>
    %tanh3A_455 = math.tanh %add3A_453 : vector<1024x128xf32>
    %mul3A_456 = arith.mulf %convert_element_type3A_454, %tanh3A_455 : vector<1024x128xf32>
    %swap3A_457 = arith.constant 0 : index
    %swap3A_458 = arith.constant 0 : index
    %swap3A_459 = vector.load %arg16[%swap3A_457, %swap3A_458] : memref<1024x128xf32, #tpu.memory_space<vmem>>, vector<1024x128xf32>
    tpu.vector_store %arg16[%swap3A_457, %swap3A_458], %add3A_453 {strides = array<i32>} : memref<1024x128xf32, #tpu.memory_space<vmem>>, vector<1024x128xf32>,
    %convert_element_type3A_460 = arith.truncf %mul3A_456 : vector<1024x128xf32> to vector<1024x128xbf16>
    %swap3A_461 = arith.constant 0 : index
    %swap3A_462 = arith.constant 128 : index
    %swap3A_463 = vector.load %arg15[%swap3A_461, %swap3A_462] : memref<1024x256xbf16, #tpu.memory_space<vmem>>, vector<1024x128xbf16>
    tpu.vector_store %arg15[%swap3A_461, %swap3A_462], %convert_element_type3A_460 {strides = array<i32>} : memref<1024x256xbf16, #tpu.memory_space<vmem>>, vector<1024x128xbf16>,
    %get3A_464 = arith.constant 4 : index
    %get3A_465 = arith.constant 0 : index
    %get3A_466 = arith.constant 0 : index
    %get3A_467 = vector.load %arg2[%get3A_464, %get3A_465, %get3A_466] : memref<8x1024x128xf32, #tpu.memory_space<vmem>>, vector<1x1024x128xf32>
    %get3A_468 = vector.shape_cast %get3A_467 : vector<1x1024x128xf32> to vector<1024x128xf32>
    %get3A_469 = arith.constant 0 : index
    %get3A_470 = arith.constant 0 : index
    %get3A_471 = vector.load %arg5[%get3A_469, %get3A_470] : memref<256x512xbf16, #tpu.memory_space<vmem>>, vector<256x512xbf16>
    %get3A_472 = arith.constant 0 : index
    %get3A_473 = arith.constant 0 : index
    %get3A_474 = vector.load %arg6[%get3A_472, %get3A_473] : memref<1x512xbf16, #tpu.memory_space<vmem>>, vector<1x512xbf16>
    %convert_element_type3A_475 = arith.truncf %get3A_468 : vector<1024x128xf32> to vector<1024x128xbf16>
    %swap3A_476 = arith.constant 0 : index
    %swap3A_477 = arith.constant 0 : index
    %swap3A_478 = vector.load %arg17[%swap3A_476, %swap3A_477] : memref<1024x256xbf16, #tpu.memory_space<vmem>>, vector<1024x128xbf16>
    tpu.vector_store %arg17[%swap3A_476, %swap3A_477], %convert_element_type3A_475 {strides = array<i32>} : memref<1024x256xbf16, #tpu.memory_space<vmem>>, vector<1024x128xbf16>,
    %get3A_479 = arith.constant 0 : index
    %get3A_480 = arith.constant 0 : index
    %get3A_481 = vector.load %arg17[%get3A_479, %get3A_480] : memref<1024x256xbf16, #tpu.memory_space<vmem>>, vector<1024x256xbf16>
    %dot_general3A_482 = arith.constant dense<0.000000e+00> : vector<1024x512xf32>
    %dot_general3A_483 = tpu.matmul %get3A_481, %get3A_471, %dot_general3A_482 {dimension_numbers = #tpu.dot_dimension_numbers<[1], [0], [0], [1], [0, 0, 1, 1], [], []>, transpose_lhs_hint = false} : vector<1024x256xbf16>, vector<256x512xbf16>, vector<1024x512xf32> -> vector<1024x512xf32>
    %convert_element_type3A_484 = arith.truncf %dot_general3A_483 : vector<1024x512xf32> to vector<1024x512xbf16>
    %add3A_485 = vector.broadcast %get3A_474 : vector<1x512xbf16> to vector<1024x512xbf16>
    %add3A_486 = arith.addf %convert_element_type3A_484, %add3A_485 : vector<1024x512xbf16>
    %slice3A_487 = vector.extract_strided_slice %add3A_486 {offsets = [0, 0], sizes = [1024, 128], strides = [1, 1]} : vector<1024x512xbf16> to vector<1024x128xbf16>
    %tanh3A_488 = math.tanh %slice3A_487 : vector<1024x128xbf16>
    %mul3A_489 = arith.constant 5.000000e-01 : bf16
    %mul3A_490 = vector.broadcast %mul3A_489 : bf16 to vector<1024x128xbf16>
    %mul3A_491 = arith.mulf %mul3A_490, %tanh3A_488 : vector<1024x128xbf16>
    %add3A_492 = arith.constant 5.000000e-01 : bf16
    %add3A_493 = vector.broadcast %add3A_492 : bf16 to vector<1024x128xbf16>
    %add3A_494 = arith.addf %mul3A_491, %add3A_493 : vector<1024x128xbf16>
    %slice3A_495 = vector.extract_strided_slice %add3A_486 {offsets = [0, 128], sizes = [1024, 128], strides = [1, 1]} : vector<1024x512xbf16> to vector<1024x128xbf16>
    %tanh3A_496 = math.tanh %slice3A_495 : vector<1024x128xbf16>
    %mul3A_497 = arith.constant 5.000000e-01 : bf16
    %mul3A_498 = vector.broadcast %mul3A_497 : bf16 to vector<1024x128xbf16>
    %mul3A_499 = arith.mulf %mul3A_498, %tanh3A_496 : vector<1024x128xbf16>
    %add3A_500 = arith.constant 5.000000e-01 : bf16
    %add3A_501 = vector.broadcast %add3A_500 : bf16 to vector<1024x128xbf16>
    %add3A_502 = arith.addf %mul3A_499, %add3A_501 : vector<1024x128xbf16>
    %slice3A_503 = vector.extract_strided_slice %add3A_486 {offsets = [0, 256], sizes = [1024, 128], strides = [1, 1]} : vector<1024x512xbf16> to vector<1024x128xbf16>
    %tanh3A_504 = math.tanh %slice3A_503 : vector<1024x128xbf16>
    %slice3A_505 = vector.extract_strided_slice %add3A_486 {offsets = [0, 384], sizes = [1024, 128], strides = [1, 1]} : vector<1024x512xbf16> to vector<1024x128xbf16>
    %tanh3A_506 = math.tanh %slice3A_505 : vector<1024x128xbf16>
    %mul3A_507 = arith.constant 5.000000e-01 : bf16
    %mul3A_508 = vector.broadcast %mul3A_507 : bf16 to vector<1024x128xbf16>
    %mul3A_509 = arith.mulf %mul3A_508, %tanh3A_506 : vector<1024x128xbf16>
    %add3A_510 = arith.constant 5.000000e-01 : bf16
    %add3A_511 = vector.broadcast %add3A_510 : bf16 to vector<1024x128xbf16>
    %add3A_512 = arith.addf %mul3A_509, %add3A_511 : vector<1024x128xbf16>
    %convert_element_type3A_513 = arith.extf %add3A_502 : vector<1024x128xbf16> to vector<1024x128xf32>
    %get3A_514 = arith.constant 0 : index
    %get3A_515 = arith.constant 0 : index
    %get3A_516 = vector.load %arg18[%get3A_514, %get3A_515] : memref<1024x128xf32, #tpu.memory_space<vmem>>, vector<1024x128xf32>
    %mul3A_517 = arith.mulf %convert_element_type3A_513, %get3A_516 : vector<1024x128xf32>
    %mul3A_518 = arith.mulf %add3A_494, %tanh3A_504 : vector<1024x128xbf16>
    %convert_element_type3A_519 = arith.extf %mul3A_518 : vector<1024x128xbf16> to vector<1024x128xf32>
    %add3A_520 = arith.addf %mul3A_517, %convert_element_type3A_519 : vector<1024x128xf32>
    %convert_element_type3A_521 = arith.extf %add3A_512 : vector<1024x128xbf16> to vector<1024x128xf32>
    %tanh3A_522 = math.tanh %add3A_520 : vector<1024x128xf32>
    %mul3A_523 = arith.mulf %convert_element_type3A_521, %tanh3A_522 : vector<1024x128xf32>
    %swap3A_524 = arith.constant 0 : index
    %swap3A_525 = arith.constant 0 : index
    %swap3A_526 = vector.load %arg18[%swap3A_524, %swap3A_525] : memref<1024x128xf32, #tpu.memory_space<vmem>>, vector<1024x128xf32>
    tpu.vector_store %arg18[%swap3A_524, %swap3A_525], %add3A_520 {strides = array<i32>} : memref<1024x128xf32, #tpu.memory_space<vmem>>, vector<1024x128xf32>,
    %convert_element_type3A_527 = arith.truncf %mul3A_523 : vector<1024x128xf32> to vector<1024x128xbf16>
    %swap3A_528 = arith.constant 0 : index
    %swap3A_529 = arith.constant 128 : index
    %swap3A_530 = vector.load %arg17[%swap3A_528, %swap3A_529] : memref<1024x256xbf16, #tpu.memory_space<vmem>>, vector<1024x128xbf16>
    tpu.vector_store %arg17[%swap3A_528, %swap3A_529], %convert_element_type3A_527 {strides = array<i32>} : memref<1024x256xbf16, #tpu.memory_space<vmem>>, vector<1024x128xbf16>,
    %get3A_531 = arith.constant 4 : index
    %get3A_532 = arith.constant 0 : index
    %get3A_533 = arith.constant 0 : index
    %get3A_534 = vector.load %arg1[%get3A_531, %get3A_532, %get3A_533] : memref<8x1024x128xf32, #tpu.memory_space<vmem>>, vector<1x1024x128xf32>
    %get3A_535 = vector.shape_cast %get3A_534 : vector<1x1024x128xf32> to vector<1024x128xf32>
    %get3A_536 = arith.constant 0 : index
    %get3A_537 = arith.constant 0 : index
    %get3A_538 = vector.load %arg3[%get3A_536, %get3A_537] : memref<256x512xbf16, #tpu.memory_space<vmem>>, vector<256x512xbf16>
    %get3A_539 = arith.constant 0 : index
    %get3A_540 = arith.constant 0 : index
    %get3A_541 = vector.load %arg4[%get3A_539, %get3A_540] : memref<1x512xbf16, #tpu.memory_space<vmem>>, vector<1x512xbf16>
    %convert_element_type3A_542 = arith.truncf %get3A_535 : vector<1024x128xf32> to vector<1024x128xbf16>
    %swap3A_543 = arith.constant 0 : index
    %swap3A_544 = arith.constant 0 : index
    %swap3A_545 = vector.load %arg15[%swap3A_543, %swap3A_544] : memref<1024x256xbf16, #tpu.memory_space<vmem>>, vector<1024x128xbf16>
    tpu.vector_store %arg15[%swap3A_543, %swap3A_544], %convert_element_type3A_542 {strides = array<i32>} : memref<1024x256xbf16, #tpu.memory_space<vmem>>, vector<1024x128xbf16>,
    %get3A_546 = arith.constant 0 : index
    %get3A_547 = arith.constant 0 : index
    %get3A_548 = vector.load %arg15[%get3A_546, %get3A_547] : memref<1024x256xbf16, #tpu.memory_space<vmem>>, vector<1024x256xbf16>
    %dot_general3A_549 = arith.constant dense<0.000000e+00> : vector<1024x512xf32>
    %dot_general3A_550 = tpu.matmul %get3A_548, %get3A_538, %dot_general3A_549 {dimension_numbers = #tpu.dot_dimension_numbers<[1], [0], [0], [1], [0, 0, 1, 1], [], []>, transpose_lhs_hint = false} : vector<1024x256xbf16>, vector<256x512xbf16>, vector<1024x512xf32> -> vector<1024x512xf32>
    %convert_element_type3A_551 = arith.truncf %dot_general3A_550 : vector<1024x512xf32> to vector<1024x512xbf16>
    %add3A_552 = vector.broadcast %get3A_541 : vector<1x512xbf16> to vector<1024x512xbf16>
    %add3A_553 = arith.addf %convert_element_type3A_551, %add3A_552 : vector<1024x512xbf16>
    %slice3A_554 = vector.extract_strided_slice %add3A_553 {offsets = [0, 0], sizes = [1024, 128], strides = [1, 1]} : vector<1024x512xbf16> to vector<1024x128xbf16>
    %tanh3A_555 = math.tanh %slice3A_554 : vector<1024x128xbf16>
    %mul3A_556 = arith.constant 5.000000e-01 : bf16
    %mul3A_557 = vector.broadcast %mul3A_556 : bf16 to vector<1024x128xbf16>
    %mul3A_558 = arith.mulf %mul3A_557, %tanh3A_555 : vector<1024x128xbf16>
    %add3A_559 = arith.constant 5.000000e-01 : bf16
    %add3A_560 = vector.broadcast %add3A_559 : bf16 to vector<1024x128xbf16>
    %add3A_561 = arith.addf %mul3A_558, %add3A_560 : vector<1024x128xbf16>
    %slice3A_562 = vector.extract_strided_slice %add3A_553 {offsets = [0, 128], sizes = [1024, 128], strides = [1, 1]} : vector<1024x512xbf16> to vector<1024x128xbf16>
    %tanh3A_563 = math.tanh %slice3A_562 : vector<1024x128xbf16>
    %mul3A_564 = arith.constant 5.000000e-01 : bf16
    %mul3A_565 = vector.broadcast %mul3A_564 : bf16 to vector<1024x128xbf16>
    %mul3A_566 = arith.mulf %mul3A_565, %tanh3A_563 : vector<1024x128xbf16>
    %add3A_567 = arith.constant 5.000000e-01 : bf16
    %add3A_568 = vector.broadcast %add3A_567 : bf16 to vector<1024x128xbf16>
    %add3A_569 = arith.addf %mul3A_566, %add3A_568 : vector<1024x128xbf16>
    %slice3A_570 = vector.extract_strided_slice %add3A_553 {offsets = [0, 256], sizes = [1024, 128], strides = [1, 1]} : vector<1024x512xbf16> to vector<1024x128xbf16>
    %tanh3A_571 = math.tanh %slice3A_570 : vector<1024x128xbf16>
    %slice3A_572 = vector.extract_strided_slice %add3A_553 {offsets = [0, 384], sizes = [1024, 128], strides = [1, 1]} : vector<1024x512xbf16> to vector<1024x128xbf16>
    %tanh3A_573 = math.tanh %slice3A_572 : vector<1024x128xbf16>
    %mul3A_574 = arith.constant 5.000000e-01 : bf16
    %mul3A_575 = vector.broadcast %mul3A_574 : bf16 to vector<1024x128xbf16>
    %mul3A_576 = arith.mulf %mul3A_575, %tanh3A_573 : vector<1024x128xbf16>
    %add3A_577 = arith.constant 5.000000e-01 : bf16
    %add3A_578 = vector.broadcast %add3A_577 : bf16 to vector<1024x128xbf16>
    %add3A_579 = arith.addf %mul3A_576, %add3A_578 : vector<1024x128xbf16>
    %convert_element_type3A_580 = arith.extf %add3A_569 : vector<1024x128xbf16> to vector<1024x128xf32>
    %get3A_581 = arith.constant 0 : index
    %get3A_582 = arith.constant 0 : index
    %get3A_583 = vector.load %arg16[%get3A_581, %get3A_582] : memref<1024x128xf32, #tpu.memory_space<vmem>>, vector<1024x128xf32>
    %mul3A_584 = arith.mulf %convert_element_type3A_580, %get3A_583 : vector<1024x128xf32>
    %mul3A_585 = arith.mulf %add3A_561, %tanh3A_571 : vector<1024x128xbf16>
    %convert_element_type3A_586 = arith.extf %mul3A_585 : vector<1024x128xbf16> to vector<1024x128xf32>
    %add3A_587 = arith.addf %mul3A_584, %convert_element_type3A_586 : vector<1024x128xf32>
    %convert_element_type3A_588 = arith.extf %add3A_579 : vector<1024x128xbf16> to vector<1024x128xf32>
    %tanh3A_589 = math.tanh %add3A_587 : vector<1024x128xf32>
    %mul3A_590 = arith.mulf %convert_element_type3A_588, %tanh3A_589 : vector<1024x128xf32>
    %swap3A_591 = arith.constant 0 : index
    %swap3A_592 = arith.constant 0 : index
    %swap3A_593 = vector.load %arg16[%swap3A_591, %swap3A_592] : memref<1024x128xf32, #tpu.memory_space<vmem>>, vector<1024x128xf32>
    tpu.vector_store %arg16[%swap3A_591, %swap3A_592], %add3A_587 {strides = array<i32>} : memref<1024x128xf32, #tpu.memory_space<vmem>>, vector<1024x128xf32>,
    %convert_element_type3A_594 = arith.truncf %mul3A_590 : vector<1024x128xf32> to vector<1024x128xbf16>
    %swap3A_595 = arith.constant 0 : index
    %swap3A_596 = arith.constant 128 : index
    %swap3A_597 = vector.load %arg15[%swap3A_595, %swap3A_596] : memref<1024x256xbf16, #tpu.memory_space<vmem>>, vector<1024x128xbf16>
    tpu.vector_store %arg15[%swap3A_595, %swap3A_596], %convert_element_type3A_594 {strides = array<i32>} : memref<1024x256xbf16, #tpu.memory_space<vmem>>, vector<1024x128xbf16>,
    %get3A_598 = arith.constant 3 : index
    %get3A_599 = arith.constant 0 : index
    %get3A_600 = arith.constant 0 : index
    %get3A_601 = vector.load %arg2[%get3A_598, %get3A_599, %get3A_600] : memref<8x1024x128xf32, #tpu.memory_space<vmem>>, vector<1x1024x128xf32>
    %get3A_602 = vector.shape_cast %get3A_601 : vector<1x1024x128xf32> to vector<1024x128xf32>
    %get3A_603 = arith.constant 0 : index
    %get3A_604 = arith.constant 0 : index
    %get3A_605 = vector.load %arg5[%get3A_603, %get3A_604] : memref<256x512xbf16, #tpu.memory_space<vmem>>, vector<256x512xbf16>
    %get3A_606 = arith.constant 0 : index
    %get3A_607 = arith.constant 0 : index
    %get3A_608 = vector.load %arg6[%get3A_606, %get3A_607] : memref<1x512xbf16, #tpu.memory_space<vmem>>, vector<1x512xbf16>
    %convert_element_type3A_609 = arith.truncf %get3A_602 : vector<1024x128xf32> to vector<1024x128xbf16>
    %swap3A_610 = arith.constant 0 : index
    %swap3A_611 = arith.constant 0 : index
    %swap3A_612 = vector.load %arg17[%swap3A_610, %swap3A_611] : memref<1024x256xbf16, #tpu.memory_space<vmem>>, vector<1024x128xbf16>
    tpu.vector_store %arg17[%swap3A_610, %swap3A_611], %convert_element_type3A_609 {strides = array<i32>} : memref<1024x256xbf16, #tpu.memory_space<vmem>>, vector<1024x128xbf16>,
    %get3A_613 = arith.constant 0 : index
    %get3A_614 = arith.constant 0 : index
    %get3A_615 = vector.load %arg17[%get3A_613, %get3A_614] : memref<1024x256xbf16, #tpu.memory_space<vmem>>, vector<1024x256xbf16>
    %dot_general3A_616 = arith.constant dense<0.000000e+00> : vector<1024x512xf32>
    %dot_general3A_617 = tpu.matmul %get3A_615, %get3A_605, %dot_general3A_616 {dimension_numbers = #tpu.dot_dimension_numbers<[1], [0], [0], [1], [0, 0, 1, 1], [], []>, transpose_lhs_hint = false} : vector<1024x256xbf16>, vector<256x512xbf16>, vector<1024x512xf32> -> vector<1024x512xf32>
    %convert_element_type3A_618 = arith.truncf %dot_general3A_617 : vector<1024x512xf32> to vector<1024x512xbf16>
    %add3A_619 = vector.broadcast %get3A_608 : vector<1x512xbf16> to vector<1024x512xbf16>
    %add3A_620 = arith.addf %convert_element_type3A_618, %add3A_619 : vector<1024x512xbf16>
    %slice3A_621 = vector.extract_strided_slice %add3A_620 {offsets = [0, 0], sizes = [1024, 128], strides = [1, 1]} : vector<1024x512xbf16> to vector<1024x128xbf16>
    %tanh3A_622 = math.tanh %slice3A_621 : vector<1024x128xbf16>
    %mul3A_623 = arith.constant 5.000000e-01 : bf16
    %mul3A_624 = vector.broadcast %mul3A_623 : bf16 to vector<1024x128xbf16>
    %mul3A_625 = arith.mulf %mul3A_624, %tanh3A_622 : vector<1024x128xbf16>
    %add3A_626 = arith.constant 5.000000e-01 : bf16
    %add3A_627 = vector.broadcast %add3A_626 : bf16 to vector<1024x128xbf16>
    %add3A_628 = arith.addf %mul3A_625, %add3A_627 : vector<1024x128xbf16>
    %slice3A_629 = vector.extract_strided_slice %add3A_620 {offsets = [0, 128], sizes = [1024, 128], strides = [1, 1]} : vector<1024x512xbf16> to vector<1024x128xbf16>
    %tanh3A_630 = math.tanh %slice3A_629 : vector<1024x128xbf16>
    %mul3A_631 = arith.constant 5.000000e-01 : bf16
    %mul3A_632 = vector.broadcast %mul3A_631 : bf16 to vector<1024x128xbf16>
    %mul3A_633 = arith.mulf %mul3A_632, %tanh3A_630 : vector<1024x128xbf16>
    %add3A_634 = arith.constant 5.000000e-01 : bf16
    %add3A_635 = vector.broadcast %add3A_634 : bf16 to vector<1024x128xbf16>
    %add3A_636 = arith.addf %mul3A_633, %add3A_635 : vector<1024x128xbf16>
    %slice3A_637 = vector.extract_strided_slice %add3A_620 {offsets = [0, 256], sizes = [1024, 128], strides = [1, 1]} : vector<1024x512xbf16> to vector<1024x128xbf16>
    %tanh3A_638 = math.tanh %slice3A_637 : vector<1024x128xbf16>
    %slice3A_639 = vector.extract_strided_slice %add3A_620 {offsets = [0, 384], sizes = [1024, 128], strides = [1, 1]} : vector<1024x512xbf16> to vector<1024x128xbf16>
    %tanh3A_640 = math.tanh %slice3A_639 : vector<1024x128xbf16>
    %mul3A_641 = arith.constant 5.000000e-01 : bf16
    %mul3A_642 = vector.broadcast %mul3A_641 : bf16 to vector<1024x128xbf16>
    %mul3A_643 = arith.mulf %mul3A_642, %tanh3A_640 : vector<1024x128xbf16>
    %add3A_644 = arith.constant 5.000000e-01 : bf16
    %add3A_645 = vector.broadcast %add3A_644 : bf16 to vector<1024x128xbf16>
    %add3A_646 = arith.addf %mul3A_643, %add3A_645 : vector<1024x128xbf16>
    %convert_element_type3A_647 = arith.extf %add3A_636 : vector<1024x128xbf16> to vector<1024x128xf32>
    %get3A_648 = arith.constant 0 : index
    %get3A_649 = arith.constant 0 : index
    %get3A_650 = vector.load %arg18[%get3A_648, %get3A_649] : memref<1024x128xf32, #tpu.memory_space<vmem>>, vector<1024x128xf32>
    %mul3A_651 = arith.mulf %convert_element_type3A_647, %get3A_650 : vector<1024x128xf32>
    %mul3A_652 = arith.mulf %add3A_628, %tanh3A_638 : vector<1024x128xbf16>
    %convert_element_type3A_653 = arith.extf %mul3A_652 : vector<1024x128xbf16> to vector<1024x128xf32>
    %add3A_654 = arith.addf %mul3A_651, %convert_element_type3A_653 : vector<1024x128xf32>
    %convert_element_type3A_655 = arith.extf %add3A_646 : vector<1024x128xbf16> to vector<1024x128xf32>
    %tanh3A_656 = math.tanh %add3A_654 : vector<1024x128xf32>
    %mul3A_657 = arith.mulf %convert_element_type3A_655, %tanh3A_656 : vector<1024x128xf32>
    %swap3A_658 = arith.constant 0 : index
    %swap3A_659 = arith.constant 0 : index
    %swap3A_660 = vector.load %arg18[%swap3A_658, %swap3A_659] : memref<1024x128xf32, #tpu.memory_space<vmem>>, vector<1024x128xf32>
    tpu.vector_store %arg18[%swap3A_658, %swap3A_659], %add3A_654 {strides = array<i32>} : memref<1024x128xf32, #tpu.memory_space<vmem>>, vector<1024x128xf32>,
    %convert_element_type3A_661 = arith.truncf %mul3A_657 : vector<1024x128xf32> to vector<1024x128xbf16>
    %swap3A_662 = arith.constant 0 : index
    %swap3A_663 = arith.constant 128 : index
    %swap3A_664 = vector.load %arg17[%swap3A_662, %swap3A_663] : memref<1024x256xbf16, #tpu.memory_space<vmem>>, vector<1024x128xbf16>
    tpu.vector_store %arg17[%swap3A_662, %swap3A_663], %convert_element_type3A_661 {strides = array<i32>} : memref<1024x256xbf16, #tpu.memory_space<vmem>>, vector<1024x128xbf16>,
    %get3A_665 = arith.constant 5 : index
    %get3A_666 = arith.constant 0 : index
    %get3A_667 = arith.constant 0 : index
    %get3A_668 = vector.load %arg1[%get3A_665, %get3A_666, %get3A_667] : memref<8x1024x128xf32, #tpu.memory_space<vmem>>, vector<1x1024x128xf32>
    %get3A_669 = vector.shape_cast %get3A_668 : vector<1x1024x128xf32> to vector<1024x128xf32>
    %get3A_670 = arith.constant 0 : index
    %get3A_671 = arith.constant 0 : index
    %get3A_672 = vector.load %arg3[%get3A_670, %get3A_671] : memref<256x512xbf16, #tpu.memory_space<vmem>>, vector<256x512xbf16>
    %get3A_673 = arith.constant 0 : index
    %get3A_674 = arith.constant 0 : index
    %get3A_675 = vector.load %arg4[%get3A_673, %get3A_674] : memref<1x512xbf16, #tpu.memory_space<vmem>>, vector<1x512xbf16>
    %convert_element_type3A_676 = arith.truncf %get3A_669 : vector<1024x128xf32> to vector<1024x128xbf16>
    %swap3A_677 = arith.constant 0 : index
    %swap3A_678 = arith.constant 0 : index
    %swap3A_679 = vector.load %arg15[%swap3A_677, %swap3A_678] : memref<1024x256xbf16, #tpu.memory_space<vmem>>, vector<1024x128xbf16>
    tpu.vector_store %arg15[%swap3A_677, %swap3A_678], %convert_element_type3A_676 {strides = array<i32>} : memref<1024x256xbf16, #tpu.memory_space<vmem>>, vector<1024x128xbf16>,
    %get3A_680 = arith.constant 0 : index
    %get3A_681 = arith.constant 0 : index
    %get3A_682 = vector.load %arg15[%get3A_680, %get3A_681] : memref<1024x256xbf16, #tpu.memory_space<vmem>>, vector<1024x256xbf16>
    %dot_general3A_683 = arith.constant dense<0.000000e+00> : vector<1024x512xf32>
    %dot_general3A_684 = tpu.matmul %get3A_682, %get3A_672, %dot_general3A_683 {dimension_numbers = #tpu.dot_dimension_numbers<[1], [0], [0], [1], [0, 0, 1, 1], [], []>, transpose_lhs_hint = false} : vector<1024x256xbf16>, vector<256x512xbf16>, vector<1024x512xf32> -> vector<1024x512xf32>
    %convert_element_type3A_685 = arith.truncf %dot_general3A_684 : vector<1024x512xf32> to vector<1024x512xbf16>
    %add3A_686 = vector.broadcast %get3A_675 : vector<1x512xbf16> to vector<1024x512xbf16>
    %add3A_687 = arith.addf %convert_element_type3A_685, %add3A_686 : vector<1024x512xbf16>
    %slice3A_688 = vector.extract_strided_slice %add3A_687 {offsets = [0, 0], sizes = [1024, 128], strides = [1, 1]} : vector<1024x512xbf16> to vector<1024x128xbf16>
    %tanh3A_689 = math.tanh %slice3A_688 : vector<1024x128xbf16>
    %mul3A_690 = arith.constant 5.000000e-01 : bf16
    %mul3A_691 = vector.broadcast %mul3A_690 : bf16 to vector<1024x128xbf16>
    %mul3A_692 = arith.mulf %mul3A_691, %tanh3A_689 : vector<1024x128xbf16>
    %add3A_693 = arith.constant 5.000000e-01 : bf16
    %add3A_694 = vector.broadcast %add3A_693 : bf16 to vector<1024x128xbf16>
    %add3A_695 = arith.addf %mul3A_692, %add3A_694 : vector<1024x128xbf16>
    %slice3A_696 = vector.extract_strided_slice %add3A_687 {offsets = [0, 128], sizes = [1024, 128], strides = [1, 1]} : vector<1024x512xbf16> to vector<1024x128xbf16>
    %tanh3A_697 = math.tanh %slice3A_696 : vector<1024x128xbf16>
    %mul3A_698 = arith.constant 5.000000e-01 : bf16
    %mul3A_699 = vector.broadcast %mul3A_698 : bf16 to vector<1024x128xbf16>
    %mul3A_700 = arith.mulf %mul3A_699, %tanh3A_697 : vector<1024x128xbf16>
    %add3A_701 = arith.constant 5.000000e-01 : bf16
    %add3A_702 = vector.broadcast %add3A_701 : bf16 to vector<1024x128xbf16>
    %add3A_703 = arith.addf %mul3A_700, %add3A_702 : vector<1024x128xbf16>
    %slice3A_704 = vector.extract_strided_slice %add3A_687 {offsets = [0, 256], sizes = [1024, 128], strides = [1, 1]} : vector<1024x512xbf16> to vector<1024x128xbf16>
    %tanh3A_705 = math.tanh %slice3A_704 : vector<1024x128xbf16>
    %slice3A_706 = vector.extract_strided_slice %add3A_687 {offsets = [0, 384], sizes = [1024, 128], strides = [1, 1]} : vector<1024x512xbf16> to vector<1024x128xbf16>
    %tanh3A_707 = math.tanh %slice3A_706 : vector<1024x128xbf16>
    %mul3A_708 = arith.constant 5.000000e-01 : bf16
    %mul3A_709 = vector.broadcast %mul3A_708 : bf16 to vector<1024x128xbf16>
    %mul3A_710 = arith.mulf %mul3A_709, %tanh3A_707 : vector<1024x128xbf16>
    %add3A_711 = arith.constant 5.000000e-01 : bf16
    %add3A_712 = vector.broadcast %add3A_711 : bf16 to vector<1024x128xbf16>
    %add3A_713 = arith.addf %mul3A_710, %add3A_712 : vector<1024x128xbf16>
    %convert_element_type3A_714 = arith.extf %add3A_703 : vector<1024x128xbf16> to vector<1024x128xf32>
    %get3A_715 = arith.constant 0 : index
    %get3A_716 = arith.constant 0 : index
    %get3A_717 = vector.load %arg16[%get3A_715, %get3A_716] : memref<1024x128xf32, #tpu.memory_space<vmem>>, vector<1024x128xf32>
    %mul3A_718 = arith.mulf %convert_element_type3A_714, %get3A_717 : vector<1024x128xf32>
    %mul3A_719 = arith.mulf %add3A_695, %tanh3A_705 : vector<1024x128xbf16>
    %convert_element_type3A_720 = arith.extf %mul3A_719 : vector<1024x128xbf16> to vector<1024x128xf32>
    %add3A_721 = arith.addf %mul3A_718, %convert_element_type3A_720 : vector<1024x128xf32>
    %convert_element_type3A_722 = arith.extf %add3A_713 : vector<1024x128xbf16> to vector<1024x128xf32>
    %tanh3A_723 = math.tanh %add3A_721 : vector<1024x128xf32>
    %mul3A_724 = arith.mulf %convert_element_type3A_722, %tanh3A_723 : vector<1024x128xf32>
    %swap3A_725 = arith.constant 0 : index
    %swap3A_726 = arith.constant 0 : index
    %swap3A_727 = vector.load %arg16[%swap3A_725, %swap3A_726] : memref<1024x128xf32, #tpu.memory_space<vmem>>, vector<1024x128xf32>
    tpu.vector_store %arg16[%swap3A_725, %swap3A_726], %add3A_721 {strides = array<i32>} : memref<1024x128xf32, #tpu.memory_space<vmem>>, vector<1024x128xf32>,
    %convert_element_type3A_728 = arith.truncf %mul3A_724 : vector<1024x128xf32> to vector<1024x128xbf16>
    %swap3A_729 = arith.constant 0 : index
    %swap3A_730 = arith.constant 128 : index
    %swap3A_731 = vector.load %arg15[%swap3A_729, %swap3A_730] : memref<1024x256xbf16, #tpu.memory_space<vmem>>, vector<1024x128xbf16>
    tpu.vector_store %arg15[%swap3A_729, %swap3A_730], %convert_element_type3A_728 {strides = array<i32>} : memref<1024x256xbf16, #tpu.memory_space<vmem>>, vector<1024x128xbf16>,
    %get3A_732 = arith.constant 2 : index
    %get3A_733 = arith.constant 0 : index
    %get3A_734 = arith.constant 0 : index
    %get3A_735 = vector.load %arg2[%get3A_732, %get3A_733, %get3A_734] : memref<8x1024x128xf32, #tpu.memory_space<vmem>>, vector<1x1024x128xf32>
    %get3A_736 = vector.shape_cast %get3A_735 : vector<1x1024x128xf32> to vector<1024x128xf32>
    %get3A_737 = arith.constant 0 : index
    %get3A_738 = arith.constant 0 : index
    %get3A_739 = vector.load %arg5[%get3A_737, %get3A_738] : memref<256x512xbf16, #tpu.memory_space<vmem>>, vector<256x512xbf16>
    %get3A_740 = arith.constant 0 : index
    %get3A_741 = arith.constant 0 : index
    %get3A_742 = vector.load %arg6[%get3A_740, %get3A_741] : memref<1x512xbf16, #tpu.memory_space<vmem>>, vector<1x512xbf16>
    %convert_element_type3A_743 = arith.truncf %get3A_736 : vector<1024x128xf32> to vector<1024x128xbf16>
    %swap3A_744 = arith.constant 0 : index
    %swap3A_745 = arith.constant 0 : index
    %swap3A_746 = vector.load %arg17[%swap3A_744, %swap3A_745] : memref<1024x256xbf16, #tpu.memory_space<vmem>>, vector<1024x128xbf16>
    tpu.vector_store %arg17[%swap3A_744, %swap3A_745], %convert_element_type3A_743 {strides = array<i32>} : memref<1024x256xbf16, #tpu.memory_space<vmem>>, vector<1024x128xbf16>,
    %get3A_747 = arith.constant 0 : index
    %get3A_748 = arith.constant 0 : index
    %get3A_749 = vector.load %arg17[%get3A_747, %get3A_748] : memref<1024x256xbf16, #tpu.memory_space<vmem>>, vector<1024x256xbf16>
    %dot_general3A_750 = arith.constant dense<0.000000e+00> : vector<1024x512xf32>
    %dot_general3A_751 = tpu.matmul %get3A_749, %get3A_739, %dot_general3A_750 {dimension_numbers = #tpu.dot_dimension_numbers<[1], [0], [0], [1], [0, 0, 1, 1], [], []>, transpose_lhs_hint = false} : vector<1024x256xbf16>, vector<256x512xbf16>, vector<1024x512xf32> -> vector<1024x512xf32>
    %convert_element_type3A_752 = arith.truncf %dot_general3A_751 : vector<1024x512xf32> to vector<1024x512xbf16>
    %add3A_753 = vector.broadcast %get3A_742 : vector<1x512xbf16> to vector<1024x512xbf16>
    %add3A_754 = arith.addf %convert_element_type3A_752, %add3A_753 : vector<1024x512xbf16>
    %slice3A_755 = vector.extract_strided_slice %add3A_754 {offsets = [0, 0], sizes = [1024, 128], strides = [1, 1]} : vector<1024x512xbf16> to vector<1024x128xbf16>
    %tanh3A_756 = math.tanh %slice3A_755 : vector<1024x128xbf16>
    %mul3A_757 = arith.constant 5.000000e-01 : bf16
    %mul3A_758 = vector.broadcast %mul3A_757 : bf16 to vector<1024x128xbf16>
    %mul3A_759 = arith.mulf %mul3A_758, %tanh3A_756 : vector<1024x128xbf16>
    %add3A_760 = arith.constant 5.000000e-01 : bf16
    %add3A_761 = vector.broadcast %add3A_760 : bf16 to vector<1024x128xbf16>
    %add3A_762 = arith.addf %mul3A_759, %add3A_761 : vector<1024x128xbf16>
    %slice3A_763 = vector.extract_strided_slice %add3A_754 {offsets = [0, 128], sizes = [1024, 128], strides = [1, 1]} : vector<1024x512xbf16> to vector<1024x128xbf16>
    %tanh3A_764 = math.tanh %slice3A_763 : vector<1024x128xbf16>
    %mul3A_765 = arith.constant 5.000000e-01 : bf16
    %mul3A_766 = vector.broadcast %mul3A_765 : bf16 to vector<1024x128xbf16>
    %mul3A_767 = arith.mulf %mul3A_766, %tanh3A_764 : vector<1024x128xbf16>
    %add3A_768 = arith.constant 5.000000e-01 : bf16
    %add3A_769 = vector.broadcast %add3A_768 : bf16 to vector<1024x128xbf16>
    %add3A_770 = arith.addf %mul3A_767, %add3A_769 : vector<1024x128xbf16>
    %slice3A_771 = vector.extract_strided_slice %add3A_754 {offsets = [0, 256], sizes = [1024, 128], strides = [1, 1]} : vector<1024x512xbf16> to vector<1024x128xbf16>
    %tanh3A_772 = math.tanh %slice3A_771 : vector<1024x128xbf16>
    %slice3A_773 = vector.extract_strided_slice %add3A_754 {offsets = [0, 384], sizes = [1024, 128], strides = [1, 1]} : vector<1024x512xbf16> to vector<1024x128xbf16>
    %tanh3A_774 = math.tanh %slice3A_773 : vector<1024x128xbf16>
    %mul3A_775 = arith.constant 5.000000e-01 : bf16
    %mul3A_776 = vector.broadcast %mul3A_775 : bf16 to vector<1024x128xbf16>
    %mul3A_777 = arith.mulf %mul3A_776, %tanh3A_774 : vector<1024x128xbf16>
    %add3A_778 = arith.constant 5.000000e-01 : bf16
    %add3A_779 = vector.broadcast %add3A_778 : bf16 to vector<1024x128xbf16>
    %add3A_780 = arith.addf %mul3A_777, %add3A_779 : vector<1024x128xbf16>
    %convert_element_type3A_781 = arith.extf %add3A_770 : vector<1024x128xbf16> to vector<1024x128xf32>
    %get3A_782 = arith.constant 0 : index
    %get3A_783 = arith.constant 0 : index
    %get3A_784 = vector.load %arg18[%get3A_782, %get3A_783] : memref<1024x128xf32, #tpu.memory_space<vmem>>, vector<1024x128xf32>
    %mul3A_785 = arith.mulf %convert_element_type3A_781, %get3A_784 : vector<1024x128xf32>
    %mul3A_786 = arith.mulf %add3A_762, %tanh3A_772 : vector<1024x128xbf16>
    %convert_element_type3A_787 = arith.extf %mul3A_786 : vector<1024x128xbf16> to vector<1024x128xf32>
    %add3A_788 = arith.addf %mul3A_785, %convert_element_type3A_787 : vector<1024x128xf32>
    %convert_element_type3A_789 = arith.extf %add3A_780 : vector<1024x128xbf16> to vector<1024x128xf32>
    %tanh3A_790 = math.tanh %add3A_788 : vector<1024x128xf32>
    %mul3A_791 = arith.mulf %convert_element_type3A_789, %tanh3A_790 : vector<1024x128xf32>
    %swap3A_792 = arith.constant 0 : index
    %swap3A_793 = arith.constant 0 : index
    %swap3A_794 = vector.load %arg18[%swap3A_792, %swap3A_793] : memref<1024x128xf32, #tpu.memory_space<vmem>>, vector<1024x128xf32>
    tpu.vector_store %arg18[%swap3A_792, %swap3A_793], %add3A_788 {strides = array<i32>} : memref<1024x128xf32, #tpu.memory_space<vmem>>, vector<1024x128xf32>,
    %convert_element_type3A_795 = arith.truncf %mul3A_791 : vector<1024x128xf32> to vector<1024x128xbf16>
    %swap3A_796 = arith.constant 0 : index
    %swap3A_797 = arith.constant 128 : index
    %swap3A_798 = vector.load %arg17[%swap3A_796, %swap3A_797] : memref<1024x256xbf16, #tpu.memory_space<vmem>>, vector<1024x128xbf16>
    tpu.vector_store %arg17[%swap3A_796, %swap3A_797], %convert_element_type3A_795 {strides = array<i32>} : memref<1024x256xbf16, #tpu.memory_space<vmem>>, vector<1024x128xbf16>,
    %get3A_799 = arith.constant 6 : index
    %get3A_800 = arith.constant 0 : index
    %get3A_801 = arith.constant 0 : index
    %get3A_802 = vector.load %arg1[%get3A_799, %get3A_800, %get3A_801] : memref<8x1024x128xf32, #tpu.memory_space<vmem>>, vector<1x1024x128xf32>
    %get3A_803 = vector.shape_cast %get3A_802 : vector<1x1024x128xf32> to vector<1024x128xf32>
    %get3A_804 = arith.constant 0 : index
    %get3A_805 = arith.constant 0 : index
    %get3A_806 = vector.load %arg3[%get3A_804, %get3A_805] : memref<256x512xbf16, #tpu.memory_space<vmem>>, vector<256x512xbf16>
    %get3A_807 = arith.constant 0 : index
    %get3A_808 = arith.constant 0 : index
    %get3A_809 = vector.load %arg4[%get3A_807, %get3A_808] : memref<1x512xbf16, #tpu.memory_space<vmem>>, vector<1x512xbf16>
    %convert_element_type3A_810 = arith.truncf %get3A_803 : vector<1024x128xf32> to vector<1024x128xbf16>
    %swap3A_811 = arith.constant 0 : index
    %swap3A_812 = arith.constant 0 : index
    %swap3A_813 = vector.load %arg15[%swap3A_811, %swap3A_812] : memref<1024x256xbf16, #tpu.memory_space<vmem>>, vector<1024x128xbf16>
    tpu.vector_store %arg15[%swap3A_811, %swap3A_812], %convert_element_type3A_810 {strides = array<i32>} : memref<1024x256xbf16, #tpu.memory_space<vmem>>, vector<1024x128xbf16>,
    %get3A_814 = arith.constant 0 : index
    %get3A_815 = arith.constant 0 : index
    %get3A_816 = vector.load %arg15[%get3A_814, %get3A_815] : memref<1024x256xbf16, #tpu.memory_space<vmem>>, vector<1024x256xbf16>
    %dot_general3A_817 = arith.constant dense<0.000000e+00> : vector<1024x512xf32>
    %dot_general3A_818 = tpu.matmul %get3A_816, %get3A_806, %dot_general3A_817 {dimension_numbers = #tpu.dot_dimension_numbers<[1], [0], [0], [1], [0, 0, 1, 1], [], []>, transpose_lhs_hint = false} : vector<1024x256xbf16>, vector<256x512xbf16>, vector<1024x512xf32> -> vector<1024x512xf32>
    %convert_element_type3A_819 = arith.truncf %dot_general3A_818 : vector<1024x512xf32> to vector<1024x512xbf16>
    %add3A_820 = vector.broadcast %get3A_809 : vector<1x512xbf16> to vector<1024x512xbf16>
    %add3A_821 = arith.addf %convert_element_type3A_819, %add3A_820 : vector<1024x512xbf16>
    %slice3A_822 = vector.extract_strided_slice %add3A_821 {offsets = [0, 0], sizes = [1024, 128], strides = [1, 1]} : vector<1024x512xbf16> to vector<1024x128xbf16>
    %tanh3A_823 = math.tanh %slice3A_822 : vector<1024x128xbf16>
    %mul3A_824 = arith.constant 5.000000e-01 : bf16
    %mul3A_825 = vector.broadcast %mul3A_824 : bf16 to vector<1024x128xbf16>
    %mul3A_826 = arith.mulf %mul3A_825, %tanh3A_823 : vector<1024x128xbf16>
    %add3A_827 = arith.constant 5.000000e-01 : bf16
    %add3A_828 = vector.broadcast %add3A_827 : bf16 to vector<1024x128xbf16>
    %add3A_829 = arith.addf %mul3A_826, %add3A_828 : vector<1024x128xbf16>
    %slice3A_830 = vector.extract_strided_slice %add3A_821 {offsets = [0, 128], sizes = [1024, 128], strides = [1, 1]} : vector<1024x512xbf16> to vector<1024x128xbf16>
    %tanh3A_831 = math.tanh %slice3A_830 : vector<1024x128xbf16>
    %mul3A_832 = arith.constant 5.000000e-01 : bf16
    %mul3A_833 = vector.broadcast %mul3A_832 : bf16 to vector<1024x128xbf16>
    %mul3A_834 = arith.mulf %mul3A_833, %tanh3A_831 : vector<1024x128xbf16>
    %add3A_835 = arith.constant 5.000000e-01 : bf16
    %add3A_836 = vector.broadcast %add3A_835 : bf16 to vector<1024x128xbf16>
    %add3A_837 = arith.addf %mul3A_834, %add3A_836 : vector<1024x128xbf16>
    %slice3A_838 = vector.extract_strided_slice %add3A_821 {offsets = [0, 256], sizes = [1024, 128], strides = [1, 1]} : vector<1024x512xbf16> to vector<1024x128xbf16>
    %tanh3A_839 = math.tanh %slice3A_838 : vector<1024x128xbf16>
    %slice3A_840 = vector.extract_strided_slice %add3A_821 {offsets = [0, 384], sizes = [1024, 128], strides = [1, 1]} : vector<1024x512xbf16> to vector<1024x128xbf16>
    %tanh3A_841 = math.tanh %slice3A_840 : vector<1024x128xbf16>
    %mul3A_842 = arith.constant 5.000000e-01 : bf16
    %mul3A_843 = vector.broadcast %mul3A_842 : bf16 to vector<1024x128xbf16>
    %mul3A_844 = arith.mulf %mul3A_843, %tanh3A_841 : vector<1024x128xbf16>
    %add3A_845 = arith.constant 5.000000e-01 : bf16
    %add3A_846 = vector.broadcast %add3A_845 : bf16 to vector<1024x128xbf16>
    %add3A_847 = arith.addf %mul3A_844, %add3A_846 : vector<1024x128xbf16>
    %convert_element_type3A_848 = arith.extf %add3A_837 : vector<1024x128xbf16> to vector<1024x128xf32>
    %get3A_849 = arith.constant 0 : index
    %get3A_850 = arith.constant 0 : index
    %get3A_851 = vector.load %arg16[%get3A_849, %get3A_850] : memref<1024x128xf32, #tpu.memory_space<vmem>>, vector<1024x128xf32>
    %mul3A_852 = arith.mulf %convert_element_type3A_848, %get3A_851 : vector<1024x128xf32>
    %mul3A_853 = arith.mulf %add3A_829, %tanh3A_839 : vector<1024x128xbf16>
    %convert_element_type3A_854 = arith.extf %mul3A_853 : vector<1024x128xbf16> to vector<1024x128xf32>
    %add3A_855 = arith.addf %mul3A_852, %convert_element_type3A_854 : vector<1024x128xf32>
    %convert_element_type3A_856 = arith.extf %add3A_847 : vector<1024x128xbf16> to vector<1024x128xf32>
    %tanh3A_857 = math.tanh %add3A_855 : vector<1024x128xf32>
    %mul3A_858 = arith.mulf %convert_element_type3A_856, %tanh3A_857 : vector<1024x128xf32>
    %swap3A_859 = arith.constant 0 : index
    %swap3A_860 = arith.constant 0 : index
    %swap3A_861 = vector.load %arg16[%swap3A_859, %swap3A_860] : memref<1024x128xf32, #tpu.memory_space<vmem>>, vector<1024x128xf32>
    tpu.vector_store %arg16[%swap3A_859, %swap3A_860], %add3A_855 {strides = array<i32>} : memref<1024x128xf32, #tpu.memory_space<vmem>>, vector<1024x128xf32>,
    %convert_element_type3A_862 = arith.truncf %mul3A_858 : vector<1024x128xf32> to vector<1024x128xbf16>
    %swap3A_863 = arith.constant 0 : index
    %swap3A_864 = arith.constant 128 : index
    %swap3A_865 = vector.load %arg15[%swap3A_863, %swap3A_864] : memref<1024x256xbf16, #tpu.memory_space<vmem>>, vector<1024x128xbf16>
    tpu.vector_store %arg15[%swap3A_863, %swap3A_864], %convert_element_type3A_862 {strides = array<i32>} : memref<1024x256xbf16, #tpu.memory_space<vmem>>, vector<1024x128xbf16>,
    %get3A_866 = arith.constant 1 : index
    %get3A_867 = arith.constant 0 : index
    %get3A_868 = arith.constant 0 : index
    %get3A_869 = vector.load %arg2[%get3A_866, %get3A_867, %get3A_868] : memref<8x1024x128xf32, #tpu.memory_space<vmem>>, vector<1x1024x128xf32>
    %get3A_870 = vector.shape_cast %get3A_869 : vector<1x1024x128xf32> to vector<1024x128xf32>
    %get3A_871 = arith.constant 0 : index
    %get3A_872 = arith.constant 0 : index
    %get3A_873 = vector.load %arg5[%get3A_871, %get3A_872] : memref<256x512xbf16, #tpu.memory_space<vmem>>, vector<256x512xbf16>
    %get3A_874 = arith.constant 0 : index
    %get3A_875 = arith.constant 0 : index
    %get3A_876 = vector.load %arg6[%get3A_874, %get3A_875] : memref<1x512xbf16, #tpu.memory_space<vmem>>, vector<1x512xbf16>
    %convert_element_type3A_877 = arith.truncf %get3A_870 : vector<1024x128xf32> to vector<1024x128xbf16>
    %swap3A_878 = arith.constant 0 : index
    %swap3A_879 = arith.constant 0 : index
    %swap3A_880 = vector.load %arg17[%swap3A_878, %swap3A_879] : memref<1024x256xbf16, #tpu.memory_space<vmem>>, vector<1024x128xbf16>
    tpu.vector_store %arg17[%swap3A_878, %swap3A_879], %convert_element_type3A_877 {strides = array<i32>} : memref<1024x256xbf16, #tpu.memory_space<vmem>>, vector<1024x128xbf16>,
    %get3A_881 = arith.constant 0 : index
    %get3A_882 = arith.constant 0 : index
    %get3A_883 = vector.load %arg17[%get3A_881, %get3A_882] : memref<1024x256xbf16, #tpu.memory_space<vmem>>, vector<1024x256xbf16>
    %dot_general3A_884 = arith.constant dense<0.000000e+00> : vector<1024x512xf32>
    %dot_general3A_885 = tpu.matmul %get3A_883, %get3A_873, %dot_general3A_884 {dimension_numbers = #tpu.dot_dimension_numbers<[1], [0], [0], [1], [0, 0, 1, 1], [], []>, transpose_lhs_hint = false} : vector<1024x256xbf16>, vector<256x512xbf16>, vector<1024x512xf32> -> vector<1024x512xf32>
    %convert_element_type3A_886 = arith.truncf %dot_general3A_885 : vector<1024x512xf32> to vector<1024x512xbf16>
    %add3A_887 = vector.broadcast %get3A_876 : vector<1x512xbf16> to vector<1024x512xbf16>
    %add3A_888 = arith.addf %convert_element_type3A_886, %add3A_887 : vector<1024x512xbf16>
    %slice3A_889 = vector.extract_strided_slice %add3A_888 {offsets = [0, 0], sizes = [1024, 128], strides = [1, 1]} : vector<1024x512xbf16> to vector<1024x128xbf16>
    %tanh3A_890 = math.tanh %slice3A_889 : vector<1024x128xbf16>
    %mul3A_891 = arith.constant 5.000000e-01 : bf16
    %mul3A_892 = vector.broadcast %mul3A_891 : bf16 to vector<1024x128xbf16>
    %mul3A_893 = arith.mulf %mul3A_892, %tanh3A_890 : vector<1024x128xbf16>
    %add3A_894 = arith.constant 5.000000e-01 : bf16
    %add3A_895 = vector.broadcast %add3A_894 : bf16 to vector<1024x128xbf16>
    %add3A_896 = arith.addf %mul3A_893, %add3A_895 : vector<1024x128xbf16>
    %slice3A_897 = vector.extract_strided_slice %add3A_888 {offsets = [0, 128], sizes = [1024, 128], strides = [1, 1]} : vector<1024x512xbf16> to vector<1024x128xbf16>
    %tanh3A_898 = math.tanh %slice3A_897 : vector<1024x128xbf16>
    %mul3A_899 = arith.constant 5.000000e-01 : bf16
    %mul3A_900 = vector.broadcast %mul3A_899 : bf16 to vector<1024x128xbf16>
    %mul3A_901 = arith.mulf %mul3A_900, %tanh3A_898 : vector<1024x128xbf16>
    %add3A_902 = arith.constant 5.000000e-01 : bf16
    %add3A_903 = vector.broadcast %add3A_902 : bf16 to vector<1024x128xbf16>
    %add3A_904 = arith.addf %mul3A_901, %add3A_903 : vector<1024x128xbf16>
    %slice3A_905 = vector.extract_strided_slice %add3A_888 {offsets = [0, 256], sizes = [1024, 128], strides = [1, 1]} : vector<1024x512xbf16> to vector<1024x128xbf16>
    %tanh3A_906 = math.tanh %slice3A_905 : vector<1024x128xbf16>
    %slice3A_907 = vector.extract_strided_slice %add3A_888 {offsets = [0, 384], sizes = [1024, 128], strides = [1, 1]} : vector<1024x512xbf16> to vector<1024x128xbf16>
    %tanh3A_908 = math.tanh %slice3A_907 : vector<1024x128xbf16>
    %mul3A_909 = arith.constant 5.000000e-01 : bf16
    %mul3A_910 = vector.broadcast %mul3A_909 : bf16 to vector<1024x128xbf16>
    %mul3A_911 = arith.mulf %mul3A_910, %tanh3A_908 : vector<1024x128xbf16>
    %add3A_912 = arith.constant 5.000000e-01 : bf16
    %add3A_913 = vector.broadcast %add3A_912 : bf16 to vector<1024x128xbf16>
    %add3A_914 = arith.addf %mul3A_911, %add3A_913 : vector<1024x128xbf16>
    %convert_element_type3A_915 = arith.extf %add3A_904 : vector<1024x128xbf16> to vector<1024x128xf32>
    %get3A_916 = arith.constant 0 : index
    %get3A_917 = arith.constant 0 : index
    %get3A_918 = vector.load %arg18[%get3A_916, %get3A_917] : memref<1024x128xf32, #tpu.memory_space<vmem>>, vector<1024x128xf32>
    %mul3A_919 = arith.mulf %convert_element_type3A_915, %get3A_918 : vector<1024x128xf32>
    %mul3A_920 = arith.mulf %add3A_896, %tanh3A_906 : vector<1024x128xbf16>
    %convert_element_type3A_921 = arith.extf %mul3A_920 : vector<1024x128xbf16> to vector<1024x128xf32>
    %add3A_922 = arith.addf %mul3A_919, %convert_element_type3A_921 : vector<1024x128xf32>
    %convert_element_type3A_923 = arith.extf %add3A_914 : vector<1024x128xbf16> to vector<1024x128xf32>
    %tanh3A_924 = math.tanh %add3A_922 : vector<1024x128xf32>
    %mul3A_925 = arith.mulf %convert_element_type3A_923, %tanh3A_924 : vector<1024x128xf32>
    %swap3A_926 = arith.constant 0 : index
    %swap3A_927 = arith.constant 0 : index
    %swap3A_928 = vector.load %arg18[%swap3A_926, %swap3A_927] : memref<1024x128xf32, #tpu.memory_space<vmem>>, vector<1024x128xf32>
    tpu.vector_store %arg18[%swap3A_926, %swap3A_927], %add3A_922 {strides = array<i32>} : memref<1024x128xf32, #tpu.memory_space<vmem>>, vector<1024x128xf32>,
    %convert_element_type3A_929 = arith.truncf %mul3A_925 : vector<1024x128xf32> to vector<1024x128xbf16>
    %swap3A_930 = arith.constant 0 : index
    %swap3A_931 = arith.constant 128 : index
    %swap3A_932 = vector.load %arg17[%swap3A_930, %swap3A_931] : memref<1024x256xbf16, #tpu.memory_space<vmem>>, vector<1024x128xbf16>
    tpu.vector_store %arg17[%swap3A_930, %swap3A_931], %convert_element_type3A_929 {strides = array<i32>} : memref<1024x256xbf16, #tpu.memory_space<vmem>>, vector<1024x128xbf16>,
    %get3A_933 = arith.constant 7 : index
    %get3A_934 = arith.constant 0 : index
    %get3A_935 = arith.constant 0 : index
    %get3A_936 = vector.load %arg1[%get3A_933, %get3A_934, %get3A_935] : memref<8x1024x128xf32, #tpu.memory_space<vmem>>, vector<1x1024x128xf32>
    %get3A_937 = vector.shape_cast %get3A_936 : vector<1x1024x128xf32> to vector<1024x128xf32>
    %get3A_938 = arith.constant 0 : index
    %get3A_939 = arith.constant 0 : index
    %get3A_940 = vector.load %arg3[%get3A_938, %get3A_939] : memref<256x512xbf16, #tpu.memory_space<vmem>>, vector<256x512xbf16>
    %get3A_941 = arith.constant 0 : index
    %get3A_942 = arith.constant 0 : index
    %get3A_943 = vector.load %arg4[%get3A_941, %get3A_942] : memref<1x512xbf16, #tpu.memory_space<vmem>>, vector<1x512xbf16>
    %convert_element_type3A_944 = arith.truncf %get3A_937 : vector<1024x128xf32> to vector<1024x128xbf16>
    %swap3A_945 = arith.constant 0 : index
    %swap3A_946 = arith.constant 0 : index
    %swap3A_947 = vector.load %arg15[%swap3A_945, %swap3A_946] : memref<1024x256xbf16, #tpu.memory_space<vmem>>, vector<1024x128xbf16>
    tpu.vector_store %arg15[%swap3A_945, %swap3A_946], %convert_element_type3A_944 {strides = array<i32>} : memref<1024x256xbf16, #tpu.memory_space<vmem>>, vector<1024x128xbf16>,
    %get3A_948 = arith.constant 0 : index
    %get3A_949 = arith.constant 0 : index
    %get3A_950 = vector.load %arg15[%get3A_948, %get3A_949] : memref<1024x256xbf16, #tpu.memory_space<vmem>>, vector<1024x256xbf16>
    %dot_general3A_951 = arith.constant dense<0.000000e+00> : vector<1024x512xf32>
    %dot_general3A_952 = tpu.matmul %get3A_950, %get3A_940, %dot_general3A_951 {dimension_numbers = #tpu.dot_dimension_numbers<[1], [0], [0], [1], [0, 0, 1, 1], [], []>, transpose_lhs_hint = false} : vector<1024x256xbf16>, vector<256x512xbf16>, vector<1024x512xf32> -> vector<1024x512xf32>
    %convert_element_type3A_953 = arith.truncf %dot_general3A_952 : vector<1024x512xf32> to vector<1024x512xbf16>
    %add3A_954 = vector.broadcast %get3A_943 : vector<1x512xbf16> to vector<1024x512xbf16>
    %add3A_955 = arith.addf %convert_element_type3A_953, %add3A_954 : vector<1024x512xbf16>
    %slice3A_956 = vector.extract_strided_slice %add3A_955 {offsets = [0, 0], sizes = [1024, 128], strides = [1, 1]} : vector<1024x512xbf16> to vector<1024x128xbf16>
    %tanh3A_957 = math.tanh %slice3A_956 : vector<1024x128xbf16>
    %mul3A_958 = arith.constant 5.000000e-01 : bf16
    %mul3A_959 = vector.broadcast %mul3A_958 : bf16 to vector<1024x128xbf16>
    %mul3A_960 = arith.mulf %mul3A_959, %tanh3A_957 : vector<1024x128xbf16>
    %add3A_961 = arith.constant 5.000000e-01 : bf16
    %add3A_962 = vector.broadcast %add3A_961 : bf16 to vector<1024x128xbf16>
    %add3A_963 = arith.addf %mul3A_960, %add3A_962 : vector<1024x128xbf16>
    %slice3A_964 = vector.extract_strided_slice %add3A_955 {offsets = [0, 128], sizes = [1024, 128], strides = [1, 1]} : vector<1024x512xbf16> to vector<1024x128xbf16>
    %tanh3A_965 = math.tanh %slice3A_964 : vector<1024x128xbf16>
    %mul3A_966 = arith.constant 5.000000e-01 : bf16
    %mul3A_967 = vector.broadcast %mul3A_966 : bf16 to vector<1024x128xbf16>
    %mul3A_968 = arith.mulf %mul3A_967, %tanh3A_965 : vector<1024x128xbf16>
    %add3A_969 = arith.constant 5.000000e-01 : bf16
    %add3A_970 = vector.broadcast %add3A_969 : bf16 to vector<1024x128xbf16>
    %add3A_971 = arith.addf %mul3A_968, %add3A_970 : vector<1024x128xbf16>
    %slice3A_972 = vector.extract_strided_slice %add3A_955 {offsets = [0, 256], sizes = [1024, 128], strides = [1, 1]} : vector<1024x512xbf16> to vector<1024x128xbf16>
    %tanh3A_973 = math.tanh %slice3A_972 : vector<1024x128xbf16>
    %slice3A_974 = vector.extract_strided_slice %add3A_955 {offsets = [0, 384], sizes = [1024, 128], strides = [1, 1]} : vector<1024x512xbf16> to vector<1024x128xbf16>
    %tanh3A_975 = math.tanh %slice3A_974 : vector<1024x128xbf16>
    %mul3A_976 = arith.constant 5.000000e-01 : bf16
    %mul3A_977 = vector.broadcast %mul3A_976 : bf16 to vector<1024x128xbf16>
    %mul3A_978 = arith.mulf %mul3A_977, %tanh3A_975 : vector<1024x128xbf16>
    %add3A_979 = arith.constant 5.000000e-01 : bf16
    %add3A_980 = vector.broadcast %add3A_979 : bf16 to vector<1024x128xbf16>
    %add3A_981 = arith.addf %mul3A_978, %add3A_980 : vector<1024x128xbf16>
    %convert_element_type3A_982 = arith.extf %add3A_971 : vector<1024x128xbf16> to vector<1024x128xf32>
    %get3A_983 = arith.constant 0 : index
    %get3A_984 = arith.constant 0 : index
    %get3A_985 = vector.load %arg16[%get3A_983, %get3A_984] : memref<1024x128xf32, #tpu.memory_space<vmem>>, vector<1024x128xf32>
    %mul3A_986 = arith.mulf %convert_element_type3A_982, %get3A_985 : vector<1024x128xf32>
    %mul3A_987 = arith.mulf %add3A_963, %tanh3A_973 : vector<1024x128xbf16>
    %convert_element_type3A_988 = arith.extf %mul3A_987 : vector<1024x128xbf16> to vector<1024x128xf32>
    %add3A_989 = arith.addf %mul3A_986, %convert_element_type3A_988 : vector<1024x128xf32>
    %convert_element_type3A_990 = arith.extf %add3A_981 : vector<1024x128xbf16> to vector<1024x128xf32>
    %tanh3A_991 = math.tanh %add3A_989 : vector<1024x128xf32>
    %mul3A_992 = arith.mulf %convert_element_type3A_990, %tanh3A_991 : vector<1024x128xf32>
    %swap3A_993 = arith.constant 0 : index
    %swap3A_994 = arith.constant 0 : index
    %swap3A_995 = vector.load %arg16[%swap3A_993, %swap3A_994] : memref<1024x128xf32, #tpu.memory_space<vmem>>, vector<1024x128xf32>
    tpu.vector_store %arg16[%swap3A_993, %swap3A_994], %add3A_989 {strides = array<i32>} : memref<1024x128xf32, #tpu.memory_space<vmem>>, vector<1024x128xf32>,
    %convert_element_type3A_996 = arith.truncf %mul3A_992 : vector<1024x128xf32> to vector<1024x128xbf16>
    %swap3A_997 = arith.constant 0 : index
    %swap3A_998 = arith.constant 128 : index
    %swap3A_999 = vector.load %arg15[%swap3A_997, %swap3A_998] : memref<1024x256xbf16, #tpu.memory_space<vmem>>, vector<1024x128xbf16>
    tpu.vector_store %arg15[%swap3A_997, %swap3A_998], %convert_element_type3A_996 {strides = array<i32>} : memref<1024x256xbf16, #tpu.memory_space<vmem>>, vector<1024x128xbf16>,
    %get3A_1000 = arith.constant 0 : index
    %get3A_1001 = arith.constant 0 : index
    %get3A_1002 = arith.constant 0 : index
    %get3A_1003 = vector.load %arg2[%get3A_1000, %get3A_1001, %get3A_1002] : memref<8x1024x128xf32, #tpu.memory_space<vmem>>, vector<1x1024x128xf32>
    %get3A_1004 = vector.shape_cast %get3A_1003 : vector<1x1024x128xf32> to vector<1024x128xf32>
    %get3A_1005 = arith.constant 0 : index
    %get3A_1006 = arith.constant 0 : index
    %get3A_1007 = vector.load %arg5[%get3A_1005, %get3A_1006] : memref<256x512xbf16, #tpu.memory_space<vmem>>, vector<256x512xbf16>
    %get3A_1008 = arith.constant 0 : index
    %get3A_1009 = arith.constant 0 : index
    %get3A_1010 = vector.load %arg6[%get3A_1008, %get3A_1009] : memref<1x512xbf16, #tpu.memory_space<vmem>>, vector<1x512xbf16>
    %convert_element_type3A_1011 = arith.truncf %get3A_1004 : vector<1024x128xf32> to vector<1024x128xbf16>
    %swap3A_1012 = arith.constant 0 : index
    %swap3A_1013 = arith.constant 0 : index
    %swap3A_1014 = vector.load %arg17[%swap3A_1012, %swap3A_1013] : memref<1024x256xbf16, #tpu.memory_space<vmem>>, vector<1024x128xbf16>
    tpu.vector_store %arg17[%swap3A_1012, %swap3A_1013], %convert_element_type3A_1011 {strides = array<i32>} : memref<1024x256xbf16, #tpu.memory_space<vmem>>, vector<1024x128xbf16>,
    %get3A_1015 = arith.constant 0 : index
    %get3A_1016 = arith.constant 0 : index
    %get3A_1017 = vector.load %arg17[%get3A_1015, %get3A_1016] : memref<1024x256xbf16, #tpu.memory_space<vmem>>, vector<1024x256xbf16>
    %dot_general3A_1018 = arith.constant dense<0.000000e+00> : vector<1024x512xf32>
    %dot_general3A_1019 = tpu.matmul %get3A_1017, %get3A_1007, %dot_general3A_1018 {dimension_numbers = #tpu.dot_dimension_numbers<[1], [0], [0], [1], [0, 0, 1, 1], [], []>, transpose_lhs_hint = false} : vector<1024x256xbf16>, vector<256x512xbf16>, vector<1024x512xf32> -> vector<1024x512xf32>
    %convert_element_type3A_1020 = arith.truncf %dot_general3A_1019 : vector<1024x512xf32> to vector<1024x512xbf16>
    %add3A_1021 = vector.broadcast %get3A_1010 : vector<1x512xbf16> to vector<1024x512xbf16>
    %add3A_1022 = arith.addf %convert_element_type3A_1020, %add3A_1021 : vector<1024x512xbf16>
    %slice3A_1023 = vector.extract_strided_slice %add3A_1022 {offsets = [0, 0], sizes = [1024, 128], strides = [1, 1]} : vector<1024x512xbf16> to vector<1024x128xbf16>
    %tanh3A_1024 = math.tanh %slice3A_1023 : vector<1024x128xbf16>
    %mul3A_1025 = arith.constant 5.000000e-01 : bf16
    %mul3A_1026 = vector.broadcast %mul3A_1025 : bf16 to vector<1024x128xbf16>
    %mul3A_1027 = arith.mulf %mul3A_1026, %tanh3A_1024 : vector<1024x128xbf16>
    %add3A_1028 = arith.constant 5.000000e-01 : bf16
    %add3A_1029 = vector.broadcast %add3A_1028 : bf16 to vector<1024x128xbf16>
    %add3A_1030 = arith.addf %mul3A_1027, %add3A_1029 : vector<1024x128xbf16>
    %slice3A_1031 = vector.extract_strided_slice %add3A_1022 {offsets = [0, 128], sizes = [1024, 128], strides = [1, 1]} : vector<1024x512xbf16> to vector<1024x128xbf16>
    %tanh3A_1032 = math.tanh %slice3A_1031 : vector<1024x128xbf16>
    %mul3A_1033 = arith.constant 5.000000e-01 : bf16
    %mul3A_1034 = vector.broadcast %mul3A_1033 : bf16 to vector<1024x128xbf16>
    %mul3A_1035 = arith.mulf %mul3A_1034, %tanh3A_1032 : vector<1024x128xbf16>
    %add3A_1036 = arith.constant 5.000000e-01 : bf16
    %add3A_1037 = vector.broadcast %add3A_1036 : bf16 to vector<1024x128xbf16>
    %add3A_1038 = arith.addf %mul3A_1035, %add3A_1037 : vector<1024x128xbf16>
    %slice3A_1039 = vector.extract_strided_slice %add3A_1022 {offsets = [0, 256], sizes = [1024, 128], strides = [1, 1]} : vector<1024x512xbf16> to vector<1024x128xbf16>
    %tanh3A_1040 = math.tanh %slice3A_1039 : vector<1024x128xbf16>
    %slice3A_1041 = vector.extract_strided_slice %add3A_1022 {offsets = [0, 384], sizes = [1024, 128], strides = [1, 1]} : vector<1024x512xbf16> to vector<1024x128xbf16>
    %tanh3A_1042 = math.tanh %slice3A_1041 : vector<1024x128xbf16>
    %mul3A_1043 = arith.constant 5.000000e-01 : bf16
    %mul3A_1044 = vector.broadcast %mul3A_1043 : bf16 to vector<1024x128xbf16>
    %mul3A_1045 = arith.mulf %mul3A_1044, %tanh3A_1042 : vector<1024x128xbf16>
    %add3A_1046 = arith.constant 5.000000e-01 : bf16
    %add3A_1047 = vector.broadcast %add3A_1046 : bf16 to vector<1024x128xbf16>
    %add3A_1048 = arith.addf %mul3A_1045, %add3A_1047 : vector<1024x128xbf16>
    %convert_element_type3A_1049 = arith.extf %add3A_1038 : vector<1024x128xbf16> to vector<1024x128xf32>
    %get3A_1050 = arith.constant 0 : index
    %get3A_1051 = arith.constant 0 : index
    %get3A_1052 = vector.load %arg18[%get3A_1050, %get3A_1051] : memref<1024x128xf32, #tpu.memory_space<vmem>>, vector<1024x128xf32>
    %mul3A_1053 = arith.mulf %convert_element_type3A_1049, %get3A_1052 : vector<1024x128xf32>
    %mul3A_1054 = arith.mulf %add3A_1030, %tanh3A_1040 : vector<1024x128xbf16>
    %convert_element_type3A_1055 = arith.extf %mul3A_1054 : vector<1024x128xbf16> to vector<1024x128xf32>
    %add3A_1056 = arith.addf %mul3A_1053, %convert_element_type3A_1055 : vector<1024x128xf32>
    %convert_element_type3A_1057 = arith.extf %add3A_1048 : vector<1024x128xbf16> to vector<1024x128xf32>
    %tanh3A_1058 = math.tanh %add3A_1056 : vector<1024x128xf32>
    %mul3A_1059 = arith.mulf %convert_element_type3A_1057, %tanh3A_1058 : vector<1024x128xf32>
    %swap3A_1060 = arith.constant 0 : index
    %swap3A_1061 = arith.constant 0 : index
    %swap3A_1062 = vector.load %arg18[%swap3A_1060, %swap3A_1061] : memref<1024x128xf32, #tpu.memory_space<vmem>>, vector<1024x128xf32>
    tpu.vector_store %arg18[%swap3A_1060, %swap3A_1061], %add3A_1056 {strides = array<i32>} : memref<1024x128xf32, #tpu.memory_space<vmem>>, vector<1024x128xf32>,
    %convert_element_type3A_1063 = arith.truncf %mul3A_1059 : vector<1024x128xf32> to vector<1024x128xbf16>
    %swap3A_1064 = arith.constant 0 : index
    %swap3A_1065 = arith.constant 128 : index
    %swap3A_1066 = vector.load %arg17[%swap3A_1064, %swap3A_1065] : memref<1024x256xbf16, #tpu.memory_space<vmem>>, vector<1024x128xbf16>
    tpu.vector_store %arg17[%swap3A_1064, %swap3A_1065], %convert_element_type3A_1063 {strides = array<i32>} : memref<1024x256xbf16, #tpu.memory_space<vmem>>, vector<1024x128xbf16>,
    %eq3A_1067 = arith.constant 12 : i32
    %eq3A_1068 = arith.cmpi eq, %arg0, %eq3A_1067 : i32
    %convert_element_type3A_1069 = arith.extui %eq3A_1068 : i1 to i32
    %cond3A_1070 = arith.constant 0 : i32
    %cond3A_1071 = arith.cmpi ne, %convert_element_type3A_1069, %cond3A_1070 : i32
    scf.if %cond3A_1071 {
      %swap3A_1072 = arith.constant 0 : index
      %swap3A_1073 = arith.constant 0 : index
      %swap3A_1074 = vector.load %arg11[%swap3A_1072, %swap3A_1073] : memref<1024x128xf32, #tpu.memory_space<vmem>>, vector<1024x128xf32>
      tpu.vector_store %arg11[%swap3A_1072, %swap3A_1073], %mul3A_992 {strides = array<i32>} : memref<1024x128xf32, #tpu.memory_space<vmem>>, vector<1024x128xf32>,
      %get3A_1075 = arith.constant 0 : index
      %get3A_1076 = arith.constant 0 : index
      %get3A_1077 = vector.load %arg16[%get3A_1075, %get3A_1076] : memref<1024x128xf32, #tpu.memory_space<vmem>>, vector<1024x128xf32>
      %swap3A_1078 = arith.constant 0 : index
      %swap3A_1079 = arith.constant 0 : index
      %swap3A_1080 = vector.load %arg12[%swap3A_1078, %swap3A_1079] : memref<1024x128xf32, #tpu.memory_space<vmem>>, vector<1024x128xf32>
      tpu.vector_store %arg12[%swap3A_1078, %swap3A_1079], %get3A_1077 {strides = array<i32>} : memref<1024x128xf32, #tpu.memory_space<vmem>>, vector<1024x128xf32>,
      %swap3A_1081 = arith.constant 0 : index
      %swap3A_1082 = arith.constant 0 : index
      %swap3A_1083 = vector.load %arg13[%swap3A_1081, %swap3A_1082] : memref<1024x128xf32, #tpu.memory_space<vmem>>, vector<1024x128xf32>
      tpu.vector_store %arg13[%swap3A_1081, %swap3A_1082], %mul3A_1059 {strides = array<i32>} : memref<1024x128xf32, #tpu.memory_space<vmem>>, vector<1024x128xf32>,
      %get3A_1084 = arith.constant 0 : index
      %get3A_1085 = arith.constant 0 : index
      %get3A_1086 = vector.load %arg18[%get3A_1084, %get3A_1085] : memref<1024x128xf32, #tpu.memory_space<vmem>>, vector<1024x128xf32>
      %swap3A_1087 = arith.constant 0 : index
      %swap3A_1088 = arith.constant 0 : index
      %swap3A_1089 = vector.load %arg14[%swap3A_1087, %swap3A_1088] : memref<1024x128xf32, #tpu.memory_space<vmem>>, vector<1024x128xf32>
      tpu.vector_store %arg14[%swap3A_1087, %swap3A_1088], %get3A_1086 {strides = array<i32>} : memref<1024x128xf32, #tpu.memory_space<vmem>>, vector<1024x128xf32>,
    } else {
    }
    return
  }
  func.func @transform_0(%arg0: i32) -> (i32, i32, i32) {
    %c0_i32 = arith.constant 0 : i32
    %c0_i32_0 = arith.constant 0 : i32
    %c0_i32_1 = arith.constant 0 : i32
    return %arg0, %c0_i32, %c0_i32_0 : i32, i32, i32
  }
  func.func @transform_1(%arg0: i32) -> (i32, i32, i32) {
    %sub3A = arith.constant 12 : i32
    %sub3A_0 = arith.subi %sub3A, %arg0 : i32
    %c0_i32 = arith.constant 0 : i32
    %c0_i32_1 = arith.constant 0 : i32
    %c0_i32_2 = arith.constant 0 : i32
    return %sub3A_0, %c0_i32, %c0_i32_1 : i32, i32, i32
  }
  func.func @transform_2(%arg0: i32) -> (i32, i32) {
    %c0_i32 = arith.constant 0 : i32
    %c0_i32_0 = arith.constant 0 : i32
    %c0_i32_1 = arith.constant 0 : i32
    return %c0_i32, %c0_i32_0 : i32, i32
  }
  func.func @transform_3(%arg0: i32) -> (i32, i32) {
    %c0_i32 = arith.constant 0 : i32
    %c0_i32_0 = arith.constant 0 : i32
    %c0_i32_1 = arith.constant 0 : i32
    return %c0_i32, %c0_i32_0 : i32, i32
  }
  func.func @transform_4(%arg0: i32) -> (i32, i32) {
    %c0_i32 = arith.constant 0 : i32
    %c0_i32_0 = arith.constant 0 : i32
    %c0_i32_1 = arith.constant 0 : i32
    return %c0_i32, %c0_i32_0 : i32, i32
  }
  func.func @transform_5(%arg0: i32) -> (i32, i32) {
    %c0_i32 = arith.constant 0 : i32
    %c0_i32_0 = arith.constant 0 : i32
    %c0_i32_1 = arith.constant 0 : i32
    return %c0_i32, %c0_i32_0 : i32, i32
  }
  func.func @transform_6(%arg0: i32) -> (i32, i32) {
    %c0_i32 = arith.constant 0 : i32
    %c0_i32_0 = arith.constant 0 : i32
    %c0_i32_1 = arith.constant 0 : i32
    return %c0_i32, %c0_i32_0 : i32, i32
  }
  func.func @transform_7(%arg0: i32) -> (i32, i32) {
    %c0_i32 = arith.constant 0 : i32
    %c0_i32_0 = arith.constant 0 : i32
    %c0_i32_1 = arith.constant 0 : i32
    return %c0_i32, %c0_i32_0 : i32, i32
  }
  func.func @transform_8(%arg0: i32) -> (i32, i32) {
    %c0_i32 = arith.constant 0 : i32
    %c0_i32_0 = arith.constant 0 : i32
    %c0_i32_1 = arith.constant 0 : i32
    return %c0_i32, %c0_i32_0 : i32, i32
  }
  func.func @transform_9(%arg0: i32) -> (i32, i32) {
    %c0_i32 = arith.constant 0 : i32
    %c0_i32_0 = arith.constant 0 : i32
    %c0_i32_1 = arith.constant 0 : i32
    return %c0_i32, %c0_i32_0 : i32, i32
  }
  func.func @transform_10(%arg0: i32) -> (i32, i32) {
    %c0_i32 = arith.constant 0 : i32
    %c0_i32_0 = arith.constant 0 : i32
    %c0_i32_1 = arith.constant 0 : i32
    return %c0_i32, %c0_i32_0 : i32, i32
  }
  func.func @transform_11(%arg0: i32) -> (i32, i32) {
    %c0_i32 = arith.constant 0 : i32
    %c0_i32_0 = arith.constant 0 : i32
    %c0_i32_1 = arith.constant 0 : i32
    return %c0_i32, %c0_i32_0 : i32, i32
  }
  func.func @transform_12(%arg0: i32) -> (i32, i32) {
    %c0_i32 = arith.constant 0 : i32
    %c0_i32_0 = arith.constant 0 : i32
    %c0_i32_1 = arith.constant 0 : i32
    return %c0_i32, %c0_i32_0 : i32, i32
  }
  func.func @transform_13(%arg0: i32) -> (i32, i32) {
    %c0_i32 = arith.constant 0 : i32
    %c0_i32_0 = arith.constant 0 : i32
    %c0_i32_1 = arith.constant 0 : i32
    return %c0_i32, %c0_i32_0 : i32, i32
  }
}

module attributes {stable_mosaic.version = 14 : i64} {
  func.func @_stage_kernel(%arg0: i32, %arg1: memref<8x1024x128xf32, #tpu.memory_space<vmem>>, %arg2: memref<8x1024x128xf32, #tpu.memory_space<vmem>>, %arg3: memref<256x512xbf16, #tpu.memory_space<vmem>>, %arg4: memref<1x512xbf16, #tpu.memory_space<vmem>>, %arg5: memref<256x512xbf16, #tpu.memory_space<vmem>>, %arg6: memref<1x512xbf16, #tpu.memory_space<vmem>>, %arg7: memref<1024x128xf32, #tpu.memory_space<vmem>>, %arg8: memref<1024x128xf32, #tpu.memory_space<vmem>>, %arg9: memref<1024x128xf32, #tpu.memory_space<vmem>>, %arg10: memref<1024x128xf32, #tpu.memory_space<vmem>>, %arg11: memref<1024x128xf32, #tpu.memory_space<vmem>>, %arg12: memref<1024x128xf32, #tpu.memory_space<vmem>>, %arg13: memref<1024x128xf32, #tpu.memory_space<vmem>>, %arg14: memref<1024x128xf32, #tpu.memory_space<vmem>>, %arg15: memref<1024x256xbf16, #tpu.memory_space<vmem>>, %arg16: memref<1024x128xf32, #tpu.memory_space<vmem>>, %arg17: memref<1024x256xbf16, #tpu.memory_space<vmem>>, %arg18: memref<1024x128xf32, #tpu.memory_space<vmem>>) attributes {dimension_semantics = [#tpu.dimension_semantics<arbitrary>], iteration_bounds = array<i64: 6>, scalar_prefetch = 0 : i64, scratch_operands = 4 : i64, tpu.core_type = #tpu.core_type<tc>, window_params = [{transform_indices = @transform_0, window_bounds = array<i64: 8, 1024, 128>}, {transform_indices = @transform_1, window_bounds = array<i64: 8, 1024, 128>}, {pipeline_mode = #tpu.pipeline_mode<synchronous>, transform_indices = @transform_2, window_bounds = array<i64: 256, 512>}, {pipeline_mode = #tpu.pipeline_mode<synchronous>, transform_indices = @transform_3, window_bounds = array<i64: 1, 512>}, {pipeline_mode = #tpu.pipeline_mode<synchronous>, transform_indices = @transform_4, window_bounds = array<i64: 256, 512>}, {pipeline_mode = #tpu.pipeline_mode<synchronous>, transform_indices = @transform_5, window_bounds = array<i64: 1, 512>}, {pipeline_mode = #tpu.pipeline_mode<synchronous>, transform_indices = @transform_6, window_bounds = array<i64: 1024, 128>}, {pipeline_mode = #tpu.pipeline_mode<synchronous>, transform_indices = @transform_7, window_bounds = array<i64: 1024, 128>}, {pipeline_mode = #tpu.pipeline_mode<synchronous>, transform_indices = @transform_8, window_bounds = array<i64: 1024, 128>}, {pipeline_mode = #tpu.pipeline_mode<synchronous>, transform_indices = @transform_9, window_bounds = array<i64: 1024, 128>}, {pipeline_mode = #tpu.pipeline_mode<synchronous>, transform_indices = @transform_10, window_bounds = array<i64: 1024, 128>}, {pipeline_mode = #tpu.pipeline_mode<synchronous>, transform_indices = @transform_11, window_bounds = array<i64: 1024, 128>}, {pipeline_mode = #tpu.pipeline_mode<synchronous>, transform_indices = @transform_12, window_bounds = array<i64: 1024, 128>}, {pipeline_mode = #tpu.pipeline_mode<synchronous>, transform_indices = @transform_13, window_bounds = array<i64: 1024, 128>}]} {
    %eq3A = arith.constant 0 : i32
    %eq3A_0 = arith.cmpi eq, %arg0, %eq3A : i32
    %convert_element_type3A = arith.extui %eq3A_0 : i1 to i32
    %cond3A = arith.constant 0 : i32
    %cond3A_1 = arith.cmpi ne, %convert_element_type3A, %cond3A : i32
    scf.if %cond3A_1 {
      %get3A_1072 = arith.constant 0 : index
      %get3A_1073 = arith.constant 0 : index
      %get3A_1074 = vector.load %arg7[%get3A_1072, %get3A_1073] : memref<1024x128xf32, #tpu.memory_space<vmem>>, vector<1024x128xf32>
      %convert_element_type3A_1075 = arith.truncf %get3A_1074 : vector<1024x128xf32> to vector<1024x128xbf16>
      %swap3A_1076 = arith.constant 0 : index
      %swap3A_1077 = arith.constant 128 : index
      %swap3A_1078 = vector.load %arg15[%swap3A_1076, %swap3A_1077] : memref<1024x256xbf16, #tpu.memory_space<vmem>>, vector<1024x128xbf16>
      tpu.vector_store %arg15[%swap3A_1076, %swap3A_1077], %convert_element_type3A_1075 {strides = array<i32>} : memref<1024x256xbf16, #tpu.memory_space<vmem>>, vector<1024x128xbf16>,
      %get3A_1079 = arith.constant 0 : index
      %get3A_1080 = arith.constant 0 : index
      %get3A_1081 = vector.load %arg8[%get3A_1079, %get3A_1080] : memref<1024x128xf32, #tpu.memory_space<vmem>>, vector<1024x128xf32>
      %swap3A_1082 = arith.constant 0 : index
      %swap3A_1083 = arith.constant 0 : index
      %swap3A_1084 = vector.load %arg16[%swap3A_1082, %swap3A_1083] : memref<1024x128xf32, #tpu.memory_space<vmem>>, vector<1024x128xf32>
      tpu.vector_store %arg16[%swap3A_1082, %swap3A_1083], %get3A_1081 {strides = array<i32>} : memref<1024x128xf32, #tpu.memory_space<vmem>>, vector<1024x128xf32>,
      %get3A_1085 = arith.constant 0 : index
      %get3A_1086 = arith.constant 0 : index
      %get3A_1087 = vector.load %arg9[%get3A_1085, %get3A_1086] : memref<1024x128xf32, #tpu.memory_space<vmem>>, vector<1024x128xf32>
      %convert_element_type3A_1088 = arith.truncf %get3A_1087 : vector<1024x128xf32> to vector<1024x128xbf16>
      %swap3A_1089 = arith.constant 0 : index
      %swap3A_1090 = arith.constant 128 : index
      %swap3A_1091 = vector.load %arg17[%swap3A_1089, %swap3A_1090] : memref<1024x256xbf16, #tpu.memory_space<vmem>>, vector<1024x128xbf16>
      tpu.vector_store %arg17[%swap3A_1089, %swap3A_1090], %convert_element_type3A_1088 {strides = array<i32>} : memref<1024x256xbf16, #tpu.memory_space<vmem>>, vector<1024x128xbf16>,
      %get3A_1092 = arith.constant 0 : index
      %get3A_1093 = arith.constant 0 : index
      %get3A_1094 = vector.load %arg10[%get3A_1092, %get3A_1093] : memref<1024x128xf32, #tpu.memory_space<vmem>>, vector<1024x128xf32>
      %swap3A_1095 = arith.constant 0 : index
      %swap3A_1096 = arith.constant 0 : index
      %swap3A_1097 = vector.load %arg18[%swap3A_1095, %swap3A_1096] : memref<1024x128xf32, #tpu.memory_space<vmem>>, vector<1024x128xf32>
      tpu.vector_store %arg18[%swap3A_1095, %swap3A_1096], %get3A_1094 {strides = array<i32>} : memref<1024x128xf32, #tpu.memory_space<vmem>>, vector<1024x128xf32>,
    } else {
    }
    %get3A = arith.constant 0 : index
    %get3A_2 = arith.constant 0 : index
    %get3A_3 = arith.constant 0 : index
    %get3A_4 = vector.load %arg1[%get3A, %get3A_2, %get3A_3] : memref<8x1024x128xf32, #tpu.memory_space<vmem>>, vector<1x1024x128xf32>
    %get3A_5 = vector.shape_cast %get3A_4 : vector<1x1024x128xf32> to vector<1024x128xf32>
    %get3A_6 = arith.constant 0 : index
    %get3A_7 = arith.constant 0 : index
    %get3A_8 = vector.load %arg3[%get3A_6, %get3A_7] : memref<256x512xbf16, #tpu.memory_space<vmem>>, vector<256x512xbf16>
    %get3A_9 = arith.constant 0 : index
    %get3A_10 = arith.constant 0 : index
    %get3A_11 = vector.load %arg4[%get3A_9, %get3A_10] : memref<1x512xbf16, #tpu.memory_space<vmem>>, vector<1x512xbf16>
    %convert_element_type3A_12 = arith.truncf %get3A_5 : vector<1024x128xf32> to vector<1024x128xbf16>
    %swap3A = arith.constant 0 : index
    %swap3A_13 = arith.constant 0 : index
    %swap3A_14 = vector.load %arg15[%swap3A, %swap3A_13] : memref<1024x256xbf16, #tpu.memory_space<vmem>>, vector<1024x128xbf16>
    tpu.vector_store %arg15[%swap3A, %swap3A_13], %convert_element_type3A_12 {strides = array<i32>} : memref<1024x256xbf16, #tpu.memory_space<vmem>>, vector<1024x128xbf16>,
    %get3A_15 = arith.constant 0 : index
    %get3A_16 = arith.constant 0 : index
    %get3A_17 = vector.load %arg15[%get3A_15, %get3A_16] : memref<1024x256xbf16, #tpu.memory_space<vmem>>, vector<1024x256xbf16>
    %dot_general3A = arith.constant dense<0.000000e+00> : vector<1024x512xf32>
    %dot_general3A_18 = tpu.matmul %get3A_17, %get3A_8, %dot_general3A {dimension_numbers = #tpu.dot_dimension_numbers<[1], [0], [0], [1], [0, 0, 1, 1], [], []>, transpose_lhs_hint = false} : vector<1024x256xbf16>, vector<256x512xbf16>, vector<1024x512xf32> -> vector<1024x512xf32>
    %convert_element_type3A_19 = arith.truncf %dot_general3A_18 : vector<1024x512xf32> to vector<1024x512xbf16>
    %add3A = vector.broadcast %get3A_11 : vector<1x512xbf16> to vector<1024x512xbf16>
    %add3A_20 = arith.addf %convert_element_type3A_19, %add3A : vector<1024x512xbf16>
    %slice3A = vector.extract_strided_slice %add3A_20 {offsets = [0, 0], sizes = [1024, 128], strides = [1, 1]} : vector<1024x512xbf16> to vector<1024x128xbf16>
    %tanh3A = math.tanh %slice3A : vector<1024x128xbf16>
    %mul3A = arith.constant 5.000000e-01 : bf16
    %mul3A_21 = vector.broadcast %mul3A : bf16 to vector<1024x128xbf16>
    %mul3A_22 = arith.mulf %mul3A_21, %tanh3A : vector<1024x128xbf16>
    %add3A_23 = arith.constant 5.000000e-01 : bf16
    %add3A_24 = vector.broadcast %add3A_23 : bf16 to vector<1024x128xbf16>
    %add3A_25 = arith.addf %mul3A_22, %add3A_24 : vector<1024x128xbf16>
    %slice3A_26 = vector.extract_strided_slice %add3A_20 {offsets = [0, 128], sizes = [1024, 128], strides = [1, 1]} : vector<1024x512xbf16> to vector<1024x128xbf16>
    %tanh3A_27 = math.tanh %slice3A_26 : vector<1024x128xbf16>
    %mul3A_28 = arith.constant 5.000000e-01 : bf16
    %mul3A_29 = vector.broadcast %mul3A_28 : bf16 to vector<1024x128xbf16>
    %mul3A_30 = arith.mulf %mul3A_29, %tanh3A_27 : vector<1024x128xbf16>
    %add3A_31 = arith.constant 5.000000e-01 : bf16
    %add3A_32 = vector.broadcast %add3A_31 : bf16 to vector<1024x128xbf16>
    %add3A_33 = arith.addf %mul3A_30, %add3A_32 : vector<1024x128xbf16>
    %slice3A_34 = vector.extract_strided_slice %add3A_20 {offsets = [0, 256], sizes = [1024, 128], strides = [1, 1]} : vector<1024x512xbf16> to vector<1024x128xbf16>
    %tanh3A_35 = math.tanh %slice3A_34 : vector<1024x128xbf16>
    %slice3A_36 = vector.extract_strided_slice %add3A_20 {offsets = [0, 384], sizes = [1024, 128], strides = [1, 1]} : vector<1024x512xbf16> to vector<1024x128xbf16>
    %tanh3A_37 = math.tanh %slice3A_36 : vector<1024x128xbf16>
    %mul3A_38 = arith.constant 5.000000e-01 : bf16
    %mul3A_39 = vector.broadcast %mul3A_38 : bf16 to vector<1024x128xbf16>
    %mul3A_40 = arith.mulf %mul3A_39, %tanh3A_37 : vector<1024x128xbf16>
    %add3A_41 = arith.constant 5.000000e-01 : bf16
    %add3A_42 = vector.broadcast %add3A_41 : bf16 to vector<1024x128xbf16>
    %add3A_43 = arith.addf %mul3A_40, %add3A_42 : vector<1024x128xbf16>
    %convert_element_type3A_44 = arith.extf %add3A_33 : vector<1024x128xbf16> to vector<1024x128xf32>
    %get3A_45 = arith.constant 0 : index
    %get3A_46 = arith.constant 0 : index
    %get3A_47 = vector.load %arg16[%get3A_45, %get3A_46] : memref<1024x128xf32, #tpu.memory_space<vmem>>, vector<1024x128xf32>
    %mul3A_48 = arith.mulf %convert_element_type3A_44, %get3A_47 : vector<1024x128xf32>
    %mul3A_49 = arith.mulf %add3A_25, %tanh3A_35 : vector<1024x128xbf16>
    %convert_element_type3A_50 = arith.extf %mul3A_49 : vector<1024x128xbf16> to vector<1024x128xf32>
    %add3A_51 = arith.addf %mul3A_48, %convert_element_type3A_50 : vector<1024x128xf32>
    %convert_element_type3A_52 = arith.extf %add3A_43 : vector<1024x128xbf16> to vector<1024x128xf32>
    %tanh3A_53 = math.tanh %add3A_51 : vector<1024x128xf32>
    %mul3A_54 = arith.mulf %convert_element_type3A_52, %tanh3A_53 : vector<1024x128xf32>
    %swap3A_55 = arith.constant 0 : index
    %swap3A_56 = arith.constant 0 : index
    %swap3A_57 = vector.load %arg16[%swap3A_55, %swap3A_56] : memref<1024x128xf32, #tpu.memory_space<vmem>>, vector<1024x128xf32>
    tpu.vector_store %arg16[%swap3A_55, %swap3A_56], %add3A_51 {strides = array<i32>} : memref<1024x128xf32, #tpu.memory_space<vmem>>, vector<1024x128xf32>,
    %convert_element_type3A_58 = arith.truncf %mul3A_54 : vector<1024x128xf32> to vector<1024x128xbf16>
    %swap3A_59 = arith.constant 0 : index
    %swap3A_60 = arith.constant 128 : index
    %swap3A_61 = vector.load %arg15[%swap3A_59, %swap3A_60] : memref<1024x256xbf16, #tpu.memory_space<vmem>>, vector<1024x128xbf16>
    tpu.vector_store %arg15[%swap3A_59, %swap3A_60], %convert_element_type3A_58 {strides = array<i32>} : memref<1024x256xbf16, #tpu.memory_space<vmem>>, vector<1024x128xbf16>,
    %get3A_62 = arith.constant 7 : index
    %get3A_63 = arith.constant 0 : index
    %get3A_64 = arith.constant 0 : index
    %get3A_65 = vector.load %arg2[%get3A_62, %get3A_63, %get3A_64] : memref<8x1024x128xf32, #tpu.memory_space<vmem>>, vector<1x1024x128xf32>
    %get3A_66 = vector.shape_cast %get3A_65 : vector<1x1024x128xf32> to vector<1024x128xf32>
    %get3A_67 = arith.constant 0 : index
    %get3A_68 = arith.constant 0 : index
    %get3A_69 = vector.load %arg5[%get3A_67, %get3A_68] : memref<256x512xbf16, #tpu.memory_space<vmem>>, vector<256x512xbf16>
    %get3A_70 = arith.constant 0 : index
    %get3A_71 = arith.constant 0 : index
    %get3A_72 = vector.load %arg6[%get3A_70, %get3A_71] : memref<1x512xbf16, #tpu.memory_space<vmem>>, vector<1x512xbf16>
    %convert_element_type3A_73 = arith.truncf %get3A_66 : vector<1024x128xf32> to vector<1024x128xbf16>
    %swap3A_74 = arith.constant 0 : index
    %swap3A_75 = arith.constant 0 : index
    %swap3A_76 = vector.load %arg17[%swap3A_74, %swap3A_75] : memref<1024x256xbf16, #tpu.memory_space<vmem>>, vector<1024x128xbf16>
    tpu.vector_store %arg17[%swap3A_74, %swap3A_75], %convert_element_type3A_73 {strides = array<i32>} : memref<1024x256xbf16, #tpu.memory_space<vmem>>, vector<1024x128xbf16>,
    %get3A_77 = arith.constant 0 : index
    %get3A_78 = arith.constant 0 : index
    %get3A_79 = vector.load %arg17[%get3A_77, %get3A_78] : memref<1024x256xbf16, #tpu.memory_space<vmem>>, vector<1024x256xbf16>
    %dot_general3A_80 = arith.constant dense<0.000000e+00> : vector<1024x512xf32>
    %dot_general3A_81 = tpu.matmul %get3A_79, %get3A_69, %dot_general3A_80 {dimension_numbers = #tpu.dot_dimension_numbers<[1], [0], [0], [1], [0, 0, 1, 1], [], []>, transpose_lhs_hint = false} : vector<1024x256xbf16>, vector<256x512xbf16>, vector<1024x512xf32> -> vector<1024x512xf32>
    %convert_element_type3A_82 = arith.truncf %dot_general3A_81 : vector<1024x512xf32> to vector<1024x512xbf16>
    %add3A_83 = vector.broadcast %get3A_72 : vector<1x512xbf16> to vector<1024x512xbf16>
    %add3A_84 = arith.addf %convert_element_type3A_82, %add3A_83 : vector<1024x512xbf16>
    %slice3A_85 = vector.extract_strided_slice %add3A_84 {offsets = [0, 0], sizes = [1024, 128], strides = [1, 1]} : vector<1024x512xbf16> to vector<1024x128xbf16>
    %tanh3A_86 = math.tanh %slice3A_85 : vector<1024x128xbf16>
    %mul3A_87 = arith.constant 5.000000e-01 : bf16
    %mul3A_88 = vector.broadcast %mul3A_87 : bf16 to vector<1024x128xbf16>
    %mul3A_89 = arith.mulf %mul3A_88, %tanh3A_86 : vector<1024x128xbf16>
    %add3A_90 = arith.constant 5.000000e-01 : bf16
    %add3A_91 = vector.broadcast %add3A_90 : bf16 to vector<1024x128xbf16>
    %add3A_92 = arith.addf %mul3A_89, %add3A_91 : vector<1024x128xbf16>
    %slice3A_93 = vector.extract_strided_slice %add3A_84 {offsets = [0, 128], sizes = [1024, 128], strides = [1, 1]} : vector<1024x512xbf16> to vector<1024x128xbf16>
    %tanh3A_94 = math.tanh %slice3A_93 : vector<1024x128xbf16>
    %mul3A_95 = arith.constant 5.000000e-01 : bf16
    %mul3A_96 = vector.broadcast %mul3A_95 : bf16 to vector<1024x128xbf16>
    %mul3A_97 = arith.mulf %mul3A_96, %tanh3A_94 : vector<1024x128xbf16>
    %add3A_98 = arith.constant 5.000000e-01 : bf16
    %add3A_99 = vector.broadcast %add3A_98 : bf16 to vector<1024x128xbf16>
    %add3A_100 = arith.addf %mul3A_97, %add3A_99 : vector<1024x128xbf16>
    %slice3A_101 = vector.extract_strided_slice %add3A_84 {offsets = [0, 256], sizes = [1024, 128], strides = [1, 1]} : vector<1024x512xbf16> to vector<1024x128xbf16>
    %tanh3A_102 = math.tanh %slice3A_101 : vector<1024x128xbf16>
    %slice3A_103 = vector.extract_strided_slice %add3A_84 {offsets = [0, 384], sizes = [1024, 128], strides = [1, 1]} : vector<1024x512xbf16> to vector<1024x128xbf16>
    %tanh3A_104 = math.tanh %slice3A_103 : vector<1024x128xbf16>
    %mul3A_105 = arith.constant 5.000000e-01 : bf16
    %mul3A_106 = vector.broadcast %mul3A_105 : bf16 to vector<1024x128xbf16>
    %mul3A_107 = arith.mulf %mul3A_106, %tanh3A_104 : vector<1024x128xbf16>
    %add3A_108 = arith.constant 5.000000e-01 : bf16
    %add3A_109 = vector.broadcast %add3A_108 : bf16 to vector<1024x128xbf16>
    %add3A_110 = arith.addf %mul3A_107, %add3A_109 : vector<1024x128xbf16>
    %convert_element_type3A_111 = arith.extf %add3A_100 : vector<1024x128xbf16> to vector<1024x128xf32>
    %get3A_112 = arith.constant 0 : index
    %get3A_113 = arith.constant 0 : index
    %get3A_114 = vector.load %arg18[%get3A_112, %get3A_113] : memref<1024x128xf32, #tpu.memory_space<vmem>>, vector<1024x128xf32>
    %mul3A_115 = arith.mulf %convert_element_type3A_111, %get3A_114 : vector<1024x128xf32>
    %mul3A_116 = arith.mulf %add3A_92, %tanh3A_102 : vector<1024x128xbf16>
    %convert_element_type3A_117 = arith.extf %mul3A_116 : vector<1024x128xbf16> to vector<1024x128xf32>
    %add3A_118 = arith.addf %mul3A_115, %convert_element_type3A_117 : vector<1024x128xf32>
    %convert_element_type3A_119 = arith.extf %add3A_110 : vector<1024x128xbf16> to vector<1024x128xf32>
    %tanh3A_120 = math.tanh %add3A_118 : vector<1024x128xf32>
    %mul3A_121 = arith.mulf %convert_element_type3A_119, %tanh3A_120 : vector<1024x128xf32>
    %swap3A_122 = arith.constant 0 : index
    %swap3A_123 = arith.constant 0 : index
    %swap3A_124 = vector.load %arg18[%swap3A_122, %swap3A_123] : memref<1024x128xf32, #tpu.memory_space<vmem>>, vector<1024x128xf32>
    tpu.vector_store %arg18[%swap3A_122, %swap3A_123], %add3A_118 {strides = array<i32>} : memref<1024x128xf32, #tpu.memory_space<vmem>>, vector<1024x128xf32>,
    %convert_element_type3A_125 = arith.truncf %mul3A_121 : vector<1024x128xf32> to vector<1024x128xbf16>
    %swap3A_126 = arith.constant 0 : index
    %swap3A_127 = arith.constant 128 : index
    %swap3A_128 = vector.load %arg17[%swap3A_126, %swap3A_127] : memref<1024x256xbf16, #tpu.memory_space<vmem>>, vector<1024x128xbf16>
    tpu.vector_store %arg17[%swap3A_126, %swap3A_127], %convert_element_type3A_125 {strides = array<i32>} : memref<1024x256xbf16, #tpu.memory_space<vmem>>, vector<1024x128xbf16>,
    %get3A_129 = arith.constant 1 : index
    %get3A_130 = arith.constant 0 : index
    %get3A_131 = arith.constant 0 : index
    %get3A_132 = vector.load %arg1[%get3A_129, %get3A_130, %get3A_131] : memref<8x1024x128xf32, #tpu.memory_space<vmem>>, vector<1x1024x128xf32>
    %get3A_133 = vector.shape_cast %get3A_132 : vector<1x1024x128xf32> to vector<1024x128xf32>
    %get3A_134 = arith.constant 0 : index
    %get3A_135 = arith.constant 0 : index
    %get3A_136 = vector.load %arg3[%get3A_134, %get3A_135] : memref<256x512xbf16, #tpu.memory_space<vmem>>, vector<256x512xbf16>
    %get3A_137 = arith.constant 0 : index
    %get3A_138 = arith.constant 0 : index
    %get3A_139 = vector.load %arg4[%get3A_137, %get3A_138] : memref<1x512xbf16, #tpu.memory_space<vmem>>, vector<1x512xbf16>
    %convert_element_type3A_140 = arith.truncf %get3A_133 : vector<1024x128xf32> to vector<1024x128xbf16>
    %swap3A_141 = arith.constant 0 : index
    %swap3A_142 = arith.constant 0 : index
    %swap3A_143 = vector.load %arg15[%swap3A_141, %swap3A_142] : memref<1024x256xbf16, #tpu.memory_space<vmem>>, vector<1024x128xbf16>
    tpu.vector_store %arg15[%swap3A_141, %swap3A_142], %convert_element_type3A_140 {strides = array<i32>} : memref<1024x256xbf16, #tpu.memory_space<vmem>>, vector<1024x128xbf16>,
    %get3A_144 = arith.constant 0 : index
    %get3A_145 = arith.constant 0 : index
    %get3A_146 = vector.load %arg15[%get3A_144, %get3A_145] : memref<1024x256xbf16, #tpu.memory_space<vmem>>, vector<1024x256xbf16>
    %dot_general3A_147 = arith.constant dense<0.000000e+00> : vector<1024x512xf32>
    %dot_general3A_148 = tpu.matmul %get3A_146, %get3A_136, %dot_general3A_147 {dimension_numbers = #tpu.dot_dimension_numbers<[1], [0], [0], [1], [0, 0, 1, 1], [], []>, transpose_lhs_hint = false} : vector<1024x256xbf16>, vector<256x512xbf16>, vector<1024x512xf32> -> vector<1024x512xf32>
    %convert_element_type3A_149 = arith.truncf %dot_general3A_148 : vector<1024x512xf32> to vector<1024x512xbf16>
    %add3A_150 = vector.broadcast %get3A_139 : vector<1x512xbf16> to vector<1024x512xbf16>
    %add3A_151 = arith.addf %convert_element_type3A_149, %add3A_150 : vector<1024x512xbf16>
    %slice3A_152 = vector.extract_strided_slice %add3A_151 {offsets = [0, 0], sizes = [1024, 128], strides = [1, 1]} : vector<1024x512xbf16> to vector<1024x128xbf16>
    %tanh3A_153 = math.tanh %slice3A_152 : vector<1024x128xbf16>
    %mul3A_154 = arith.constant 5.000000e-01 : bf16
    %mul3A_155 = vector.broadcast %mul3A_154 : bf16 to vector<1024x128xbf16>
    %mul3A_156 = arith.mulf %mul3A_155, %tanh3A_153 : vector<1024x128xbf16>
    %add3A_157 = arith.constant 5.000000e-01 : bf16
    %add3A_158 = vector.broadcast %add3A_157 : bf16 to vector<1024x128xbf16>
    %add3A_159 = arith.addf %mul3A_156, %add3A_158 : vector<1024x128xbf16>
    %slice3A_160 = vector.extract_strided_slice %add3A_151 {offsets = [0, 128], sizes = [1024, 128], strides = [1, 1]} : vector<1024x512xbf16> to vector<1024x128xbf16>
    %tanh3A_161 = math.tanh %slice3A_160 : vector<1024x128xbf16>
    %mul3A_162 = arith.constant 5.000000e-01 : bf16
    %mul3A_163 = vector.broadcast %mul3A_162 : bf16 to vector<1024x128xbf16>
    %mul3A_164 = arith.mulf %mul3A_163, %tanh3A_161 : vector<1024x128xbf16>
    %add3A_165 = arith.constant 5.000000e-01 : bf16
    %add3A_166 = vector.broadcast %add3A_165 : bf16 to vector<1024x128xbf16>
    %add3A_167 = arith.addf %mul3A_164, %add3A_166 : vector<1024x128xbf16>
    %slice3A_168 = vector.extract_strided_slice %add3A_151 {offsets = [0, 256], sizes = [1024, 128], strides = [1, 1]} : vector<1024x512xbf16> to vector<1024x128xbf16>
    %tanh3A_169 = math.tanh %slice3A_168 : vector<1024x128xbf16>
    %slice3A_170 = vector.extract_strided_slice %add3A_151 {offsets = [0, 384], sizes = [1024, 128], strides = [1, 1]} : vector<1024x512xbf16> to vector<1024x128xbf16>
    %tanh3A_171 = math.tanh %slice3A_170 : vector<1024x128xbf16>
    %mul3A_172 = arith.constant 5.000000e-01 : bf16
    %mul3A_173 = vector.broadcast %mul3A_172 : bf16 to vector<1024x128xbf16>
    %mul3A_174 = arith.mulf %mul3A_173, %tanh3A_171 : vector<1024x128xbf16>
    %add3A_175 = arith.constant 5.000000e-01 : bf16
    %add3A_176 = vector.broadcast %add3A_175 : bf16 to vector<1024x128xbf16>
    %add3A_177 = arith.addf %mul3A_174, %add3A_176 : vector<1024x128xbf16>
    %convert_element_type3A_178 = arith.extf %add3A_167 : vector<1024x128xbf16> to vector<1024x128xf32>
    %get3A_179 = arith.constant 0 : index
    %get3A_180 = arith.constant 0 : index
    %get3A_181 = vector.load %arg16[%get3A_179, %get3A_180] : memref<1024x128xf32, #tpu.memory_space<vmem>>, vector<1024x128xf32>
    %mul3A_182 = arith.mulf %convert_element_type3A_178, %get3A_181 : vector<1024x128xf32>
    %mul3A_183 = arith.mulf %add3A_159, %tanh3A_169 : vector<1024x128xbf16>
    %convert_element_type3A_184 = arith.extf %mul3A_183 : vector<1024x128xbf16> to vector<1024x128xf32>
    %add3A_185 = arith.addf %mul3A_182, %convert_element_type3A_184 : vector<1024x128xf32>
    %convert_element_type3A_186 = arith.extf %add3A_177 : vector<1024x128xbf16> to vector<1024x128xf32>
    %tanh3A_187 = math.tanh %add3A_185 : vector<1024x128xf32>
    %mul3A_188 = arith.mulf %convert_element_type3A_186, %tanh3A_187 : vector<1024x128xf32>
    %swap3A_189 = arith.constant 0 : index
    %swap3A_190 = arith.constant 0 : index
    %swap3A_191 = vector.load %arg16[%swap3A_189, %swap3A_190] : memref<1024x128xf32, #tpu.memory_space<vmem>>, vector<1024x128xf32>
    tpu.vector_store %arg16[%swap3A_189, %swap3A_190], %add3A_185 {strides = array<i32>} : memref<1024x128xf32, #tpu.memory_space<vmem>>, vector<1024x128xf32>,
    %convert_element_type3A_192 = arith.truncf %mul3A_188 : vector<1024x128xf32> to vector<1024x128xbf16>
    %swap3A_193 = arith.constant 0 : index
    %swap3A_194 = arith.constant 128 : index
    %swap3A_195 = vector.load %arg15[%swap3A_193, %swap3A_194] : memref<1024x256xbf16, #tpu.memory_space<vmem>>, vector<1024x128xbf16>
    tpu.vector_store %arg15[%swap3A_193, %swap3A_194], %convert_element_type3A_192 {strides = array<i32>} : memref<1024x256xbf16, #tpu.memory_space<vmem>>, vector<1024x128xbf16>,
    %get3A_196 = arith.constant 6 : index
    %get3A_197 = arith.constant 0 : index
    %get3A_198 = arith.constant 0 : index
    %get3A_199 = vector.load %arg2[%get3A_196, %get3A_197, %get3A_198] : memref<8x1024x128xf32, #tpu.memory_space<vmem>>, vector<1x1024x128xf32>
    %get3A_200 = vector.shape_cast %get3A_199 : vector<1x1024x128xf32> to vector<1024x128xf32>
    %get3A_201 = arith.constant 0 : index
    %get3A_202 = arith.constant 0 : index
    %get3A_203 = vector.load %arg5[%get3A_201, %get3A_202] : memref<256x512xbf16, #tpu.memory_space<vmem>>, vector<256x512xbf16>
    %get3A_204 = arith.constant 0 : index
    %get3A_205 = arith.constant 0 : index
    %get3A_206 = vector.load %arg6[%get3A_204, %get3A_205] : memref<1x512xbf16, #tpu.memory_space<vmem>>, vector<1x512xbf16>
    %convert_element_type3A_207 = arith.truncf %get3A_200 : vector<1024x128xf32> to vector<1024x128xbf16>
    %swap3A_208 = arith.constant 0 : index
    %swap3A_209 = arith.constant 0 : index
    %swap3A_210 = vector.load %arg17[%swap3A_208, %swap3A_209] : memref<1024x256xbf16, #tpu.memory_space<vmem>>, vector<1024x128xbf16>
    tpu.vector_store %arg17[%swap3A_208, %swap3A_209], %convert_element_type3A_207 {strides = array<i32>} : memref<1024x256xbf16, #tpu.memory_space<vmem>>, vector<1024x128xbf16>,
    %get3A_211 = arith.constant 0 : index
    %get3A_212 = arith.constant 0 : index
    %get3A_213 = vector.load %arg17[%get3A_211, %get3A_212] : memref<1024x256xbf16, #tpu.memory_space<vmem>>, vector<1024x256xbf16>
    %dot_general3A_214 = arith.constant dense<0.000000e+00> : vector<1024x512xf32>
    %dot_general3A_215 = tpu.matmul %get3A_213, %get3A_203, %dot_general3A_214 {dimension_numbers = #tpu.dot_dimension_numbers<[1], [0], [0], [1], [0, 0, 1, 1], [], []>, transpose_lhs_hint = false} : vector<1024x256xbf16>, vector<256x512xbf16>, vector<1024x512xf32> -> vector<1024x512xf32>
    %convert_element_type3A_216 = arith.truncf %dot_general3A_215 : vector<1024x512xf32> to vector<1024x512xbf16>
    %add3A_217 = vector.broadcast %get3A_206 : vector<1x512xbf16> to vector<1024x512xbf16>
    %add3A_218 = arith.addf %convert_element_type3A_216, %add3A_217 : vector<1024x512xbf16>
    %slice3A_219 = vector.extract_strided_slice %add3A_218 {offsets = [0, 0], sizes = [1024, 128], strides = [1, 1]} : vector<1024x512xbf16> to vector<1024x128xbf16>
    %tanh3A_220 = math.tanh %slice3A_219 : vector<1024x128xbf16>
    %mul3A_221 = arith.constant 5.000000e-01 : bf16
    %mul3A_222 = vector.broadcast %mul3A_221 : bf16 to vector<1024x128xbf16>
    %mul3A_223 = arith.mulf %mul3A_222, %tanh3A_220 : vector<1024x128xbf16>
    %add3A_224 = arith.constant 5.000000e-01 : bf16
    %add3A_225 = vector.broadcast %add3A_224 : bf16 to vector<1024x128xbf16>
    %add3A_226 = arith.addf %mul3A_223, %add3A_225 : vector<1024x128xbf16>
    %slice3A_227 = vector.extract_strided_slice %add3A_218 {offsets = [0, 128], sizes = [1024, 128], strides = [1, 1]} : vector<1024x512xbf16> to vector<1024x128xbf16>
    %tanh3A_228 = math.tanh %slice3A_227 : vector<1024x128xbf16>
    %mul3A_229 = arith.constant 5.000000e-01 : bf16
    %mul3A_230 = vector.broadcast %mul3A_229 : bf16 to vector<1024x128xbf16>
    %mul3A_231 = arith.mulf %mul3A_230, %tanh3A_228 : vector<1024x128xbf16>
    %add3A_232 = arith.constant 5.000000e-01 : bf16
    %add3A_233 = vector.broadcast %add3A_232 : bf16 to vector<1024x128xbf16>
    %add3A_234 = arith.addf %mul3A_231, %add3A_233 : vector<1024x128xbf16>
    %slice3A_235 = vector.extract_strided_slice %add3A_218 {offsets = [0, 256], sizes = [1024, 128], strides = [1, 1]} : vector<1024x512xbf16> to vector<1024x128xbf16>
    %tanh3A_236 = math.tanh %slice3A_235 : vector<1024x128xbf16>
    %slice3A_237 = vector.extract_strided_slice %add3A_218 {offsets = [0, 384], sizes = [1024, 128], strides = [1, 1]} : vector<1024x512xbf16> to vector<1024x128xbf16>
    %tanh3A_238 = math.tanh %slice3A_237 : vector<1024x128xbf16>
    %mul3A_239 = arith.constant 5.000000e-01 : bf16
    %mul3A_240 = vector.broadcast %mul3A_239 : bf16 to vector<1024x128xbf16>
    %mul3A_241 = arith.mulf %mul3A_240, %tanh3A_238 : vector<1024x128xbf16>
    %add3A_242 = arith.constant 5.000000e-01 : bf16
    %add3A_243 = vector.broadcast %add3A_242 : bf16 to vector<1024x128xbf16>
    %add3A_244 = arith.addf %mul3A_241, %add3A_243 : vector<1024x128xbf16>
    %convert_element_type3A_245 = arith.extf %add3A_234 : vector<1024x128xbf16> to vector<1024x128xf32>
    %get3A_246 = arith.constant 0 : index
    %get3A_247 = arith.constant 0 : index
    %get3A_248 = vector.load %arg18[%get3A_246, %get3A_247] : memref<1024x128xf32, #tpu.memory_space<vmem>>, vector<1024x128xf32>
    %mul3A_249 = arith.mulf %convert_element_type3A_245, %get3A_248 : vector<1024x128xf32>
    %mul3A_250 = arith.mulf %add3A_226, %tanh3A_236 : vector<1024x128xbf16>
    %convert_element_type3A_251 = arith.extf %mul3A_250 : vector<1024x128xbf16> to vector<1024x128xf32>
    %add3A_252 = arith.addf %mul3A_249, %convert_element_type3A_251 : vector<1024x128xf32>
    %convert_element_type3A_253 = arith.extf %add3A_244 : vector<1024x128xbf16> to vector<1024x128xf32>
    %tanh3A_254 = math.tanh %add3A_252 : vector<1024x128xf32>
    %mul3A_255 = arith.mulf %convert_element_type3A_253, %tanh3A_254 : vector<1024x128xf32>
    %swap3A_256 = arith.constant 0 : index
    %swap3A_257 = arith.constant 0 : index
    %swap3A_258 = vector.load %arg18[%swap3A_256, %swap3A_257] : memref<1024x128xf32, #tpu.memory_space<vmem>>, vector<1024x128xf32>
    tpu.vector_store %arg18[%swap3A_256, %swap3A_257], %add3A_252 {strides = array<i32>} : memref<1024x128xf32, #tpu.memory_space<vmem>>, vector<1024x128xf32>,
    %convert_element_type3A_259 = arith.truncf %mul3A_255 : vector<1024x128xf32> to vector<1024x128xbf16>
    %swap3A_260 = arith.constant 0 : index
    %swap3A_261 = arith.constant 128 : index
    %swap3A_262 = vector.load %arg17[%swap3A_260, %swap3A_261] : memref<1024x256xbf16, #tpu.memory_space<vmem>>, vector<1024x128xbf16>
    tpu.vector_store %arg17[%swap3A_260, %swap3A_261], %convert_element_type3A_259 {strides = array<i32>} : memref<1024x256xbf16, #tpu.memory_space<vmem>>, vector<1024x128xbf16>,
    %get3A_263 = arith.constant 2 : index
    %get3A_264 = arith.constant 0 : index
    %get3A_265 = arith.constant 0 : index
    %get3A_266 = vector.load %arg1[%get3A_263, %get3A_264, %get3A_265] : memref<8x1024x128xf32, #tpu.memory_space<vmem>>, vector<1x1024x128xf32>
    %get3A_267 = vector.shape_cast %get3A_266 : vector<1x1024x128xf32> to vector<1024x128xf32>
    %get3A_268 = arith.constant 0 : index
    %get3A_269 = arith.constant 0 : index
    %get3A_270 = vector.load %arg3[%get3A_268, %get3A_269] : memref<256x512xbf16, #tpu.memory_space<vmem>>, vector<256x512xbf16>
    %get3A_271 = arith.constant 0 : index
    %get3A_272 = arith.constant 0 : index
    %get3A_273 = vector.load %arg4[%get3A_271, %get3A_272] : memref<1x512xbf16, #tpu.memory_space<vmem>>, vector<1x512xbf16>
    %convert_element_type3A_274 = arith.truncf %get3A_267 : vector<1024x128xf32> to vector<1024x128xbf16>
    %swap3A_275 = arith.constant 0 : index
    %swap3A_276 = arith.constant 0 : index
    %swap3A_277 = vector.load %arg15[%swap3A_275, %swap3A_276] : memref<1024x256xbf16, #tpu.memory_space<vmem>>, vector<1024x128xbf16>
    tpu.vector_store %arg15[%swap3A_275, %swap3A_276], %convert_element_type3A_274 {strides = array<i32>} : memref<1024x256xbf16, #tpu.memory_space<vmem>>, vector<1024x128xbf16>,
    %get3A_278 = arith.constant 0 : index
    %get3A_279 = arith.constant 0 : index
    %get3A_280 = vector.load %arg15[%get3A_278, %get3A_279] : memref<1024x256xbf16, #tpu.memory_space<vmem>>, vector<1024x256xbf16>
    %dot_general3A_281 = arith.constant dense<0.000000e+00> : vector<1024x512xf32>
    %dot_general3A_282 = tpu.matmul %get3A_280, %get3A_270, %dot_general3A_281 {dimension_numbers = #tpu.dot_dimension_numbers<[1], [0], [0], [1], [0, 0, 1, 1], [], []>, transpose_lhs_hint = false} : vector<1024x256xbf16>, vector<256x512xbf16>, vector<1024x512xf32> -> vector<1024x512xf32>
    %convert_element_type3A_283 = arith.truncf %dot_general3A_282 : vector<1024x512xf32> to vector<1024x512xbf16>
    %add3A_284 = vector.broadcast %get3A_273 : vector<1x512xbf16> to vector<1024x512xbf16>
    %add3A_285 = arith.addf %convert_element_type3A_283, %add3A_284 : vector<1024x512xbf16>
    %slice3A_286 = vector.extract_strided_slice %add3A_285 {offsets = [0, 0], sizes = [1024, 128], strides = [1, 1]} : vector<1024x512xbf16> to vector<1024x128xbf16>
    %tanh3A_287 = math.tanh %slice3A_286 : vector<1024x128xbf16>
    %mul3A_288 = arith.constant 5.000000e-01 : bf16
    %mul3A_289 = vector.broadcast %mul3A_288 : bf16 to vector<1024x128xbf16>
    %mul3A_290 = arith.mulf %mul3A_289, %tanh3A_287 : vector<1024x128xbf16>
    %add3A_291 = arith.constant 5.000000e-01 : bf16
    %add3A_292 = vector.broadcast %add3A_291 : bf16 to vector<1024x128xbf16>
    %add3A_293 = arith.addf %mul3A_290, %add3A_292 : vector<1024x128xbf16>
    %slice3A_294 = vector.extract_strided_slice %add3A_285 {offsets = [0, 128], sizes = [1024, 128], strides = [1, 1]} : vector<1024x512xbf16> to vector<1024x128xbf16>
    %tanh3A_295 = math.tanh %slice3A_294 : vector<1024x128xbf16>
    %mul3A_296 = arith.constant 5.000000e-01 : bf16
    %mul3A_297 = vector.broadcast %mul3A_296 : bf16 to vector<1024x128xbf16>
    %mul3A_298 = arith.mulf %mul3A_297, %tanh3A_295 : vector<1024x128xbf16>
    %add3A_299 = arith.constant 5.000000e-01 : bf16
    %add3A_300 = vector.broadcast %add3A_299 : bf16 to vector<1024x128xbf16>
    %add3A_301 = arith.addf %mul3A_298, %add3A_300 : vector<1024x128xbf16>
    %slice3A_302 = vector.extract_strided_slice %add3A_285 {offsets = [0, 256], sizes = [1024, 128], strides = [1, 1]} : vector<1024x512xbf16> to vector<1024x128xbf16>
    %tanh3A_303 = math.tanh %slice3A_302 : vector<1024x128xbf16>
    %slice3A_304 = vector.extract_strided_slice %add3A_285 {offsets = [0, 384], sizes = [1024, 128], strides = [1, 1]} : vector<1024x512xbf16> to vector<1024x128xbf16>
    %tanh3A_305 = math.tanh %slice3A_304 : vector<1024x128xbf16>
    %mul3A_306 = arith.constant 5.000000e-01 : bf16
    %mul3A_307 = vector.broadcast %mul3A_306 : bf16 to vector<1024x128xbf16>
    %mul3A_308 = arith.mulf %mul3A_307, %tanh3A_305 : vector<1024x128xbf16>
    %add3A_309 = arith.constant 5.000000e-01 : bf16
    %add3A_310 = vector.broadcast %add3A_309 : bf16 to vector<1024x128xbf16>
    %add3A_311 = arith.addf %mul3A_308, %add3A_310 : vector<1024x128xbf16>
    %convert_element_type3A_312 = arith.extf %add3A_301 : vector<1024x128xbf16> to vector<1024x128xf32>
    %get3A_313 = arith.constant 0 : index
    %get3A_314 = arith.constant 0 : index
    %get3A_315 = vector.load %arg16[%get3A_313, %get3A_314] : memref<1024x128xf32, #tpu.memory_space<vmem>>, vector<1024x128xf32>
    %mul3A_316 = arith.mulf %convert_element_type3A_312, %get3A_315 : vector<1024x128xf32>
    %mul3A_317 = arith.mulf %add3A_293, %tanh3A_303 : vector<1024x128xbf16>
    %convert_element_type3A_318 = arith.extf %mul3A_317 : vector<1024x128xbf16> to vector<1024x128xf32>
    %add3A_319 = arith.addf %mul3A_316, %convert_element_type3A_318 : vector<1024x128xf32>
    %convert_element_type3A_320 = arith.extf %add3A_311 : vector<1024x128xbf16> to vector<1024x128xf32>
    %tanh3A_321 = math.tanh %add3A_319 : vector<1024x128xf32>
    %mul3A_322 = arith.mulf %convert_element_type3A_320, %tanh3A_321 : vector<1024x128xf32>
    %swap3A_323 = arith.constant 0 : index
    %swap3A_324 = arith.constant 0 : index
    %swap3A_325 = vector.load %arg16[%swap3A_323, %swap3A_324] : memref<1024x128xf32, #tpu.memory_space<vmem>>, vector<1024x128xf32>
    tpu.vector_store %arg16[%swap3A_323, %swap3A_324], %add3A_319 {strides = array<i32>} : memref<1024x128xf32, #tpu.memory_space<vmem>>, vector<1024x128xf32>,
    %convert_element_type3A_326 = arith.truncf %mul3A_322 : vector<1024x128xf32> to vector<1024x128xbf16>
    %swap3A_327 = arith.constant 0 : index
    %swap3A_328 = arith.constant 128 : index
    %swap3A_329 = vector.load %arg15[%swap3A_327, %swap3A_328] : memref<1024x256xbf16, #tpu.memory_space<vmem>>, vector<1024x128xbf16>
    tpu.vector_store %arg15[%swap3A_327, %swap3A_328], %convert_element_type3A_326 {strides = array<i32>} : memref<1024x256xbf16, #tpu.memory_space<vmem>>, vector<1024x128xbf16>,
    %get3A_330 = arith.constant 5 : index
    %get3A_331 = arith.constant 0 : index
    %get3A_332 = arith.constant 0 : index
    %get3A_333 = vector.load %arg2[%get3A_330, %get3A_331, %get3A_332] : memref<8x1024x128xf32, #tpu.memory_space<vmem>>, vector<1x1024x128xf32>
    %get3A_334 = vector.shape_cast %get3A_333 : vector<1x1024x128xf32> to vector<1024x128xf32>
    %get3A_335 = arith.constant 0 : index
    %get3A_336 = arith.constant 0 : index
    %get3A_337 = vector.load %arg5[%get3A_335, %get3A_336] : memref<256x512xbf16, #tpu.memory_space<vmem>>, vector<256x512xbf16>
    %get3A_338 = arith.constant 0 : index
    %get3A_339 = arith.constant 0 : index
    %get3A_340 = vector.load %arg6[%get3A_338, %get3A_339] : memref<1x512xbf16, #tpu.memory_space<vmem>>, vector<1x512xbf16>
    %convert_element_type3A_341 = arith.truncf %get3A_334 : vector<1024x128xf32> to vector<1024x128xbf16>
    %swap3A_342 = arith.constant 0 : index
    %swap3A_343 = arith.constant 0 : index
    %swap3A_344 = vector.load %arg17[%swap3A_342, %swap3A_343] : memref<1024x256xbf16, #tpu.memory_space<vmem>>, vector<1024x128xbf16>
    tpu.vector_store %arg17[%swap3A_342, %swap3A_343], %convert_element_type3A_341 {strides = array<i32>} : memref<1024x256xbf16, #tpu.memory_space<vmem>>, vector<1024x128xbf16>,
    %get3A_345 = arith.constant 0 : index
    %get3A_346 = arith.constant 0 : index
    %get3A_347 = vector.load %arg17[%get3A_345, %get3A_346] : memref<1024x256xbf16, #tpu.memory_space<vmem>>, vector<1024x256xbf16>
    %dot_general3A_348 = arith.constant dense<0.000000e+00> : vector<1024x512xf32>
    %dot_general3A_349 = tpu.matmul %get3A_347, %get3A_337, %dot_general3A_348 {dimension_numbers = #tpu.dot_dimension_numbers<[1], [0], [0], [1], [0, 0, 1, 1], [], []>, transpose_lhs_hint = false} : vector<1024x256xbf16>, vector<256x512xbf16>, vector<1024x512xf32> -> vector<1024x512xf32>
    %convert_element_type3A_350 = arith.truncf %dot_general3A_349 : vector<1024x512xf32> to vector<1024x512xbf16>
    %add3A_351 = vector.broadcast %get3A_340 : vector<1x512xbf16> to vector<1024x512xbf16>
    %add3A_352 = arith.addf %convert_element_type3A_350, %add3A_351 : vector<1024x512xbf16>
    %slice3A_353 = vector.extract_strided_slice %add3A_352 {offsets = [0, 0], sizes = [1024, 128], strides = [1, 1]} : vector<1024x512xbf16> to vector<1024x128xbf16>
    %tanh3A_354 = math.tanh %slice3A_353 : vector<1024x128xbf16>
    %mul3A_355 = arith.constant 5.000000e-01 : bf16
    %mul3A_356 = vector.broadcast %mul3A_355 : bf16 to vector<1024x128xbf16>
    %mul3A_357 = arith.mulf %mul3A_356, %tanh3A_354 : vector<1024x128xbf16>
    %add3A_358 = arith.constant 5.000000e-01 : bf16
    %add3A_359 = vector.broadcast %add3A_358 : bf16 to vector<1024x128xbf16>
    %add3A_360 = arith.addf %mul3A_357, %add3A_359 : vector<1024x128xbf16>
    %slice3A_361 = vector.extract_strided_slice %add3A_352 {offsets = [0, 128], sizes = [1024, 128], strides = [1, 1]} : vector<1024x512xbf16> to vector<1024x128xbf16>
    %tanh3A_362 = math.tanh %slice3A_361 : vector<1024x128xbf16>
    %mul3A_363 = arith.constant 5.000000e-01 : bf16
    %mul3A_364 = vector.broadcast %mul3A_363 : bf16 to vector<1024x128xbf16>
    %mul3A_365 = arith.mulf %mul3A_364, %tanh3A_362 : vector<1024x128xbf16>
    %add3A_366 = arith.constant 5.000000e-01 : bf16
    %add3A_367 = vector.broadcast %add3A_366 : bf16 to vector<1024x128xbf16>
    %add3A_368 = arith.addf %mul3A_365, %add3A_367 : vector<1024x128xbf16>
    %slice3A_369 = vector.extract_strided_slice %add3A_352 {offsets = [0, 256], sizes = [1024, 128], strides = [1, 1]} : vector<1024x512xbf16> to vector<1024x128xbf16>
    %tanh3A_370 = math.tanh %slice3A_369 : vector<1024x128xbf16>
    %slice3A_371 = vector.extract_strided_slice %add3A_352 {offsets = [0, 384], sizes = [1024, 128], strides = [1, 1]} : vector<1024x512xbf16> to vector<1024x128xbf16>
    %tanh3A_372 = math.tanh %slice3A_371 : vector<1024x128xbf16>
    %mul3A_373 = arith.constant 5.000000e-01 : bf16
    %mul3A_374 = vector.broadcast %mul3A_373 : bf16 to vector<1024x128xbf16>
    %mul3A_375 = arith.mulf %mul3A_374, %tanh3A_372 : vector<1024x128xbf16>
    %add3A_376 = arith.constant 5.000000e-01 : bf16
    %add3A_377 = vector.broadcast %add3A_376 : bf16 to vector<1024x128xbf16>
    %add3A_378 = arith.addf %mul3A_375, %add3A_377 : vector<1024x128xbf16>
    %convert_element_type3A_379 = arith.extf %add3A_368 : vector<1024x128xbf16> to vector<1024x128xf32>
    %get3A_380 = arith.constant 0 : index
    %get3A_381 = arith.constant 0 : index
    %get3A_382 = vector.load %arg18[%get3A_380, %get3A_381] : memref<1024x128xf32, #tpu.memory_space<vmem>>, vector<1024x128xf32>
    %mul3A_383 = arith.mulf %convert_element_type3A_379, %get3A_382 : vector<1024x128xf32>
    %mul3A_384 = arith.mulf %add3A_360, %tanh3A_370 : vector<1024x128xbf16>
    %convert_element_type3A_385 = arith.extf %mul3A_384 : vector<1024x128xbf16> to vector<1024x128xf32>
    %add3A_386 = arith.addf %mul3A_383, %convert_element_type3A_385 : vector<1024x128xf32>
    %convert_element_type3A_387 = arith.extf %add3A_378 : vector<1024x128xbf16> to vector<1024x128xf32>
    %tanh3A_388 = math.tanh %add3A_386 : vector<1024x128xf32>
    %mul3A_389 = arith.mulf %convert_element_type3A_387, %tanh3A_388 : vector<1024x128xf32>
    %swap3A_390 = arith.constant 0 : index
    %swap3A_391 = arith.constant 0 : index
    %swap3A_392 = vector.load %arg18[%swap3A_390, %swap3A_391] : memref<1024x128xf32, #tpu.memory_space<vmem>>, vector<1024x128xf32>
    tpu.vector_store %arg18[%swap3A_390, %swap3A_391], %add3A_386 {strides = array<i32>} : memref<1024x128xf32, #tpu.memory_space<vmem>>, vector<1024x128xf32>,
    %convert_element_type3A_393 = arith.truncf %mul3A_389 : vector<1024x128xf32> to vector<1024x128xbf16>
    %swap3A_394 = arith.constant 0 : index
    %swap3A_395 = arith.constant 128 : index
    %swap3A_396 = vector.load %arg17[%swap3A_394, %swap3A_395] : memref<1024x256xbf16, #tpu.memory_space<vmem>>, vector<1024x128xbf16>
    tpu.vector_store %arg17[%swap3A_394, %swap3A_395], %convert_element_type3A_393 {strides = array<i32>} : memref<1024x256xbf16, #tpu.memory_space<vmem>>, vector<1024x128xbf16>,
    %get3A_397 = arith.constant 3 : index
    %get3A_398 = arith.constant 0 : index
    %get3A_399 = arith.constant 0 : index
    %get3A_400 = vector.load %arg1[%get3A_397, %get3A_398, %get3A_399] : memref<8x1024x128xf32, #tpu.memory_space<vmem>>, vector<1x1024x128xf32>
    %get3A_401 = vector.shape_cast %get3A_400 : vector<1x1024x128xf32> to vector<1024x128xf32>
    %get3A_402 = arith.constant 0 : index
    %get3A_403 = arith.constant 0 : index
    %get3A_404 = vector.load %arg3[%get3A_402, %get3A_403] : memref<256x512xbf16, #tpu.memory_space<vmem>>, vector<256x512xbf16>
    %get3A_405 = arith.constant 0 : index
    %get3A_406 = arith.constant 0 : index
    %get3A_407 = vector.load %arg4[%get3A_405, %get3A_406] : memref<1x512xbf16, #tpu.memory_space<vmem>>, vector<1x512xbf16>
    %convert_element_type3A_408 = arith.truncf %get3A_401 : vector<1024x128xf32> to vector<1024x128xbf16>
    %swap3A_409 = arith.constant 0 : index
    %swap3A_410 = arith.constant 0 : index
    %swap3A_411 = vector.load %arg15[%swap3A_409, %swap3A_410] : memref<1024x256xbf16, #tpu.memory_space<vmem>>, vector<1024x128xbf16>
    tpu.vector_store %arg15[%swap3A_409, %swap3A_410], %convert_element_type3A_408 {strides = array<i32>} : memref<1024x256xbf16, #tpu.memory_space<vmem>>, vector<1024x128xbf16>,
    %get3A_412 = arith.constant 0 : index
    %get3A_413 = arith.constant 0 : index
    %get3A_414 = vector.load %arg15[%get3A_412, %get3A_413] : memref<1024x256xbf16, #tpu.memory_space<vmem>>, vector<1024x256xbf16>
    %dot_general3A_415 = arith.constant dense<0.000000e+00> : vector<1024x512xf32>
    %dot_general3A_416 = tpu.matmul %get3A_414, %get3A_404, %dot_general3A_415 {dimension_numbers = #tpu.dot_dimension_numbers<[1], [0], [0], [1], [0, 0, 1, 1], [], []>, transpose_lhs_hint = false} : vector<1024x256xbf16>, vector<256x512xbf16>, vector<1024x512xf32> -> vector<1024x512xf32>
    %convert_element_type3A_417 = arith.truncf %dot_general3A_416 : vector<1024x512xf32> to vector<1024x512xbf16>
    %add3A_418 = vector.broadcast %get3A_407 : vector<1x512xbf16> to vector<1024x512xbf16>
    %add3A_419 = arith.addf %convert_element_type3A_417, %add3A_418 : vector<1024x512xbf16>
    %slice3A_420 = vector.extract_strided_slice %add3A_419 {offsets = [0, 0], sizes = [1024, 128], strides = [1, 1]} : vector<1024x512xbf16> to vector<1024x128xbf16>
    %tanh3A_421 = math.tanh %slice3A_420 : vector<1024x128xbf16>
    %mul3A_422 = arith.constant 5.000000e-01 : bf16
    %mul3A_423 = vector.broadcast %mul3A_422 : bf16 to vector<1024x128xbf16>
    %mul3A_424 = arith.mulf %mul3A_423, %tanh3A_421 : vector<1024x128xbf16>
    %add3A_425 = arith.constant 5.000000e-01 : bf16
    %add3A_426 = vector.broadcast %add3A_425 : bf16 to vector<1024x128xbf16>
    %add3A_427 = arith.addf %mul3A_424, %add3A_426 : vector<1024x128xbf16>
    %slice3A_428 = vector.extract_strided_slice %add3A_419 {offsets = [0, 128], sizes = [1024, 128], strides = [1, 1]} : vector<1024x512xbf16> to vector<1024x128xbf16>
    %tanh3A_429 = math.tanh %slice3A_428 : vector<1024x128xbf16>
    %mul3A_430 = arith.constant 5.000000e-01 : bf16
    %mul3A_431 = vector.broadcast %mul3A_430 : bf16 to vector<1024x128xbf16>
    %mul3A_432 = arith.mulf %mul3A_431, %tanh3A_429 : vector<1024x128xbf16>
    %add3A_433 = arith.constant 5.000000e-01 : bf16
    %add3A_434 = vector.broadcast %add3A_433 : bf16 to vector<1024x128xbf16>
    %add3A_435 = arith.addf %mul3A_432, %add3A_434 : vector<1024x128xbf16>
    %slice3A_436 = vector.extract_strided_slice %add3A_419 {offsets = [0, 256], sizes = [1024, 128], strides = [1, 1]} : vector<1024x512xbf16> to vector<1024x128xbf16>
    %tanh3A_437 = math.tanh %slice3A_436 : vector<1024x128xbf16>
    %slice3A_438 = vector.extract_strided_slice %add3A_419 {offsets = [0, 384], sizes = [1024, 128], strides = [1, 1]} : vector<1024x512xbf16> to vector<1024x128xbf16>
    %tanh3A_439 = math.tanh %slice3A_438 : vector<1024x128xbf16>
    %mul3A_440 = arith.constant 5.000000e-01 : bf16
    %mul3A_441 = vector.broadcast %mul3A_440 : bf16 to vector<1024x128xbf16>
    %mul3A_442 = arith.mulf %mul3A_441, %tanh3A_439 : vector<1024x128xbf16>
    %add3A_443 = arith.constant 5.000000e-01 : bf16
    %add3A_444 = vector.broadcast %add3A_443 : bf16 to vector<1024x128xbf16>
    %add3A_445 = arith.addf %mul3A_442, %add3A_444 : vector<1024x128xbf16>
    %convert_element_type3A_446 = arith.extf %add3A_435 : vector<1024x128xbf16> to vector<1024x128xf32>
    %get3A_447 = arith.constant 0 : index
    %get3A_448 = arith.constant 0 : index
    %get3A_449 = vector.load %arg16[%get3A_447, %get3A_448] : memref<1024x128xf32, #tpu.memory_space<vmem>>, vector<1024x128xf32>
    %mul3A_450 = arith.mulf %convert_element_type3A_446, %get3A_449 : vector<1024x128xf32>
    %mul3A_451 = arith.mulf %add3A_427, %tanh3A_437 : vector<1024x128xbf16>
    %convert_element_type3A_452 = arith.extf %mul3A_451 : vector<1024x128xbf16> to vector<1024x128xf32>
    %add3A_453 = arith.addf %mul3A_450, %convert_element_type3A_452 : vector<1024x128xf32>
    %convert_element_type3A_454 = arith.extf %add3A_445 : vector<1024x128xbf16> to vector<1024x128xf32>
    %tanh3A_455 = math.tanh %add3A_453 : vector<1024x128xf32>
    %mul3A_456 = arith.mulf %convert_element_type3A_454, %tanh3A_455 : vector<1024x128xf32>
    %swap3A_457 = arith.constant 0 : index
    %swap3A_458 = arith.constant 0 : index
    %swap3A_459 = vector.load %arg16[%swap3A_457, %swap3A_458] : memref<1024x128xf32, #tpu.memory_space<vmem>>, vector<1024x128xf32>
    tpu.vector_store %arg16[%swap3A_457, %swap3A_458], %add3A_453 {strides = array<i32>} : memref<1024x128xf32, #tpu.memory_space<vmem>>, vector<1024x128xf32>,
    %convert_element_type3A_460 = arith.truncf %mul3A_456 : vector<1024x128xf32> to vector<1024x128xbf16>
    %swap3A_461 = arith.constant 0 : index
    %swap3A_462 = arith.constant 128 : index
    %swap3A_463 = vector.load %arg15[%swap3A_461, %swap3A_462] : memref<1024x256xbf16, #tpu.memory_space<vmem>>, vector<1024x128xbf16>
    tpu.vector_store %arg15[%swap3A_461, %swap3A_462], %convert_element_type3A_460 {strides = array<i32>} : memref<1024x256xbf16, #tpu.memory_space<vmem>>, vector<1024x128xbf16>,
    %get3A_464 = arith.constant 4 : index
    %get3A_465 = arith.constant 0 : index
    %get3A_466 = arith.constant 0 : index
    %get3A_467 = vector.load %arg2[%get3A_464, %get3A_465, %get3A_466] : memref<8x1024x128xf32, #tpu.memory_space<vmem>>, vector<1x1024x128xf32>
    %get3A_468 = vector.shape_cast %get3A_467 : vector<1x1024x128xf32> to vector<1024x128xf32>
    %get3A_469 = arith.constant 0 : index
    %get3A_470 = arith.constant 0 : index
    %get3A_471 = vector.load %arg5[%get3A_469, %get3A_470] : memref<256x512xbf16, #tpu.memory_space<vmem>>, vector<256x512xbf16>
    %get3A_472 = arith.constant 0 : index
    %get3A_473 = arith.constant 0 : index
    %get3A_474 = vector.load %arg6[%get3A_472, %get3A_473] : memref<1x512xbf16, #tpu.memory_space<vmem>>, vector<1x512xbf16>
    %convert_element_type3A_475 = arith.truncf %get3A_468 : vector<1024x128xf32> to vector<1024x128xbf16>
    %swap3A_476 = arith.constant 0 : index
    %swap3A_477 = arith.constant 0 : index
    %swap3A_478 = vector.load %arg17[%swap3A_476, %swap3A_477] : memref<1024x256xbf16, #tpu.memory_space<vmem>>, vector<1024x128xbf16>
    tpu.vector_store %arg17[%swap3A_476, %swap3A_477], %convert_element_type3A_475 {strides = array<i32>} : memref<1024x256xbf16, #tpu.memory_space<vmem>>, vector<1024x128xbf16>,
    %get3A_479 = arith.constant 0 : index
    %get3A_480 = arith.constant 0 : index
    %get3A_481 = vector.load %arg17[%get3A_479, %get3A_480] : memref<1024x256xbf16, #tpu.memory_space<vmem>>, vector<1024x256xbf16>
    %dot_general3A_482 = arith.constant dense<0.000000e+00> : vector<1024x512xf32>
    %dot_general3A_483 = tpu.matmul %get3A_481, %get3A_471, %dot_general3A_482 {dimension_numbers = #tpu.dot_dimension_numbers<[1], [0], [0], [1], [0, 0, 1, 1], [], []>, transpose_lhs_hint = false} : vector<1024x256xbf16>, vector<256x512xbf16>, vector<1024x512xf32> -> vector<1024x512xf32>
    %convert_element_type3A_484 = arith.truncf %dot_general3A_483 : vector<1024x512xf32> to vector<1024x512xbf16>
    %add3A_485 = vector.broadcast %get3A_474 : vector<1x512xbf16> to vector<1024x512xbf16>
    %add3A_486 = arith.addf %convert_element_type3A_484, %add3A_485 : vector<1024x512xbf16>
    %slice3A_487 = vector.extract_strided_slice %add3A_486 {offsets = [0, 0], sizes = [1024, 128], strides = [1, 1]} : vector<1024x512xbf16> to vector<1024x128xbf16>
    %tanh3A_488 = math.tanh %slice3A_487 : vector<1024x128xbf16>
    %mul3A_489 = arith.constant 5.000000e-01 : bf16
    %mul3A_490 = vector.broadcast %mul3A_489 : bf16 to vector<1024x128xbf16>
    %mul3A_491 = arith.mulf %mul3A_490, %tanh3A_488 : vector<1024x128xbf16>
    %add3A_492 = arith.constant 5.000000e-01 : bf16
    %add3A_493 = vector.broadcast %add3A_492 : bf16 to vector<1024x128xbf16>
    %add3A_494 = arith.addf %mul3A_491, %add3A_493 : vector<1024x128xbf16>
    %slice3A_495 = vector.extract_strided_slice %add3A_486 {offsets = [0, 128], sizes = [1024, 128], strides = [1, 1]} : vector<1024x512xbf16> to vector<1024x128xbf16>
    %tanh3A_496 = math.tanh %slice3A_495 : vector<1024x128xbf16>
    %mul3A_497 = arith.constant 5.000000e-01 : bf16
    %mul3A_498 = vector.broadcast %mul3A_497 : bf16 to vector<1024x128xbf16>
    %mul3A_499 = arith.mulf %mul3A_498, %tanh3A_496 : vector<1024x128xbf16>
    %add3A_500 = arith.constant 5.000000e-01 : bf16
    %add3A_501 = vector.broadcast %add3A_500 : bf16 to vector<1024x128xbf16>
    %add3A_502 = arith.addf %mul3A_499, %add3A_501 : vector<1024x128xbf16>
    %slice3A_503 = vector.extract_strided_slice %add3A_486 {offsets = [0, 256], sizes = [1024, 128], strides = [1, 1]} : vector<1024x512xbf16> to vector<1024x128xbf16>
    %tanh3A_504 = math.tanh %slice3A_503 : vector<1024x128xbf16>
    %slice3A_505 = vector.extract_strided_slice %add3A_486 {offsets = [0, 384], sizes = [1024, 128], strides = [1, 1]} : vector<1024x512xbf16> to vector<1024x128xbf16>
    %tanh3A_506 = math.tanh %slice3A_505 : vector<1024x128xbf16>
    %mul3A_507 = arith.constant 5.000000e-01 : bf16
    %mul3A_508 = vector.broadcast %mul3A_507 : bf16 to vector<1024x128xbf16>
    %mul3A_509 = arith.mulf %mul3A_508, %tanh3A_506 : vector<1024x128xbf16>
    %add3A_510 = arith.constant 5.000000e-01 : bf16
    %add3A_511 = vector.broadcast %add3A_510 : bf16 to vector<1024x128xbf16>
    %add3A_512 = arith.addf %mul3A_509, %add3A_511 : vector<1024x128xbf16>
    %convert_element_type3A_513 = arith.extf %add3A_502 : vector<1024x128xbf16> to vector<1024x128xf32>
    %get3A_514 = arith.constant 0 : index
    %get3A_515 = arith.constant 0 : index
    %get3A_516 = vector.load %arg18[%get3A_514, %get3A_515] : memref<1024x128xf32, #tpu.memory_space<vmem>>, vector<1024x128xf32>
    %mul3A_517 = arith.mulf %convert_element_type3A_513, %get3A_516 : vector<1024x128xf32>
    %mul3A_518 = arith.mulf %add3A_494, %tanh3A_504 : vector<1024x128xbf16>
    %convert_element_type3A_519 = arith.extf %mul3A_518 : vector<1024x128xbf16> to vector<1024x128xf32>
    %add3A_520 = arith.addf %mul3A_517, %convert_element_type3A_519 : vector<1024x128xf32>
    %convert_element_type3A_521 = arith.extf %add3A_512 : vector<1024x128xbf16> to vector<1024x128xf32>
    %tanh3A_522 = math.tanh %add3A_520 : vector<1024x128xf32>
    %mul3A_523 = arith.mulf %convert_element_type3A_521, %tanh3A_522 : vector<1024x128xf32>
    %swap3A_524 = arith.constant 0 : index
    %swap3A_525 = arith.constant 0 : index
    %swap3A_526 = vector.load %arg18[%swap3A_524, %swap3A_525] : memref<1024x128xf32, #tpu.memory_space<vmem>>, vector<1024x128xf32>
    tpu.vector_store %arg18[%swap3A_524, %swap3A_525], %add3A_520 {strides = array<i32>} : memref<1024x128xf32, #tpu.memory_space<vmem>>, vector<1024x128xf32>,
    %convert_element_type3A_527 = arith.truncf %mul3A_523 : vector<1024x128xf32> to vector<1024x128xbf16>
    %swap3A_528 = arith.constant 0 : index
    %swap3A_529 = arith.constant 128 : index
    %swap3A_530 = vector.load %arg17[%swap3A_528, %swap3A_529] : memref<1024x256xbf16, #tpu.memory_space<vmem>>, vector<1024x128xbf16>
    tpu.vector_store %arg17[%swap3A_528, %swap3A_529], %convert_element_type3A_527 {strides = array<i32>} : memref<1024x256xbf16, #tpu.memory_space<vmem>>, vector<1024x128xbf16>,
    %get3A_531 = arith.constant 4 : index
    %get3A_532 = arith.constant 0 : index
    %get3A_533 = arith.constant 0 : index
    %get3A_534 = vector.load %arg1[%get3A_531, %get3A_532, %get3A_533] : memref<8x1024x128xf32, #tpu.memory_space<vmem>>, vector<1x1024x128xf32>
    %get3A_535 = vector.shape_cast %get3A_534 : vector<1x1024x128xf32> to vector<1024x128xf32>
    %get3A_536 = arith.constant 0 : index
    %get3A_537 = arith.constant 0 : index
    %get3A_538 = vector.load %arg3[%get3A_536, %get3A_537] : memref<256x512xbf16, #tpu.memory_space<vmem>>, vector<256x512xbf16>
    %get3A_539 = arith.constant 0 : index
    %get3A_540 = arith.constant 0 : index
    %get3A_541 = vector.load %arg4[%get3A_539, %get3A_540] : memref<1x512xbf16, #tpu.memory_space<vmem>>, vector<1x512xbf16>
    %convert_element_type3A_542 = arith.truncf %get3A_535 : vector<1024x128xf32> to vector<1024x128xbf16>
    %swap3A_543 = arith.constant 0 : index
    %swap3A_544 = arith.constant 0 : index
    %swap3A_545 = vector.load %arg15[%swap3A_543, %swap3A_544] : memref<1024x256xbf16, #tpu.memory_space<vmem>>, vector<1024x128xbf16>
    tpu.vector_store %arg15[%swap3A_543, %swap3A_544], %convert_element_type3A_542 {strides = array<i32>} : memref<1024x256xbf16, #tpu.memory_space<vmem>>, vector<1024x128xbf16>,
    %get3A_546 = arith.constant 0 : index
    %get3A_547 = arith.constant 0 : index
    %get3A_548 = vector.load %arg15[%get3A_546, %get3A_547] : memref<1024x256xbf16, #tpu.memory_space<vmem>>, vector<1024x256xbf16>
    %dot_general3A_549 = arith.constant dense<0.000000e+00> : vector<1024x512xf32>
    %dot_general3A_550 = tpu.matmul %get3A_548, %get3A_538, %dot_general3A_549 {dimension_numbers = #tpu.dot_dimension_numbers<[1], [0], [0], [1], [0, 0, 1, 1], [], []>, transpose_lhs_hint = false} : vector<1024x256xbf16>, vector<256x512xbf16>, vector<1024x512xf32> -> vector<1024x512xf32>
    %convert_element_type3A_551 = arith.truncf %dot_general3A_550 : vector<1024x512xf32> to vector<1024x512xbf16>
    %add3A_552 = vector.broadcast %get3A_541 : vector<1x512xbf16> to vector<1024x512xbf16>
    %add3A_553 = arith.addf %convert_element_type3A_551, %add3A_552 : vector<1024x512xbf16>
    %slice3A_554 = vector.extract_strided_slice %add3A_553 {offsets = [0, 0], sizes = [1024, 128], strides = [1, 1]} : vector<1024x512xbf16> to vector<1024x128xbf16>
    %tanh3A_555 = math.tanh %slice3A_554 : vector<1024x128xbf16>
    %mul3A_556 = arith.constant 5.000000e-01 : bf16
    %mul3A_557 = vector.broadcast %mul3A_556 : bf16 to vector<1024x128xbf16>
    %mul3A_558 = arith.mulf %mul3A_557, %tanh3A_555 : vector<1024x128xbf16>
    %add3A_559 = arith.constant 5.000000e-01 : bf16
    %add3A_560 = vector.broadcast %add3A_559 : bf16 to vector<1024x128xbf16>
    %add3A_561 = arith.addf %mul3A_558, %add3A_560 : vector<1024x128xbf16>
    %slice3A_562 = vector.extract_strided_slice %add3A_553 {offsets = [0, 128], sizes = [1024, 128], strides = [1, 1]} : vector<1024x512xbf16> to vector<1024x128xbf16>
    %tanh3A_563 = math.tanh %slice3A_562 : vector<1024x128xbf16>
    %mul3A_564 = arith.constant 5.000000e-01 : bf16
    %mul3A_565 = vector.broadcast %mul3A_564 : bf16 to vector<1024x128xbf16>
    %mul3A_566 = arith.mulf %mul3A_565, %tanh3A_563 : vector<1024x128xbf16>
    %add3A_567 = arith.constant 5.000000e-01 : bf16
    %add3A_568 = vector.broadcast %add3A_567 : bf16 to vector<1024x128xbf16>
    %add3A_569 = arith.addf %mul3A_566, %add3A_568 : vector<1024x128xbf16>
    %slice3A_570 = vector.extract_strided_slice %add3A_553 {offsets = [0, 256], sizes = [1024, 128], strides = [1, 1]} : vector<1024x512xbf16> to vector<1024x128xbf16>
    %tanh3A_571 = math.tanh %slice3A_570 : vector<1024x128xbf16>
    %slice3A_572 = vector.extract_strided_slice %add3A_553 {offsets = [0, 384], sizes = [1024, 128], strides = [1, 1]} : vector<1024x512xbf16> to vector<1024x128xbf16>
    %tanh3A_573 = math.tanh %slice3A_572 : vector<1024x128xbf16>
    %mul3A_574 = arith.constant 5.000000e-01 : bf16
    %mul3A_575 = vector.broadcast %mul3A_574 : bf16 to vector<1024x128xbf16>
    %mul3A_576 = arith.mulf %mul3A_575, %tanh3A_573 : vector<1024x128xbf16>
    %add3A_577 = arith.constant 5.000000e-01 : bf16
    %add3A_578 = vector.broadcast %add3A_577 : bf16 to vector<1024x128xbf16>
    %add3A_579 = arith.addf %mul3A_576, %add3A_578 : vector<1024x128xbf16>
    %convert_element_type3A_580 = arith.extf %add3A_569 : vector<1024x128xbf16> to vector<1024x128xf32>
    %get3A_581 = arith.constant 0 : index
    %get3A_582 = arith.constant 0 : index
    %get3A_583 = vector.load %arg16[%get3A_581, %get3A_582] : memref<1024x128xf32, #tpu.memory_space<vmem>>, vector<1024x128xf32>
    %mul3A_584 = arith.mulf %convert_element_type3A_580, %get3A_583 : vector<1024x128xf32>
    %mul3A_585 = arith.mulf %add3A_561, %tanh3A_571 : vector<1024x128xbf16>
    %convert_element_type3A_586 = arith.extf %mul3A_585 : vector<1024x128xbf16> to vector<1024x128xf32>
    %add3A_587 = arith.addf %mul3A_584, %convert_element_type3A_586 : vector<1024x128xf32>
    %convert_element_type3A_588 = arith.extf %add3A_579 : vector<1024x128xbf16> to vector<1024x128xf32>
    %tanh3A_589 = math.tanh %add3A_587 : vector<1024x128xf32>
    %mul3A_590 = arith.mulf %convert_element_type3A_588, %tanh3A_589 : vector<1024x128xf32>
    %swap3A_591 = arith.constant 0 : index
    %swap3A_592 = arith.constant 0 : index
    %swap3A_593 = vector.load %arg16[%swap3A_591, %swap3A_592] : memref<1024x128xf32, #tpu.memory_space<vmem>>, vector<1024x128xf32>
    tpu.vector_store %arg16[%swap3A_591, %swap3A_592], %add3A_587 {strides = array<i32>} : memref<1024x128xf32, #tpu.memory_space<vmem>>, vector<1024x128xf32>,
    %convert_element_type3A_594 = arith.truncf %mul3A_590 : vector<1024x128xf32> to vector<1024x128xbf16>
    %swap3A_595 = arith.constant 0 : index
    %swap3A_596 = arith.constant 128 : index
    %swap3A_597 = vector.load %arg15[%swap3A_595, %swap3A_596] : memref<1024x256xbf16, #tpu.memory_space<vmem>>, vector<1024x128xbf16>
    tpu.vector_store %arg15[%swap3A_595, %swap3A_596], %convert_element_type3A_594 {strides = array<i32>} : memref<1024x256xbf16, #tpu.memory_space<vmem>>, vector<1024x128xbf16>,
    %get3A_598 = arith.constant 3 : index
    %get3A_599 = arith.constant 0 : index
    %get3A_600 = arith.constant 0 : index
    %get3A_601 = vector.load %arg2[%get3A_598, %get3A_599, %get3A_600] : memref<8x1024x128xf32, #tpu.memory_space<vmem>>, vector<1x1024x128xf32>
    %get3A_602 = vector.shape_cast %get3A_601 : vector<1x1024x128xf32> to vector<1024x128xf32>
    %get3A_603 = arith.constant 0 : index
    %get3A_604 = arith.constant 0 : index
    %get3A_605 = vector.load %arg5[%get3A_603, %get3A_604] : memref<256x512xbf16, #tpu.memory_space<vmem>>, vector<256x512xbf16>
    %get3A_606 = arith.constant 0 : index
    %get3A_607 = arith.constant 0 : index
    %get3A_608 = vector.load %arg6[%get3A_606, %get3A_607] : memref<1x512xbf16, #tpu.memory_space<vmem>>, vector<1x512xbf16>
    %convert_element_type3A_609 = arith.truncf %get3A_602 : vector<1024x128xf32> to vector<1024x128xbf16>
    %swap3A_610 = arith.constant 0 : index
    %swap3A_611 = arith.constant 0 : index
    %swap3A_612 = vector.load %arg17[%swap3A_610, %swap3A_611] : memref<1024x256xbf16, #tpu.memory_space<vmem>>, vector<1024x128xbf16>
    tpu.vector_store %arg17[%swap3A_610, %swap3A_611], %convert_element_type3A_609 {strides = array<i32>} : memref<1024x256xbf16, #tpu.memory_space<vmem>>, vector<1024x128xbf16>,
    %get3A_613 = arith.constant 0 : index
    %get3A_614 = arith.constant 0 : index
    %get3A_615 = vector.load %arg17[%get3A_613, %get3A_614] : memref<1024x256xbf16, #tpu.memory_space<vmem>>, vector<1024x256xbf16>
    %dot_general3A_616 = arith.constant dense<0.000000e+00> : vector<1024x512xf32>
    %dot_general3A_617 = tpu.matmul %get3A_615, %get3A_605, %dot_general3A_616 {dimension_numbers = #tpu.dot_dimension_numbers<[1], [0], [0], [1], [0, 0, 1, 1], [], []>, transpose_lhs_hint = false} : vector<1024x256xbf16>, vector<256x512xbf16>, vector<1024x512xf32> -> vector<1024x512xf32>
    %convert_element_type3A_618 = arith.truncf %dot_general3A_617 : vector<1024x512xf32> to vector<1024x512xbf16>
    %add3A_619 = vector.broadcast %get3A_608 : vector<1x512xbf16> to vector<1024x512xbf16>
    %add3A_620 = arith.addf %convert_element_type3A_618, %add3A_619 : vector<1024x512xbf16>
    %slice3A_621 = vector.extract_strided_slice %add3A_620 {offsets = [0, 0], sizes = [1024, 128], strides = [1, 1]} : vector<1024x512xbf16> to vector<1024x128xbf16>
    %tanh3A_622 = math.tanh %slice3A_621 : vector<1024x128xbf16>
    %mul3A_623 = arith.constant 5.000000e-01 : bf16
    %mul3A_624 = vector.broadcast %mul3A_623 : bf16 to vector<1024x128xbf16>
    %mul3A_625 = arith.mulf %mul3A_624, %tanh3A_622 : vector<1024x128xbf16>
    %add3A_626 = arith.constant 5.000000e-01 : bf16
    %add3A_627 = vector.broadcast %add3A_626 : bf16 to vector<1024x128xbf16>
    %add3A_628 = arith.addf %mul3A_625, %add3A_627 : vector<1024x128xbf16>
    %slice3A_629 = vector.extract_strided_slice %add3A_620 {offsets = [0, 128], sizes = [1024, 128], strides = [1, 1]} : vector<1024x512xbf16> to vector<1024x128xbf16>
    %tanh3A_630 = math.tanh %slice3A_629 : vector<1024x128xbf16>
    %mul3A_631 = arith.constant 5.000000e-01 : bf16
    %mul3A_632 = vector.broadcast %mul3A_631 : bf16 to vector<1024x128xbf16>
    %mul3A_633 = arith.mulf %mul3A_632, %tanh3A_630 : vector<1024x128xbf16>
    %add3A_634 = arith.constant 5.000000e-01 : bf16
    %add3A_635 = vector.broadcast %add3A_634 : bf16 to vector<1024x128xbf16>
    %add3A_636 = arith.addf %mul3A_633, %add3A_635 : vector<1024x128xbf16>
    %slice3A_637 = vector.extract_strided_slice %add3A_620 {offsets = [0, 256], sizes = [1024, 128], strides = [1, 1]} : vector<1024x512xbf16> to vector<1024x128xbf16>
    %tanh3A_638 = math.tanh %slice3A_637 : vector<1024x128xbf16>
    %slice3A_639 = vector.extract_strided_slice %add3A_620 {offsets = [0, 384], sizes = [1024, 128], strides = [1, 1]} : vector<1024x512xbf16> to vector<1024x128xbf16>
    %tanh3A_640 = math.tanh %slice3A_639 : vector<1024x128xbf16>
    %mul3A_641 = arith.constant 5.000000e-01 : bf16
    %mul3A_642 = vector.broadcast %mul3A_641 : bf16 to vector<1024x128xbf16>
    %mul3A_643 = arith.mulf %mul3A_642, %tanh3A_640 : vector<1024x128xbf16>
    %add3A_644 = arith.constant 5.000000e-01 : bf16
    %add3A_645 = vector.broadcast %add3A_644 : bf16 to vector<1024x128xbf16>
    %add3A_646 = arith.addf %mul3A_643, %add3A_645 : vector<1024x128xbf16>
    %convert_element_type3A_647 = arith.extf %add3A_636 : vector<1024x128xbf16> to vector<1024x128xf32>
    %get3A_648 = arith.constant 0 : index
    %get3A_649 = arith.constant 0 : index
    %get3A_650 = vector.load %arg18[%get3A_648, %get3A_649] : memref<1024x128xf32, #tpu.memory_space<vmem>>, vector<1024x128xf32>
    %mul3A_651 = arith.mulf %convert_element_type3A_647, %get3A_650 : vector<1024x128xf32>
    %mul3A_652 = arith.mulf %add3A_628, %tanh3A_638 : vector<1024x128xbf16>
    %convert_element_type3A_653 = arith.extf %mul3A_652 : vector<1024x128xbf16> to vector<1024x128xf32>
    %add3A_654 = arith.addf %mul3A_651, %convert_element_type3A_653 : vector<1024x128xf32>
    %convert_element_type3A_655 = arith.extf %add3A_646 : vector<1024x128xbf16> to vector<1024x128xf32>
    %tanh3A_656 = math.tanh %add3A_654 : vector<1024x128xf32>
    %mul3A_657 = arith.mulf %convert_element_type3A_655, %tanh3A_656 : vector<1024x128xf32>
    %swap3A_658 = arith.constant 0 : index
    %swap3A_659 = arith.constant 0 : index
    %swap3A_660 = vector.load %arg18[%swap3A_658, %swap3A_659] : memref<1024x128xf32, #tpu.memory_space<vmem>>, vector<1024x128xf32>
    tpu.vector_store %arg18[%swap3A_658, %swap3A_659], %add3A_654 {strides = array<i32>} : memref<1024x128xf32, #tpu.memory_space<vmem>>, vector<1024x128xf32>,
    %convert_element_type3A_661 = arith.truncf %mul3A_657 : vector<1024x128xf32> to vector<1024x128xbf16>
    %swap3A_662 = arith.constant 0 : index
    %swap3A_663 = arith.constant 128 : index
    %swap3A_664 = vector.load %arg17[%swap3A_662, %swap3A_663] : memref<1024x256xbf16, #tpu.memory_space<vmem>>, vector<1024x128xbf16>
    tpu.vector_store %arg17[%swap3A_662, %swap3A_663], %convert_element_type3A_661 {strides = array<i32>} : memref<1024x256xbf16, #tpu.memory_space<vmem>>, vector<1024x128xbf16>,
    %get3A_665 = arith.constant 5 : index
    %get3A_666 = arith.constant 0 : index
    %get3A_667 = arith.constant 0 : index
    %get3A_668 = vector.load %arg1[%get3A_665, %get3A_666, %get3A_667] : memref<8x1024x128xf32, #tpu.memory_space<vmem>>, vector<1x1024x128xf32>
    %get3A_669 = vector.shape_cast %get3A_668 : vector<1x1024x128xf32> to vector<1024x128xf32>
    %get3A_670 = arith.constant 0 : index
    %get3A_671 = arith.constant 0 : index
    %get3A_672 = vector.load %arg3[%get3A_670, %get3A_671] : memref<256x512xbf16, #tpu.memory_space<vmem>>, vector<256x512xbf16>
    %get3A_673 = arith.constant 0 : index
    %get3A_674 = arith.constant 0 : index
    %get3A_675 = vector.load %arg4[%get3A_673, %get3A_674] : memref<1x512xbf16, #tpu.memory_space<vmem>>, vector<1x512xbf16>
    %convert_element_type3A_676 = arith.truncf %get3A_669 : vector<1024x128xf32> to vector<1024x128xbf16>
    %swap3A_677 = arith.constant 0 : index
    %swap3A_678 = arith.constant 0 : index
    %swap3A_679 = vector.load %arg15[%swap3A_677, %swap3A_678] : memref<1024x256xbf16, #tpu.memory_space<vmem>>, vector<1024x128xbf16>
    tpu.vector_store %arg15[%swap3A_677, %swap3A_678], %convert_element_type3A_676 {strides = array<i32>} : memref<1024x256xbf16, #tpu.memory_space<vmem>>, vector<1024x128xbf16>,
    %get3A_680 = arith.constant 0 : index
    %get3A_681 = arith.constant 0 : index
    %get3A_682 = vector.load %arg15[%get3A_680, %get3A_681] : memref<1024x256xbf16, #tpu.memory_space<vmem>>, vector<1024x256xbf16>
    %dot_general3A_683 = arith.constant dense<0.000000e+00> : vector<1024x512xf32>
    %dot_general3A_684 = tpu.matmul %get3A_682, %get3A_672, %dot_general3A_683 {dimension_numbers = #tpu.dot_dimension_numbers<[1], [0], [0], [1], [0, 0, 1, 1], [], []>, transpose_lhs_hint = false} : vector<1024x256xbf16>, vector<256x512xbf16>, vector<1024x512xf32> -> vector<1024x512xf32>
    %convert_element_type3A_685 = arith.truncf %dot_general3A_684 : vector<1024x512xf32> to vector<1024x512xbf16>
    %add3A_686 = vector.broadcast %get3A_675 : vector<1x512xbf16> to vector<1024x512xbf16>
    %add3A_687 = arith.addf %convert_element_type3A_685, %add3A_686 : vector<1024x512xbf16>
    %slice3A_688 = vector.extract_strided_slice %add3A_687 {offsets = [0, 0], sizes = [1024, 128], strides = [1, 1]} : vector<1024x512xbf16> to vector<1024x128xbf16>
    %tanh3A_689 = math.tanh %slice3A_688 : vector<1024x128xbf16>
    %mul3A_690 = arith.constant 5.000000e-01 : bf16
    %mul3A_691 = vector.broadcast %mul3A_690 : bf16 to vector<1024x128xbf16>
    %mul3A_692 = arith.mulf %mul3A_691, %tanh3A_689 : vector<1024x128xbf16>
    %add3A_693 = arith.constant 5.000000e-01 : bf16
    %add3A_694 = vector.broadcast %add3A_693 : bf16 to vector<1024x128xbf16>
    %add3A_695 = arith.addf %mul3A_692, %add3A_694 : vector<1024x128xbf16>
    %slice3A_696 = vector.extract_strided_slice %add3A_687 {offsets = [0, 128], sizes = [1024, 128], strides = [1, 1]} : vector<1024x512xbf16> to vector<1024x128xbf16>
    %tanh3A_697 = math.tanh %slice3A_696 : vector<1024x128xbf16>
    %mul3A_698 = arith.constant 5.000000e-01 : bf16
    %mul3A_699 = vector.broadcast %mul3A_698 : bf16 to vector<1024x128xbf16>
    %mul3A_700 = arith.mulf %mul3A_699, %tanh3A_697 : vector<1024x128xbf16>
    %add3A_701 = arith.constant 5.000000e-01 : bf16
    %add3A_702 = vector.broadcast %add3A_701 : bf16 to vector<1024x128xbf16>
    %add3A_703 = arith.addf %mul3A_700, %add3A_702 : vector<1024x128xbf16>
    %slice3A_704 = vector.extract_strided_slice %add3A_687 {offsets = [0, 256], sizes = [1024, 128], strides = [1, 1]} : vector<1024x512xbf16> to vector<1024x128xbf16>
    %tanh3A_705 = math.tanh %slice3A_704 : vector<1024x128xbf16>
    %slice3A_706 = vector.extract_strided_slice %add3A_687 {offsets = [0, 384], sizes = [1024, 128], strides = [1, 1]} : vector<1024x512xbf16> to vector<1024x128xbf16>
    %tanh3A_707 = math.tanh %slice3A_706 : vector<1024x128xbf16>
    %mul3A_708 = arith.constant 5.000000e-01 : bf16
    %mul3A_709 = vector.broadcast %mul3A_708 : bf16 to vector<1024x128xbf16>
    %mul3A_710 = arith.mulf %mul3A_709, %tanh3A_707 : vector<1024x128xbf16>
    %add3A_711 = arith.constant 5.000000e-01 : bf16
    %add3A_712 = vector.broadcast %add3A_711 : bf16 to vector<1024x128xbf16>
    %add3A_713 = arith.addf %mul3A_710, %add3A_712 : vector<1024x128xbf16>
    %convert_element_type3A_714 = arith.extf %add3A_703 : vector<1024x128xbf16> to vector<1024x128xf32>
    %get3A_715 = arith.constant 0 : index
    %get3A_716 = arith.constant 0 : index
    %get3A_717 = vector.load %arg16[%get3A_715, %get3A_716] : memref<1024x128xf32, #tpu.memory_space<vmem>>, vector<1024x128xf32>
    %mul3A_718 = arith.mulf %convert_element_type3A_714, %get3A_717 : vector<1024x128xf32>
    %mul3A_719 = arith.mulf %add3A_695, %tanh3A_705 : vector<1024x128xbf16>
    %convert_element_type3A_720 = arith.extf %mul3A_719 : vector<1024x128xbf16> to vector<1024x128xf32>
    %add3A_721 = arith.addf %mul3A_718, %convert_element_type3A_720 : vector<1024x128xf32>
    %convert_element_type3A_722 = arith.extf %add3A_713 : vector<1024x128xbf16> to vector<1024x128xf32>
    %tanh3A_723 = math.tanh %add3A_721 : vector<1024x128xf32>
    %mul3A_724 = arith.mulf %convert_element_type3A_722, %tanh3A_723 : vector<1024x128xf32>
    %swap3A_725 = arith.constant 0 : index
    %swap3A_726 = arith.constant 0 : index
    %swap3A_727 = vector.load %arg16[%swap3A_725, %swap3A_726] : memref<1024x128xf32, #tpu.memory_space<vmem>>, vector<1024x128xf32>
    tpu.vector_store %arg16[%swap3A_725, %swap3A_726], %add3A_721 {strides = array<i32>} : memref<1024x128xf32, #tpu.memory_space<vmem>>, vector<1024x128xf32>,
    %convert_element_type3A_728 = arith.truncf %mul3A_724 : vector<1024x128xf32> to vector<1024x128xbf16>
    %swap3A_729 = arith.constant 0 : index
    %swap3A_730 = arith.constant 128 : index
    %swap3A_731 = vector.load %arg15[%swap3A_729, %swap3A_730] : memref<1024x256xbf16, #tpu.memory_space<vmem>>, vector<1024x128xbf16>
    tpu.vector_store %arg15[%swap3A_729, %swap3A_730], %convert_element_type3A_728 {strides = array<i32>} : memref<1024x256xbf16, #tpu.memory_space<vmem>>, vector<1024x128xbf16>,
    %get3A_732 = arith.constant 2 : index
    %get3A_733 = arith.constant 0 : index
    %get3A_734 = arith.constant 0 : index
    %get3A_735 = vector.load %arg2[%get3A_732, %get3A_733, %get3A_734] : memref<8x1024x128xf32, #tpu.memory_space<vmem>>, vector<1x1024x128xf32>
    %get3A_736 = vector.shape_cast %get3A_735 : vector<1x1024x128xf32> to vector<1024x128xf32>
    %get3A_737 = arith.constant 0 : index
    %get3A_738 = arith.constant 0 : index
    %get3A_739 = vector.load %arg5[%get3A_737, %get3A_738] : memref<256x512xbf16, #tpu.memory_space<vmem>>, vector<256x512xbf16>
    %get3A_740 = arith.constant 0 : index
    %get3A_741 = arith.constant 0 : index
    %get3A_742 = vector.load %arg6[%get3A_740, %get3A_741] : memref<1x512xbf16, #tpu.memory_space<vmem>>, vector<1x512xbf16>
    %convert_element_type3A_743 = arith.truncf %get3A_736 : vector<1024x128xf32> to vector<1024x128xbf16>
    %swap3A_744 = arith.constant 0 : index
    %swap3A_745 = arith.constant 0 : index
    %swap3A_746 = vector.load %arg17[%swap3A_744, %swap3A_745] : memref<1024x256xbf16, #tpu.memory_space<vmem>>, vector<1024x128xbf16>
    tpu.vector_store %arg17[%swap3A_744, %swap3A_745], %convert_element_type3A_743 {strides = array<i32>} : memref<1024x256xbf16, #tpu.memory_space<vmem>>, vector<1024x128xbf16>,
    %get3A_747 = arith.constant 0 : index
    %get3A_748 = arith.constant 0 : index
    %get3A_749 = vector.load %arg17[%get3A_747, %get3A_748] : memref<1024x256xbf16, #tpu.memory_space<vmem>>, vector<1024x256xbf16>
    %dot_general3A_750 = arith.constant dense<0.000000e+00> : vector<1024x512xf32>
    %dot_general3A_751 = tpu.matmul %get3A_749, %get3A_739, %dot_general3A_750 {dimension_numbers = #tpu.dot_dimension_numbers<[1], [0], [0], [1], [0, 0, 1, 1], [], []>, transpose_lhs_hint = false} : vector<1024x256xbf16>, vector<256x512xbf16>, vector<1024x512xf32> -> vector<1024x512xf32>
    %convert_element_type3A_752 = arith.truncf %dot_general3A_751 : vector<1024x512xf32> to vector<1024x512xbf16>
    %add3A_753 = vector.broadcast %get3A_742 : vector<1x512xbf16> to vector<1024x512xbf16>
    %add3A_754 = arith.addf %convert_element_type3A_752, %add3A_753 : vector<1024x512xbf16>
    %slice3A_755 = vector.extract_strided_slice %add3A_754 {offsets = [0, 0], sizes = [1024, 128], strides = [1, 1]} : vector<1024x512xbf16> to vector<1024x128xbf16>
    %tanh3A_756 = math.tanh %slice3A_755 : vector<1024x128xbf16>
    %mul3A_757 = arith.constant 5.000000e-01 : bf16
    %mul3A_758 = vector.broadcast %mul3A_757 : bf16 to vector<1024x128xbf16>
    %mul3A_759 = arith.mulf %mul3A_758, %tanh3A_756 : vector<1024x128xbf16>
    %add3A_760 = arith.constant 5.000000e-01 : bf16
    %add3A_761 = vector.broadcast %add3A_760 : bf16 to vector<1024x128xbf16>
    %add3A_762 = arith.addf %mul3A_759, %add3A_761 : vector<1024x128xbf16>
    %slice3A_763 = vector.extract_strided_slice %add3A_754 {offsets = [0, 128], sizes = [1024, 128], strides = [1, 1]} : vector<1024x512xbf16> to vector<1024x128xbf16>
    %tanh3A_764 = math.tanh %slice3A_763 : vector<1024x128xbf16>
    %mul3A_765 = arith.constant 5.000000e-01 : bf16
    %mul3A_766 = vector.broadcast %mul3A_765 : bf16 to vector<1024x128xbf16>
    %mul3A_767 = arith.mulf %mul3A_766, %tanh3A_764 : vector<1024x128xbf16>
    %add3A_768 = arith.constant 5.000000e-01 : bf16
    %add3A_769 = vector.broadcast %add3A_768 : bf16 to vector<1024x128xbf16>
    %add3A_770 = arith.addf %mul3A_767, %add3A_769 : vector<1024x128xbf16>
    %slice3A_771 = vector.extract_strided_slice %add3A_754 {offsets = [0, 256], sizes = [1024, 128], strides = [1, 1]} : vector<1024x512xbf16> to vector<1024x128xbf16>
    %tanh3A_772 = math.tanh %slice3A_771 : vector<1024x128xbf16>
    %slice3A_773 = vector.extract_strided_slice %add3A_754 {offsets = [0, 384], sizes = [1024, 128], strides = [1, 1]} : vector<1024x512xbf16> to vector<1024x128xbf16>
    %tanh3A_774 = math.tanh %slice3A_773 : vector<1024x128xbf16>
    %mul3A_775 = arith.constant 5.000000e-01 : bf16
    %mul3A_776 = vector.broadcast %mul3A_775 : bf16 to vector<1024x128xbf16>
    %mul3A_777 = arith.mulf %mul3A_776, %tanh3A_774 : vector<1024x128xbf16>
    %add3A_778 = arith.constant 5.000000e-01 : bf16
    %add3A_779 = vector.broadcast %add3A_778 : bf16 to vector<1024x128xbf16>
    %add3A_780 = arith.addf %mul3A_777, %add3A_779 : vector<1024x128xbf16>
    %convert_element_type3A_781 = arith.extf %add3A_770 : vector<1024x128xbf16> to vector<1024x128xf32>
    %get3A_782 = arith.constant 0 : index
    %get3A_783 = arith.constant 0 : index
    %get3A_784 = vector.load %arg18[%get3A_782, %get3A_783] : memref<1024x128xf32, #tpu.memory_space<vmem>>, vector<1024x128xf32>
    %mul3A_785 = arith.mulf %convert_element_type3A_781, %get3A_784 : vector<1024x128xf32>
    %mul3A_786 = arith.mulf %add3A_762, %tanh3A_772 : vector<1024x128xbf16>
    %convert_element_type3A_787 = arith.extf %mul3A_786 : vector<1024x128xbf16> to vector<1024x128xf32>
    %add3A_788 = arith.addf %mul3A_785, %convert_element_type3A_787 : vector<1024x128xf32>
    %convert_element_type3A_789 = arith.extf %add3A_780 : vector<1024x128xbf16> to vector<1024x128xf32>
    %tanh3A_790 = math.tanh %add3A_788 : vector<1024x128xf32>
    %mul3A_791 = arith.mulf %convert_element_type3A_789, %tanh3A_790 : vector<1024x128xf32>
    %swap3A_792 = arith.constant 0 : index
    %swap3A_793 = arith.constant 0 : index
    %swap3A_794 = vector.load %arg18[%swap3A_792, %swap3A_793] : memref<1024x128xf32, #tpu.memory_space<vmem>>, vector<1024x128xf32>
    tpu.vector_store %arg18[%swap3A_792, %swap3A_793], %add3A_788 {strides = array<i32>} : memref<1024x128xf32, #tpu.memory_space<vmem>>, vector<1024x128xf32>,
    %convert_element_type3A_795 = arith.truncf %mul3A_791 : vector<1024x128xf32> to vector<1024x128xbf16>
    %swap3A_796 = arith.constant 0 : index
    %swap3A_797 = arith.constant 128 : index
    %swap3A_798 = vector.load %arg17[%swap3A_796, %swap3A_797] : memref<1024x256xbf16, #tpu.memory_space<vmem>>, vector<1024x128xbf16>
    tpu.vector_store %arg17[%swap3A_796, %swap3A_797], %convert_element_type3A_795 {strides = array<i32>} : memref<1024x256xbf16, #tpu.memory_space<vmem>>, vector<1024x128xbf16>,
    %get3A_799 = arith.constant 6 : index
    %get3A_800 = arith.constant 0 : index
    %get3A_801 = arith.constant 0 : index
    %get3A_802 = vector.load %arg1[%get3A_799, %get3A_800, %get3A_801] : memref<8x1024x128xf32, #tpu.memory_space<vmem>>, vector<1x1024x128xf32>
    %get3A_803 = vector.shape_cast %get3A_802 : vector<1x1024x128xf32> to vector<1024x128xf32>
    %get3A_804 = arith.constant 0 : index
    %get3A_805 = arith.constant 0 : index
    %get3A_806 = vector.load %arg3[%get3A_804, %get3A_805] : memref<256x512xbf16, #tpu.memory_space<vmem>>, vector<256x512xbf16>
    %get3A_807 = arith.constant 0 : index
    %get3A_808 = arith.constant 0 : index
    %get3A_809 = vector.load %arg4[%get3A_807, %get3A_808] : memref<1x512xbf16, #tpu.memory_space<vmem>>, vector<1x512xbf16>
    %convert_element_type3A_810 = arith.truncf %get3A_803 : vector<1024x128xf32> to vector<1024x128xbf16>
    %swap3A_811 = arith.constant 0 : index
    %swap3A_812 = arith.constant 0 : index
    %swap3A_813 = vector.load %arg15[%swap3A_811, %swap3A_812] : memref<1024x256xbf16, #tpu.memory_space<vmem>>, vector<1024x128xbf16>
    tpu.vector_store %arg15[%swap3A_811, %swap3A_812], %convert_element_type3A_810 {strides = array<i32>} : memref<1024x256xbf16, #tpu.memory_space<vmem>>, vector<1024x128xbf16>,
    %get3A_814 = arith.constant 0 : index
    %get3A_815 = arith.constant 0 : index
    %get3A_816 = vector.load %arg15[%get3A_814, %get3A_815] : memref<1024x256xbf16, #tpu.memory_space<vmem>>, vector<1024x256xbf16>
    %dot_general3A_817 = arith.constant dense<0.000000e+00> : vector<1024x512xf32>
    %dot_general3A_818 = tpu.matmul %get3A_816, %get3A_806, %dot_general3A_817 {dimension_numbers = #tpu.dot_dimension_numbers<[1], [0], [0], [1], [0, 0, 1, 1], [], []>, transpose_lhs_hint = false} : vector<1024x256xbf16>, vector<256x512xbf16>, vector<1024x512xf32> -> vector<1024x512xf32>
    %convert_element_type3A_819 = arith.truncf %dot_general3A_818 : vector<1024x512xf32> to vector<1024x512xbf16>
    %add3A_820 = vector.broadcast %get3A_809 : vector<1x512xbf16> to vector<1024x512xbf16>
    %add3A_821 = arith.addf %convert_element_type3A_819, %add3A_820 : vector<1024x512xbf16>
    %slice3A_822 = vector.extract_strided_slice %add3A_821 {offsets = [0, 0], sizes = [1024, 128], strides = [1, 1]} : vector<1024x512xbf16> to vector<1024x128xbf16>
    %tanh3A_823 = math.tanh %slice3A_822 : vector<1024x128xbf16>
    %mul3A_824 = arith.constant 5.000000e-01 : bf16
    %mul3A_825 = vector.broadcast %mul3A_824 : bf16 to vector<1024x128xbf16>
    %mul3A_826 = arith.mulf %mul3A_825, %tanh3A_823 : vector<1024x128xbf16>
    %add3A_827 = arith.constant 5.000000e-01 : bf16
    %add3A_828 = vector.broadcast %add3A_827 : bf16 to vector<1024x128xbf16>
    %add3A_829 = arith.addf %mul3A_826, %add3A_828 : vector<1024x128xbf16>
    %slice3A_830 = vector.extract_strided_slice %add3A_821 {offsets = [0, 128], sizes = [1024, 128], strides = [1, 1]} : vector<1024x512xbf16> to vector<1024x128xbf16>
    %tanh3A_831 = math.tanh %slice3A_830 : vector<1024x128xbf16>
    %mul3A_832 = arith.constant 5.000000e-01 : bf16
    %mul3A_833 = vector.broadcast %mul3A_832 : bf16 to vector<1024x128xbf16>
    %mul3A_834 = arith.mulf %mul3A_833, %tanh3A_831 : vector<1024x128xbf16>
    %add3A_835 = arith.constant 5.000000e-01 : bf16
    %add3A_836 = vector.broadcast %add3A_835 : bf16 to vector<1024x128xbf16>
    %add3A_837 = arith.addf %mul3A_834, %add3A_836 : vector<1024x128xbf16>
    %slice3A_838 = vector.extract_strided_slice %add3A_821 {offsets = [0, 256], sizes = [1024, 128], strides = [1, 1]} : vector<1024x512xbf16> to vector<1024x128xbf16>
    %tanh3A_839 = math.tanh %slice3A_838 : vector<1024x128xbf16>
    %slice3A_840 = vector.extract_strided_slice %add3A_821 {offsets = [0, 384], sizes = [1024, 128], strides = [1, 1]} : vector<1024x512xbf16> to vector<1024x128xbf16>
    %tanh3A_841 = math.tanh %slice3A_840 : vector<1024x128xbf16>
    %mul3A_842 = arith.constant 5.000000e-01 : bf16
    %mul3A_843 = vector.broadcast %mul3A_842 : bf16 to vector<1024x128xbf16>
    %mul3A_844 = arith.mulf %mul3A_843, %tanh3A_841 : vector<1024x128xbf16>
    %add3A_845 = arith.constant 5.000000e-01 : bf16
    %add3A_846 = vector.broadcast %add3A_845 : bf16 to vector<1024x128xbf16>
    %add3A_847 = arith.addf %mul3A_844, %add3A_846 : vector<1024x128xbf16>
    %convert_element_type3A_848 = arith.extf %add3A_837 : vector<1024x128xbf16> to vector<1024x128xf32>
    %get3A_849 = arith.constant 0 : index
    %get3A_850 = arith.constant 0 : index
    %get3A_851 = vector.load %arg16[%get3A_849, %get3A_850] : memref<1024x128xf32, #tpu.memory_space<vmem>>, vector<1024x128xf32>
    %mul3A_852 = arith.mulf %convert_element_type3A_848, %get3A_851 : vector<1024x128xf32>
    %mul3A_853 = arith.mulf %add3A_829, %tanh3A_839 : vector<1024x128xbf16>
    %convert_element_type3A_854 = arith.extf %mul3A_853 : vector<1024x128xbf16> to vector<1024x128xf32>
    %add3A_855 = arith.addf %mul3A_852, %convert_element_type3A_854 : vector<1024x128xf32>
    %convert_element_type3A_856 = arith.extf %add3A_847 : vector<1024x128xbf16> to vector<1024x128xf32>
    %tanh3A_857 = math.tanh %add3A_855 : vector<1024x128xf32>
    %mul3A_858 = arith.mulf %convert_element_type3A_856, %tanh3A_857 : vector<1024x128xf32>
    %swap3A_859 = arith.constant 0 : index
    %swap3A_860 = arith.constant 0 : index
    %swap3A_861 = vector.load %arg16[%swap3A_859, %swap3A_860] : memref<1024x128xf32, #tpu.memory_space<vmem>>, vector<1024x128xf32>
    tpu.vector_store %arg16[%swap3A_859, %swap3A_860], %add3A_855 {strides = array<i32>} : memref<1024x128xf32, #tpu.memory_space<vmem>>, vector<1024x128xf32>,
    %convert_element_type3A_862 = arith.truncf %mul3A_858 : vector<1024x128xf32> to vector<1024x128xbf16>
    %swap3A_863 = arith.constant 0 : index
    %swap3A_864 = arith.constant 128 : index
    %swap3A_865 = vector.load %arg15[%swap3A_863, %swap3A_864] : memref<1024x256xbf16, #tpu.memory_space<vmem>>, vector<1024x128xbf16>
    tpu.vector_store %arg15[%swap3A_863, %swap3A_864], %convert_element_type3A_862 {strides = array<i32>} : memref<1024x256xbf16, #tpu.memory_space<vmem>>, vector<1024x128xbf16>,
    %get3A_866 = arith.constant 1 : index
    %get3A_867 = arith.constant 0 : index
    %get3A_868 = arith.constant 0 : index
    %get3A_869 = vector.load %arg2[%get3A_866, %get3A_867, %get3A_868] : memref<8x1024x128xf32, #tpu.memory_space<vmem>>, vector<1x1024x128xf32>
    %get3A_870 = vector.shape_cast %get3A_869 : vector<1x1024x128xf32> to vector<1024x128xf32>
    %get3A_871 = arith.constant 0 : index
    %get3A_872 = arith.constant 0 : index
    %get3A_873 = vector.load %arg5[%get3A_871, %get3A_872] : memref<256x512xbf16, #tpu.memory_space<vmem>>, vector<256x512xbf16>
    %get3A_874 = arith.constant 0 : index
    %get3A_875 = arith.constant 0 : index
    %get3A_876 = vector.load %arg6[%get3A_874, %get3A_875] : memref<1x512xbf16, #tpu.memory_space<vmem>>, vector<1x512xbf16>
    %convert_element_type3A_877 = arith.truncf %get3A_870 : vector<1024x128xf32> to vector<1024x128xbf16>
    %swap3A_878 = arith.constant 0 : index
    %swap3A_879 = arith.constant 0 : index
    %swap3A_880 = vector.load %arg17[%swap3A_878, %swap3A_879] : memref<1024x256xbf16, #tpu.memory_space<vmem>>, vector<1024x128xbf16>
    tpu.vector_store %arg17[%swap3A_878, %swap3A_879], %convert_element_type3A_877 {strides = array<i32>} : memref<1024x256xbf16, #tpu.memory_space<vmem>>, vector<1024x128xbf16>,
    %get3A_881 = arith.constant 0 : index
    %get3A_882 = arith.constant 0 : index
    %get3A_883 = vector.load %arg17[%get3A_881, %get3A_882] : memref<1024x256xbf16, #tpu.memory_space<vmem>>, vector<1024x256xbf16>
    %dot_general3A_884 = arith.constant dense<0.000000e+00> : vector<1024x512xf32>
    %dot_general3A_885 = tpu.matmul %get3A_883, %get3A_873, %dot_general3A_884 {dimension_numbers = #tpu.dot_dimension_numbers<[1], [0], [0], [1], [0, 0, 1, 1], [], []>, transpose_lhs_hint = false} : vector<1024x256xbf16>, vector<256x512xbf16>, vector<1024x512xf32> -> vector<1024x512xf32>
    %convert_element_type3A_886 = arith.truncf %dot_general3A_885 : vector<1024x512xf32> to vector<1024x512xbf16>
    %add3A_887 = vector.broadcast %get3A_876 : vector<1x512xbf16> to vector<1024x512xbf16>
    %add3A_888 = arith.addf %convert_element_type3A_886, %add3A_887 : vector<1024x512xbf16>
    %slice3A_889 = vector.extract_strided_slice %add3A_888 {offsets = [0, 0], sizes = [1024, 128], strides = [1, 1]} : vector<1024x512xbf16> to vector<1024x128xbf16>
    %tanh3A_890 = math.tanh %slice3A_889 : vector<1024x128xbf16>
    %mul3A_891 = arith.constant 5.000000e-01 : bf16
    %mul3A_892 = vector.broadcast %mul3A_891 : bf16 to vector<1024x128xbf16>
    %mul3A_893 = arith.mulf %mul3A_892, %tanh3A_890 : vector<1024x128xbf16>
    %add3A_894 = arith.constant 5.000000e-01 : bf16
    %add3A_895 = vector.broadcast %add3A_894 : bf16 to vector<1024x128xbf16>
    %add3A_896 = arith.addf %mul3A_893, %add3A_895 : vector<1024x128xbf16>
    %slice3A_897 = vector.extract_strided_slice %add3A_888 {offsets = [0, 128], sizes = [1024, 128], strides = [1, 1]} : vector<1024x512xbf16> to vector<1024x128xbf16>
    %tanh3A_898 = math.tanh %slice3A_897 : vector<1024x128xbf16>
    %mul3A_899 = arith.constant 5.000000e-01 : bf16
    %mul3A_900 = vector.broadcast %mul3A_899 : bf16 to vector<1024x128xbf16>
    %mul3A_901 = arith.mulf %mul3A_900, %tanh3A_898 : vector<1024x128xbf16>
    %add3A_902 = arith.constant 5.000000e-01 : bf16
    %add3A_903 = vector.broadcast %add3A_902 : bf16 to vector<1024x128xbf16>
    %add3A_904 = arith.addf %mul3A_901, %add3A_903 : vector<1024x128xbf16>
    %slice3A_905 = vector.extract_strided_slice %add3A_888 {offsets = [0, 256], sizes = [1024, 128], strides = [1, 1]} : vector<1024x512xbf16> to vector<1024x128xbf16>
    %tanh3A_906 = math.tanh %slice3A_905 : vector<1024x128xbf16>
    %slice3A_907 = vector.extract_strided_slice %add3A_888 {offsets = [0, 384], sizes = [1024, 128], strides = [1, 1]} : vector<1024x512xbf16> to vector<1024x128xbf16>
    %tanh3A_908 = math.tanh %slice3A_907 : vector<1024x128xbf16>
    %mul3A_909 = arith.constant 5.000000e-01 : bf16
    %mul3A_910 = vector.broadcast %mul3A_909 : bf16 to vector<1024x128xbf16>
    %mul3A_911 = arith.mulf %mul3A_910, %tanh3A_908 : vector<1024x128xbf16>
    %add3A_912 = arith.constant 5.000000e-01 : bf16
    %add3A_913 = vector.broadcast %add3A_912 : bf16 to vector<1024x128xbf16>
    %add3A_914 = arith.addf %mul3A_911, %add3A_913 : vector<1024x128xbf16>
    %convert_element_type3A_915 = arith.extf %add3A_904 : vector<1024x128xbf16> to vector<1024x128xf32>
    %get3A_916 = arith.constant 0 : index
    %get3A_917 = arith.constant 0 : index
    %get3A_918 = vector.load %arg18[%get3A_916, %get3A_917] : memref<1024x128xf32, #tpu.memory_space<vmem>>, vector<1024x128xf32>
    %mul3A_919 = arith.mulf %convert_element_type3A_915, %get3A_918 : vector<1024x128xf32>
    %mul3A_920 = arith.mulf %add3A_896, %tanh3A_906 : vector<1024x128xbf16>
    %convert_element_type3A_921 = arith.extf %mul3A_920 : vector<1024x128xbf16> to vector<1024x128xf32>
    %add3A_922 = arith.addf %mul3A_919, %convert_element_type3A_921 : vector<1024x128xf32>
    %convert_element_type3A_923 = arith.extf %add3A_914 : vector<1024x128xbf16> to vector<1024x128xf32>
    %tanh3A_924 = math.tanh %add3A_922 : vector<1024x128xf32>
    %mul3A_925 = arith.mulf %convert_element_type3A_923, %tanh3A_924 : vector<1024x128xf32>
    %swap3A_926 = arith.constant 0 : index
    %swap3A_927 = arith.constant 0 : index
    %swap3A_928 = vector.load %arg18[%swap3A_926, %swap3A_927] : memref<1024x128xf32, #tpu.memory_space<vmem>>, vector<1024x128xf32>
    tpu.vector_store %arg18[%swap3A_926, %swap3A_927], %add3A_922 {strides = array<i32>} : memref<1024x128xf32, #tpu.memory_space<vmem>>, vector<1024x128xf32>,
    %convert_element_type3A_929 = arith.truncf %mul3A_925 : vector<1024x128xf32> to vector<1024x128xbf16>
    %swap3A_930 = arith.constant 0 : index
    %swap3A_931 = arith.constant 128 : index
    %swap3A_932 = vector.load %arg17[%swap3A_930, %swap3A_931] : memref<1024x256xbf16, #tpu.memory_space<vmem>>, vector<1024x128xbf16>
    tpu.vector_store %arg17[%swap3A_930, %swap3A_931], %convert_element_type3A_929 {strides = array<i32>} : memref<1024x256xbf16, #tpu.memory_space<vmem>>, vector<1024x128xbf16>,
    %get3A_933 = arith.constant 7 : index
    %get3A_934 = arith.constant 0 : index
    %get3A_935 = arith.constant 0 : index
    %get3A_936 = vector.load %arg1[%get3A_933, %get3A_934, %get3A_935] : memref<8x1024x128xf32, #tpu.memory_space<vmem>>, vector<1x1024x128xf32>
    %get3A_937 = vector.shape_cast %get3A_936 : vector<1x1024x128xf32> to vector<1024x128xf32>
    %get3A_938 = arith.constant 0 : index
    %get3A_939 = arith.constant 0 : index
    %get3A_940 = vector.load %arg3[%get3A_938, %get3A_939] : memref<256x512xbf16, #tpu.memory_space<vmem>>, vector<256x512xbf16>
    %get3A_941 = arith.constant 0 : index
    %get3A_942 = arith.constant 0 : index
    %get3A_943 = vector.load %arg4[%get3A_941, %get3A_942] : memref<1x512xbf16, #tpu.memory_space<vmem>>, vector<1x512xbf16>
    %convert_element_type3A_944 = arith.truncf %get3A_937 : vector<1024x128xf32> to vector<1024x128xbf16>
    %swap3A_945 = arith.constant 0 : index
    %swap3A_946 = arith.constant 0 : index
    %swap3A_947 = vector.load %arg15[%swap3A_945, %swap3A_946] : memref<1024x256xbf16, #tpu.memory_space<vmem>>, vector<1024x128xbf16>
    tpu.vector_store %arg15[%swap3A_945, %swap3A_946], %convert_element_type3A_944 {strides = array<i32>} : memref<1024x256xbf16, #tpu.memory_space<vmem>>, vector<1024x128xbf16>,
    %get3A_948 = arith.constant 0 : index
    %get3A_949 = arith.constant 0 : index
    %get3A_950 = vector.load %arg15[%get3A_948, %get3A_949] : memref<1024x256xbf16, #tpu.memory_space<vmem>>, vector<1024x256xbf16>
    %dot_general3A_951 = arith.constant dense<0.000000e+00> : vector<1024x512xf32>
    %dot_general3A_952 = tpu.matmul %get3A_950, %get3A_940, %dot_general3A_951 {dimension_numbers = #tpu.dot_dimension_numbers<[1], [0], [0], [1], [0, 0, 1, 1], [], []>, transpose_lhs_hint = false} : vector<1024x256xbf16>, vector<256x512xbf16>, vector<1024x512xf32> -> vector<1024x512xf32>
    %convert_element_type3A_953 = arith.truncf %dot_general3A_952 : vector<1024x512xf32> to vector<1024x512xbf16>
    %add3A_954 = vector.broadcast %get3A_943 : vector<1x512xbf16> to vector<1024x512xbf16>
    %add3A_955 = arith.addf %convert_element_type3A_953, %add3A_954 : vector<1024x512xbf16>
    %slice3A_956 = vector.extract_strided_slice %add3A_955 {offsets = [0, 0], sizes = [1024, 128], strides = [1, 1]} : vector<1024x512xbf16> to vector<1024x128xbf16>
    %tanh3A_957 = math.tanh %slice3A_956 : vector<1024x128xbf16>
    %mul3A_958 = arith.constant 5.000000e-01 : bf16
    %mul3A_959 = vector.broadcast %mul3A_958 : bf16 to vector<1024x128xbf16>
    %mul3A_960 = arith.mulf %mul3A_959, %tanh3A_957 : vector<1024x128xbf16>
    %add3A_961 = arith.constant 5.000000e-01 : bf16
    %add3A_962 = vector.broadcast %add3A_961 : bf16 to vector<1024x128xbf16>
    %add3A_963 = arith.addf %mul3A_960, %add3A_962 : vector<1024x128xbf16>
    %slice3A_964 = vector.extract_strided_slice %add3A_955 {offsets = [0, 128], sizes = [1024, 128], strides = [1, 1]} : vector<1024x512xbf16> to vector<1024x128xbf16>
    %tanh3A_965 = math.tanh %slice3A_964 : vector<1024x128xbf16>
    %mul3A_966 = arith.constant 5.000000e-01 : bf16
    %mul3A_967 = vector.broadcast %mul3A_966 : bf16 to vector<1024x128xbf16>
    %mul3A_968 = arith.mulf %mul3A_967, %tanh3A_965 : vector<1024x128xbf16>
    %add3A_969 = arith.constant 5.000000e-01 : bf16
    %add3A_970 = vector.broadcast %add3A_969 : bf16 to vector<1024x128xbf16>
    %add3A_971 = arith.addf %mul3A_968, %add3A_970 : vector<1024x128xbf16>
    %slice3A_972 = vector.extract_strided_slice %add3A_955 {offsets = [0, 256], sizes = [1024, 128], strides = [1, 1]} : vector<1024x512xbf16> to vector<1024x128xbf16>
    %tanh3A_973 = math.tanh %slice3A_972 : vector<1024x128xbf16>
    %slice3A_974 = vector.extract_strided_slice %add3A_955 {offsets = [0, 384], sizes = [1024, 128], strides = [1, 1]} : vector<1024x512xbf16> to vector<1024x128xbf16>
    %tanh3A_975 = math.tanh %slice3A_974 : vector<1024x128xbf16>
    %mul3A_976 = arith.constant 5.000000e-01 : bf16
    %mul3A_977 = vector.broadcast %mul3A_976 : bf16 to vector<1024x128xbf16>
    %mul3A_978 = arith.mulf %mul3A_977, %tanh3A_975 : vector<1024x128xbf16>
    %add3A_979 = arith.constant 5.000000e-01 : bf16
    %add3A_980 = vector.broadcast %add3A_979 : bf16 to vector<1024x128xbf16>
    %add3A_981 = arith.addf %mul3A_978, %add3A_980 : vector<1024x128xbf16>
    %convert_element_type3A_982 = arith.extf %add3A_971 : vector<1024x128xbf16> to vector<1024x128xf32>
    %get3A_983 = arith.constant 0 : index
    %get3A_984 = arith.constant 0 : index
    %get3A_985 = vector.load %arg16[%get3A_983, %get3A_984] : memref<1024x128xf32, #tpu.memory_space<vmem>>, vector<1024x128xf32>
    %mul3A_986 = arith.mulf %convert_element_type3A_982, %get3A_985 : vector<1024x128xf32>
    %mul3A_987 = arith.mulf %add3A_963, %tanh3A_973 : vector<1024x128xbf16>
    %convert_element_type3A_988 = arith.extf %mul3A_987 : vector<1024x128xbf16> to vector<1024x128xf32>
    %add3A_989 = arith.addf %mul3A_986, %convert_element_type3A_988 : vector<1024x128xf32>
    %convert_element_type3A_990 = arith.extf %add3A_981 : vector<1024x128xbf16> to vector<1024x128xf32>
    %tanh3A_991 = math.tanh %add3A_989 : vector<1024x128xf32>
    %mul3A_992 = arith.mulf %convert_element_type3A_990, %tanh3A_991 : vector<1024x128xf32>
    %swap3A_993 = arith.constant 0 : index
    %swap3A_994 = arith.constant 0 : index
    %swap3A_995 = vector.load %arg16[%swap3A_993, %swap3A_994] : memref<1024x128xf32, #tpu.memory_space<vmem>>, vector<1024x128xf32>
    tpu.vector_store %arg16[%swap3A_993, %swap3A_994], %add3A_989 {strides = array<i32>} : memref<1024x128xf32, #tpu.memory_space<vmem>>, vector<1024x128xf32>,
    %convert_element_type3A_996 = arith.truncf %mul3A_992 : vector<1024x128xf32> to vector<1024x128xbf16>
    %swap3A_997 = arith.constant 0 : index
    %swap3A_998 = arith.constant 128 : index
    %swap3A_999 = vector.load %arg15[%swap3A_997, %swap3A_998] : memref<1024x256xbf16, #tpu.memory_space<vmem>>, vector<1024x128xbf16>
    tpu.vector_store %arg15[%swap3A_997, %swap3A_998], %convert_element_type3A_996 {strides = array<i32>} : memref<1024x256xbf16, #tpu.memory_space<vmem>>, vector<1024x128xbf16>,
    %get3A_1000 = arith.constant 0 : index
    %get3A_1001 = arith.constant 0 : index
    %get3A_1002 = arith.constant 0 : index
    %get3A_1003 = vector.load %arg2[%get3A_1000, %get3A_1001, %get3A_1002] : memref<8x1024x128xf32, #tpu.memory_space<vmem>>, vector<1x1024x128xf32>
    %get3A_1004 = vector.shape_cast %get3A_1003 : vector<1x1024x128xf32> to vector<1024x128xf32>
    %get3A_1005 = arith.constant 0 : index
    %get3A_1006 = arith.constant 0 : index
    %get3A_1007 = vector.load %arg5[%get3A_1005, %get3A_1006] : memref<256x512xbf16, #tpu.memory_space<vmem>>, vector<256x512xbf16>
    %get3A_1008 = arith.constant 0 : index
    %get3A_1009 = arith.constant 0 : index
    %get3A_1010 = vector.load %arg6[%get3A_1008, %get3A_1009] : memref<1x512xbf16, #tpu.memory_space<vmem>>, vector<1x512xbf16>
    %convert_element_type3A_1011 = arith.truncf %get3A_1004 : vector<1024x128xf32> to vector<1024x128xbf16>
    %swap3A_1012 = arith.constant 0 : index
    %swap3A_1013 = arith.constant 0 : index
    %swap3A_1014 = vector.load %arg17[%swap3A_1012, %swap3A_1013] : memref<1024x256xbf16, #tpu.memory_space<vmem>>, vector<1024x128xbf16>
    tpu.vector_store %arg17[%swap3A_1012, %swap3A_1013], %convert_element_type3A_1011 {strides = array<i32>} : memref<1024x256xbf16, #tpu.memory_space<vmem>>, vector<1024x128xbf16>,
    %get3A_1015 = arith.constant 0 : index
    %get3A_1016 = arith.constant 0 : index
    %get3A_1017 = vector.load %arg17[%get3A_1015, %get3A_1016] : memref<1024x256xbf16, #tpu.memory_space<vmem>>, vector<1024x256xbf16>
    %dot_general3A_1018 = arith.constant dense<0.000000e+00> : vector<1024x512xf32>
    %dot_general3A_1019 = tpu.matmul %get3A_1017, %get3A_1007, %dot_general3A_1018 {dimension_numbers = #tpu.dot_dimension_numbers<[1], [0], [0], [1], [0, 0, 1, 1], [], []>, transpose_lhs_hint = false} : vector<1024x256xbf16>, vector<256x512xbf16>, vector<1024x512xf32> -> vector<1024x512xf32>
    %convert_element_type3A_1020 = arith.truncf %dot_general3A_1019 : vector<1024x512xf32> to vector<1024x512xbf16>
    %add3A_1021 = vector.broadcast %get3A_1010 : vector<1x512xbf16> to vector<1024x512xbf16>
    %add3A_1022 = arith.addf %convert_element_type3A_1020, %add3A_1021 : vector<1024x512xbf16>
    %slice3A_1023 = vector.extract_strided_slice %add3A_1022 {offsets = [0, 0], sizes = [1024, 128], strides = [1, 1]} : vector<1024x512xbf16> to vector<1024x128xbf16>
    %tanh3A_1024 = math.tanh %slice3A_1023 : vector<1024x128xbf16>
    %mul3A_1025 = arith.constant 5.000000e-01 : bf16
    %mul3A_1026 = vector.broadcast %mul3A_1025 : bf16 to vector<1024x128xbf16>
    %mul3A_1027 = arith.mulf %mul3A_1026, %tanh3A_1024 : vector<1024x128xbf16>
    %add3A_1028 = arith.constant 5.000000e-01 : bf16
    %add3A_1029 = vector.broadcast %add3A_1028 : bf16 to vector<1024x128xbf16>
    %add3A_1030 = arith.addf %mul3A_1027, %add3A_1029 : vector<1024x128xbf16>
    %slice3A_1031 = vector.extract_strided_slice %add3A_1022 {offsets = [0, 128], sizes = [1024, 128], strides = [1, 1]} : vector<1024x512xbf16> to vector<1024x128xbf16>
    %tanh3A_1032 = math.tanh %slice3A_1031 : vector<1024x128xbf16>
    %mul3A_1033 = arith.constant 5.000000e-01 : bf16
    %mul3A_1034 = vector.broadcast %mul3A_1033 : bf16 to vector<1024x128xbf16>
    %mul3A_1035 = arith.mulf %mul3A_1034, %tanh3A_1032 : vector<1024x128xbf16>
    %add3A_1036 = arith.constant 5.000000e-01 : bf16
    %add3A_1037 = vector.broadcast %add3A_1036 : bf16 to vector<1024x128xbf16>
    %add3A_1038 = arith.addf %mul3A_1035, %add3A_1037 : vector<1024x128xbf16>
    %slice3A_1039 = vector.extract_strided_slice %add3A_1022 {offsets = [0, 256], sizes = [1024, 128], strides = [1, 1]} : vector<1024x512xbf16> to vector<1024x128xbf16>
    %tanh3A_1040 = math.tanh %slice3A_1039 : vector<1024x128xbf16>
    %slice3A_1041 = vector.extract_strided_slice %add3A_1022 {offsets = [0, 384], sizes = [1024, 128], strides = [1, 1]} : vector<1024x512xbf16> to vector<1024x128xbf16>
    %tanh3A_1042 = math.tanh %slice3A_1041 : vector<1024x128xbf16>
    %mul3A_1043 = arith.constant 5.000000e-01 : bf16
    %mul3A_1044 = vector.broadcast %mul3A_1043 : bf16 to vector<1024x128xbf16>
    %mul3A_1045 = arith.mulf %mul3A_1044, %tanh3A_1042 : vector<1024x128xbf16>
    %add3A_1046 = arith.constant 5.000000e-01 : bf16
    %add3A_1047 = vector.broadcast %add3A_1046 : bf16 to vector<1024x128xbf16>
    %add3A_1048 = arith.addf %mul3A_1045, %add3A_1047 : vector<1024x128xbf16>
    %convert_element_type3A_1049 = arith.extf %add3A_1038 : vector<1024x128xbf16> to vector<1024x128xf32>
    %get3A_1050 = arith.constant 0 : index
    %get3A_1051 = arith.constant 0 : index
    %get3A_1052 = vector.load %arg18[%get3A_1050, %get3A_1051] : memref<1024x128xf32, #tpu.memory_space<vmem>>, vector<1024x128xf32>
    %mul3A_1053 = arith.mulf %convert_element_type3A_1049, %get3A_1052 : vector<1024x128xf32>
    %mul3A_1054 = arith.mulf %add3A_1030, %tanh3A_1040 : vector<1024x128xbf16>
    %convert_element_type3A_1055 = arith.extf %mul3A_1054 : vector<1024x128xbf16> to vector<1024x128xf32>
    %add3A_1056 = arith.addf %mul3A_1053, %convert_element_type3A_1055 : vector<1024x128xf32>
    %convert_element_type3A_1057 = arith.extf %add3A_1048 : vector<1024x128xbf16> to vector<1024x128xf32>
    %tanh3A_1058 = math.tanh %add3A_1056 : vector<1024x128xf32>
    %mul3A_1059 = arith.mulf %convert_element_type3A_1057, %tanh3A_1058 : vector<1024x128xf32>
    %swap3A_1060 = arith.constant 0 : index
    %swap3A_1061 = arith.constant 0 : index
    %swap3A_1062 = vector.load %arg18[%swap3A_1060, %swap3A_1061] : memref<1024x128xf32, #tpu.memory_space<vmem>>, vector<1024x128xf32>
    tpu.vector_store %arg18[%swap3A_1060, %swap3A_1061], %add3A_1056 {strides = array<i32>} : memref<1024x128xf32, #tpu.memory_space<vmem>>, vector<1024x128xf32>,
    %convert_element_type3A_1063 = arith.truncf %mul3A_1059 : vector<1024x128xf32> to vector<1024x128xbf16>
    %swap3A_1064 = arith.constant 0 : index
    %swap3A_1065 = arith.constant 128 : index
    %swap3A_1066 = vector.load %arg17[%swap3A_1064, %swap3A_1065] : memref<1024x256xbf16, #tpu.memory_space<vmem>>, vector<1024x128xbf16>
    tpu.vector_store %arg17[%swap3A_1064, %swap3A_1065], %convert_element_type3A_1063 {strides = array<i32>} : memref<1024x256xbf16, #tpu.memory_space<vmem>>, vector<1024x128xbf16>,
    %eq3A_1067 = arith.constant 5 : i32
    %eq3A_1068 = arith.cmpi eq, %arg0, %eq3A_1067 : i32
    %convert_element_type3A_1069 = arith.extui %eq3A_1068 : i1 to i32
    %cond3A_1070 = arith.constant 0 : i32
    %cond3A_1071 = arith.cmpi ne, %convert_element_type3A_1069, %cond3A_1070 : i32
    scf.if %cond3A_1071 {
      %swap3A_1072 = arith.constant 0 : index
      %swap3A_1073 = arith.constant 0 : index
      %swap3A_1074 = vector.load %arg11[%swap3A_1072, %swap3A_1073] : memref<1024x128xf32, #tpu.memory_space<vmem>>, vector<1024x128xf32>
      tpu.vector_store %arg11[%swap3A_1072, %swap3A_1073], %mul3A_992 {strides = array<i32>} : memref<1024x128xf32, #tpu.memory_space<vmem>>, vector<1024x128xf32>,
      %get3A_1075 = arith.constant 0 : index
      %get3A_1076 = arith.constant 0 : index
      %get3A_1077 = vector.load %arg16[%get3A_1075, %get3A_1076] : memref<1024x128xf32, #tpu.memory_space<vmem>>, vector<1024x128xf32>
      %swap3A_1078 = arith.constant 0 : index
      %swap3A_1079 = arith.constant 0 : index
      %swap3A_1080 = vector.load %arg12[%swap3A_1078, %swap3A_1079] : memref<1024x128xf32, #tpu.memory_space<vmem>>, vector<1024x128xf32>
      tpu.vector_store %arg12[%swap3A_1078, %swap3A_1079], %get3A_1077 {strides = array<i32>} : memref<1024x128xf32, #tpu.memory_space<vmem>>, vector<1024x128xf32>,
      %swap3A_1081 = arith.constant 0 : index
      %swap3A_1082 = arith.constant 0 : index
      %swap3A_1083 = vector.load %arg13[%swap3A_1081, %swap3A_1082] : memref<1024x128xf32, #tpu.memory_space<vmem>>, vector<1024x128xf32>
      tpu.vector_store %arg13[%swap3A_1081, %swap3A_1082], %mul3A_1059 {strides = array<i32>} : memref<1024x128xf32, #tpu.memory_space<vmem>>, vector<1024x128xf32>,
      %get3A_1084 = arith.constant 0 : index
      %get3A_1085 = arith.constant 0 : index
      %get3A_1086 = vector.load %arg18[%get3A_1084, %get3A_1085] : memref<1024x128xf32, #tpu.memory_space<vmem>>, vector<1024x128xf32>
      %swap3A_1087 = arith.constant 0 : index
      %swap3A_1088 = arith.constant 0 : index
      %swap3A_1089 = vector.load %arg14[%swap3A_1087, %swap3A_1088] : memref<1024x128xf32, #tpu.memory_space<vmem>>, vector<1024x128xf32>
      tpu.vector_store %arg14[%swap3A_1087, %swap3A_1088], %get3A_1086 {strides = array<i32>} : memref<1024x128xf32, #tpu.memory_space<vmem>>, vector<1024x128xf32>,
    } else {
    }
    return
  }
  func.func @transform_0(%arg0: i32) -> (i32, i32, i32) {
    %add3A = arith.constant 6 : i32
    %add3A_0 = arith.addi %add3A, %arg0 : i32
    %c0_i32 = arith.constant 0 : i32
    %c0_i32_1 = arith.constant 0 : i32
    %c0_i32_2 = arith.constant 0 : i32
    return %add3A_0, %c0_i32, %c0_i32_1 : i32, i32, i32
  }
  func.func @transform_1(%arg0: i32) -> (i32, i32, i32) {
    %sub3A = arith.constant 5 : i32
    %sub3A_0 = arith.subi %sub3A, %arg0 : i32
    %c0_i32 = arith.constant 0 : i32
    %c0_i32_1 = arith.constant 0 : i32
    %c0_i32_2 = arith.constant 0 : i32
    return %sub3A_0, %c0_i32, %c0_i32_1 : i32, i32, i32
  }
  func.func @transform_2(%arg0: i32) -> (i32, i32) {
    %c0_i32 = arith.constant 0 : i32
    %c0_i32_0 = arith.constant 0 : i32
    %c0_i32_1 = arith.constant 0 : i32
    return %c0_i32, %c0_i32_0 : i32, i32
  }
  func.func @transform_3(%arg0: i32) -> (i32, i32) {
    %c0_i32 = arith.constant 0 : i32
    %c0_i32_0 = arith.constant 0 : i32
    %c0_i32_1 = arith.constant 0 : i32
    return %c0_i32, %c0_i32_0 : i32, i32
  }
  func.func @transform_4(%arg0: i32) -> (i32, i32) {
    %c0_i32 = arith.constant 0 : i32
    %c0_i32_0 = arith.constant 0 : i32
    %c0_i32_1 = arith.constant 0 : i32
    return %c0_i32, %c0_i32_0 : i32, i32
  }
  func.func @transform_5(%arg0: i32) -> (i32, i32) {
    %c0_i32 = arith.constant 0 : i32
    %c0_i32_0 = arith.constant 0 : i32
    %c0_i32_1 = arith.constant 0 : i32
    return %c0_i32, %c0_i32_0 : i32, i32
  }
  func.func @transform_6(%arg0: i32) -> (i32, i32) {
    %c0_i32 = arith.constant 0 : i32
    %c0_i32_0 = arith.constant 0 : i32
    %c0_i32_1 = arith.constant 0 : i32
    return %c0_i32, %c0_i32_0 : i32, i32
  }
  func.func @transform_7(%arg0: i32) -> (i32, i32) {
    %c0_i32 = arith.constant 0 : i32
    %c0_i32_0 = arith.constant 0 : i32
    %c0_i32_1 = arith.constant 0 : i32
    return %c0_i32, %c0_i32_0 : i32, i32
  }
  func.func @transform_8(%arg0: i32) -> (i32, i32) {
    %c0_i32 = arith.constant 0 : i32
    %c0_i32_0 = arith.constant 0 : i32
    %c0_i32_1 = arith.constant 0 : i32
    return %c0_i32, %c0_i32_0 : i32, i32
  }
  func.func @transform_9(%arg0: i32) -> (i32, i32) {
    %c0_i32 = arith.constant 0 : i32
    %c0_i32_0 = arith.constant 0 : i32
    %c0_i32_1 = arith.constant 0 : i32
    return %c0_i32, %c0_i32_0 : i32, i32
  }
  func.func @transform_10(%arg0: i32) -> (i32, i32) {
    %c0_i32 = arith.constant 0 : i32
    %c0_i32_0 = arith.constant 0 : i32
    %c0_i32_1 = arith.constant 0 : i32
    return %c0_i32, %c0_i32_0 : i32, i32
  }
  func.func @transform_11(%arg0: i32) -> (i32, i32) {
    %c0_i32 = arith.constant 0 : i32
    %c0_i32_0 = arith.constant 0 : i32
    %c0_i32_1 = arith.constant 0 : i32
    return %c0_i32, %c0_i32_0 : i32, i32
  }
  func.func @transform_12(%arg0: i32) -> (i32, i32) {
    %c0_i32 = arith.constant 0 : i32
    %c0_i32_0 = arith.constant 0 : i32
    %c0_i32_1 = arith.constant 0 : i32
    return %c0_i32, %c0_i32_0 : i32, i32
  }
  func.func @transform_13(%arg0: i32) -> (i32, i32) {
    %c0_i32 = arith.constant 0 : i32
    %c0_i32_0 = arith.constant 0 : i32
    %c0_i32_1 = arith.constant 0 : i32
    return %c0_i32, %c0_i32_0 : i32, i32
  }
}

module attributes {stable_mosaic.version = 14 : i64} {
  func.func @_stage_kernel(%arg0: i32, %arg1: memref<8x1024x128xf32, #tpu.memory_space<vmem>>, %arg2: memref<8x1024x128xf32, #tpu.memory_space<vmem>>, %arg3: memref<256x512xbf16, #tpu.memory_space<vmem>>, %arg4: memref<1x512xbf16, #tpu.memory_space<vmem>>, %arg5: memref<256x512xbf16, #tpu.memory_space<vmem>>, %arg6: memref<1x512xbf16, #tpu.memory_space<vmem>>, %arg7: memref<1024x128xf32, #tpu.memory_space<vmem>>, %arg8: memref<1024x128xf32, #tpu.memory_space<vmem>>, %arg9: memref<1024x128xf32, #tpu.memory_space<vmem>>, %arg10: memref<1024x128xf32, #tpu.memory_space<vmem>>, %arg11: memref<1024x128xf32, #tpu.memory_space<vmem>>, %arg12: memref<1024x128xf32, #tpu.memory_space<vmem>>, %arg13: memref<1024x128xf32, #tpu.memory_space<vmem>>, %arg14: memref<1024x128xf32, #tpu.memory_space<vmem>>, %arg15: memref<1024x256xbf16, #tpu.memory_space<vmem>>, %arg16: memref<1024x128xf32, #tpu.memory_space<vmem>>, %arg17: memref<1024x256xbf16, #tpu.memory_space<vmem>>, %arg18: memref<1024x128xf32, #tpu.memory_space<vmem>>) attributes {dimension_semantics = [#tpu.dimension_semantics<arbitrary>], iteration_bounds = array<i64: 6>, scalar_prefetch = 0 : i64, scratch_operands = 4 : i64, tpu.core_type = #tpu.core_type<tc>, window_params = [{transform_indices = @transform_0, window_bounds = array<i64: 8, 1024, 128>}, {transform_indices = @transform_1, window_bounds = array<i64: 8, 1024, 128>}, {pipeline_mode = #tpu.pipeline_mode<synchronous>, transform_indices = @transform_2, window_bounds = array<i64: 256, 512>}, {pipeline_mode = #tpu.pipeline_mode<synchronous>, transform_indices = @transform_3, window_bounds = array<i64: 1, 512>}, {pipeline_mode = #tpu.pipeline_mode<synchronous>, transform_indices = @transform_4, window_bounds = array<i64: 256, 512>}, {pipeline_mode = #tpu.pipeline_mode<synchronous>, transform_indices = @transform_5, window_bounds = array<i64: 1, 512>}, {pipeline_mode = #tpu.pipeline_mode<synchronous>, transform_indices = @transform_6, window_bounds = array<i64: 1024, 128>}, {pipeline_mode = #tpu.pipeline_mode<synchronous>, transform_indices = @transform_7, window_bounds = array<i64: 1024, 128>}, {pipeline_mode = #tpu.pipeline_mode<synchronous>, transform_indices = @transform_8, window_bounds = array<i64: 1024, 128>}, {pipeline_mode = #tpu.pipeline_mode<synchronous>, transform_indices = @transform_9, window_bounds = array<i64: 1024, 128>}, {pipeline_mode = #tpu.pipeline_mode<synchronous>, transform_indices = @transform_10, window_bounds = array<i64: 1024, 128>}, {pipeline_mode = #tpu.pipeline_mode<synchronous>, transform_indices = @transform_11, window_bounds = array<i64: 1024, 128>}, {pipeline_mode = #tpu.pipeline_mode<synchronous>, transform_indices = @transform_12, window_bounds = array<i64: 1024, 128>}, {pipeline_mode = #tpu.pipeline_mode<synchronous>, transform_indices = @transform_13, window_bounds = array<i64: 1024, 128>}]} {
    %eq3A = arith.constant 0 : i32
    %eq3A_0 = arith.cmpi eq, %arg0, %eq3A : i32
    %convert_element_type3A = arith.extui %eq3A_0 : i1 to i32
    %cond3A = arith.constant 0 : i32
    %cond3A_1 = arith.cmpi ne, %convert_element_type3A, %cond3A : i32
    scf.if %cond3A_1 {
      %get3A_1072 = arith.constant 0 : index
      %get3A_1073 = arith.constant 0 : index
      %get3A_1074 = vector.load %arg7[%get3A_1072, %get3A_1073] : memref<1024x128xf32, #tpu.memory_space<vmem>>, vector<1024x128xf32>
      %convert_element_type3A_1075 = arith.truncf %get3A_1074 : vector<1024x128xf32> to vector<1024x128xbf16>
      %swap3A_1076 = arith.constant 0 : index
      %swap3A_1077 = arith.constant 128 : index
      %swap3A_1078 = vector.load %arg15[%swap3A_1076, %swap3A_1077] : memref<1024x256xbf16, #tpu.memory_space<vmem>>, vector<1024x128xbf16>
      tpu.vector_store %arg15[%swap3A_1076, %swap3A_1077], %convert_element_type3A_1075 {strides = array<i32>} : memref<1024x256xbf16, #tpu.memory_space<vmem>>, vector<1024x128xbf16>,
      %get3A_1079 = arith.constant 0 : index
      %get3A_1080 = arith.constant 0 : index
      %get3A_1081 = vector.load %arg8[%get3A_1079, %get3A_1080] : memref<1024x128xf32, #tpu.memory_space<vmem>>, vector<1024x128xf32>
      %swap3A_1082 = arith.constant 0 : index
      %swap3A_1083 = arith.constant 0 : index
      %swap3A_1084 = vector.load %arg16[%swap3A_1082, %swap3A_1083] : memref<1024x128xf32, #tpu.memory_space<vmem>>, vector<1024x128xf32>
      tpu.vector_store %arg16[%swap3A_1082, %swap3A_1083], %get3A_1081 {strides = array<i32>} : memref<1024x128xf32, #tpu.memory_space<vmem>>, vector<1024x128xf32>,
      %get3A_1085 = arith.constant 0 : index
      %get3A_1086 = arith.constant 0 : index
      %get3A_1087 = vector.load %arg9[%get3A_1085, %get3A_1086] : memref<1024x128xf32, #tpu.memory_space<vmem>>, vector<1024x128xf32>
      %convert_element_type3A_1088 = arith.truncf %get3A_1087 : vector<1024x128xf32> to vector<1024x128xbf16>
      %swap3A_1089 = arith.constant 0 : index
      %swap3A_1090 = arith.constant 128 : index
      %swap3A_1091 = vector.load %arg17[%swap3A_1089, %swap3A_1090] : memref<1024x256xbf16, #tpu.memory_space<vmem>>, vector<1024x128xbf16>
      tpu.vector_store %arg17[%swap3A_1089, %swap3A_1090], %convert_element_type3A_1088 {strides = array<i32>} : memref<1024x256xbf16, #tpu.memory_space<vmem>>, vector<1024x128xbf16>,
      %get3A_1092 = arith.constant 0 : index
      %get3A_1093 = arith.constant 0 : index
      %get3A_1094 = vector.load %arg10[%get3A_1092, %get3A_1093] : memref<1024x128xf32, #tpu.memory_space<vmem>>, vector<1024x128xf32>
      %swap3A_1095 = arith.constant 0 : index
      %swap3A_1096 = arith.constant 0 : index
      %swap3A_1097 = vector.load %arg18[%swap3A_1095, %swap3A_1096] : memref<1024x128xf32, #tpu.memory_space<vmem>>, vector<1024x128xf32>
      tpu.vector_store %arg18[%swap3A_1095, %swap3A_1096], %get3A_1094 {strides = array<i32>} : memref<1024x128xf32, #tpu.memory_space<vmem>>, vector<1024x128xf32>,
    } else {
    }
    %get3A = arith.constant 0 : index
    %get3A_2 = arith.constant 0 : index
    %get3A_3 = arith.constant 0 : index
    %get3A_4 = vector.load %arg1[%get3A, %get3A_2, %get3A_3] : memref<8x1024x128xf32, #tpu.memory_space<vmem>>, vector<1x1024x128xf32>
    %get3A_5 = vector.shape_cast %get3A_4 : vector<1x1024x128xf32> to vector<1024x128xf32>
    %get3A_6 = arith.constant 0 : index
    %get3A_7 = arith.constant 0 : index
    %get3A_8 = vector.load %arg3[%get3A_6, %get3A_7] : memref<256x512xbf16, #tpu.memory_space<vmem>>, vector<256x512xbf16>
    %get3A_9 = arith.constant 0 : index
    %get3A_10 = arith.constant 0 : index
    %get3A_11 = vector.load %arg4[%get3A_9, %get3A_10] : memref<1x512xbf16, #tpu.memory_space<vmem>>, vector<1x512xbf16>
    %convert_element_type3A_12 = arith.truncf %get3A_5 : vector<1024x128xf32> to vector<1024x128xbf16>
    %swap3A = arith.constant 0 : index
    %swap3A_13 = arith.constant 0 : index
    %swap3A_14 = vector.load %arg15[%swap3A, %swap3A_13] : memref<1024x256xbf16, #tpu.memory_space<vmem>>, vector<1024x128xbf16>
    tpu.vector_store %arg15[%swap3A, %swap3A_13], %convert_element_type3A_12 {strides = array<i32>} : memref<1024x256xbf16, #tpu.memory_space<vmem>>, vector<1024x128xbf16>,
    %get3A_15 = arith.constant 0 : index
    %get3A_16 = arith.constant 0 : index
    %get3A_17 = vector.load %arg15[%get3A_15, %get3A_16] : memref<1024x256xbf16, #tpu.memory_space<vmem>>, vector<1024x256xbf16>
    %dot_general3A = arith.constant dense<0.000000e+00> : vector<1024x512xf32>
    %dot_general3A_18 = tpu.matmul %get3A_17, %get3A_8, %dot_general3A {dimension_numbers = #tpu.dot_dimension_numbers<[1], [0], [0], [1], [0, 0, 1, 1], [], []>, transpose_lhs_hint = false} : vector<1024x256xbf16>, vector<256x512xbf16>, vector<1024x512xf32> -> vector<1024x512xf32>
    %convert_element_type3A_19 = arith.truncf %dot_general3A_18 : vector<1024x512xf32> to vector<1024x512xbf16>
    %add3A = vector.broadcast %get3A_11 : vector<1x512xbf16> to vector<1024x512xbf16>
    %add3A_20 = arith.addf %convert_element_type3A_19, %add3A : vector<1024x512xbf16>
    %slice3A = vector.extract_strided_slice %add3A_20 {offsets = [0, 0], sizes = [1024, 128], strides = [1, 1]} : vector<1024x512xbf16> to vector<1024x128xbf16>
    %tanh3A = math.tanh %slice3A : vector<1024x128xbf16>
    %mul3A = arith.constant 5.000000e-01 : bf16
    %mul3A_21 = vector.broadcast %mul3A : bf16 to vector<1024x128xbf16>
    %mul3A_22 = arith.mulf %mul3A_21, %tanh3A : vector<1024x128xbf16>
    %add3A_23 = arith.constant 5.000000e-01 : bf16
    %add3A_24 = vector.broadcast %add3A_23 : bf16 to vector<1024x128xbf16>
    %add3A_25 = arith.addf %mul3A_22, %add3A_24 : vector<1024x128xbf16>
    %slice3A_26 = vector.extract_strided_slice %add3A_20 {offsets = [0, 128], sizes = [1024, 128], strides = [1, 1]} : vector<1024x512xbf16> to vector<1024x128xbf16>
    %tanh3A_27 = math.tanh %slice3A_26 : vector<1024x128xbf16>
    %mul3A_28 = arith.constant 5.000000e-01 : bf16
    %mul3A_29 = vector.broadcast %mul3A_28 : bf16 to vector<1024x128xbf16>
    %mul3A_30 = arith.mulf %mul3A_29, %tanh3A_27 : vector<1024x128xbf16>
    %add3A_31 = arith.constant 5.000000e-01 : bf16
    %add3A_32 = vector.broadcast %add3A_31 : bf16 to vector<1024x128xbf16>
    %add3A_33 = arith.addf %mul3A_30, %add3A_32 : vector<1024x128xbf16>
    %slice3A_34 = vector.extract_strided_slice %add3A_20 {offsets = [0, 256], sizes = [1024, 128], strides = [1, 1]} : vector<1024x512xbf16> to vector<1024x128xbf16>
    %tanh3A_35 = math.tanh %slice3A_34 : vector<1024x128xbf16>
    %slice3A_36 = vector.extract_strided_slice %add3A_20 {offsets = [0, 384], sizes = [1024, 128], strides = [1, 1]} : vector<1024x512xbf16> to vector<1024x128xbf16>
    %tanh3A_37 = math.tanh %slice3A_36 : vector<1024x128xbf16>
    %mul3A_38 = arith.constant 5.000000e-01 : bf16
    %mul3A_39 = vector.broadcast %mul3A_38 : bf16 to vector<1024x128xbf16>
    %mul3A_40 = arith.mulf %mul3A_39, %tanh3A_37 : vector<1024x128xbf16>
    %add3A_41 = arith.constant 5.000000e-01 : bf16
    %add3A_42 = vector.broadcast %add3A_41 : bf16 to vector<1024x128xbf16>
    %add3A_43 = arith.addf %mul3A_40, %add3A_42 : vector<1024x128xbf16>
    %convert_element_type3A_44 = arith.extf %add3A_33 : vector<1024x128xbf16> to vector<1024x128xf32>
    %get3A_45 = arith.constant 0 : index
    %get3A_46 = arith.constant 0 : index
    %get3A_47 = vector.load %arg16[%get3A_45, %get3A_46] : memref<1024x128xf32, #tpu.memory_space<vmem>>, vector<1024x128xf32>
    %mul3A_48 = arith.mulf %convert_element_type3A_44, %get3A_47 : vector<1024x128xf32>
    %mul3A_49 = arith.mulf %add3A_25, %tanh3A_35 : vector<1024x128xbf16>
    %convert_element_type3A_50 = arith.extf %mul3A_49 : vector<1024x128xbf16> to vector<1024x128xf32>
    %add3A_51 = arith.addf %mul3A_48, %convert_element_type3A_50 : vector<1024x128xf32>
    %convert_element_type3A_52 = arith.extf %add3A_43 : vector<1024x128xbf16> to vector<1024x128xf32>
    %tanh3A_53 = math.tanh %add3A_51 : vector<1024x128xf32>
    %mul3A_54 = arith.mulf %convert_element_type3A_52, %tanh3A_53 : vector<1024x128xf32>
    %swap3A_55 = arith.constant 0 : index
    %swap3A_56 = arith.constant 0 : index
    %swap3A_57 = vector.load %arg16[%swap3A_55, %swap3A_56] : memref<1024x128xf32, #tpu.memory_space<vmem>>, vector<1024x128xf32>
    tpu.vector_store %arg16[%swap3A_55, %swap3A_56], %add3A_51 {strides = array<i32>} : memref<1024x128xf32, #tpu.memory_space<vmem>>, vector<1024x128xf32>,
    %convert_element_type3A_58 = arith.truncf %mul3A_54 : vector<1024x128xf32> to vector<1024x128xbf16>
    %swap3A_59 = arith.constant 0 : index
    %swap3A_60 = arith.constant 128 : index
    %swap3A_61 = vector.load %arg15[%swap3A_59, %swap3A_60] : memref<1024x256xbf16, #tpu.memory_space<vmem>>, vector<1024x128xbf16>
    tpu.vector_store %arg15[%swap3A_59, %swap3A_60], %convert_element_type3A_58 {strides = array<i32>} : memref<1024x256xbf16, #tpu.memory_space<vmem>>, vector<1024x128xbf16>,
    %get3A_62 = arith.constant 7 : index
    %get3A_63 = arith.constant 0 : index
    %get3A_64 = arith.constant 0 : index
    %get3A_65 = vector.load %arg2[%get3A_62, %get3A_63, %get3A_64] : memref<8x1024x128xf32, #tpu.memory_space<vmem>>, vector<1x1024x128xf32>
    %get3A_66 = vector.shape_cast %get3A_65 : vector<1x1024x128xf32> to vector<1024x128xf32>
    %get3A_67 = arith.constant 0 : index
    %get3A_68 = arith.constant 0 : index
    %get3A_69 = vector.load %arg5[%get3A_67, %get3A_68] : memref<256x512xbf16, #tpu.memory_space<vmem>>, vector<256x512xbf16>
    %get3A_70 = arith.constant 0 : index
    %get3A_71 = arith.constant 0 : index
    %get3A_72 = vector.load %arg6[%get3A_70, %get3A_71] : memref<1x512xbf16, #tpu.memory_space<vmem>>, vector<1x512xbf16>
    %convert_element_type3A_73 = arith.truncf %get3A_66 : vector<1024x128xf32> to vector<1024x128xbf16>
    %swap3A_74 = arith.constant 0 : index
    %swap3A_75 = arith.constant 0 : index
    %swap3A_76 = vector.load %arg17[%swap3A_74, %swap3A_75] : memref<1024x256xbf16, #tpu.memory_space<vmem>>, vector<1024x128xbf16>
    tpu.vector_store %arg17[%swap3A_74, %swap3A_75], %convert_element_type3A_73 {strides = array<i32>} : memref<1024x256xbf16, #tpu.memory_space<vmem>>, vector<1024x128xbf16>,
    %get3A_77 = arith.constant 0 : index
    %get3A_78 = arith.constant 0 : index
    %get3A_79 = vector.load %arg17[%get3A_77, %get3A_78] : memref<1024x256xbf16, #tpu.memory_space<vmem>>, vector<1024x256xbf16>
    %dot_general3A_80 = arith.constant dense<0.000000e+00> : vector<1024x512xf32>
    %dot_general3A_81 = tpu.matmul %get3A_79, %get3A_69, %dot_general3A_80 {dimension_numbers = #tpu.dot_dimension_numbers<[1], [0], [0], [1], [0, 0, 1, 1], [], []>, transpose_lhs_hint = false} : vector<1024x256xbf16>, vector<256x512xbf16>, vector<1024x512xf32> -> vector<1024x512xf32>
    %convert_element_type3A_82 = arith.truncf %dot_general3A_81 : vector<1024x512xf32> to vector<1024x512xbf16>
    %add3A_83 = vector.broadcast %get3A_72 : vector<1x512xbf16> to vector<1024x512xbf16>
    %add3A_84 = arith.addf %convert_element_type3A_82, %add3A_83 : vector<1024x512xbf16>
    %slice3A_85 = vector.extract_strided_slice %add3A_84 {offsets = [0, 0], sizes = [1024, 128], strides = [1, 1]} : vector<1024x512xbf16> to vector<1024x128xbf16>
    %tanh3A_86 = math.tanh %slice3A_85 : vector<1024x128xbf16>
    %mul3A_87 = arith.constant 5.000000e-01 : bf16
    %mul3A_88 = vector.broadcast %mul3A_87 : bf16 to vector<1024x128xbf16>
    %mul3A_89 = arith.mulf %mul3A_88, %tanh3A_86 : vector<1024x128xbf16>
    %add3A_90 = arith.constant 5.000000e-01 : bf16
    %add3A_91 = vector.broadcast %add3A_90 : bf16 to vector<1024x128xbf16>
    %add3A_92 = arith.addf %mul3A_89, %add3A_91 : vector<1024x128xbf16>
    %slice3A_93 = vector.extract_strided_slice %add3A_84 {offsets = [0, 128], sizes = [1024, 128], strides = [1, 1]} : vector<1024x512xbf16> to vector<1024x128xbf16>
    %tanh3A_94 = math.tanh %slice3A_93 : vector<1024x128xbf16>
    %mul3A_95 = arith.constant 5.000000e-01 : bf16
    %mul3A_96 = vector.broadcast %mul3A_95 : bf16 to vector<1024x128xbf16>
    %mul3A_97 = arith.mulf %mul3A_96, %tanh3A_94 : vector<1024x128xbf16>
    %add3A_98 = arith.constant 5.000000e-01 : bf16
    %add3A_99 = vector.broadcast %add3A_98 : bf16 to vector<1024x128xbf16>
    %add3A_100 = arith.addf %mul3A_97, %add3A_99 : vector<1024x128xbf16>
    %slice3A_101 = vector.extract_strided_slice %add3A_84 {offsets = [0, 256], sizes = [1024, 128], strides = [1, 1]} : vector<1024x512xbf16> to vector<1024x128xbf16>
    %tanh3A_102 = math.tanh %slice3A_101 : vector<1024x128xbf16>
    %slice3A_103 = vector.extract_strided_slice %add3A_84 {offsets = [0, 384], sizes = [1024, 128], strides = [1, 1]} : vector<1024x512xbf16> to vector<1024x128xbf16>
    %tanh3A_104 = math.tanh %slice3A_103 : vector<1024x128xbf16>
    %mul3A_105 = arith.constant 5.000000e-01 : bf16
    %mul3A_106 = vector.broadcast %mul3A_105 : bf16 to vector<1024x128xbf16>
    %mul3A_107 = arith.mulf %mul3A_106, %tanh3A_104 : vector<1024x128xbf16>
    %add3A_108 = arith.constant 5.000000e-01 : bf16
    %add3A_109 = vector.broadcast %add3A_108 : bf16 to vector<1024x128xbf16>
    %add3A_110 = arith.addf %mul3A_107, %add3A_109 : vector<1024x128xbf16>
    %convert_element_type3A_111 = arith.extf %add3A_100 : vector<1024x128xbf16> to vector<1024x128xf32>
    %get3A_112 = arith.constant 0 : index
    %get3A_113 = arith.constant 0 : index
    %get3A_114 = vector.load %arg18[%get3A_112, %get3A_113] : memref<1024x128xf32, #tpu.memory_space<vmem>>, vector<1024x128xf32>
    %mul3A_115 = arith.mulf %convert_element_type3A_111, %get3A_114 : vector<1024x128xf32>
    %mul3A_116 = arith.mulf %add3A_92, %tanh3A_102 : vector<1024x128xbf16>
    %convert_element_type3A_117 = arith.extf %mul3A_116 : vector<1024x128xbf16> to vector<1024x128xf32>
    %add3A_118 = arith.addf %mul3A_115, %convert_element_type3A_117 : vector<1024x128xf32>
    %convert_element_type3A_119 = arith.extf %add3A_110 : vector<1024x128xbf16> to vector<1024x128xf32>
    %tanh3A_120 = math.tanh %add3A_118 : vector<1024x128xf32>
    %mul3A_121 = arith.mulf %convert_element_type3A_119, %tanh3A_120 : vector<1024x128xf32>
    %swap3A_122 = arith.constant 0 : index
    %swap3A_123 = arith.constant 0 : index
    %swap3A_124 = vector.load %arg18[%swap3A_122, %swap3A_123] : memref<1024x128xf32, #tpu.memory_space<vmem>>, vector<1024x128xf32>
    tpu.vector_store %arg18[%swap3A_122, %swap3A_123], %add3A_118 {strides = array<i32>} : memref<1024x128xf32, #tpu.memory_space<vmem>>, vector<1024x128xf32>,
    %convert_element_type3A_125 = arith.truncf %mul3A_121 : vector<1024x128xf32> to vector<1024x128xbf16>
    %swap3A_126 = arith.constant 0 : index
    %swap3A_127 = arith.constant 128 : index
    %swap3A_128 = vector.load %arg17[%swap3A_126, %swap3A_127] : memref<1024x256xbf16, #tpu.memory_space<vmem>>, vector<1024x128xbf16>
    tpu.vector_store %arg17[%swap3A_126, %swap3A_127], %convert_element_type3A_125 {strides = array<i32>} : memref<1024x256xbf16, #tpu.memory_space<vmem>>, vector<1024x128xbf16>,
    %get3A_129 = arith.constant 1 : index
    %get3A_130 = arith.constant 0 : index
    %get3A_131 = arith.constant 0 : index
    %get3A_132 = vector.load %arg1[%get3A_129, %get3A_130, %get3A_131] : memref<8x1024x128xf32, #tpu.memory_space<vmem>>, vector<1x1024x128xf32>
    %get3A_133 = vector.shape_cast %get3A_132 : vector<1x1024x128xf32> to vector<1024x128xf32>
    %get3A_134 = arith.constant 0 : index
    %get3A_135 = arith.constant 0 : index
    %get3A_136 = vector.load %arg3[%get3A_134, %get3A_135] : memref<256x512xbf16, #tpu.memory_space<vmem>>, vector<256x512xbf16>
    %get3A_137 = arith.constant 0 : index
    %get3A_138 = arith.constant 0 : index
    %get3A_139 = vector.load %arg4[%get3A_137, %get3A_138] : memref<1x512xbf16, #tpu.memory_space<vmem>>, vector<1x512xbf16>
    %convert_element_type3A_140 = arith.truncf %get3A_133 : vector<1024x128xf32> to vector<1024x128xbf16>
    %swap3A_141 = arith.constant 0 : index
    %swap3A_142 = arith.constant 0 : index
    %swap3A_143 = vector.load %arg15[%swap3A_141, %swap3A_142] : memref<1024x256xbf16, #tpu.memory_space<vmem>>, vector<1024x128xbf16>
    tpu.vector_store %arg15[%swap3A_141, %swap3A_142], %convert_element_type3A_140 {strides = array<i32>} : memref<1024x256xbf16, #tpu.memory_space<vmem>>, vector<1024x128xbf16>,
    %get3A_144 = arith.constant 0 : index
    %get3A_145 = arith.constant 0 : index
    %get3A_146 = vector.load %arg15[%get3A_144, %get3A_145] : memref<1024x256xbf16, #tpu.memory_space<vmem>>, vector<1024x256xbf16>
    %dot_general3A_147 = arith.constant dense<0.000000e+00> : vector<1024x512xf32>
    %dot_general3A_148 = tpu.matmul %get3A_146, %get3A_136, %dot_general3A_147 {dimension_numbers = #tpu.dot_dimension_numbers<[1], [0], [0], [1], [0, 0, 1, 1], [], []>, transpose_lhs_hint = false} : vector<1024x256xbf16>, vector<256x512xbf16>, vector<1024x512xf32> -> vector<1024x512xf32>
    %convert_element_type3A_149 = arith.truncf %dot_general3A_148 : vector<1024x512xf32> to vector<1024x512xbf16>
    %add3A_150 = vector.broadcast %get3A_139 : vector<1x512xbf16> to vector<1024x512xbf16>
    %add3A_151 = arith.addf %convert_element_type3A_149, %add3A_150 : vector<1024x512xbf16>
    %slice3A_152 = vector.extract_strided_slice %add3A_151 {offsets = [0, 0], sizes = [1024, 128], strides = [1, 1]} : vector<1024x512xbf16> to vector<1024x128xbf16>
    %tanh3A_153 = math.tanh %slice3A_152 : vector<1024x128xbf16>
    %mul3A_154 = arith.constant 5.000000e-01 : bf16
    %mul3A_155 = vector.broadcast %mul3A_154 : bf16 to vector<1024x128xbf16>
    %mul3A_156 = arith.mulf %mul3A_155, %tanh3A_153 : vector<1024x128xbf16>
    %add3A_157 = arith.constant 5.000000e-01 : bf16
    %add3A_158 = vector.broadcast %add3A_157 : bf16 to vector<1024x128xbf16>
    %add3A_159 = arith.addf %mul3A_156, %add3A_158 : vector<1024x128xbf16>
    %slice3A_160 = vector.extract_strided_slice %add3A_151 {offsets = [0, 128], sizes = [1024, 128], strides = [1, 1]} : vector<1024x512xbf16> to vector<1024x128xbf16>
    %tanh3A_161 = math.tanh %slice3A_160 : vector<1024x128xbf16>
    %mul3A_162 = arith.constant 5.000000e-01 : bf16
    %mul3A_163 = vector.broadcast %mul3A_162 : bf16 to vector<1024x128xbf16>
    %mul3A_164 = arith.mulf %mul3A_163, %tanh3A_161 : vector<1024x128xbf16>
    %add3A_165 = arith.constant 5.000000e-01 : bf16
    %add3A_166 = vector.broadcast %add3A_165 : bf16 to vector<1024x128xbf16>
    %add3A_167 = arith.addf %mul3A_164, %add3A_166 : vector<1024x128xbf16>
    %slice3A_168 = vector.extract_strided_slice %add3A_151 {offsets = [0, 256], sizes = [1024, 128], strides = [1, 1]} : vector<1024x512xbf16> to vector<1024x128xbf16>
    %tanh3A_169 = math.tanh %slice3A_168 : vector<1024x128xbf16>
    %slice3A_170 = vector.extract_strided_slice %add3A_151 {offsets = [0, 384], sizes = [1024, 128], strides = [1, 1]} : vector<1024x512xbf16> to vector<1024x128xbf16>
    %tanh3A_171 = math.tanh %slice3A_170 : vector<1024x128xbf16>
    %mul3A_172 = arith.constant 5.000000e-01 : bf16
    %mul3A_173 = vector.broadcast %mul3A_172 : bf16 to vector<1024x128xbf16>
    %mul3A_174 = arith.mulf %mul3A_173, %tanh3A_171 : vector<1024x128xbf16>
    %add3A_175 = arith.constant 5.000000e-01 : bf16
    %add3A_176 = vector.broadcast %add3A_175 : bf16 to vector<1024x128xbf16>
    %add3A_177 = arith.addf %mul3A_174, %add3A_176 : vector<1024x128xbf16>
    %convert_element_type3A_178 = arith.extf %add3A_167 : vector<1024x128xbf16> to vector<1024x128xf32>
    %get3A_179 = arith.constant 0 : index
    %get3A_180 = arith.constant 0 : index
    %get3A_181 = vector.load %arg16[%get3A_179, %get3A_180] : memref<1024x128xf32, #tpu.memory_space<vmem>>, vector<1024x128xf32>
    %mul3A_182 = arith.mulf %convert_element_type3A_178, %get3A_181 : vector<1024x128xf32>
    %mul3A_183 = arith.mulf %add3A_159, %tanh3A_169 : vector<1024x128xbf16>
    %convert_element_type3A_184 = arith.extf %mul3A_183 : vector<1024x128xbf16> to vector<1024x128xf32>
    %add3A_185 = arith.addf %mul3A_182, %convert_element_type3A_184 : vector<1024x128xf32>
    %convert_element_type3A_186 = arith.extf %add3A_177 : vector<1024x128xbf16> to vector<1024x128xf32>
    %tanh3A_187 = math.tanh %add3A_185 : vector<1024x128xf32>
    %mul3A_188 = arith.mulf %convert_element_type3A_186, %tanh3A_187 : vector<1024x128xf32>
    %swap3A_189 = arith.constant 0 : index
    %swap3A_190 = arith.constant 0 : index
    %swap3A_191 = vector.load %arg16[%swap3A_189, %swap3A_190] : memref<1024x128xf32, #tpu.memory_space<vmem>>, vector<1024x128xf32>
    tpu.vector_store %arg16[%swap3A_189, %swap3A_190], %add3A_185 {strides = array<i32>} : memref<1024x128xf32, #tpu.memory_space<vmem>>, vector<1024x128xf32>,
    %convert_element_type3A_192 = arith.truncf %mul3A_188 : vector<1024x128xf32> to vector<1024x128xbf16>
    %swap3A_193 = arith.constant 0 : index
    %swap3A_194 = arith.constant 128 : index
    %swap3A_195 = vector.load %arg15[%swap3A_193, %swap3A_194] : memref<1024x256xbf16, #tpu.memory_space<vmem>>, vector<1024x128xbf16>
    tpu.vector_store %arg15[%swap3A_193, %swap3A_194], %convert_element_type3A_192 {strides = array<i32>} : memref<1024x256xbf16, #tpu.memory_space<vmem>>, vector<1024x128xbf16>,
    %get3A_196 = arith.constant 6 : index
    %get3A_197 = arith.constant 0 : index
    %get3A_198 = arith.constant 0 : index
    %get3A_199 = vector.load %arg2[%get3A_196, %get3A_197, %get3A_198] : memref<8x1024x128xf32, #tpu.memory_space<vmem>>, vector<1x1024x128xf32>
    %get3A_200 = vector.shape_cast %get3A_199 : vector<1x1024x128xf32> to vector<1024x128xf32>
    %get3A_201 = arith.constant 0 : index
    %get3A_202 = arith.constant 0 : index
    %get3A_203 = vector.load %arg5[%get3A_201, %get3A_202] : memref<256x512xbf16, #tpu.memory_space<vmem>>, vector<256x512xbf16>
    %get3A_204 = arith.constant 0 : index
    %get3A_205 = arith.constant 0 : index
    %get3A_206 = vector.load %arg6[%get3A_204, %get3A_205] : memref<1x512xbf16, #tpu.memory_space<vmem>>, vector<1x512xbf16>
    %convert_element_type3A_207 = arith.truncf %get3A_200 : vector<1024x128xf32> to vector<1024x128xbf16>
    %swap3A_208 = arith.constant 0 : index
    %swap3A_209 = arith.constant 0 : index
    %swap3A_210 = vector.load %arg17[%swap3A_208, %swap3A_209] : memref<1024x256xbf16, #tpu.memory_space<vmem>>, vector<1024x128xbf16>
    tpu.vector_store %arg17[%swap3A_208, %swap3A_209], %convert_element_type3A_207 {strides = array<i32>} : memref<1024x256xbf16, #tpu.memory_space<vmem>>, vector<1024x128xbf16>,
    %get3A_211 = arith.constant 0 : index
    %get3A_212 = arith.constant 0 : index
    %get3A_213 = vector.load %arg17[%get3A_211, %get3A_212] : memref<1024x256xbf16, #tpu.memory_space<vmem>>, vector<1024x256xbf16>
    %dot_general3A_214 = arith.constant dense<0.000000e+00> : vector<1024x512xf32>
    %dot_general3A_215 = tpu.matmul %get3A_213, %get3A_203, %dot_general3A_214 {dimension_numbers = #tpu.dot_dimension_numbers<[1], [0], [0], [1], [0, 0, 1, 1], [], []>, transpose_lhs_hint = false} : vector<1024x256xbf16>, vector<256x512xbf16>, vector<1024x512xf32> -> vector<1024x512xf32>
    %convert_element_type3A_216 = arith.truncf %dot_general3A_215 : vector<1024x512xf32> to vector<1024x512xbf16>
    %add3A_217 = vector.broadcast %get3A_206 : vector<1x512xbf16> to vector<1024x512xbf16>
    %add3A_218 = arith.addf %convert_element_type3A_216, %add3A_217 : vector<1024x512xbf16>
    %slice3A_219 = vector.extract_strided_slice %add3A_218 {offsets = [0, 0], sizes = [1024, 128], strides = [1, 1]} : vector<1024x512xbf16> to vector<1024x128xbf16>
    %tanh3A_220 = math.tanh %slice3A_219 : vector<1024x128xbf16>
    %mul3A_221 = arith.constant 5.000000e-01 : bf16
    %mul3A_222 = vector.broadcast %mul3A_221 : bf16 to vector<1024x128xbf16>
    %mul3A_223 = arith.mulf %mul3A_222, %tanh3A_220 : vector<1024x128xbf16>
    %add3A_224 = arith.constant 5.000000e-01 : bf16
    %add3A_225 = vector.broadcast %add3A_224 : bf16 to vector<1024x128xbf16>
    %add3A_226 = arith.addf %mul3A_223, %add3A_225 : vector<1024x128xbf16>
    %slice3A_227 = vector.extract_strided_slice %add3A_218 {offsets = [0, 128], sizes = [1024, 128], strides = [1, 1]} : vector<1024x512xbf16> to vector<1024x128xbf16>
    %tanh3A_228 = math.tanh %slice3A_227 : vector<1024x128xbf16>
    %mul3A_229 = arith.constant 5.000000e-01 : bf16
    %mul3A_230 = vector.broadcast %mul3A_229 : bf16 to vector<1024x128xbf16>
    %mul3A_231 = arith.mulf %mul3A_230, %tanh3A_228 : vector<1024x128xbf16>
    %add3A_232 = arith.constant 5.000000e-01 : bf16
    %add3A_233 = vector.broadcast %add3A_232 : bf16 to vector<1024x128xbf16>
    %add3A_234 = arith.addf %mul3A_231, %add3A_233 : vector<1024x128xbf16>
    %slice3A_235 = vector.extract_strided_slice %add3A_218 {offsets = [0, 256], sizes = [1024, 128], strides = [1, 1]} : vector<1024x512xbf16> to vector<1024x128xbf16>
    %tanh3A_236 = math.tanh %slice3A_235 : vector<1024x128xbf16>
    %slice3A_237 = vector.extract_strided_slice %add3A_218 {offsets = [0, 384], sizes = [1024, 128], strides = [1, 1]} : vector<1024x512xbf16> to vector<1024x128xbf16>
    %tanh3A_238 = math.tanh %slice3A_237 : vector<1024x128xbf16>
    %mul3A_239 = arith.constant 5.000000e-01 : bf16
    %mul3A_240 = vector.broadcast %mul3A_239 : bf16 to vector<1024x128xbf16>
    %mul3A_241 = arith.mulf %mul3A_240, %tanh3A_238 : vector<1024x128xbf16>
    %add3A_242 = arith.constant 5.000000e-01 : bf16
    %add3A_243 = vector.broadcast %add3A_242 : bf16 to vector<1024x128xbf16>
    %add3A_244 = arith.addf %mul3A_241, %add3A_243 : vector<1024x128xbf16>
    %convert_element_type3A_245 = arith.extf %add3A_234 : vector<1024x128xbf16> to vector<1024x128xf32>
    %get3A_246 = arith.constant 0 : index
    %get3A_247 = arith.constant 0 : index
    %get3A_248 = vector.load %arg18[%get3A_246, %get3A_247] : memref<1024x128xf32, #tpu.memory_space<vmem>>, vector<1024x128xf32>
    %mul3A_249 = arith.mulf %convert_element_type3A_245, %get3A_248 : vector<1024x128xf32>
    %mul3A_250 = arith.mulf %add3A_226, %tanh3A_236 : vector<1024x128xbf16>
    %convert_element_type3A_251 = arith.extf %mul3A_250 : vector<1024x128xbf16> to vector<1024x128xf32>
    %add3A_252 = arith.addf %mul3A_249, %convert_element_type3A_251 : vector<1024x128xf32>
    %convert_element_type3A_253 = arith.extf %add3A_244 : vector<1024x128xbf16> to vector<1024x128xf32>
    %tanh3A_254 = math.tanh %add3A_252 : vector<1024x128xf32>
    %mul3A_255 = arith.mulf %convert_element_type3A_253, %tanh3A_254 : vector<1024x128xf32>
    %swap3A_256 = arith.constant 0 : index
    %swap3A_257 = arith.constant 0 : index
    %swap3A_258 = vector.load %arg18[%swap3A_256, %swap3A_257] : memref<1024x128xf32, #tpu.memory_space<vmem>>, vector<1024x128xf32>
    tpu.vector_store %arg18[%swap3A_256, %swap3A_257], %add3A_252 {strides = array<i32>} : memref<1024x128xf32, #tpu.memory_space<vmem>>, vector<1024x128xf32>,
    %convert_element_type3A_259 = arith.truncf %mul3A_255 : vector<1024x128xf32> to vector<1024x128xbf16>
    %swap3A_260 = arith.constant 0 : index
    %swap3A_261 = arith.constant 128 : index
    %swap3A_262 = vector.load %arg17[%swap3A_260, %swap3A_261] : memref<1024x256xbf16, #tpu.memory_space<vmem>>, vector<1024x128xbf16>
    tpu.vector_store %arg17[%swap3A_260, %swap3A_261], %convert_element_type3A_259 {strides = array<i32>} : memref<1024x256xbf16, #tpu.memory_space<vmem>>, vector<1024x128xbf16>,
    %get3A_263 = arith.constant 2 : index
    %get3A_264 = arith.constant 0 : index
    %get3A_265 = arith.constant 0 : index
    %get3A_266 = vector.load %arg1[%get3A_263, %get3A_264, %get3A_265] : memref<8x1024x128xf32, #tpu.memory_space<vmem>>, vector<1x1024x128xf32>
    %get3A_267 = vector.shape_cast %get3A_266 : vector<1x1024x128xf32> to vector<1024x128xf32>
    %get3A_268 = arith.constant 0 : index
    %get3A_269 = arith.constant 0 : index
    %get3A_270 = vector.load %arg3[%get3A_268, %get3A_269] : memref<256x512xbf16, #tpu.memory_space<vmem>>, vector<256x512xbf16>
    %get3A_271 = arith.constant 0 : index
    %get3A_272 = arith.constant 0 : index
    %get3A_273 = vector.load %arg4[%get3A_271, %get3A_272] : memref<1x512xbf16, #tpu.memory_space<vmem>>, vector<1x512xbf16>
    %convert_element_type3A_274 = arith.truncf %get3A_267 : vector<1024x128xf32> to vector<1024x128xbf16>
    %swap3A_275 = arith.constant 0 : index
    %swap3A_276 = arith.constant 0 : index
    %swap3A_277 = vector.load %arg15[%swap3A_275, %swap3A_276] : memref<1024x256xbf16, #tpu.memory_space<vmem>>, vector<1024x128xbf16>
    tpu.vector_store %arg15[%swap3A_275, %swap3A_276], %convert_element_type3A_274 {strides = array<i32>} : memref<1024x256xbf16, #tpu.memory_space<vmem>>, vector<1024x128xbf16>,
    %get3A_278 = arith.constant 0 : index
    %get3A_279 = arith.constant 0 : index
    %get3A_280 = vector.load %arg15[%get3A_278, %get3A_279] : memref<1024x256xbf16, #tpu.memory_space<vmem>>, vector<1024x256xbf16>
    %dot_general3A_281 = arith.constant dense<0.000000e+00> : vector<1024x512xf32>
    %dot_general3A_282 = tpu.matmul %get3A_280, %get3A_270, %dot_general3A_281 {dimension_numbers = #tpu.dot_dimension_numbers<[1], [0], [0], [1], [0, 0, 1, 1], [], []>, transpose_lhs_hint = false} : vector<1024x256xbf16>, vector<256x512xbf16>, vector<1024x512xf32> -> vector<1024x512xf32>
    %convert_element_type3A_283 = arith.truncf %dot_general3A_282 : vector<1024x512xf32> to vector<1024x512xbf16>
    %add3A_284 = vector.broadcast %get3A_273 : vector<1x512xbf16> to vector<1024x512xbf16>
    %add3A_285 = arith.addf %convert_element_type3A_283, %add3A_284 : vector<1024x512xbf16>
    %slice3A_286 = vector.extract_strided_slice %add3A_285 {offsets = [0, 0], sizes = [1024, 128], strides = [1, 1]} : vector<1024x512xbf16> to vector<1024x128xbf16>
    %tanh3A_287 = math.tanh %slice3A_286 : vector<1024x128xbf16>
    %mul3A_288 = arith.constant 5.000000e-01 : bf16
    %mul3A_289 = vector.broadcast %mul3A_288 : bf16 to vector<1024x128xbf16>
    %mul3A_290 = arith.mulf %mul3A_289, %tanh3A_287 : vector<1024x128xbf16>
    %add3A_291 = arith.constant 5.000000e-01 : bf16
    %add3A_292 = vector.broadcast %add3A_291 : bf16 to vector<1024x128xbf16>
    %add3A_293 = arith.addf %mul3A_290, %add3A_292 : vector<1024x128xbf16>
    %slice3A_294 = vector.extract_strided_slice %add3A_285 {offsets = [0, 128], sizes = [1024, 128], strides = [1, 1]} : vector<1024x512xbf16> to vector<1024x128xbf16>
    %tanh3A_295 = math.tanh %slice3A_294 : vector<1024x128xbf16>
    %mul3A_296 = arith.constant 5.000000e-01 : bf16
    %mul3A_297 = vector.broadcast %mul3A_296 : bf16 to vector<1024x128xbf16>
    %mul3A_298 = arith.mulf %mul3A_297, %tanh3A_295 : vector<1024x128xbf16>
    %add3A_299 = arith.constant 5.000000e-01 : bf16
    %add3A_300 = vector.broadcast %add3A_299 : bf16 to vector<1024x128xbf16>
    %add3A_301 = arith.addf %mul3A_298, %add3A_300 : vector<1024x128xbf16>
    %slice3A_302 = vector.extract_strided_slice %add3A_285 {offsets = [0, 256], sizes = [1024, 128], strides = [1, 1]} : vector<1024x512xbf16> to vector<1024x128xbf16>
    %tanh3A_303 = math.tanh %slice3A_302 : vector<1024x128xbf16>
    %slice3A_304 = vector.extract_strided_slice %add3A_285 {offsets = [0, 384], sizes = [1024, 128], strides = [1, 1]} : vector<1024x512xbf16> to vector<1024x128xbf16>
    %tanh3A_305 = math.tanh %slice3A_304 : vector<1024x128xbf16>
    %mul3A_306 = arith.constant 5.000000e-01 : bf16
    %mul3A_307 = vector.broadcast %mul3A_306 : bf16 to vector<1024x128xbf16>
    %mul3A_308 = arith.mulf %mul3A_307, %tanh3A_305 : vector<1024x128xbf16>
    %add3A_309 = arith.constant 5.000000e-01 : bf16
    %add3A_310 = vector.broadcast %add3A_309 : bf16 to vector<1024x128xbf16>
    %add3A_311 = arith.addf %mul3A_308, %add3A_310 : vector<1024x128xbf16>
    %convert_element_type3A_312 = arith.extf %add3A_301 : vector<1024x128xbf16> to vector<1024x128xf32>
    %get3A_313 = arith.constant 0 : index
    %get3A_314 = arith.constant 0 : index
    %get3A_315 = vector.load %arg16[%get3A_313, %get3A_314] : memref<1024x128xf32, #tpu.memory_space<vmem>>, vector<1024x128xf32>
    %mul3A_316 = arith.mulf %convert_element_type3A_312, %get3A_315 : vector<1024x128xf32>
    %mul3A_317 = arith.mulf %add3A_293, %tanh3A_303 : vector<1024x128xbf16>
    %convert_element_type3A_318 = arith.extf %mul3A_317 : vector<1024x128xbf16> to vector<1024x128xf32>
    %add3A_319 = arith.addf %mul3A_316, %convert_element_type3A_318 : vector<1024x128xf32>
    %convert_element_type3A_320 = arith.extf %add3A_311 : vector<1024x128xbf16> to vector<1024x128xf32>
    %tanh3A_321 = math.tanh %add3A_319 : vector<1024x128xf32>
    %mul3A_322 = arith.mulf %convert_element_type3A_320, %tanh3A_321 : vector<1024x128xf32>
    %swap3A_323 = arith.constant 0 : index
    %swap3A_324 = arith.constant 0 : index
    %swap3A_325 = vector.load %arg16[%swap3A_323, %swap3A_324] : memref<1024x128xf32, #tpu.memory_space<vmem>>, vector<1024x128xf32>
    tpu.vector_store %arg16[%swap3A_323, %swap3A_324], %add3A_319 {strides = array<i32>} : memref<1024x128xf32, #tpu.memory_space<vmem>>, vector<1024x128xf32>,
    %convert_element_type3A_326 = arith.truncf %mul3A_322 : vector<1024x128xf32> to vector<1024x128xbf16>
    %swap3A_327 = arith.constant 0 : index
    %swap3A_328 = arith.constant 128 : index
    %swap3A_329 = vector.load %arg15[%swap3A_327, %swap3A_328] : memref<1024x256xbf16, #tpu.memory_space<vmem>>, vector<1024x128xbf16>
    tpu.vector_store %arg15[%swap3A_327, %swap3A_328], %convert_element_type3A_326 {strides = array<i32>} : memref<1024x256xbf16, #tpu.memory_space<vmem>>, vector<1024x128xbf16>,
    %get3A_330 = arith.constant 5 : index
    %get3A_331 = arith.constant 0 : index
    %get3A_332 = arith.constant 0 : index
    %get3A_333 = vector.load %arg2[%get3A_330, %get3A_331, %get3A_332] : memref<8x1024x128xf32, #tpu.memory_space<vmem>>, vector<1x1024x128xf32>
    %get3A_334 = vector.shape_cast %get3A_333 : vector<1x1024x128xf32> to vector<1024x128xf32>
    %get3A_335 = arith.constant 0 : index
    %get3A_336 = arith.constant 0 : index
    %get3A_337 = vector.load %arg5[%get3A_335, %get3A_336] : memref<256x512xbf16, #tpu.memory_space<vmem>>, vector<256x512xbf16>
    %get3A_338 = arith.constant 0 : index
    %get3A_339 = arith.constant 0 : index
    %get3A_340 = vector.load %arg6[%get3A_338, %get3A_339] : memref<1x512xbf16, #tpu.memory_space<vmem>>, vector<1x512xbf16>
    %convert_element_type3A_341 = arith.truncf %get3A_334 : vector<1024x128xf32> to vector<1024x128xbf16>
    %swap3A_342 = arith.constant 0 : index
    %swap3A_343 = arith.constant 0 : index
    %swap3A_344 = vector.load %arg17[%swap3A_342, %swap3A_343] : memref<1024x256xbf16, #tpu.memory_space<vmem>>, vector<1024x128xbf16>
    tpu.vector_store %arg17[%swap3A_342, %swap3A_343], %convert_element_type3A_341 {strides = array<i32>} : memref<1024x256xbf16, #tpu.memory_space<vmem>>, vector<1024x128xbf16>,
    %get3A_345 = arith.constant 0 : index
    %get3A_346 = arith.constant 0 : index
    %get3A_347 = vector.load %arg17[%get3A_345, %get3A_346] : memref<1024x256xbf16, #tpu.memory_space<vmem>>, vector<1024x256xbf16>
    %dot_general3A_348 = arith.constant dense<0.000000e+00> : vector<1024x512xf32>
    %dot_general3A_349 = tpu.matmul %get3A_347, %get3A_337, %dot_general3A_348 {dimension_numbers = #tpu.dot_dimension_numbers<[1], [0], [0], [1], [0, 0, 1, 1], [], []>, transpose_lhs_hint = false} : vector<1024x256xbf16>, vector<256x512xbf16>, vector<1024x512xf32> -> vector<1024x512xf32>
    %convert_element_type3A_350 = arith.truncf %dot_general3A_349 : vector<1024x512xf32> to vector<1024x512xbf16>
    %add3A_351 = vector.broadcast %get3A_340 : vector<1x512xbf16> to vector<1024x512xbf16>
    %add3A_352 = arith.addf %convert_element_type3A_350, %add3A_351 : vector<1024x512xbf16>
    %slice3A_353 = vector.extract_strided_slice %add3A_352 {offsets = [0, 0], sizes = [1024, 128], strides = [1, 1]} : vector<1024x512xbf16> to vector<1024x128xbf16>
    %tanh3A_354 = math.tanh %slice3A_353 : vector<1024x128xbf16>
    %mul3A_355 = arith.constant 5.000000e-01 : bf16
    %mul3A_356 = vector.broadcast %mul3A_355 : bf16 to vector<1024x128xbf16>
    %mul3A_357 = arith.mulf %mul3A_356, %tanh3A_354 : vector<1024x128xbf16>
    %add3A_358 = arith.constant 5.000000e-01 : bf16
    %add3A_359 = vector.broadcast %add3A_358 : bf16 to vector<1024x128xbf16>
    %add3A_360 = arith.addf %mul3A_357, %add3A_359 : vector<1024x128xbf16>
    %slice3A_361 = vector.extract_strided_slice %add3A_352 {offsets = [0, 128], sizes = [1024, 128], strides = [1, 1]} : vector<1024x512xbf16> to vector<1024x128xbf16>
    %tanh3A_362 = math.tanh %slice3A_361 : vector<1024x128xbf16>
    %mul3A_363 = arith.constant 5.000000e-01 : bf16
    %mul3A_364 = vector.broadcast %mul3A_363 : bf16 to vector<1024x128xbf16>
    %mul3A_365 = arith.mulf %mul3A_364, %tanh3A_362 : vector<1024x128xbf16>
    %add3A_366 = arith.constant 5.000000e-01 : bf16
    %add3A_367 = vector.broadcast %add3A_366 : bf16 to vector<1024x128xbf16>
    %add3A_368 = arith.addf %mul3A_365, %add3A_367 : vector<1024x128xbf16>
    %slice3A_369 = vector.extract_strided_slice %add3A_352 {offsets = [0, 256], sizes = [1024, 128], strides = [1, 1]} : vector<1024x512xbf16> to vector<1024x128xbf16>
    %tanh3A_370 = math.tanh %slice3A_369 : vector<1024x128xbf16>
    %slice3A_371 = vector.extract_strided_slice %add3A_352 {offsets = [0, 384], sizes = [1024, 128], strides = [1, 1]} : vector<1024x512xbf16> to vector<1024x128xbf16>
    %tanh3A_372 = math.tanh %slice3A_371 : vector<1024x128xbf16>
    %mul3A_373 = arith.constant 5.000000e-01 : bf16
    %mul3A_374 = vector.broadcast %mul3A_373 : bf16 to vector<1024x128xbf16>
    %mul3A_375 = arith.mulf %mul3A_374, %tanh3A_372 : vector<1024x128xbf16>
    %add3A_376 = arith.constant 5.000000e-01 : bf16
    %add3A_377 = vector.broadcast %add3A_376 : bf16 to vector<1024x128xbf16>
    %add3A_378 = arith.addf %mul3A_375, %add3A_377 : vector<1024x128xbf16>
    %convert_element_type3A_379 = arith.extf %add3A_368 : vector<1024x128xbf16> to vector<1024x128xf32>
    %get3A_380 = arith.constant 0 : index
    %get3A_381 = arith.constant 0 : index
    %get3A_382 = vector.load %arg18[%get3A_380, %get3A_381] : memref<1024x128xf32, #tpu.memory_space<vmem>>, vector<1024x128xf32>
    %mul3A_383 = arith.mulf %convert_element_type3A_379, %get3A_382 : vector<1024x128xf32>
    %mul3A_384 = arith.mulf %add3A_360, %tanh3A_370 : vector<1024x128xbf16>
    %convert_element_type3A_385 = arith.extf %mul3A_384 : vector<1024x128xbf16> to vector<1024x128xf32>
    %add3A_386 = arith.addf %mul3A_383, %convert_element_type3A_385 : vector<1024x128xf32>
    %convert_element_type3A_387 = arith.extf %add3A_378 : vector<1024x128xbf16> to vector<1024x128xf32>
    %tanh3A_388 = math.tanh %add3A_386 : vector<1024x128xf32>
    %mul3A_389 = arith.mulf %convert_element_type3A_387, %tanh3A_388 : vector<1024x128xf32>
    %swap3A_390 = arith.constant 0 : index
    %swap3A_391 = arith.constant 0 : index
    %swap3A_392 = vector.load %arg18[%swap3A_390, %swap3A_391] : memref<1024x128xf32, #tpu.memory_space<vmem>>, vector<1024x128xf32>
    tpu.vector_store %arg18[%swap3A_390, %swap3A_391], %add3A_386 {strides = array<i32>} : memref<1024x128xf32, #tpu.memory_space<vmem>>, vector<1024x128xf32>,
    %convert_element_type3A_393 = arith.truncf %mul3A_389 : vector<1024x128xf32> to vector<1024x128xbf16>
    %swap3A_394 = arith.constant 0 : index
    %swap3A_395 = arith.constant 128 : index
    %swap3A_396 = vector.load %arg17[%swap3A_394, %swap3A_395] : memref<1024x256xbf16, #tpu.memory_space<vmem>>, vector<1024x128xbf16>
    tpu.vector_store %arg17[%swap3A_394, %swap3A_395], %convert_element_type3A_393 {strides = array<i32>} : memref<1024x256xbf16, #tpu.memory_space<vmem>>, vector<1024x128xbf16>,
    %get3A_397 = arith.constant 3 : index
    %get3A_398 = arith.constant 0 : index
    %get3A_399 = arith.constant 0 : index
    %get3A_400 = vector.load %arg1[%get3A_397, %get3A_398, %get3A_399] : memref<8x1024x128xf32, #tpu.memory_space<vmem>>, vector<1x1024x128xf32>
    %get3A_401 = vector.shape_cast %get3A_400 : vector<1x1024x128xf32> to vector<1024x128xf32>
    %get3A_402 = arith.constant 0 : index
    %get3A_403 = arith.constant 0 : index
    %get3A_404 = vector.load %arg3[%get3A_402, %get3A_403] : memref<256x512xbf16, #tpu.memory_space<vmem>>, vector<256x512xbf16>
    %get3A_405 = arith.constant 0 : index
    %get3A_406 = arith.constant 0 : index
    %get3A_407 = vector.load %arg4[%get3A_405, %get3A_406] : memref<1x512xbf16, #tpu.memory_space<vmem>>, vector<1x512xbf16>
    %convert_element_type3A_408 = arith.truncf %get3A_401 : vector<1024x128xf32> to vector<1024x128xbf16>
    %swap3A_409 = arith.constant 0 : index
    %swap3A_410 = arith.constant 0 : index
    %swap3A_411 = vector.load %arg15[%swap3A_409, %swap3A_410] : memref<1024x256xbf16, #tpu.memory_space<vmem>>, vector<1024x128xbf16>
    tpu.vector_store %arg15[%swap3A_409, %swap3A_410], %convert_element_type3A_408 {strides = array<i32>} : memref<1024x256xbf16, #tpu.memory_space<vmem>>, vector<1024x128xbf16>,
    %get3A_412 = arith.constant 0 : index
    %get3A_413 = arith.constant 0 : index
    %get3A_414 = vector.load %arg15[%get3A_412, %get3A_413] : memref<1024x256xbf16, #tpu.memory_space<vmem>>, vector<1024x256xbf16>
    %dot_general3A_415 = arith.constant dense<0.000000e+00> : vector<1024x512xf32>
    %dot_general3A_416 = tpu.matmul %get3A_414, %get3A_404, %dot_general3A_415 {dimension_numbers = #tpu.dot_dimension_numbers<[1], [0], [0], [1], [0, 0, 1, 1], [], []>, transpose_lhs_hint = false} : vector<1024x256xbf16>, vector<256x512xbf16>, vector<1024x512xf32> -> vector<1024x512xf32>
    %convert_element_type3A_417 = arith.truncf %dot_general3A_416 : vector<1024x512xf32> to vector<1024x512xbf16>
    %add3A_418 = vector.broadcast %get3A_407 : vector<1x512xbf16> to vector<1024x512xbf16>
    %add3A_419 = arith.addf %convert_element_type3A_417, %add3A_418 : vector<1024x512xbf16>
    %slice3A_420 = vector.extract_strided_slice %add3A_419 {offsets = [0, 0], sizes = [1024, 128], strides = [1, 1]} : vector<1024x512xbf16> to vector<1024x128xbf16>
    %tanh3A_421 = math.tanh %slice3A_420 : vector<1024x128xbf16>
    %mul3A_422 = arith.constant 5.000000e-01 : bf16
    %mul3A_423 = vector.broadcast %mul3A_422 : bf16 to vector<1024x128xbf16>
    %mul3A_424 = arith.mulf %mul3A_423, %tanh3A_421 : vector<1024x128xbf16>
    %add3A_425 = arith.constant 5.000000e-01 : bf16
    %add3A_426 = vector.broadcast %add3A_425 : bf16 to vector<1024x128xbf16>
    %add3A_427 = arith.addf %mul3A_424, %add3A_426 : vector<1024x128xbf16>
    %slice3A_428 = vector.extract_strided_slice %add3A_419 {offsets = [0, 128], sizes = [1024, 128], strides = [1, 1]} : vector<1024x512xbf16> to vector<1024x128xbf16>
    %tanh3A_429 = math.tanh %slice3A_428 : vector<1024x128xbf16>
    %mul3A_430 = arith.constant 5.000000e-01 : bf16
    %mul3A_431 = vector.broadcast %mul3A_430 : bf16 to vector<1024x128xbf16>
    %mul3A_432 = arith.mulf %mul3A_431, %tanh3A_429 : vector<1024x128xbf16>
    %add3A_433 = arith.constant 5.000000e-01 : bf16
    %add3A_434 = vector.broadcast %add3A_433 : bf16 to vector<1024x128xbf16>
    %add3A_435 = arith.addf %mul3A_432, %add3A_434 : vector<1024x128xbf16>
    %slice3A_436 = vector.extract_strided_slice %add3A_419 {offsets = [0, 256], sizes = [1024, 128], strides = [1, 1]} : vector<1024x512xbf16> to vector<1024x128xbf16>
    %tanh3A_437 = math.tanh %slice3A_436 : vector<1024x128xbf16>
    %slice3A_438 = vector.extract_strided_slice %add3A_419 {offsets = [0, 384], sizes = [1024, 128], strides = [1, 1]} : vector<1024x512xbf16> to vector<1024x128xbf16>
    %tanh3A_439 = math.tanh %slice3A_438 : vector<1024x128xbf16>
    %mul3A_440 = arith.constant 5.000000e-01 : bf16
    %mul3A_441 = vector.broadcast %mul3A_440 : bf16 to vector<1024x128xbf16>
    %mul3A_442 = arith.mulf %mul3A_441, %tanh3A_439 : vector<1024x128xbf16>
    %add3A_443 = arith.constant 5.000000e-01 : bf16
    %add3A_444 = vector.broadcast %add3A_443 : bf16 to vector<1024x128xbf16>
    %add3A_445 = arith.addf %mul3A_442, %add3A_444 : vector<1024x128xbf16>
    %convert_element_type3A_446 = arith.extf %add3A_435 : vector<1024x128xbf16> to vector<1024x128xf32>
    %get3A_447 = arith.constant 0 : index
    %get3A_448 = arith.constant 0 : index
    %get3A_449 = vector.load %arg16[%get3A_447, %get3A_448] : memref<1024x128xf32, #tpu.memory_space<vmem>>, vector<1024x128xf32>
    %mul3A_450 = arith.mulf %convert_element_type3A_446, %get3A_449 : vector<1024x128xf32>
    %mul3A_451 = arith.mulf %add3A_427, %tanh3A_437 : vector<1024x128xbf16>
    %convert_element_type3A_452 = arith.extf %mul3A_451 : vector<1024x128xbf16> to vector<1024x128xf32>
    %add3A_453 = arith.addf %mul3A_450, %convert_element_type3A_452 : vector<1024x128xf32>
    %convert_element_type3A_454 = arith.extf %add3A_445 : vector<1024x128xbf16> to vector<1024x128xf32>
    %tanh3A_455 = math.tanh %add3A_453 : vector<1024x128xf32>
    %mul3A_456 = arith.mulf %convert_element_type3A_454, %tanh3A_455 : vector<1024x128xf32>
    %swap3A_457 = arith.constant 0 : index
    %swap3A_458 = arith.constant 0 : index
    %swap3A_459 = vector.load %arg16[%swap3A_457, %swap3A_458] : memref<1024x128xf32, #tpu.memory_space<vmem>>, vector<1024x128xf32>
    tpu.vector_store %arg16[%swap3A_457, %swap3A_458], %add3A_453 {strides = array<i32>} : memref<1024x128xf32, #tpu.memory_space<vmem>>, vector<1024x128xf32>,
    %convert_element_type3A_460 = arith.truncf %mul3A_456 : vector<1024x128xf32> to vector<1024x128xbf16>
    %swap3A_461 = arith.constant 0 : index
    %swap3A_462 = arith.constant 128 : index
    %swap3A_463 = vector.load %arg15[%swap3A_461, %swap3A_462] : memref<1024x256xbf16, #tpu.memory_space<vmem>>, vector<1024x128xbf16>
    tpu.vector_store %arg15[%swap3A_461, %swap3A_462], %convert_element_type3A_460 {strides = array<i32>} : memref<1024x256xbf16, #tpu.memory_space<vmem>>, vector<1024x128xbf16>,
    %get3A_464 = arith.constant 4 : index
    %get3A_465 = arith.constant 0 : index
    %get3A_466 = arith.constant 0 : index
    %get3A_467 = vector.load %arg2[%get3A_464, %get3A_465, %get3A_466] : memref<8x1024x128xf32, #tpu.memory_space<vmem>>, vector<1x1024x128xf32>
    %get3A_468 = vector.shape_cast %get3A_467 : vector<1x1024x128xf32> to vector<1024x128xf32>
    %get3A_469 = arith.constant 0 : index
    %get3A_470 = arith.constant 0 : index
    %get3A_471 = vector.load %arg5[%get3A_469, %get3A_470] : memref<256x512xbf16, #tpu.memory_space<vmem>>, vector<256x512xbf16>
    %get3A_472 = arith.constant 0 : index
    %get3A_473 = arith.constant 0 : index
    %get3A_474 = vector.load %arg6[%get3A_472, %get3A_473] : memref<1x512xbf16, #tpu.memory_space<vmem>>, vector<1x512xbf16>
    %convert_element_type3A_475 = arith.truncf %get3A_468 : vector<1024x128xf32> to vector<1024x128xbf16>
    %swap3A_476 = arith.constant 0 : index
    %swap3A_477 = arith.constant 0 : index
    %swap3A_478 = vector.load %arg17[%swap3A_476, %swap3A_477] : memref<1024x256xbf16, #tpu.memory_space<vmem>>, vector<1024x128xbf16>
    tpu.vector_store %arg17[%swap3A_476, %swap3A_477], %convert_element_type3A_475 {strides = array<i32>} : memref<1024x256xbf16, #tpu.memory_space<vmem>>, vector<1024x128xbf16>,
    %get3A_479 = arith.constant 0 : index
    %get3A_480 = arith.constant 0 : index
    %get3A_481 = vector.load %arg17[%get3A_479, %get3A_480] : memref<1024x256xbf16, #tpu.memory_space<vmem>>, vector<1024x256xbf16>
    %dot_general3A_482 = arith.constant dense<0.000000e+00> : vector<1024x512xf32>
    %dot_general3A_483 = tpu.matmul %get3A_481, %get3A_471, %dot_general3A_482 {dimension_numbers = #tpu.dot_dimension_numbers<[1], [0], [0], [1], [0, 0, 1, 1], [], []>, transpose_lhs_hint = false} : vector<1024x256xbf16>, vector<256x512xbf16>, vector<1024x512xf32> -> vector<1024x512xf32>
    %convert_element_type3A_484 = arith.truncf %dot_general3A_483 : vector<1024x512xf32> to vector<1024x512xbf16>
    %add3A_485 = vector.broadcast %get3A_474 : vector<1x512xbf16> to vector<1024x512xbf16>
    %add3A_486 = arith.addf %convert_element_type3A_484, %add3A_485 : vector<1024x512xbf16>
    %slice3A_487 = vector.extract_strided_slice %add3A_486 {offsets = [0, 0], sizes = [1024, 128], strides = [1, 1]} : vector<1024x512xbf16> to vector<1024x128xbf16>
    %tanh3A_488 = math.tanh %slice3A_487 : vector<1024x128xbf16>
    %mul3A_489 = arith.constant 5.000000e-01 : bf16
    %mul3A_490 = vector.broadcast %mul3A_489 : bf16 to vector<1024x128xbf16>
    %mul3A_491 = arith.mulf %mul3A_490, %tanh3A_488 : vector<1024x128xbf16>
    %add3A_492 = arith.constant 5.000000e-01 : bf16
    %add3A_493 = vector.broadcast %add3A_492 : bf16 to vector<1024x128xbf16>
    %add3A_494 = arith.addf %mul3A_491, %add3A_493 : vector<1024x128xbf16>
    %slice3A_495 = vector.extract_strided_slice %add3A_486 {offsets = [0, 128], sizes = [1024, 128], strides = [1, 1]} : vector<1024x512xbf16> to vector<1024x128xbf16>
    %tanh3A_496 = math.tanh %slice3A_495 : vector<1024x128xbf16>
    %mul3A_497 = arith.constant 5.000000e-01 : bf16
    %mul3A_498 = vector.broadcast %mul3A_497 : bf16 to vector<1024x128xbf16>
    %mul3A_499 = arith.mulf %mul3A_498, %tanh3A_496 : vector<1024x128xbf16>
    %add3A_500 = arith.constant 5.000000e-01 : bf16
    %add3A_501 = vector.broadcast %add3A_500 : bf16 to vector<1024x128xbf16>
    %add3A_502 = arith.addf %mul3A_499, %add3A_501 : vector<1024x128xbf16>
    %slice3A_503 = vector.extract_strided_slice %add3A_486 {offsets = [0, 256], sizes = [1024, 128], strides = [1, 1]} : vector<1024x512xbf16> to vector<1024x128xbf16>
    %tanh3A_504 = math.tanh %slice3A_503 : vector<1024x128xbf16>
    %slice3A_505 = vector.extract_strided_slice %add3A_486 {offsets = [0, 384], sizes = [1024, 128], strides = [1, 1]} : vector<1024x512xbf16> to vector<1024x128xbf16>
    %tanh3A_506 = math.tanh %slice3A_505 : vector<1024x128xbf16>
    %mul3A_507 = arith.constant 5.000000e-01 : bf16
    %mul3A_508 = vector.broadcast %mul3A_507 : bf16 to vector<1024x128xbf16>
    %mul3A_509 = arith.mulf %mul3A_508, %tanh3A_506 : vector<1024x128xbf16>
    %add3A_510 = arith.constant 5.000000e-01 : bf16
    %add3A_511 = vector.broadcast %add3A_510 : bf16 to vector<1024x128xbf16>
    %add3A_512 = arith.addf %mul3A_509, %add3A_511 : vector<1024x128xbf16>
    %convert_element_type3A_513 = arith.extf %add3A_502 : vector<1024x128xbf16> to vector<1024x128xf32>
    %get3A_514 = arith.constant 0 : index
    %get3A_515 = arith.constant 0 : index
    %get3A_516 = vector.load %arg18[%get3A_514, %get3A_515] : memref<1024x128xf32, #tpu.memory_space<vmem>>, vector<1024x128xf32>
    %mul3A_517 = arith.mulf %convert_element_type3A_513, %get3A_516 : vector<1024x128xf32>
    %mul3A_518 = arith.mulf %add3A_494, %tanh3A_504 : vector<1024x128xbf16>
    %convert_element_type3A_519 = arith.extf %mul3A_518 : vector<1024x128xbf16> to vector<1024x128xf32>
    %add3A_520 = arith.addf %mul3A_517, %convert_element_type3A_519 : vector<1024x128xf32>
    %convert_element_type3A_521 = arith.extf %add3A_512 : vector<1024x128xbf16> to vector<1024x128xf32>
    %tanh3A_522 = math.tanh %add3A_520 : vector<1024x128xf32>
    %mul3A_523 = arith.mulf %convert_element_type3A_521, %tanh3A_522 : vector<1024x128xf32>
    %swap3A_524 = arith.constant 0 : index
    %swap3A_525 = arith.constant 0 : index
    %swap3A_526 = vector.load %arg18[%swap3A_524, %swap3A_525] : memref<1024x128xf32, #tpu.memory_space<vmem>>, vector<1024x128xf32>
    tpu.vector_store %arg18[%swap3A_524, %swap3A_525], %add3A_520 {strides = array<i32>} : memref<1024x128xf32, #tpu.memory_space<vmem>>, vector<1024x128xf32>,
    %convert_element_type3A_527 = arith.truncf %mul3A_523 : vector<1024x128xf32> to vector<1024x128xbf16>
    %swap3A_528 = arith.constant 0 : index
    %swap3A_529 = arith.constant 128 : index
    %swap3A_530 = vector.load %arg17[%swap3A_528, %swap3A_529] : memref<1024x256xbf16, #tpu.memory_space<vmem>>, vector<1024x128xbf16>
    tpu.vector_store %arg17[%swap3A_528, %swap3A_529], %convert_element_type3A_527 {strides = array<i32>} : memref<1024x256xbf16, #tpu.memory_space<vmem>>, vector<1024x128xbf16>,
    %get3A_531 = arith.constant 4 : index
    %get3A_532 = arith.constant 0 : index
    %get3A_533 = arith.constant 0 : index
    %get3A_534 = vector.load %arg1[%get3A_531, %get3A_532, %get3A_533] : memref<8x1024x128xf32, #tpu.memory_space<vmem>>, vector<1x1024x128xf32>
    %get3A_535 = vector.shape_cast %get3A_534 : vector<1x1024x128xf32> to vector<1024x128xf32>
    %get3A_536 = arith.constant 0 : index
    %get3A_537 = arith.constant 0 : index
    %get3A_538 = vector.load %arg3[%get3A_536, %get3A_537] : memref<256x512xbf16, #tpu.memory_space<vmem>>, vector<256x512xbf16>
    %get3A_539 = arith.constant 0 : index
    %get3A_540 = arith.constant 0 : index
    %get3A_541 = vector.load %arg4[%get3A_539, %get3A_540] : memref<1x512xbf16, #tpu.memory_space<vmem>>, vector<1x512xbf16>
    %convert_element_type3A_542 = arith.truncf %get3A_535 : vector<1024x128xf32> to vector<1024x128xbf16>
    %swap3A_543 = arith.constant 0 : index
    %swap3A_544 = arith.constant 0 : index
    %swap3A_545 = vector.load %arg15[%swap3A_543, %swap3A_544] : memref<1024x256xbf16, #tpu.memory_space<vmem>>, vector<1024x128xbf16>
    tpu.vector_store %arg15[%swap3A_543, %swap3A_544], %convert_element_type3A_542 {strides = array<i32>} : memref<1024x256xbf16, #tpu.memory_space<vmem>>, vector<1024x128xbf16>,
    %get3A_546 = arith.constant 0 : index
    %get3A_547 = arith.constant 0 : index
    %get3A_548 = vector.load %arg15[%get3A_546, %get3A_547] : memref<1024x256xbf16, #tpu.memory_space<vmem>>, vector<1024x256xbf16>
    %dot_general3A_549 = arith.constant dense<0.000000e+00> : vector<1024x512xf32>
    %dot_general3A_550 = tpu.matmul %get3A_548, %get3A_538, %dot_general3A_549 {dimension_numbers = #tpu.dot_dimension_numbers<[1], [0], [0], [1], [0, 0, 1, 1], [], []>, transpose_lhs_hint = false} : vector<1024x256xbf16>, vector<256x512xbf16>, vector<1024x512xf32> -> vector<1024x512xf32>
    %convert_element_type3A_551 = arith.truncf %dot_general3A_550 : vector<1024x512xf32> to vector<1024x512xbf16>
    %add3A_552 = vector.broadcast %get3A_541 : vector<1x512xbf16> to vector<1024x512xbf16>
    %add3A_553 = arith.addf %convert_element_type3A_551, %add3A_552 : vector<1024x512xbf16>
    %slice3A_554 = vector.extract_strided_slice %add3A_553 {offsets = [0, 0], sizes = [1024, 128], strides = [1, 1]} : vector<1024x512xbf16> to vector<1024x128xbf16>
    %tanh3A_555 = math.tanh %slice3A_554 : vector<1024x128xbf16>
    %mul3A_556 = arith.constant 5.000000e-01 : bf16
    %mul3A_557 = vector.broadcast %mul3A_556 : bf16 to vector<1024x128xbf16>
    %mul3A_558 = arith.mulf %mul3A_557, %tanh3A_555 : vector<1024x128xbf16>
    %add3A_559 = arith.constant 5.000000e-01 : bf16
    %add3A_560 = vector.broadcast %add3A_559 : bf16 to vector<1024x128xbf16>
    %add3A_561 = arith.addf %mul3A_558, %add3A_560 : vector<1024x128xbf16>
    %slice3A_562 = vector.extract_strided_slice %add3A_553 {offsets = [0, 128], sizes = [1024, 128], strides = [1, 1]} : vector<1024x512xbf16> to vector<1024x128xbf16>
    %tanh3A_563 = math.tanh %slice3A_562 : vector<1024x128xbf16>
    %mul3A_564 = arith.constant 5.000000e-01 : bf16
    %mul3A_565 = vector.broadcast %mul3A_564 : bf16 to vector<1024x128xbf16>
    %mul3A_566 = arith.mulf %mul3A_565, %tanh3A_563 : vector<1024x128xbf16>
    %add3A_567 = arith.constant 5.000000e-01 : bf16
    %add3A_568 = vector.broadcast %add3A_567 : bf16 to vector<1024x128xbf16>
    %add3A_569 = arith.addf %mul3A_566, %add3A_568 : vector<1024x128xbf16>
    %slice3A_570 = vector.extract_strided_slice %add3A_553 {offsets = [0, 256], sizes = [1024, 128], strides = [1, 1]} : vector<1024x512xbf16> to vector<1024x128xbf16>
    %tanh3A_571 = math.tanh %slice3A_570 : vector<1024x128xbf16>
    %slice3A_572 = vector.extract_strided_slice %add3A_553 {offsets = [0, 384], sizes = [1024, 128], strides = [1, 1]} : vector<1024x512xbf16> to vector<1024x128xbf16>
    %tanh3A_573 = math.tanh %slice3A_572 : vector<1024x128xbf16>
    %mul3A_574 = arith.constant 5.000000e-01 : bf16
    %mul3A_575 = vector.broadcast %mul3A_574 : bf16 to vector<1024x128xbf16>
    %mul3A_576 = arith.mulf %mul3A_575, %tanh3A_573 : vector<1024x128xbf16>
    %add3A_577 = arith.constant 5.000000e-01 : bf16
    %add3A_578 = vector.broadcast %add3A_577 : bf16 to vector<1024x128xbf16>
    %add3A_579 = arith.addf %mul3A_576, %add3A_578 : vector<1024x128xbf16>
    %convert_element_type3A_580 = arith.extf %add3A_569 : vector<1024x128xbf16> to vector<1024x128xf32>
    %get3A_581 = arith.constant 0 : index
    %get3A_582 = arith.constant 0 : index
    %get3A_583 = vector.load %arg16[%get3A_581, %get3A_582] : memref<1024x128xf32, #tpu.memory_space<vmem>>, vector<1024x128xf32>
    %mul3A_584 = arith.mulf %convert_element_type3A_580, %get3A_583 : vector<1024x128xf32>
    %mul3A_585 = arith.mulf %add3A_561, %tanh3A_571 : vector<1024x128xbf16>
    %convert_element_type3A_586 = arith.extf %mul3A_585 : vector<1024x128xbf16> to vector<1024x128xf32>
    %add3A_587 = arith.addf %mul3A_584, %convert_element_type3A_586 : vector<1024x128xf32>
    %convert_element_type3A_588 = arith.extf %add3A_579 : vector<1024x128xbf16> to vector<1024x128xf32>
    %tanh3A_589 = math.tanh %add3A_587 : vector<1024x128xf32>
    %mul3A_590 = arith.mulf %convert_element_type3A_588, %tanh3A_589 : vector<1024x128xf32>
    %swap3A_591 = arith.constant 0 : index
    %swap3A_592 = arith.constant 0 : index
    %swap3A_593 = vector.load %arg16[%swap3A_591, %swap3A_592] : memref<1024x128xf32, #tpu.memory_space<vmem>>, vector<1024x128xf32>
    tpu.vector_store %arg16[%swap3A_591, %swap3A_592], %add3A_587 {strides = array<i32>} : memref<1024x128xf32, #tpu.memory_space<vmem>>, vector<1024x128xf32>,
    %convert_element_type3A_594 = arith.truncf %mul3A_590 : vector<1024x128xf32> to vector<1024x128xbf16>
    %swap3A_595 = arith.constant 0 : index
    %swap3A_596 = arith.constant 128 : index
    %swap3A_597 = vector.load %arg15[%swap3A_595, %swap3A_596] : memref<1024x256xbf16, #tpu.memory_space<vmem>>, vector<1024x128xbf16>
    tpu.vector_store %arg15[%swap3A_595, %swap3A_596], %convert_element_type3A_594 {strides = array<i32>} : memref<1024x256xbf16, #tpu.memory_space<vmem>>, vector<1024x128xbf16>,
    %get3A_598 = arith.constant 3 : index
    %get3A_599 = arith.constant 0 : index
    %get3A_600 = arith.constant 0 : index
    %get3A_601 = vector.load %arg2[%get3A_598, %get3A_599, %get3A_600] : memref<8x1024x128xf32, #tpu.memory_space<vmem>>, vector<1x1024x128xf32>
    %get3A_602 = vector.shape_cast %get3A_601 : vector<1x1024x128xf32> to vector<1024x128xf32>
    %get3A_603 = arith.constant 0 : index
    %get3A_604 = arith.constant 0 : index
    %get3A_605 = vector.load %arg5[%get3A_603, %get3A_604] : memref<256x512xbf16, #tpu.memory_space<vmem>>, vector<256x512xbf16>
    %get3A_606 = arith.constant 0 : index
    %get3A_607 = arith.constant 0 : index
    %get3A_608 = vector.load %arg6[%get3A_606, %get3A_607] : memref<1x512xbf16, #tpu.memory_space<vmem>>, vector<1x512xbf16>
    %convert_element_type3A_609 = arith.truncf %get3A_602 : vector<1024x128xf32> to vector<1024x128xbf16>
    %swap3A_610 = arith.constant 0 : index
    %swap3A_611 = arith.constant 0 : index
    %swap3A_612 = vector.load %arg17[%swap3A_610, %swap3A_611] : memref<1024x256xbf16, #tpu.memory_space<vmem>>, vector<1024x128xbf16>
    tpu.vector_store %arg17[%swap3A_610, %swap3A_611], %convert_element_type3A_609 {strides = array<i32>} : memref<1024x256xbf16, #tpu.memory_space<vmem>>, vector<1024x128xbf16>,
    %get3A_613 = arith.constant 0 : index
    %get3A_614 = arith.constant 0 : index
    %get3A_615 = vector.load %arg17[%get3A_613, %get3A_614] : memref<1024x256xbf16, #tpu.memory_space<vmem>>, vector<1024x256xbf16>
    %dot_general3A_616 = arith.constant dense<0.000000e+00> : vector<1024x512xf32>
    %dot_general3A_617 = tpu.matmul %get3A_615, %get3A_605, %dot_general3A_616 {dimension_numbers = #tpu.dot_dimension_numbers<[1], [0], [0], [1], [0, 0, 1, 1], [], []>, transpose_lhs_hint = false} : vector<1024x256xbf16>, vector<256x512xbf16>, vector<1024x512xf32> -> vector<1024x512xf32>
    %convert_element_type3A_618 = arith.truncf %dot_general3A_617 : vector<1024x512xf32> to vector<1024x512xbf16>
    %add3A_619 = vector.broadcast %get3A_608 : vector<1x512xbf16> to vector<1024x512xbf16>
    %add3A_620 = arith.addf %convert_element_type3A_618, %add3A_619 : vector<1024x512xbf16>
    %slice3A_621 = vector.extract_strided_slice %add3A_620 {offsets = [0, 0], sizes = [1024, 128], strides = [1, 1]} : vector<1024x512xbf16> to vector<1024x128xbf16>
    %tanh3A_622 = math.tanh %slice3A_621 : vector<1024x128xbf16>
    %mul3A_623 = arith.constant 5.000000e-01 : bf16
    %mul3A_624 = vector.broadcast %mul3A_623 : bf16 to vector<1024x128xbf16>
    %mul3A_625 = arith.mulf %mul3A_624, %tanh3A_622 : vector<1024x128xbf16>
    %add3A_626 = arith.constant 5.000000e-01 : bf16
    %add3A_627 = vector.broadcast %add3A_626 : bf16 to vector<1024x128xbf16>
    %add3A_628 = arith.addf %mul3A_625, %add3A_627 : vector<1024x128xbf16>
    %slice3A_629 = vector.extract_strided_slice %add3A_620 {offsets = [0, 128], sizes = [1024, 128], strides = [1, 1]} : vector<1024x512xbf16> to vector<1024x128xbf16>
    %tanh3A_630 = math.tanh %slice3A_629 : vector<1024x128xbf16>
    %mul3A_631 = arith.constant 5.000000e-01 : bf16
    %mul3A_632 = vector.broadcast %mul3A_631 : bf16 to vector<1024x128xbf16>
    %mul3A_633 = arith.mulf %mul3A_632, %tanh3A_630 : vector<1024x128xbf16>
    %add3A_634 = arith.constant 5.000000e-01 : bf16
    %add3A_635 = vector.broadcast %add3A_634 : bf16 to vector<1024x128xbf16>
    %add3A_636 = arith.addf %mul3A_633, %add3A_635 : vector<1024x128xbf16>
    %slice3A_637 = vector.extract_strided_slice %add3A_620 {offsets = [0, 256], sizes = [1024, 128], strides = [1, 1]} : vector<1024x512xbf16> to vector<1024x128xbf16>
    %tanh3A_638 = math.tanh %slice3A_637 : vector<1024x128xbf16>
    %slice3A_639 = vector.extract_strided_slice %add3A_620 {offsets = [0, 384], sizes = [1024, 128], strides = [1, 1]} : vector<1024x512xbf16> to vector<1024x128xbf16>
    %tanh3A_640 = math.tanh %slice3A_639 : vector<1024x128xbf16>
    %mul3A_641 = arith.constant 5.000000e-01 : bf16
    %mul3A_642 = vector.broadcast %mul3A_641 : bf16 to vector<1024x128xbf16>
    %mul3A_643 = arith.mulf %mul3A_642, %tanh3A_640 : vector<1024x128xbf16>
    %add3A_644 = arith.constant 5.000000e-01 : bf16
    %add3A_645 = vector.broadcast %add3A_644 : bf16 to vector<1024x128xbf16>
    %add3A_646 = arith.addf %mul3A_643, %add3A_645 : vector<1024x128xbf16>
    %convert_element_type3A_647 = arith.extf %add3A_636 : vector<1024x128xbf16> to vector<1024x128xf32>
    %get3A_648 = arith.constant 0 : index
    %get3A_649 = arith.constant 0 : index
    %get3A_650 = vector.load %arg18[%get3A_648, %get3A_649] : memref<1024x128xf32, #tpu.memory_space<vmem>>, vector<1024x128xf32>
    %mul3A_651 = arith.mulf %convert_element_type3A_647, %get3A_650 : vector<1024x128xf32>
    %mul3A_652 = arith.mulf %add3A_628, %tanh3A_638 : vector<1024x128xbf16>
    %convert_element_type3A_653 = arith.extf %mul3A_652 : vector<1024x128xbf16> to vector<1024x128xf32>
    %add3A_654 = arith.addf %mul3A_651, %convert_element_type3A_653 : vector<1024x128xf32>
    %convert_element_type3A_655 = arith.extf %add3A_646 : vector<1024x128xbf16> to vector<1024x128xf32>
    %tanh3A_656 = math.tanh %add3A_654 : vector<1024x128xf32>
    %mul3A_657 = arith.mulf %convert_element_type3A_655, %tanh3A_656 : vector<1024x128xf32>
    %swap3A_658 = arith.constant 0 : index
    %swap3A_659 = arith.constant 0 : index
    %swap3A_660 = vector.load %arg18[%swap3A_658, %swap3A_659] : memref<1024x128xf32, #tpu.memory_space<vmem>>, vector<1024x128xf32>
    tpu.vector_store %arg18[%swap3A_658, %swap3A_659], %add3A_654 {strides = array<i32>} : memref<1024x128xf32, #tpu.memory_space<vmem>>, vector<1024x128xf32>,
    %convert_element_type3A_661 = arith.truncf %mul3A_657 : vector<1024x128xf32> to vector<1024x128xbf16>
    %swap3A_662 = arith.constant 0 : index
    %swap3A_663 = arith.constant 128 : index
    %swap3A_664 = vector.load %arg17[%swap3A_662, %swap3A_663] : memref<1024x256xbf16, #tpu.memory_space<vmem>>, vector<1024x128xbf16>
    tpu.vector_store %arg17[%swap3A_662, %swap3A_663], %convert_element_type3A_661 {strides = array<i32>} : memref<1024x256xbf16, #tpu.memory_space<vmem>>, vector<1024x128xbf16>,
    %get3A_665 = arith.constant 5 : index
    %get3A_666 = arith.constant 0 : index
    %get3A_667 = arith.constant 0 : index
    %get3A_668 = vector.load %arg1[%get3A_665, %get3A_666, %get3A_667] : memref<8x1024x128xf32, #tpu.memory_space<vmem>>, vector<1x1024x128xf32>
    %get3A_669 = vector.shape_cast %get3A_668 : vector<1x1024x128xf32> to vector<1024x128xf32>
    %get3A_670 = arith.constant 0 : index
    %get3A_671 = arith.constant 0 : index
    %get3A_672 = vector.load %arg3[%get3A_670, %get3A_671] : memref<256x512xbf16, #tpu.memory_space<vmem>>, vector<256x512xbf16>
    %get3A_673 = arith.constant 0 : index
    %get3A_674 = arith.constant 0 : index
    %get3A_675 = vector.load %arg4[%get3A_673, %get3A_674] : memref<1x512xbf16, #tpu.memory_space<vmem>>, vector<1x512xbf16>
    %convert_element_type3A_676 = arith.truncf %get3A_669 : vector<1024x128xf32> to vector<1024x128xbf16>
    %swap3A_677 = arith.constant 0 : index
    %swap3A_678 = arith.constant 0 : index
    %swap3A_679 = vector.load %arg15[%swap3A_677, %swap3A_678] : memref<1024x256xbf16, #tpu.memory_space<vmem>>, vector<1024x128xbf16>
    tpu.vector_store %arg15[%swap3A_677, %swap3A_678], %convert_element_type3A_676 {strides = array<i32>} : memref<1024x256xbf16, #tpu.memory_space<vmem>>, vector<1024x128xbf16>,
    %get3A_680 = arith.constant 0 : index
    %get3A_681 = arith.constant 0 : index
    %get3A_682 = vector.load %arg15[%get3A_680, %get3A_681] : memref<1024x256xbf16, #tpu.memory_space<vmem>>, vector<1024x256xbf16>
    %dot_general3A_683 = arith.constant dense<0.000000e+00> : vector<1024x512xf32>
    %dot_general3A_684 = tpu.matmul %get3A_682, %get3A_672, %dot_general3A_683 {dimension_numbers = #tpu.dot_dimension_numbers<[1], [0], [0], [1], [0, 0, 1, 1], [], []>, transpose_lhs_hint = false} : vector<1024x256xbf16>, vector<256x512xbf16>, vector<1024x512xf32> -> vector<1024x512xf32>
    %convert_element_type3A_685 = arith.truncf %dot_general3A_684 : vector<1024x512xf32> to vector<1024x512xbf16>
    %add3A_686 = vector.broadcast %get3A_675 : vector<1x512xbf16> to vector<1024x512xbf16>
    %add3A_687 = arith.addf %convert_element_type3A_685, %add3A_686 : vector<1024x512xbf16>
    %slice3A_688 = vector.extract_strided_slice %add3A_687 {offsets = [0, 0], sizes = [1024, 128], strides = [1, 1]} : vector<1024x512xbf16> to vector<1024x128xbf16>
    %tanh3A_689 = math.tanh %slice3A_688 : vector<1024x128xbf16>
    %mul3A_690 = arith.constant 5.000000e-01 : bf16
    %mul3A_691 = vector.broadcast %mul3A_690 : bf16 to vector<1024x128xbf16>
    %mul3A_692 = arith.mulf %mul3A_691, %tanh3A_689 : vector<1024x128xbf16>
    %add3A_693 = arith.constant 5.000000e-01 : bf16
    %add3A_694 = vector.broadcast %add3A_693 : bf16 to vector<1024x128xbf16>
    %add3A_695 = arith.addf %mul3A_692, %add3A_694 : vector<1024x128xbf16>
    %slice3A_696 = vector.extract_strided_slice %add3A_687 {offsets = [0, 128], sizes = [1024, 128], strides = [1, 1]} : vector<1024x512xbf16> to vector<1024x128xbf16>
    %tanh3A_697 = math.tanh %slice3A_696 : vector<1024x128xbf16>
    %mul3A_698 = arith.constant 5.000000e-01 : bf16
    %mul3A_699 = vector.broadcast %mul3A_698 : bf16 to vector<1024x128xbf16>
    %mul3A_700 = arith.mulf %mul3A_699, %tanh3A_697 : vector<1024x128xbf16>
    %add3A_701 = arith.constant 5.000000e-01 : bf16
    %add3A_702 = vector.broadcast %add3A_701 : bf16 to vector<1024x128xbf16>
    %add3A_703 = arith.addf %mul3A_700, %add3A_702 : vector<1024x128xbf16>
    %slice3A_704 = vector.extract_strided_slice %add3A_687 {offsets = [0, 256], sizes = [1024, 128], strides = [1, 1]} : vector<1024x512xbf16> to vector<1024x128xbf16>
    %tanh3A_705 = math.tanh %slice3A_704 : vector<1024x128xbf16>
    %slice3A_706 = vector.extract_strided_slice %add3A_687 {offsets = [0, 384], sizes = [1024, 128], strides = [1, 1]} : vector<1024x512xbf16> to vector<1024x128xbf16>
    %tanh3A_707 = math.tanh %slice3A_706 : vector<1024x128xbf16>
    %mul3A_708 = arith.constant 5.000000e-01 : bf16
    %mul3A_709 = vector.broadcast %mul3A_708 : bf16 to vector<1024x128xbf16>
    %mul3A_710 = arith.mulf %mul3A_709, %tanh3A_707 : vector<1024x128xbf16>
    %add3A_711 = arith.constant 5.000000e-01 : bf16
    %add3A_712 = vector.broadcast %add3A_711 : bf16 to vector<1024x128xbf16>
    %add3A_713 = arith.addf %mul3A_710, %add3A_712 : vector<1024x128xbf16>
    %convert_element_type3A_714 = arith.extf %add3A_703 : vector<1024x128xbf16> to vector<1024x128xf32>
    %get3A_715 = arith.constant 0 : index
    %get3A_716 = arith.constant 0 : index
    %get3A_717 = vector.load %arg16[%get3A_715, %get3A_716] : memref<1024x128xf32, #tpu.memory_space<vmem>>, vector<1024x128xf32>
    %mul3A_718 = arith.mulf %convert_element_type3A_714, %get3A_717 : vector<1024x128xf32>
    %mul3A_719 = arith.mulf %add3A_695, %tanh3A_705 : vector<1024x128xbf16>
    %convert_element_type3A_720 = arith.extf %mul3A_719 : vector<1024x128xbf16> to vector<1024x128xf32>
    %add3A_721 = arith.addf %mul3A_718, %convert_element_type3A_720 : vector<1024x128xf32>
    %convert_element_type3A_722 = arith.extf %add3A_713 : vector<1024x128xbf16> to vector<1024x128xf32>
    %tanh3A_723 = math.tanh %add3A_721 : vector<1024x128xf32>
    %mul3A_724 = arith.mulf %convert_element_type3A_722, %tanh3A_723 : vector<1024x128xf32>
    %swap3A_725 = arith.constant 0 : index
    %swap3A_726 = arith.constant 0 : index
    %swap3A_727 = vector.load %arg16[%swap3A_725, %swap3A_726] : memref<1024x128xf32, #tpu.memory_space<vmem>>, vector<1024x128xf32>
    tpu.vector_store %arg16[%swap3A_725, %swap3A_726], %add3A_721 {strides = array<i32>} : memref<1024x128xf32, #tpu.memory_space<vmem>>, vector<1024x128xf32>,
    %convert_element_type3A_728 = arith.truncf %mul3A_724 : vector<1024x128xf32> to vector<1024x128xbf16>
    %swap3A_729 = arith.constant 0 : index
    %swap3A_730 = arith.constant 128 : index
    %swap3A_731 = vector.load %arg15[%swap3A_729, %swap3A_730] : memref<1024x256xbf16, #tpu.memory_space<vmem>>, vector<1024x128xbf16>
    tpu.vector_store %arg15[%swap3A_729, %swap3A_730], %convert_element_type3A_728 {strides = array<i32>} : memref<1024x256xbf16, #tpu.memory_space<vmem>>, vector<1024x128xbf16>,
    %get3A_732 = arith.constant 2 : index
    %get3A_733 = arith.constant 0 : index
    %get3A_734 = arith.constant 0 : index
    %get3A_735 = vector.load %arg2[%get3A_732, %get3A_733, %get3A_734] : memref<8x1024x128xf32, #tpu.memory_space<vmem>>, vector<1x1024x128xf32>
    %get3A_736 = vector.shape_cast %get3A_735 : vector<1x1024x128xf32> to vector<1024x128xf32>
    %get3A_737 = arith.constant 0 : index
    %get3A_738 = arith.constant 0 : index
    %get3A_739 = vector.load %arg5[%get3A_737, %get3A_738] : memref<256x512xbf16, #tpu.memory_space<vmem>>, vector<256x512xbf16>
    %get3A_740 = arith.constant 0 : index
    %get3A_741 = arith.constant 0 : index
    %get3A_742 = vector.load %arg6[%get3A_740, %get3A_741] : memref<1x512xbf16, #tpu.memory_space<vmem>>, vector<1x512xbf16>
    %convert_element_type3A_743 = arith.truncf %get3A_736 : vector<1024x128xf32> to vector<1024x128xbf16>
    %swap3A_744 = arith.constant 0 : index
    %swap3A_745 = arith.constant 0 : index
    %swap3A_746 = vector.load %arg17[%swap3A_744, %swap3A_745] : memref<1024x256xbf16, #tpu.memory_space<vmem>>, vector<1024x128xbf16>
    tpu.vector_store %arg17[%swap3A_744, %swap3A_745], %convert_element_type3A_743 {strides = array<i32>} : memref<1024x256xbf16, #tpu.memory_space<vmem>>, vector<1024x128xbf16>,
    %get3A_747 = arith.constant 0 : index
    %get3A_748 = arith.constant 0 : index
    %get3A_749 = vector.load %arg17[%get3A_747, %get3A_748] : memref<1024x256xbf16, #tpu.memory_space<vmem>>, vector<1024x256xbf16>
    %dot_general3A_750 = arith.constant dense<0.000000e+00> : vector<1024x512xf32>
    %dot_general3A_751 = tpu.matmul %get3A_749, %get3A_739, %dot_general3A_750 {dimension_numbers = #tpu.dot_dimension_numbers<[1], [0], [0], [1], [0, 0, 1, 1], [], []>, transpose_lhs_hint = false} : vector<1024x256xbf16>, vector<256x512xbf16>, vector<1024x512xf32> -> vector<1024x512xf32>
    %convert_element_type3A_752 = arith.truncf %dot_general3A_751 : vector<1024x512xf32> to vector<1024x512xbf16>
    %add3A_753 = vector.broadcast %get3A_742 : vector<1x512xbf16> to vector<1024x512xbf16>
    %add3A_754 = arith.addf %convert_element_type3A_752, %add3A_753 : vector<1024x512xbf16>
    %slice3A_755 = vector.extract_strided_slice %add3A_754 {offsets = [0, 0], sizes = [1024, 128], strides = [1, 1]} : vector<1024x512xbf16> to vector<1024x128xbf16>
    %tanh3A_756 = math.tanh %slice3A_755 : vector<1024x128xbf16>
    %mul3A_757 = arith.constant 5.000000e-01 : bf16
    %mul3A_758 = vector.broadcast %mul3A_757 : bf16 to vector<1024x128xbf16>
    %mul3A_759 = arith.mulf %mul3A_758, %tanh3A_756 : vector<1024x128xbf16>
    %add3A_760 = arith.constant 5.000000e-01 : bf16
    %add3A_761 = vector.broadcast %add3A_760 : bf16 to vector<1024x128xbf16>
    %add3A_762 = arith.addf %mul3A_759, %add3A_761 : vector<1024x128xbf16>
    %slice3A_763 = vector.extract_strided_slice %add3A_754 {offsets = [0, 128], sizes = [1024, 128], strides = [1, 1]} : vector<1024x512xbf16> to vector<1024x128xbf16>
    %tanh3A_764 = math.tanh %slice3A_763 : vector<1024x128xbf16>
    %mul3A_765 = arith.constant 5.000000e-01 : bf16
    %mul3A_766 = vector.broadcast %mul3A_765 : bf16 to vector<1024x128xbf16>
    %mul3A_767 = arith.mulf %mul3A_766, %tanh3A_764 : vector<1024x128xbf16>
    %add3A_768 = arith.constant 5.000000e-01 : bf16
    %add3A_769 = vector.broadcast %add3A_768 : bf16 to vector<1024x128xbf16>
    %add3A_770 = arith.addf %mul3A_767, %add3A_769 : vector<1024x128xbf16>
    %slice3A_771 = vector.extract_strided_slice %add3A_754 {offsets = [0, 256], sizes = [1024, 128], strides = [1, 1]} : vector<1024x512xbf16> to vector<1024x128xbf16>
    %tanh3A_772 = math.tanh %slice3A_771 : vector<1024x128xbf16>
    %slice3A_773 = vector.extract_strided_slice %add3A_754 {offsets = [0, 384], sizes = [1024, 128], strides = [1, 1]} : vector<1024x512xbf16> to vector<1024x128xbf16>
    %tanh3A_774 = math.tanh %slice3A_773 : vector<1024x128xbf16>
    %mul3A_775 = arith.constant 5.000000e-01 : bf16
    %mul3A_776 = vector.broadcast %mul3A_775 : bf16 to vector<1024x128xbf16>
    %mul3A_777 = arith.mulf %mul3A_776, %tanh3A_774 : vector<1024x128xbf16>
    %add3A_778 = arith.constant 5.000000e-01 : bf16
    %add3A_779 = vector.broadcast %add3A_778 : bf16 to vector<1024x128xbf16>
    %add3A_780 = arith.addf %mul3A_777, %add3A_779 : vector<1024x128xbf16>
    %convert_element_type3A_781 = arith.extf %add3A_770 : vector<1024x128xbf16> to vector<1024x128xf32>
    %get3A_782 = arith.constant 0 : index
    %get3A_783 = arith.constant 0 : index
    %get3A_784 = vector.load %arg18[%get3A_782, %get3A_783] : memref<1024x128xf32, #tpu.memory_space<vmem>>, vector<1024x128xf32>
    %mul3A_785 = arith.mulf %convert_element_type3A_781, %get3A_784 : vector<1024x128xf32>
    %mul3A_786 = arith.mulf %add3A_762, %tanh3A_772 : vector<1024x128xbf16>
    %convert_element_type3A_787 = arith.extf %mul3A_786 : vector<1024x128xbf16> to vector<1024x128xf32>
    %add3A_788 = arith.addf %mul3A_785, %convert_element_type3A_787 : vector<1024x128xf32>
    %convert_element_type3A_789 = arith.extf %add3A_780 : vector<1024x128xbf16> to vector<1024x128xf32>
    %tanh3A_790 = math.tanh %add3A_788 : vector<1024x128xf32>
    %mul3A_791 = arith.mulf %convert_element_type3A_789, %tanh3A_790 : vector<1024x128xf32>
    %swap3A_792 = arith.constant 0 : index
    %swap3A_793 = arith.constant 0 : index
    %swap3A_794 = vector.load %arg18[%swap3A_792, %swap3A_793] : memref<1024x128xf32, #tpu.memory_space<vmem>>, vector<1024x128xf32>
    tpu.vector_store %arg18[%swap3A_792, %swap3A_793], %add3A_788 {strides = array<i32>} : memref<1024x128xf32, #tpu.memory_space<vmem>>, vector<1024x128xf32>,
    %convert_element_type3A_795 = arith.truncf %mul3A_791 : vector<1024x128xf32> to vector<1024x128xbf16>
    %swap3A_796 = arith.constant 0 : index
    %swap3A_797 = arith.constant 128 : index
    %swap3A_798 = vector.load %arg17[%swap3A_796, %swap3A_797] : memref<1024x256xbf16, #tpu.memory_space<vmem>>, vector<1024x128xbf16>
    tpu.vector_store %arg17[%swap3A_796, %swap3A_797], %convert_element_type3A_795 {strides = array<i32>} : memref<1024x256xbf16, #tpu.memory_space<vmem>>, vector<1024x128xbf16>,
    %get3A_799 = arith.constant 6 : index
    %get3A_800 = arith.constant 0 : index
    %get3A_801 = arith.constant 0 : index
    %get3A_802 = vector.load %arg1[%get3A_799, %get3A_800, %get3A_801] : memref<8x1024x128xf32, #tpu.memory_space<vmem>>, vector<1x1024x128xf32>
    %get3A_803 = vector.shape_cast %get3A_802 : vector<1x1024x128xf32> to vector<1024x128xf32>
    %get3A_804 = arith.constant 0 : index
    %get3A_805 = arith.constant 0 : index
    %get3A_806 = vector.load %arg3[%get3A_804, %get3A_805] : memref<256x512xbf16, #tpu.memory_space<vmem>>, vector<256x512xbf16>
    %get3A_807 = arith.constant 0 : index
    %get3A_808 = arith.constant 0 : index
    %get3A_809 = vector.load %arg4[%get3A_807, %get3A_808] : memref<1x512xbf16, #tpu.memory_space<vmem>>, vector<1x512xbf16>
    %convert_element_type3A_810 = arith.truncf %get3A_803 : vector<1024x128xf32> to vector<1024x128xbf16>
    %swap3A_811 = arith.constant 0 : index
    %swap3A_812 = arith.constant 0 : index
    %swap3A_813 = vector.load %arg15[%swap3A_811, %swap3A_812] : memref<1024x256xbf16, #tpu.memory_space<vmem>>, vector<1024x128xbf16>
    tpu.vector_store %arg15[%swap3A_811, %swap3A_812], %convert_element_type3A_810 {strides = array<i32>} : memref<1024x256xbf16, #tpu.memory_space<vmem>>, vector<1024x128xbf16>,
    %get3A_814 = arith.constant 0 : index
    %get3A_815 = arith.constant 0 : index
    %get3A_816 = vector.load %arg15[%get3A_814, %get3A_815] : memref<1024x256xbf16, #tpu.memory_space<vmem>>, vector<1024x256xbf16>
    %dot_general3A_817 = arith.constant dense<0.000000e+00> : vector<1024x512xf32>
    %dot_general3A_818 = tpu.matmul %get3A_816, %get3A_806, %dot_general3A_817 {dimension_numbers = #tpu.dot_dimension_numbers<[1], [0], [0], [1], [0, 0, 1, 1], [], []>, transpose_lhs_hint = false} : vector<1024x256xbf16>, vector<256x512xbf16>, vector<1024x512xf32> -> vector<1024x512xf32>
    %convert_element_type3A_819 = arith.truncf %dot_general3A_818 : vector<1024x512xf32> to vector<1024x512xbf16>
    %add3A_820 = vector.broadcast %get3A_809 : vector<1x512xbf16> to vector<1024x512xbf16>
    %add3A_821 = arith.addf %convert_element_type3A_819, %add3A_820 : vector<1024x512xbf16>
    %slice3A_822 = vector.extract_strided_slice %add3A_821 {offsets = [0, 0], sizes = [1024, 128], strides = [1, 1]} : vector<1024x512xbf16> to vector<1024x128xbf16>
    %tanh3A_823 = math.tanh %slice3A_822 : vector<1024x128xbf16>
    %mul3A_824 = arith.constant 5.000000e-01 : bf16
    %mul3A_825 = vector.broadcast %mul3A_824 : bf16 to vector<1024x128xbf16>
    %mul3A_826 = arith.mulf %mul3A_825, %tanh3A_823 : vector<1024x128xbf16>
    %add3A_827 = arith.constant 5.000000e-01 : bf16
    %add3A_828 = vector.broadcast %add3A_827 : bf16 to vector<1024x128xbf16>
    %add3A_829 = arith.addf %mul3A_826, %add3A_828 : vector<1024x128xbf16>
    %slice3A_830 = vector.extract_strided_slice %add3A_821 {offsets = [0, 128], sizes = [1024, 128], strides = [1, 1]} : vector<1024x512xbf16> to vector<1024x128xbf16>
    %tanh3A_831 = math.tanh %slice3A_830 : vector<1024x128xbf16>
    %mul3A_832 = arith.constant 5.000000e-01 : bf16
    %mul3A_833 = vector.broadcast %mul3A_832 : bf16 to vector<1024x128xbf16>
    %mul3A_834 = arith.mulf %mul3A_833, %tanh3A_831 : vector<1024x128xbf16>
    %add3A_835 = arith.constant 5.000000e-01 : bf16
    %add3A_836 = vector.broadcast %add3A_835 : bf16 to vector<1024x128xbf16>
    %add3A_837 = arith.addf %mul3A_834, %add3A_836 : vector<1024x128xbf16>
    %slice3A_838 = vector.extract_strided_slice %add3A_821 {offsets = [0, 256], sizes = [1024, 128], strides = [1, 1]} : vector<1024x512xbf16> to vector<1024x128xbf16>
    %tanh3A_839 = math.tanh %slice3A_838 : vector<1024x128xbf16>
    %slice3A_840 = vector.extract_strided_slice %add3A_821 {offsets = [0, 384], sizes = [1024, 128], strides = [1, 1]} : vector<1024x512xbf16> to vector<1024x128xbf16>
    %tanh3A_841 = math.tanh %slice3A_840 : vector<1024x128xbf16>
    %mul3A_842 = arith.constant 5.000000e-01 : bf16
    %mul3A_843 = vector.broadcast %mul3A_842 : bf16 to vector<1024x128xbf16>
    %mul3A_844 = arith.mulf %mul3A_843, %tanh3A_841 : vector<1024x128xbf16>
    %add3A_845 = arith.constant 5.000000e-01 : bf16
    %add3A_846 = vector.broadcast %add3A_845 : bf16 to vector<1024x128xbf16>
    %add3A_847 = arith.addf %mul3A_844, %add3A_846 : vector<1024x128xbf16>
    %convert_element_type3A_848 = arith.extf %add3A_837 : vector<1024x128xbf16> to vector<1024x128xf32>
    %get3A_849 = arith.constant 0 : index
    %get3A_850 = arith.constant 0 : index
    %get3A_851 = vector.load %arg16[%get3A_849, %get3A_850] : memref<1024x128xf32, #tpu.memory_space<vmem>>, vector<1024x128xf32>
    %mul3A_852 = arith.mulf %convert_element_type3A_848, %get3A_851 : vector<1024x128xf32>
    %mul3A_853 = arith.mulf %add3A_829, %tanh3A_839 : vector<1024x128xbf16>
    %convert_element_type3A_854 = arith.extf %mul3A_853 : vector<1024x128xbf16> to vector<1024x128xf32>
    %add3A_855 = arith.addf %mul3A_852, %convert_element_type3A_854 : vector<1024x128xf32>
    %convert_element_type3A_856 = arith.extf %add3A_847 : vector<1024x128xbf16> to vector<1024x128xf32>
    %tanh3A_857 = math.tanh %add3A_855 : vector<1024x128xf32>
    %mul3A_858 = arith.mulf %convert_element_type3A_856, %tanh3A_857 : vector<1024x128xf32>
    %swap3A_859 = arith.constant 0 : index
    %swap3A_860 = arith.constant 0 : index
    %swap3A_861 = vector.load %arg16[%swap3A_859, %swap3A_860] : memref<1024x128xf32, #tpu.memory_space<vmem>>, vector<1024x128xf32>
    tpu.vector_store %arg16[%swap3A_859, %swap3A_860], %add3A_855 {strides = array<i32>} : memref<1024x128xf32, #tpu.memory_space<vmem>>, vector<1024x128xf32>,
    %convert_element_type3A_862 = arith.truncf %mul3A_858 : vector<1024x128xf32> to vector<1024x128xbf16>
    %swap3A_863 = arith.constant 0 : index
    %swap3A_864 = arith.constant 128 : index
    %swap3A_865 = vector.load %arg15[%swap3A_863, %swap3A_864] : memref<1024x256xbf16, #tpu.memory_space<vmem>>, vector<1024x128xbf16>
    tpu.vector_store %arg15[%swap3A_863, %swap3A_864], %convert_element_type3A_862 {strides = array<i32>} : memref<1024x256xbf16, #tpu.memory_space<vmem>>, vector<1024x128xbf16>,
    %get3A_866 = arith.constant 1 : index
    %get3A_867 = arith.constant 0 : index
    %get3A_868 = arith.constant 0 : index
    %get3A_869 = vector.load %arg2[%get3A_866, %get3A_867, %get3A_868] : memref<8x1024x128xf32, #tpu.memory_space<vmem>>, vector<1x1024x128xf32>
    %get3A_870 = vector.shape_cast %get3A_869 : vector<1x1024x128xf32> to vector<1024x128xf32>
    %get3A_871 = arith.constant 0 : index
    %get3A_872 = arith.constant 0 : index
    %get3A_873 = vector.load %arg5[%get3A_871, %get3A_872] : memref<256x512xbf16, #tpu.memory_space<vmem>>, vector<256x512xbf16>
    %get3A_874 = arith.constant 0 : index
    %get3A_875 = arith.constant 0 : index
    %get3A_876 = vector.load %arg6[%get3A_874, %get3A_875] : memref<1x512xbf16, #tpu.memory_space<vmem>>, vector<1x512xbf16>
    %convert_element_type3A_877 = arith.truncf %get3A_870 : vector<1024x128xf32> to vector<1024x128xbf16>
    %swap3A_878 = arith.constant 0 : index
    %swap3A_879 = arith.constant 0 : index
    %swap3A_880 = vector.load %arg17[%swap3A_878, %swap3A_879] : memref<1024x256xbf16, #tpu.memory_space<vmem>>, vector<1024x128xbf16>
    tpu.vector_store %arg17[%swap3A_878, %swap3A_879], %convert_element_type3A_877 {strides = array<i32>} : memref<1024x256xbf16, #tpu.memory_space<vmem>>, vector<1024x128xbf16>,
    %get3A_881 = arith.constant 0 : index
    %get3A_882 = arith.constant 0 : index
    %get3A_883 = vector.load %arg17[%get3A_881, %get3A_882] : memref<1024x256xbf16, #tpu.memory_space<vmem>>, vector<1024x256xbf16>
    %dot_general3A_884 = arith.constant dense<0.000000e+00> : vector<1024x512xf32>
    %dot_general3A_885 = tpu.matmul %get3A_883, %get3A_873, %dot_general3A_884 {dimension_numbers = #tpu.dot_dimension_numbers<[1], [0], [0], [1], [0, 0, 1, 1], [], []>, transpose_lhs_hint = false} : vector<1024x256xbf16>, vector<256x512xbf16>, vector<1024x512xf32> -> vector<1024x512xf32>
    %convert_element_type3A_886 = arith.truncf %dot_general3A_885 : vector<1024x512xf32> to vector<1024x512xbf16>
    %add3A_887 = vector.broadcast %get3A_876 : vector<1x512xbf16> to vector<1024x512xbf16>
    %add3A_888 = arith.addf %convert_element_type3A_886, %add3A_887 : vector<1024x512xbf16>
    %slice3A_889 = vector.extract_strided_slice %add3A_888 {offsets = [0, 0], sizes = [1024, 128], strides = [1, 1]} : vector<1024x512xbf16> to vector<1024x128xbf16>
    %tanh3A_890 = math.tanh %slice3A_889 : vector<1024x128xbf16>
    %mul3A_891 = arith.constant 5.000000e-01 : bf16
    %mul3A_892 = vector.broadcast %mul3A_891 : bf16 to vector<1024x128xbf16>
    %mul3A_893 = arith.mulf %mul3A_892, %tanh3A_890 : vector<1024x128xbf16>
    %add3A_894 = arith.constant 5.000000e-01 : bf16
    %add3A_895 = vector.broadcast %add3A_894 : bf16 to vector<1024x128xbf16>
    %add3A_896 = arith.addf %mul3A_893, %add3A_895 : vector<1024x128xbf16>
    %slice3A_897 = vector.extract_strided_slice %add3A_888 {offsets = [0, 128], sizes = [1024, 128], strides = [1, 1]} : vector<1024x512xbf16> to vector<1024x128xbf16>
    %tanh3A_898 = math.tanh %slice3A_897 : vector<1024x128xbf16>
    %mul3A_899 = arith.constant 5.000000e-01 : bf16
    %mul3A_900 = vector.broadcast %mul3A_899 : bf16 to vector<1024x128xbf16>
    %mul3A_901 = arith.mulf %mul3A_900, %tanh3A_898 : vector<1024x128xbf16>
    %add3A_902 = arith.constant 5.000000e-01 : bf16
    %add3A_903 = vector.broadcast %add3A_902 : bf16 to vector<1024x128xbf16>
    %add3A_904 = arith.addf %mul3A_901, %add3A_903 : vector<1024x128xbf16>
    %slice3A_905 = vector.extract_strided_slice %add3A_888 {offsets = [0, 256], sizes = [1024, 128], strides = [1, 1]} : vector<1024x512xbf16> to vector<1024x128xbf16>
    %tanh3A_906 = math.tanh %slice3A_905 : vector<1024x128xbf16>
    %slice3A_907 = vector.extract_strided_slice %add3A_888 {offsets = [0, 384], sizes = [1024, 128], strides = [1, 1]} : vector<1024x512xbf16> to vector<1024x128xbf16>
    %tanh3A_908 = math.tanh %slice3A_907 : vector<1024x128xbf16>
    %mul3A_909 = arith.constant 5.000000e-01 : bf16
    %mul3A_910 = vector.broadcast %mul3A_909 : bf16 to vector<1024x128xbf16>
    %mul3A_911 = arith.mulf %mul3A_910, %tanh3A_908 : vector<1024x128xbf16>
    %add3A_912 = arith.constant 5.000000e-01 : bf16
    %add3A_913 = vector.broadcast %add3A_912 : bf16 to vector<1024x128xbf16>
    %add3A_914 = arith.addf %mul3A_911, %add3A_913 : vector<1024x128xbf16>
    %convert_element_type3A_915 = arith.extf %add3A_904 : vector<1024x128xbf16> to vector<1024x128xf32>
    %get3A_916 = arith.constant 0 : index
    %get3A_917 = arith.constant 0 : index
    %get3A_918 = vector.load %arg18[%get3A_916, %get3A_917] : memref<1024x128xf32, #tpu.memory_space<vmem>>, vector<1024x128xf32>
    %mul3A_919 = arith.mulf %convert_element_type3A_915, %get3A_918 : vector<1024x128xf32>
    %mul3A_920 = arith.mulf %add3A_896, %tanh3A_906 : vector<1024x128xbf16>
    %convert_element_type3A_921 = arith.extf %mul3A_920 : vector<1024x128xbf16> to vector<1024x128xf32>
    %add3A_922 = arith.addf %mul3A_919, %convert_element_type3A_921 : vector<1024x128xf32>
    %convert_element_type3A_923 = arith.extf %add3A_914 : vector<1024x128xbf16> to vector<1024x128xf32>
    %tanh3A_924 = math.tanh %add3A_922 : vector<1024x128xf32>
    %mul3A_925 = arith.mulf %convert_element_type3A_923, %tanh3A_924 : vector<1024x128xf32>
    %swap3A_926 = arith.constant 0 : index
    %swap3A_927 = arith.constant 0 : index
    %swap3A_928 = vector.load %arg18[%swap3A_926, %swap3A_927] : memref<1024x128xf32, #tpu.memory_space<vmem>>, vector<1024x128xf32>
    tpu.vector_store %arg18[%swap3A_926, %swap3A_927], %add3A_922 {strides = array<i32>} : memref<1024x128xf32, #tpu.memory_space<vmem>>, vector<1024x128xf32>,
    %convert_element_type3A_929 = arith.truncf %mul3A_925 : vector<1024x128xf32> to vector<1024x128xbf16>
    %swap3A_930 = arith.constant 0 : index
    %swap3A_931 = arith.constant 128 : index
    %swap3A_932 = vector.load %arg17[%swap3A_930, %swap3A_931] : memref<1024x256xbf16, #tpu.memory_space<vmem>>, vector<1024x128xbf16>
    tpu.vector_store %arg17[%swap3A_930, %swap3A_931], %convert_element_type3A_929 {strides = array<i32>} : memref<1024x256xbf16, #tpu.memory_space<vmem>>, vector<1024x128xbf16>,
    %get3A_933 = arith.constant 7 : index
    %get3A_934 = arith.constant 0 : index
    %get3A_935 = arith.constant 0 : index
    %get3A_936 = vector.load %arg1[%get3A_933, %get3A_934, %get3A_935] : memref<8x1024x128xf32, #tpu.memory_space<vmem>>, vector<1x1024x128xf32>
    %get3A_937 = vector.shape_cast %get3A_936 : vector<1x1024x128xf32> to vector<1024x128xf32>
    %get3A_938 = arith.constant 0 : index
    %get3A_939 = arith.constant 0 : index
    %get3A_940 = vector.load %arg3[%get3A_938, %get3A_939] : memref<256x512xbf16, #tpu.memory_space<vmem>>, vector<256x512xbf16>
    %get3A_941 = arith.constant 0 : index
    %get3A_942 = arith.constant 0 : index
    %get3A_943 = vector.load %arg4[%get3A_941, %get3A_942] : memref<1x512xbf16, #tpu.memory_space<vmem>>, vector<1x512xbf16>
    %convert_element_type3A_944 = arith.truncf %get3A_937 : vector<1024x128xf32> to vector<1024x128xbf16>
    %swap3A_945 = arith.constant 0 : index
    %swap3A_946 = arith.constant 0 : index
    %swap3A_947 = vector.load %arg15[%swap3A_945, %swap3A_946] : memref<1024x256xbf16, #tpu.memory_space<vmem>>, vector<1024x128xbf16>
    tpu.vector_store %arg15[%swap3A_945, %swap3A_946], %convert_element_type3A_944 {strides = array<i32>} : memref<1024x256xbf16, #tpu.memory_space<vmem>>, vector<1024x128xbf16>,
    %get3A_948 = arith.constant 0 : index
    %get3A_949 = arith.constant 0 : index
    %get3A_950 = vector.load %arg15[%get3A_948, %get3A_949] : memref<1024x256xbf16, #tpu.memory_space<vmem>>, vector<1024x256xbf16>
    %dot_general3A_951 = arith.constant dense<0.000000e+00> : vector<1024x512xf32>
    %dot_general3A_952 = tpu.matmul %get3A_950, %get3A_940, %dot_general3A_951 {dimension_numbers = #tpu.dot_dimension_numbers<[1], [0], [0], [1], [0, 0, 1, 1], [], []>, transpose_lhs_hint = false} : vector<1024x256xbf16>, vector<256x512xbf16>, vector<1024x512xf32> -> vector<1024x512xf32>
    %convert_element_type3A_953 = arith.truncf %dot_general3A_952 : vector<1024x512xf32> to vector<1024x512xbf16>
    %add3A_954 = vector.broadcast %get3A_943 : vector<1x512xbf16> to vector<1024x512xbf16>
    %add3A_955 = arith.addf %convert_element_type3A_953, %add3A_954 : vector<1024x512xbf16>
    %slice3A_956 = vector.extract_strided_slice %add3A_955 {offsets = [0, 0], sizes = [1024, 128], strides = [1, 1]} : vector<1024x512xbf16> to vector<1024x128xbf16>
    %tanh3A_957 = math.tanh %slice3A_956 : vector<1024x128xbf16>
    %mul3A_958 = arith.constant 5.000000e-01 : bf16
    %mul3A_959 = vector.broadcast %mul3A_958 : bf16 to vector<1024x128xbf16>
    %mul3A_960 = arith.mulf %mul3A_959, %tanh3A_957 : vector<1024x128xbf16>
    %add3A_961 = arith.constant 5.000000e-01 : bf16
    %add3A_962 = vector.broadcast %add3A_961 : bf16 to vector<1024x128xbf16>
    %add3A_963 = arith.addf %mul3A_960, %add3A_962 : vector<1024x128xbf16>
    %slice3A_964 = vector.extract_strided_slice %add3A_955 {offsets = [0, 128], sizes = [1024, 128], strides = [1, 1]} : vector<1024x512xbf16> to vector<1024x128xbf16>
    %tanh3A_965 = math.tanh %slice3A_964 : vector<1024x128xbf16>
    %mul3A_966 = arith.constant 5.000000e-01 : bf16
    %mul3A_967 = vector.broadcast %mul3A_966 : bf16 to vector<1024x128xbf16>
    %mul3A_968 = arith.mulf %mul3A_967, %tanh3A_965 : vector<1024x128xbf16>
    %add3A_969 = arith.constant 5.000000e-01 : bf16
    %add3A_970 = vector.broadcast %add3A_969 : bf16 to vector<1024x128xbf16>
    %add3A_971 = arith.addf %mul3A_968, %add3A_970 : vector<1024x128xbf16>
    %slice3A_972 = vector.extract_strided_slice %add3A_955 {offsets = [0, 256], sizes = [1024, 128], strides = [1, 1]} : vector<1024x512xbf16> to vector<1024x128xbf16>
    %tanh3A_973 = math.tanh %slice3A_972 : vector<1024x128xbf16>
    %slice3A_974 = vector.extract_strided_slice %add3A_955 {offsets = [0, 384], sizes = [1024, 128], strides = [1, 1]} : vector<1024x512xbf16> to vector<1024x128xbf16>
    %tanh3A_975 = math.tanh %slice3A_974 : vector<1024x128xbf16>
    %mul3A_976 = arith.constant 5.000000e-01 : bf16
    %mul3A_977 = vector.broadcast %mul3A_976 : bf16 to vector<1024x128xbf16>
    %mul3A_978 = arith.mulf %mul3A_977, %tanh3A_975 : vector<1024x128xbf16>
    %add3A_979 = arith.constant 5.000000e-01 : bf16
    %add3A_980 = vector.broadcast %add3A_979 : bf16 to vector<1024x128xbf16>
    %add3A_981 = arith.addf %mul3A_978, %add3A_980 : vector<1024x128xbf16>
    %convert_element_type3A_982 = arith.extf %add3A_971 : vector<1024x128xbf16> to vector<1024x128xf32>
    %get3A_983 = arith.constant 0 : index
    %get3A_984 = arith.constant 0 : index
    %get3A_985 = vector.load %arg16[%get3A_983, %get3A_984] : memref<1024x128xf32, #tpu.memory_space<vmem>>, vector<1024x128xf32>
    %mul3A_986 = arith.mulf %convert_element_type3A_982, %get3A_985 : vector<1024x128xf32>
    %mul3A_987 = arith.mulf %add3A_963, %tanh3A_973 : vector<1024x128xbf16>
    %convert_element_type3A_988 = arith.extf %mul3A_987 : vector<1024x128xbf16> to vector<1024x128xf32>
    %add3A_989 = arith.addf %mul3A_986, %convert_element_type3A_988 : vector<1024x128xf32>
    %convert_element_type3A_990 = arith.extf %add3A_981 : vector<1024x128xbf16> to vector<1024x128xf32>
    %tanh3A_991 = math.tanh %add3A_989 : vector<1024x128xf32>
    %mul3A_992 = arith.mulf %convert_element_type3A_990, %tanh3A_991 : vector<1024x128xf32>
    %swap3A_993 = arith.constant 0 : index
    %swap3A_994 = arith.constant 0 : index
    %swap3A_995 = vector.load %arg16[%swap3A_993, %swap3A_994] : memref<1024x128xf32, #tpu.memory_space<vmem>>, vector<1024x128xf32>
    tpu.vector_store %arg16[%swap3A_993, %swap3A_994], %add3A_989 {strides = array<i32>} : memref<1024x128xf32, #tpu.memory_space<vmem>>, vector<1024x128xf32>,
    %convert_element_type3A_996 = arith.truncf %mul3A_992 : vector<1024x128xf32> to vector<1024x128xbf16>
    %swap3A_997 = arith.constant 0 : index
    %swap3A_998 = arith.constant 128 : index
    %swap3A_999 = vector.load %arg15[%swap3A_997, %swap3A_998] : memref<1024x256xbf16, #tpu.memory_space<vmem>>, vector<1024x128xbf16>
    tpu.vector_store %arg15[%swap3A_997, %swap3A_998], %convert_element_type3A_996 {strides = array<i32>} : memref<1024x256xbf16, #tpu.memory_space<vmem>>, vector<1024x128xbf16>,
    %get3A_1000 = arith.constant 0 : index
    %get3A_1001 = arith.constant 0 : index
    %get3A_1002 = arith.constant 0 : index
    %get3A_1003 = vector.load %arg2[%get3A_1000, %get3A_1001, %get3A_1002] : memref<8x1024x128xf32, #tpu.memory_space<vmem>>, vector<1x1024x128xf32>
    %get3A_1004 = vector.shape_cast %get3A_1003 : vector<1x1024x128xf32> to vector<1024x128xf32>
    %get3A_1005 = arith.constant 0 : index
    %get3A_1006 = arith.constant 0 : index
    %get3A_1007 = vector.load %arg5[%get3A_1005, %get3A_1006] : memref<256x512xbf16, #tpu.memory_space<vmem>>, vector<256x512xbf16>
    %get3A_1008 = arith.constant 0 : index
    %get3A_1009 = arith.constant 0 : index
    %get3A_1010 = vector.load %arg6[%get3A_1008, %get3A_1009] : memref<1x512xbf16, #tpu.memory_space<vmem>>, vector<1x512xbf16>
    %convert_element_type3A_1011 = arith.truncf %get3A_1004 : vector<1024x128xf32> to vector<1024x128xbf16>
    %swap3A_1012 = arith.constant 0 : index
    %swap3A_1013 = arith.constant 0 : index
    %swap3A_1014 = vector.load %arg17[%swap3A_1012, %swap3A_1013] : memref<1024x256xbf16, #tpu.memory_space<vmem>>, vector<1024x128xbf16>
    tpu.vector_store %arg17[%swap3A_1012, %swap3A_1013], %convert_element_type3A_1011 {strides = array<i32>} : memref<1024x256xbf16, #tpu.memory_space<vmem>>, vector<1024x128xbf16>,
    %get3A_1015 = arith.constant 0 : index
    %get3A_1016 = arith.constant 0 : index
    %get3A_1017 = vector.load %arg17[%get3A_1015, %get3A_1016] : memref<1024x256xbf16, #tpu.memory_space<vmem>>, vector<1024x256xbf16>
    %dot_general3A_1018 = arith.constant dense<0.000000e+00> : vector<1024x512xf32>
    %dot_general3A_1019 = tpu.matmul %get3A_1017, %get3A_1007, %dot_general3A_1018 {dimension_numbers = #tpu.dot_dimension_numbers<[1], [0], [0], [1], [0, 0, 1, 1], [], []>, transpose_lhs_hint = false} : vector<1024x256xbf16>, vector<256x512xbf16>, vector<1024x512xf32> -> vector<1024x512xf32>
    %convert_element_type3A_1020 = arith.truncf %dot_general3A_1019 : vector<1024x512xf32> to vector<1024x512xbf16>
    %add3A_1021 = vector.broadcast %get3A_1010 : vector<1x512xbf16> to vector<1024x512xbf16>
    %add3A_1022 = arith.addf %convert_element_type3A_1020, %add3A_1021 : vector<1024x512xbf16>
    %slice3A_1023 = vector.extract_strided_slice %add3A_1022 {offsets = [0, 0], sizes = [1024, 128], strides = [1, 1]} : vector<1024x512xbf16> to vector<1024x128xbf16>
    %tanh3A_1024 = math.tanh %slice3A_1023 : vector<1024x128xbf16>
    %mul3A_1025 = arith.constant 5.000000e-01 : bf16
    %mul3A_1026 = vector.broadcast %mul3A_1025 : bf16 to vector<1024x128xbf16>
    %mul3A_1027 = arith.mulf %mul3A_1026, %tanh3A_1024 : vector<1024x128xbf16>
    %add3A_1028 = arith.constant 5.000000e-01 : bf16
    %add3A_1029 = vector.broadcast %add3A_1028 : bf16 to vector<1024x128xbf16>
    %add3A_1030 = arith.addf %mul3A_1027, %add3A_1029 : vector<1024x128xbf16>
    %slice3A_1031 = vector.extract_strided_slice %add3A_1022 {offsets = [0, 128], sizes = [1024, 128], strides = [1, 1]} : vector<1024x512xbf16> to vector<1024x128xbf16>
    %tanh3A_1032 = math.tanh %slice3A_1031 : vector<1024x128xbf16>
    %mul3A_1033 = arith.constant 5.000000e-01 : bf16
    %mul3A_1034 = vector.broadcast %mul3A_1033 : bf16 to vector<1024x128xbf16>
    %mul3A_1035 = arith.mulf %mul3A_1034, %tanh3A_1032 : vector<1024x128xbf16>
    %add3A_1036 = arith.constant 5.000000e-01 : bf16
    %add3A_1037 = vector.broadcast %add3A_1036 : bf16 to vector<1024x128xbf16>
    %add3A_1038 = arith.addf %mul3A_1035, %add3A_1037 : vector<1024x128xbf16>
    %slice3A_1039 = vector.extract_strided_slice %add3A_1022 {offsets = [0, 256], sizes = [1024, 128], strides = [1, 1]} : vector<1024x512xbf16> to vector<1024x128xbf16>
    %tanh3A_1040 = math.tanh %slice3A_1039 : vector<1024x128xbf16>
    %slice3A_1041 = vector.extract_strided_slice %add3A_1022 {offsets = [0, 384], sizes = [1024, 128], strides = [1, 1]} : vector<1024x512xbf16> to vector<1024x128xbf16>
    %tanh3A_1042 = math.tanh %slice3A_1041 : vector<1024x128xbf16>
    %mul3A_1043 = arith.constant 5.000000e-01 : bf16
    %mul3A_1044 = vector.broadcast %mul3A_1043 : bf16 to vector<1024x128xbf16>
    %mul3A_1045 = arith.mulf %mul3A_1044, %tanh3A_1042 : vector<1024x128xbf16>
    %add3A_1046 = arith.constant 5.000000e-01 : bf16
    %add3A_1047 = vector.broadcast %add3A_1046 : bf16 to vector<1024x128xbf16>
    %add3A_1048 = arith.addf %mul3A_1045, %add3A_1047 : vector<1024x128xbf16>
    %convert_element_type3A_1049 = arith.extf %add3A_1038 : vector<1024x128xbf16> to vector<1024x128xf32>
    %get3A_1050 = arith.constant 0 : index
    %get3A_1051 = arith.constant 0 : index
    %get3A_1052 = vector.load %arg18[%get3A_1050, %get3A_1051] : memref<1024x128xf32, #tpu.memory_space<vmem>>, vector<1024x128xf32>
    %mul3A_1053 = arith.mulf %convert_element_type3A_1049, %get3A_1052 : vector<1024x128xf32>
    %mul3A_1054 = arith.mulf %add3A_1030, %tanh3A_1040 : vector<1024x128xbf16>
    %convert_element_type3A_1055 = arith.extf %mul3A_1054 : vector<1024x128xbf16> to vector<1024x128xf32>
    %add3A_1056 = arith.addf %mul3A_1053, %convert_element_type3A_1055 : vector<1024x128xf32>
    %convert_element_type3A_1057 = arith.extf %add3A_1048 : vector<1024x128xbf16> to vector<1024x128xf32>
    %tanh3A_1058 = math.tanh %add3A_1056 : vector<1024x128xf32>
    %mul3A_1059 = arith.mulf %convert_element_type3A_1057, %tanh3A_1058 : vector<1024x128xf32>
    %swap3A_1060 = arith.constant 0 : index
    %swap3A_1061 = arith.constant 0 : index
    %swap3A_1062 = vector.load %arg18[%swap3A_1060, %swap3A_1061] : memref<1024x128xf32, #tpu.memory_space<vmem>>, vector<1024x128xf32>
    tpu.vector_store %arg18[%swap3A_1060, %swap3A_1061], %add3A_1056 {strides = array<i32>} : memref<1024x128xf32, #tpu.memory_space<vmem>>, vector<1024x128xf32>,
    %convert_element_type3A_1063 = arith.truncf %mul3A_1059 : vector<1024x128xf32> to vector<1024x128xbf16>
    %swap3A_1064 = arith.constant 0 : index
    %swap3A_1065 = arith.constant 128 : index
    %swap3A_1066 = vector.load %arg17[%swap3A_1064, %swap3A_1065] : memref<1024x256xbf16, #tpu.memory_space<vmem>>, vector<1024x128xbf16>
    tpu.vector_store %arg17[%swap3A_1064, %swap3A_1065], %convert_element_type3A_1063 {strides = array<i32>} : memref<1024x256xbf16, #tpu.memory_space<vmem>>, vector<1024x128xbf16>,
    %eq3A_1067 = arith.constant 5 : i32
    %eq3A_1068 = arith.cmpi eq, %arg0, %eq3A_1067 : i32
    %convert_element_type3A_1069 = arith.extui %eq3A_1068 : i1 to i32
    %cond3A_1070 = arith.constant 0 : i32
    %cond3A_1071 = arith.cmpi ne, %convert_element_type3A_1069, %cond3A_1070 : i32
    scf.if %cond3A_1071 {
      %swap3A_1072 = arith.constant 0 : index
      %swap3A_1073 = arith.constant 0 : index
      %swap3A_1074 = vector.load %arg11[%swap3A_1072, %swap3A_1073] : memref<1024x128xf32, #tpu.memory_space<vmem>>, vector<1024x128xf32>
      tpu.vector_store %arg11[%swap3A_1072, %swap3A_1073], %mul3A_992 {strides = array<i32>} : memref<1024x128xf32, #tpu.memory_space<vmem>>, vector<1024x128xf32>,
      %get3A_1075 = arith.constant 0 : index
      %get3A_1076 = arith.constant 0 : index
      %get3A_1077 = vector.load %arg16[%get3A_1075, %get3A_1076] : memref<1024x128xf32, #tpu.memory_space<vmem>>, vector<1024x128xf32>
      %swap3A_1078 = arith.constant 0 : index
      %swap3A_1079 = arith.constant 0 : index
      %swap3A_1080 = vector.load %arg12[%swap3A_1078, %swap3A_1079] : memref<1024x128xf32, #tpu.memory_space<vmem>>, vector<1024x128xf32>
      tpu.vector_store %arg12[%swap3A_1078, %swap3A_1079], %get3A_1077 {strides = array<i32>} : memref<1024x128xf32, #tpu.memory_space<vmem>>, vector<1024x128xf32>,
      %swap3A_1081 = arith.constant 0 : index
      %swap3A_1082 = arith.constant 0 : index
      %swap3A_1083 = vector.load %arg13[%swap3A_1081, %swap3A_1082] : memref<1024x128xf32, #tpu.memory_space<vmem>>, vector<1024x128xf32>
      tpu.vector_store %arg13[%swap3A_1081, %swap3A_1082], %mul3A_1059 {strides = array<i32>} : memref<1024x128xf32, #tpu.memory_space<vmem>>, vector<1024x128xf32>,
      %get3A_1084 = arith.constant 0 : index
      %get3A_1085 = arith.constant 0 : index
      %get3A_1086 = vector.load %arg18[%get3A_1084, %get3A_1085] : memref<1024x128xf32, #tpu.memory_space<vmem>>, vector<1024x128xf32>
      %swap3A_1087 = arith.constant 0 : index
      %swap3A_1088 = arith.constant 0 : index
      %swap3A_1089 = vector.load %arg14[%swap3A_1087, %swap3A_1088] : memref<1024x128xf32, #tpu.memory_space<vmem>>, vector<1024x128xf32>
      tpu.vector_store %arg14[%swap3A_1087, %swap3A_1088], %get3A_1086 {strides = array<i32>} : memref<1024x128xf32, #tpu.memory_space<vmem>>, vector<1024x128xf32>,
    } else {
    }
    return
  }
  func.func @transform_0(%arg0: i32) -> (i32, i32, i32) {
    %c0_i32 = arith.constant 0 : i32
    %c0_i32_0 = arith.constant 0 : i32
    %c0_i32_1 = arith.constant 0 : i32
    return %arg0, %c0_i32, %c0_i32_0 : i32, i32, i32
  }
  func.func @transform_1(%arg0: i32) -> (i32, i32, i32) {
    %sub3A = arith.constant 11 : i32
    %sub3A_0 = arith.subi %sub3A, %arg0 : i32
    %c0_i32 = arith.constant 0 : i32
    %c0_i32_1 = arith.constant 0 : i32
    %c0_i32_2 = arith.constant 0 : i32
    return %sub3A_0, %c0_i32, %c0_i32_1 : i32, i32, i32
  }
  func.func @transform_2(%arg0: i32) -> (i32, i32) {
    %c0_i32 = arith.constant 0 : i32
    %c0_i32_0 = arith.constant 0 : i32
    %c0_i32_1 = arith.constant 0 : i32
    return %c0_i32, %c0_i32_0 : i32, i32
  }
  func.func @transform_3(%arg0: i32) -> (i32, i32) {
    %c0_i32 = arith.constant 0 : i32
    %c0_i32_0 = arith.constant 0 : i32
    %c0_i32_1 = arith.constant 0 : i32
    return %c0_i32, %c0_i32_0 : i32, i32
  }
  func.func @transform_4(%arg0: i32) -> (i32, i32) {
    %c0_i32 = arith.constant 0 : i32
    %c0_i32_0 = arith.constant 0 : i32
    %c0_i32_1 = arith.constant 0 : i32
    return %c0_i32, %c0_i32_0 : i32, i32
  }
  func.func @transform_5(%arg0: i32) -> (i32, i32) {
    %c0_i32 = arith.constant 0 : i32
    %c0_i32_0 = arith.constant 0 : i32
    %c0_i32_1 = arith.constant 0 : i32
    return %c0_i32, %c0_i32_0 : i32, i32
  }
  func.func @transform_6(%arg0: i32) -> (i32, i32) {
    %c0_i32 = arith.constant 0 : i32
    %c0_i32_0 = arith.constant 0 : i32
    %c0_i32_1 = arith.constant 0 : i32
    return %c0_i32, %c0_i32_0 : i32, i32
  }
  func.func @transform_7(%arg0: i32) -> (i32, i32) {
    %c0_i32 = arith.constant 0 : i32
    %c0_i32_0 = arith.constant 0 : i32
    %c0_i32_1 = arith.constant 0 : i32
    return %c0_i32, %c0_i32_0 : i32, i32
  }
  func.func @transform_8(%arg0: i32) -> (i32, i32) {
    %c0_i32 = arith.constant 0 : i32
    %c0_i32_0 = arith.constant 0 : i32
    %c0_i32_1 = arith.constant 0 : i32
    return %c0_i32, %c0_i32_0 : i32, i32
  }
  func.func @transform_9(%arg0: i32) -> (i32, i32) {
    %c0_i32 = arith.constant 0 : i32
    %c0_i32_0 = arith.constant 0 : i32
    %c0_i32_1 = arith.constant 0 : i32
    return %c0_i32, %c0_i32_0 : i32, i32
  }
  func.func @transform_10(%arg0: i32) -> (i32, i32) {
    %c0_i32 = arith.constant 0 : i32
    %c0_i32_0 = arith.constant 0 : i32
    %c0_i32_1 = arith.constant 0 : i32
    return %c0_i32, %c0_i32_0 : i32, i32
  }
  func.func @transform_11(%arg0: i32) -> (i32, i32) {
    %c0_i32 = arith.constant 0 : i32
    %c0_i32_0 = arith.constant 0 : i32
    %c0_i32_1 = arith.constant 0 : i32
    return %c0_i32, %c0_i32_0 : i32, i32
  }
  func.func @transform_12(%arg0: i32) -> (i32, i32) {
    %c0_i32 = arith.constant 0 : i32
    %c0_i32_0 = arith.constant 0 : i32
    %c0_i32_1 = arith.constant 0 : i32
    return %c0_i32, %c0_i32_0 : i32, i32
  }
  func.func @transform_13(%arg0: i32) -> (i32, i32) {
    %c0_i32 = arith.constant 0 : i32
    %c0_i32_0 = arith.constant 0 : i32
    %c0_i32_1 = arith.constant 0 : i32
    return %c0_i32, %c0_i32_0 : i32, i32
  }
}

</mosaic_0001>

<sc_bundles>
// kernel: kernel.10.cloned.1.call-start
scs
__scs_entry_jumppad:
0x0: {  	(pc) =	sbr.rel $0x88, $3  }
0x1: {  	(tag) =	ssettag $0x0;
	lr =	simm.s32 $0x1  }
0x2: {  	[smem:$0x3F97] =	sst lr;
	_ =	strace $0xD0000000  }
0x3: {  	_ = 	snop  }
0x4: {  	_ = 	snop  }
0x5: {  	_ = 	snop  }
0x6: {  	_ = 	snop  }
0x7: {  	_ = 	snop  }
__scs_overlays_trampoline_lowered:
0x8: {  	[smem:$0x3FA6] =	sst s0  }
0x9: {  	[smem:$0x3FA7] =	sst s1  }
0xa: {  	[smem:$0x3FA8] =	sst s2  }
0xb: {  	[smem:$0x3FA9] =	sst s3  }
0xc: {  	[smem:$0x3FAA] =	sst s4  }
0xd: {  	[smem:$0x3FAB] =	sst s5  }
0xe: {  	[smem:$0x3FAC] =	sst s6  }
0xf: {  	[smem:$0x3FAD] =	sst s7  }
0x10: {  	[smem:$0x3FAE] =	sst s8  }
0x11: {  	[smem:$0x3FAF] =	sst s9;
	s0 =	simm.s32 @!p0 $0x0  }
0x12: {  	s1 =	sld [smem:$0x3F95];
	s0 =	simm.s32 @p0 $0x1  }
0x13: {  	[smem:$0x3FB0] =	sst s0;
	s0 =	simm.s32 @!p1 $0x0  }
0x14: {  	s2 =	sld [smem:$0x3F94];
	s0 =	simm.s32 @p1 $0x1  }
0x15: {  	[smem:$0x3FB1] =	sst s0;
	s0 =	simm.s32 @!p2 $0x0  }
0x16: {  	s3 =	sld [smem:$0x3FDB];
	s0 =	simm.s32 @p2 $0x1  }
0x17: {  	s4 =	simm.s32 $0x1BF5;
	[smem:$0x3FB3] =	sst s0  }
0x18: {  	s0 =	sld [smem:$0x3F96];
	_ =	swait.ge [sflag:s4], $0x0  }
0x19: {  	s7 =	sld [smem:$0x3F97]  }
0x1a: {  	s8 =	sadd.s32 $0xFFFFE003, lr  }
0x1b: {  	s9 =	sadd.s32 $0xFFFFFEF7, lr;
	s5 =	simm.s32 $0xFFFFFFFF;
	p2 =	slt.u32 s8, $0xFFFFF086  }
0x1c: {  	p1 =	slt.u32 s9, $0xF7A;
	s5 =	simm.s32 @!p2 $0x0  }
0x1d: {  	s5 =	simm.s32 @p1 $0x1;
	p0 =	seq.s32 s7, s2  }
0x1e: {  	s7 =	smul.u32 @!p0 $0xF7A, s2;
	p2 =	seq.s32 @!p0 s5, $0x0  }
0x1f: {  	s9 =	smul.u32 $0xF7A, s1;
	s8 =	simm.s32 @!p0 $0x1BF5;
	p2 =	por !p2, p0  }
0x20: {  	[sflag:s8] =	ssyncset.s32 @!p0 $0xFFFFF086;
	s6 =	sadd.s32 @!p0 s3, s7;
	s7 =	simm.s32 @!p0 $0x108  }
0x21: {  	s3 =	sadd.s32 s3, s9;
	s6 =	sadd.s32 @!p0 $0x88, s6;
	s7 =	simm.s32 @p2 $0x1082  }
0x22: {  	[simem:s7], [sflag:s8] =	dma.local @!p0 [hbm:s6], $0xF7A  }
0x23: {  	s9 =	sor.u32 $0xD0000000, s2;
	s6 =	simm.s32 $0x108;
	_ =	swait.ge @!p0 [sflag:s8], $0x0  }
0x24: {  	s3 =	sadd.s32 $0x88, s3;
	s6 =	simm.s32 @!p1 $0x1082;
	[sflag:s4] =	ssyncset.s32 $0xFFFFF086  }
0x25: {  	[simem:s6], [sflag:s4] =	dma.local [hbm:s3], $0xF7A  }
0x26: {  	[smem:$0x3F97] =	sst s1;
	(tag) =	ssettag s2;
	_ =	strace s9  }
0x27: {  	s1 =	sld [smem:$0x3FA7]  }
0x28: {  	s2 =	sld [smem:$0x3FA8]  }
0x29: {  	s4 =	sld [smem:$0x3FAA]  }
0x2a: {  	p0 =	seq.s32 s5, $0x0;
	s5 =	sld [smem:$0x3FAB]  }
0x2b: {  	s6 =	sld [smem:$0x3FAC]  }
0x2c: {  	s7 =	sld [smem:$0x3FAD]  }
0x2d: {  	s3 =	simm.s32 $0x108;
	s8 =	sld [smem:$0x3FAE]  }
0x2e: {  	s3 =	simm.s32 @!p0 $0x1082;
	s9 =	sld [smem:$0x3FAF]  }
0x2f: {  	lr =	sadd.s32 s0, s3;
	s0 =	sld [smem:$0x3FA6]  }
0x30: {  	s3 =	sld [smem:$0x3FA9]  }
0x31: {  	[smem:$0x3FB2] =	sst s10  }
0x32: {  	s10 =	sld [smem:$0x3FB0];
	_ =	sdelay $0x3  }
0x33: {  	p0 =	seq.s32 s10, $0x1;
	s10 =	sld [smem:$0x3FB2];
	_ =	sdelay $0x3  }
0x34: {  	[smem:$0x3FB2] =	sst s10  }
0x35: {  	s10 =	sld [smem:$0x3FB1];
	_ =	sdelay $0x3  }
0x36: {  	p1 =	seq.s32 s10, $0x1;
	s10 =	sld [smem:$0x3FB2];
	_ =	sdelay $0x3  }
0x37: {  	[smem:$0x3FB2] =	sst s10  }
0x38: {  	s10 =	sld [smem:$0x3FB3]  }
0x39: {  	_ = 	snop;
	(pc) =	sbr.ind lr, $3  }
0x3a: {  	_ = 	snop  }
0x3b: {  	_ = 	snop  }
0x3c: {  	p2 =	seq.s32 s10, $0x1;
	s10 =	sld [smem:$0x3FB2]  }
0x3d: {  	_ =	shalt  }
0x3e: {  	_ =	shalt  }
0x3f: {  	_ =	shalt  }
0x40: {  	_ =	shalt  }
0x41: {  	_ =	shalt  }
0x42: {  	_ =	shalt  }
0x43: {  	_ =	shalt  }
0x44: {  	_ =	shalt  }
0x45: {  	_ =	shalt  }
0x46: {  	_ =	shalt  }
0x47: {  	_ =	shalt  }
0x48: {  	_ =	shalt  }
0x49: {  	_ =	shalt  }
0x4a: {  	_ =	shalt  }
0x4b: {  	_ =	shalt  }
0x4c: {  	_ =	shalt  }
0x4d: {  	_ =	shalt  }
0x4e: {  	_ =	shalt  }
0x4f: {  	_ =	shalt  }
0x50: {  	_ =	shalt  }
0x51: {  	_ =	shalt  }
0x52: {  	_ =	shalt  }
0x53: {  	_ =	shalt  }
0x54: {  	_ =	shalt  }
0x55: {  	_ =	shalt  }
0x56: {  	_ =	shalt  }
0x57: {  	_ =	shalt  }
0x58: {  	_ =	shalt  }
0x59: {  	_ =	shalt  }
0x5a: {  	_ =	shalt  }
0x5b: {  	_ =	shalt  }
0x5c: {  	_ =	shalt  }
0x5d: {  	_ =	shalt  }
0x5e: {  	_ =	shalt  }
0x5f: {  	_ =	shalt  }
0x60: {  	_ =	shalt  }
0x61: {  	_ =	shalt  }
0x62: {  	_ =	shalt  }
0x63: {  	_ =	shalt  }
0x64: {  	_ =	shalt  }
0x65: {  	_ =	shalt  }
0x66: {  	_ =	shalt  }
0x67: {  	_ =	shalt  }
0x68: {  	_ =	shalt  }
0x69: {  	_ =	shalt  }
0x6a: {  	_ =	shalt  }
0x6b: {  	_ =	shalt  }
0x6c: {  	_ =	shalt  }
0x6d: {  	_ =	shalt  }
0x6e: {  	_ =	shalt  }
0x6f: {  	_ =	shalt  }
0x70: {  	_ =	shalt  }
0x71: {  	_ =	shalt  }
0x72: {  	_ =	shalt  }
0x73: {  	_ =	shalt  }
0x74: {  	_ =	shalt  }
0x75: {  	_ =	shalt  }
0x76: {  	_ =	shalt  }
0x77: {  	_ =	shalt  }
0x78: {  	_ =	shalt  }
0x79: {  	_ =	shalt  }
0x7a: {  	_ =	shalt  }
0x7b: {  	_ =	shalt  }
0x7c: {  	_ =	shalt  }
0x7d: {  	_ =	shalt  }
0x7e: {  	_ =	shalt  }
0x7f: {  	_ =	shalt  }
0x80: {  	_ =	shalt  }
0x81: {  	_ =	shalt  }
0x82: {  	_ =	shalt  }
0x83: {  	_ =	shalt  }
0x84: {  	_ =	shalt  }
0x85: {  	_ =	shalt  }
0x86: {  	_ =	shalt  }
0x87: {  	_ =	shalt  }
.Lfunc_end0:
.L_simem_size_0:
called_computation.1_lowered:
.L_overlay_start_0:
0x88: {  	s2 =	sld [smem:$0x3FD9]  }
0x89: {  	s3 =	sld [smem:$0x3FFE];
	_ =	sdelay $0x1  }
0x8a: {  	s1 =	srdreg.scid  }
0x8b: {  	s0 =	sand.u32 $0x1, s1  }
0x8c: {  	s17 =	sshll.u32 s0, $0xA;
	s2 =	sadd.s32 s3, s2  }
0x8d: {  	s2 =	sadd.s32 s2, s17  }
0x8e: {  	[smem:$0x3FBE] =	sst s2  }
0x8f: {  	_ = 	snop  }
0x90: {  	s18 =	sld [smem:$0x3FC8]  }
0x91: {  	s4 =	sld [smem:$0x3FD0];
	(tm) =	ssettm $0x1  }
0x92: {  	s19 =	sld [smem:$0x3FFB];
	_ =	sdelay $0x3  }
0x93: {  	_ =	strace s19  }
0x94: {  	s2 =	sld [smem:$0x3FFC];
	_ =	sdelay $0x3  }
0x95: {  	_ =	strace s2  }
0x96: {  	s2 =	sld [smem:$0x3FFD];
	_ =	sdelay $0x3  }
0x97: {  	_ =	strace s2  }
0x98: {  	_ =	strace $0x8FFFFFFF  }
0x99: {  	s20 =	sld [smem:$0x3FDB];
	_ =	sdelay $0x1  }
0x9a: {  	s5 =	simm.s32 $_scs_section_size  }
0x9b: {  	s6 =	simm.s32 $_size__tile_overlayer_lowered;
	s7 =	simm.s32 $_tile_overlayer_lowered  }
0x9c: {  	s8 =	simm.s32 $0x1BFF;
	s21 =	sshll.u32 s7, $0x1;
	s5 =	sadd.s32 s5, s20  }
0x9d: {  	s22 =	simm.s32 $0x0;
	s6 =	sshll.u32 s6, $0x1;
	s7 =	sadd.s32 s21, s5  }
0x9e: {  	[timem:s22], [sflag:s8] =	dma.local [hbm:s7], s6  }
0x9f: {  	_ =	swait.ge [sflag:s8], s6  }
0xa0: {  	s6 =	ssub.s32 $0x0, s6;
	[sflag:s8] =	ssyncset.done $0x0  }
0xa1: {  	[sflag:s8] =	ssyncadd.s32 s6;
	_ =	sdelay $0x1  }
0xa2: {  	s23 =	simm.s32 $0x1B8B  }
0xa3: {  	_ =	swait.ge [sflag:s23], $0x1  }
0xa4: {  	[sflag:s23] =	ssyncset.done $0x0  }
0xa5: {  	[sflag:s23] =	ssyncadd.s32 $0xFFFFFFFF  }
0xa6: {  	s6 =	sld [smem:$0x0]  }
0xa7: {  	s7 =	sand.u32 $0xFFFFFFFE, s1  }
0xa8: {  	p0 =	sne.s32 s1, s7  }
0xa9: {  	s7 =	sshll.u32 @p0 s7, $0xE  }
0xaa: {  	s7 =	sadd.s32 @p0 $0x11B8D, s7;
	s8 =	sshll.u32 @p0 s6, $0x11  }
0xab: {  	s7 =	sor.u32 @p0 s8, s7  }
0xac: {  	[sflag:s7] =	ssyncadd.remote.s32 @p0 $0x1;
	_ =	sdelay $0x1  }
0xad: {  	s7 =	simm.s32 @p0 $0x1B8D  }
0xae: {  	_ =	swait.eq @p0 [sflag:s7], $0x1  }
0xaf: {  	[sflag:s7] =	ssyncadd.s32 @p0 $0xFFFFFFFF  }
0xb0: {  	s8 =	sshll.u32 @!p0 s1, $0xE  }
0xb1: {  	s8 =	sor.u32 @!p0 $0x4000, s8;
	s7 =	simm.s32 @!p0 $0x1B8D  }
0xb2: {  	s6 =	sshll.u32 @!p0 s6, $0x11;
	s8 =	sadd.s32 @!p0 $0x11B8D, s8;
	_ =	swait.eq @!p0 [sflag:s7], $0x1  }
0xb3: {  	s6 =	sor.u32 @!p0 s6, s8;
	[sflag:s7] =	ssyncadd.s32 @!p0 $0xFFFFFFFF  }
0xb4: {  	s25 =	simm.s32 $0x1B8E;
	s24 =	sld [smem:$0x3FFE];
	[sflag:s6] =	ssyncadd.remote.s32 @!p0 $0x1  }
0xb5: {  	s26 =	simm.s32 $execute0_lowered;
	[smem:$0x3FD2] =	sst s25  }
0xb6: {  	s7 =	sshll.u32 s26, $0x1;
	_ =	strace $0x80000049;
	[dreg:$0x1] =	wrdreg $0xFFFFFFFF  }
0xb7: {  	s28 =	simm.s32 $_size_execute0_lowered;
	s5 =	sadd.s32 s5, s7;
	[dreg:$0x0] =	wrdreg $0x0  }
0xb8: {  	s7 =	sshll.u32 s28, $0x1;
	[dreg:$0x2] =	wrdreg s5  }
0xb9: {  	[dreg:$0x3] =	wrdreg s7  }
0xba: {  	[dreg:$0x4] =	wrdreg $0xC0  }
0xbb: {  	_ =	task [dreg:s22], $0x5FFFF  }
0xbc: {  	[dreg:$0x1] =	wrdreg $0xFFFFFFFF  }
0xbd: {  	[dreg:$0x0] =	wrdreg $0x60  }
0xbe: {  	[dreg:$0x2] =	wrdreg s18  }
0xbf: {  	[dreg:$0x3] =	wrdreg s4  }
0xc0: {  	[dreg:$0x4] =	wrdreg s24  }
0xc1: {  	[dreg:$0x5] =	wrdreg $0xA  }
0xc2: {  	_ =	task.clear_ibuf [dreg:s22], $0x6FFFF;
	_ =	strace $0x90000049  }
0xc3: {  	s29 =	simm.s32 $0xA;
	_ =	strace $0x8000004B  }
0xc4: {  	_ =	swait.ge [sflag:s29], $0x1  }
0xc5: {  	[sflag:s29] =	ssyncadd.s32 $0xFFFFFFFF  }
0xc6: {  	_ =	strace $0x9000004B  }
0xc7: {  	_ =	sfence  }
0xc8: {  	s30 =	sld [smem:$0x0];
	_ =	sdelay $0x2  }
0xc9: {  	s31 =	sshll.u32 s1, $0xD;
	s1 =	sshrl.u32 s1, $0x2  }
0xca: {  	s4 =	sand.u32 $0x4000, s31;
	s1 =	sadd.s32 s1, s30  }
0xcb: {  	s0 =	sor.u32 s4, s0;
	s1 =	sshll.u32 s1, $0x11  }
0xcc: {  	s0 =	sor.u32 s1, s0  }
0xcd: {  	s0 =	sadd.s32 $0x8F2B, s0  }
0xce: {  	[sflag:s0] =	ssyncadd.remote.s32 $0x1  }
0xcf: {  	_ =	sfence.sel $0xFFFF  }
0xd0: {  	[dreg:$0x0] =	wrdreg $0xFFFFFFFF;
	(pc) =	sbr.abs _section_cstart, $3  }
0xd1: {  	[dreg:$0x1] =	wrdreg $0xFFFFFFFF  }
0xd2: {  	_ =	task.clear_ibuf [dreg:s22], $0x2FFFF;
	_ =	strace $0x9FFFFFFF  }
0xd3: {  	(tm) =	ssettm $0x7FFFFFFF  }
tec
execute0_lowered:
.L_overlay_start_1:
0x0: {  	(tag) =	ssettag $0x1  }
0x1: {  	s1 =	rddreg [dreg:$0x0]  }
0x2: {  	s4 =	rddreg [dreg:$0x1];
	s2 =	srdreg.scid  }
0x3: {  	s0 =	stileid.u32;
	s5 =	rddreg [dreg:$0x2];
	s3 =	simm.s32 $0x0  }
0x4: {  	s14 =	simm.s32 $0x1;
	s15 =	simm.s32 $0x2;
	s16 =	simm.s32 $0x3  }
0x5: {  	s17 =	simm.s32 $0x4;
	s18 =	simm.s32 $0x0;
	s12 =	smul.u32 $0x1A000, s0  }
0x6: {  	s6 =	sand.u32 $0x1, s2;
	s2 =	rddreg [dreg:$0x3];
	s24 =	smul.u32 $0xD0000, s0  }
0x7: {  	s7 =	sshll.u32 s0, $0x1;
	[smem:$0x7FF] =	sst s3;
	s26 =	smul.u32 $0x68000, s6  }
0x8: {  	s11 =	sadd.s32 $0x185A00, s5;
	s7 =	sor.u32 s6, s7;
	s13 =	smul.u32 $0xD000, s6  }
0x9: {  	_ =	strace $0x8000004A;
	s9 =	ssub.s32 $0x2, s6;
	s8 =	smul.u32 $0x68000, s7  }
0xa: {  	s10 =	smul.u32 $0xD000, s7;
	s23 =	sshrl.u32 s9, $0x1;
	s7 =	sshll.u32 s7, $0x9  }
0xb: {  	s28 =	sadd.s32 s12, s11;
	s12 =	simm.s32 $0x1000;
	s5 =	ssub.s32 s9, s23  }
0xc: {  	s4 =	sadd.s32 s4, s7;
	s30 =	sadd.s32 s13, s28;
	s13 =	simm.s32 $0x5000  }
0xd: {  	s25 =	sshrl.u32 s8, $0x3;
	s5 =	smax.u32 s5, $0x1;
	s8 =	sadd.s32 s26, s24  }
0xe: {  	s29 =	sadd.s32 s10, s11;
	s10 =	simm.s32 $0x5;
	s7 =	sadd.s32 s11, s25  }
0xf: {  	s31 =	sshrl.u32 s8, $0x3;
	s8 =	sadd.s32 $0x800, s30;
	s6 =	sadd.s32 $0xC000, s7  }
0x10: {  	s7 =	sadd.s32 $0xC800, s29;
	s9 =	sadd.s32 s31, s11;
	s11 =	simm.s32 $0x80  }
.LBB2_1:
0x11: {  	[tilespmem:s3], [sflag:$0x5] =	stream.linear.gather [hbm4b:s4+s3], $0xD00, $0x38;
	[tilespmem:$0x9000] =	vst v63  }
0x12: {  	_ =	swait.ge [sflag:s10], $0xD00  }
0x13: {  	[sflag:s10] =	ssyncset.done $0x0  }
0x14: {  	[sflag:s10] =	ssyncadd.s32 $0xFFFFF300  }
0x15: {  	[tilespmem:s12], [sflag:$0x1] =	stream.indirect.gather [hbm4b:s1+s11], $0x80, s3, s11, $0xb8;
	[tilespmem:$0x9000] =	vst v63  }
0x16: {  	_ = 	snop  }
0x17: {  	[tilespmem:s13], [sflag:$0x2] =	stream.indirect.gather [hbm4b:s1+s11], $0x80, s11, s11, $0xb8;
	[tilespmem:$0x9000] =	vst v63  }
0x18: {  	_ =	swait.ge [sflag:s14], $0x4000  }
0x19: {  	[sflag:s14] =	ssyncset.done $0x0  }
0x1a: {  	s19 =	sadd.s32 $0x0, s9;
	[sflag:s14] =	ssyncadd.s32 $0xFFFFC000  }
0x1b: {  	[hbm4b:s19+s3] =	stream.linear.scatter [tilespmem:s12], [sflag:$0x3], $0x4000, $0x38;
	[tilespmem:$0x9000] =	vst v63  }
0x1c: {  	_ =	swait.ge [sflag:s15], $0x4000  }
0x1d: {  	[sflag:s15] =	ssyncset.done $0x0  }
0x1e: {  	s30 =	sadd.s32 $0x0, s8;
	[sflag:s15] =	ssyncadd.s32 $0xFFFFC000  }
0x1f: {  	[hbm4b:s30+s3] =	stream.linear.scatter [tilespmem:s13], [sflag:$0x4], $0x4000, $0x38;
	[tilespmem:$0x9000] =	vst v63  }
0x20: {  	_ =	swait.ge [sflag:s16], $0x4000  }
0x21: {  	[sflag:s16] =	ssyncset.done $0x0  }
0x22: {  	s31 =	simm.s32 $0x100;
	[sflag:s16] =	ssyncadd.s32 $0xFFFFC000  }
0x23: {  	[tilespmem:s12], [sflag:$0x1] =	stream.indirect.gather [hbm4b:s1+s11], $0x80, s31, s11, $0xb8;
	[tilespmem:$0x9000] =	vst v63  }
0x24: {  	_ =	swait.ge [sflag:s17], $0x4000  }
0x25: {  	s20 =	simm.s32 $0x1000;
	[sflag:s17] =	ssyncset.done $0x0  }
0x26: {  	s21 =	simm.s32 $0x280;
	s19 =	simm.s32 $0x180;
	[sflag:s17] =	ssyncadd.s32 $0xFFFFC000  }
.LBB2_2:
0x27: {  	[tilespmem:s13], [sflag:$0x2] =	stream.indirect.gather [hbm4b:s1+s11], $0x80, s19, s11, $0xb8;
	[tilespmem:$0x9000] =	vst v63  }
0x28: {  	s22 =	smov.u32 s20;
	s19 =	smov.u32 s21  }
0x29: {  	p0 =	sne.s32 s20, $0xB000;
	s20 =	sadd.s32 $0x1000, s20;
	_ =	swait.ge [sflag:s14], $0x4000  }
0x2a: {  	[sflag:s14] =	ssyncset.done $0x0  }
0x2b: {  	s23 =	sadd.s32 s22, s9;
	[sflag:s14] =	ssyncadd.s32 $0xFFFFC000  }
0x2c: {  	[hbm4b:s23+s3] =	stream.linear.scatter [tilespmem:s12], [sflag:$0x3], $0x4000, $0x38;
	[tilespmem:$0x9000] =	vst v63  }
0x2d: {  	_ =	swait.ge [sflag:s15], $0x4000  }
0x2e: {  	[sflag:s15] =	ssyncset.done $0x0  }
0x2f: {  	s22 =	sadd.s32 s22, s8;
	[sflag:s15] =	ssyncadd.s32 $0xFFFFC000  }
0x30: {  	[hbm4b:s22+s3] =	stream.linear.scatter [tilespmem:s13], [sflag:$0x4], $0x4000, $0x38;
	[tilespmem:$0x9000] =	vst v63  }
0x31: {  	_ =	swait.ge [sflag:s16], $0x4000  }
0x32: {  	[sflag:s16] =	ssyncset.done $0x0  }
.Ltmp0:
0x33: {  	s22 =	sadd.s32 $0xFFFFFF80, s21;
	[sflag:s16] =	ssyncadd.s32 $0xFFFFC000;
	(pc) =	sbr.rel @p0 .LBB2_2-.Ltmp0, $4  }
0x34: {  	[tilespmem:s12], [sflag:$0x1] =	stream.indirect.gather [hbm4b:s1+s11], $0x80, s22, s11, $0xb8;
	[tilespmem:$0x9000] =	vst v63  }
0x35: {  	_ =	swait.ge [sflag:s17], $0x4000  }
0x36: {  	[sflag:s17] =	ssyncset.done $0x0  }
0x37: {  	s21 =	sadd.s32 $0x100, s21;
	[sflag:s17] =	ssyncadd.s32 $0xFFFFC000  }
0x38: {  	[tilespmem:s13], [sflag:$0x2] =	stream.indirect.gather [hbm4b:s1+s11], $0x80, s19, s11, $0xb8;
	[tilespmem:$0x9000] =	vst v63  }
0x39: {  	_ =	swait.ge [sflag:s14], $0x4000  }
0x3a: {  	[sflag:s14] =	ssyncset.done $0x0  }
0x3b: {  	[sflag:s14] =	ssyncadd.s32 $0xFFFFC000  }
0x3c: {  	[hbm4b:s6+s3] =	stream.linear.scatter [tilespmem:s12], [sflag:$0x3], $0x4000, $0x38;
	[tilespmem:$0x9000] =	vst v63  }
0x3d: {  	_ =	swait.ge [sflag:s15], $0x4000  }
0x3e: {  	[sflag:s15] =	ssyncset.done $0x0  }
0x3f: {  	s18 =	sadd.s32 $0x1, s18;
	[sflag:s15] =	ssyncadd.s32 $0xFFFFC000  }
0x40: {  	[hbm4b:s7+s3] =	stream.linear.scatter [tilespmem:s13], [sflag:$0x4], $0x4000, $0x38;
	[tilespmem:$0x9000] =	vst v63  }
0x41: {  	p0 =	sne.s32 s18, s5;
	_ =	swait.ge [sflag:s16], $0x4000  }
.Ltmp1:
0x42: {  	[sflag:s16] =	ssyncset.done $0x0;
	(pc) =	sbr.rel @p0 .LBB2_1-.Ltmp1, $4  }
0x43: {  	[sflag:s16] =	ssyncadd.s32 $0xFFFFC000  }
0x44: {  	_ =	swait.ge [sflag:s17], $0x4000  }
0x45: {  	[sflag:s17] =	ssyncset.done $0x0  }
0x46: {  	[sflag:s17] =	ssyncadd.s32 $0xFFFFC000  }
0x47: {  	_ =	sfence.sel $0x180000  }
0x48: {  	[bflag:$0x0] =	sbarrier.arrive $0xFFFF  }
0x49: {  	p0 =	sne.s32 s0, $0x0;
	_ =	strace $0x9000004A  }
0x4a: {  	s0 =	sadd.s32 @!p0 $0x100000, s2;
	[bflag:$0x2] =	sbarrier.arrive $0xFFFF  }
0x4b: {  	[sflag:s0] =	ssyncadd.tile.s32 @!p0 $0x1;
	_ =	shalt  }
.Lfunc_end2:
_tile_overlayer_lowered:
.L_overlay_start_2:
0x4c: {  	(tag) =	ssettag $0x2  }
0x4d: {  	s0 =	rddreg [dreg:$0x0];
	s2 =	stileid.u32  }
0x4e: {  	s1 =	rddreg [dreg:$0x1];
	p0 =	sne.s32 s2, $0x0  }
0x4f: {  	s3 =	rddreg [dreg:$0x2];
	[bflag:$0x3] =	sbarrier.arrive $0xFFFF;
	s2 =	simm.s32 @!p0 $0x1C05  }
0x50: {  	[timem:s3], [sflag:s2] =	dma.local @!p0 [hbm:s0], s1  }
0x51: {  	s0 =	simm.s32 @!p0 $0x5  }
0x52: {  	_ =	swait.ge @!p0 [sflag:s0], s1  }
0x53: {  	s1 =	ssub.s32 @!p0 $0x0, s1;
	[sflag:s0] =	ssyncset.done @!p0 $0x0  }
0x54: {  	[sflag:s0] =	ssyncadd.s32 @!p0 s1  }
0x55: {  	[bflag:$0x3] =	sbarrier.arrive $0xFFFF  }
0x56: {  	_ =	shalt  }

// kernel: kernel.7.cloned.1.call-start
scs
__scs_entry_jumppad:
0x0: {  	(pc) =	sbr.rel $0x88, $3  }
0x1: {  	(tag) =	ssettag $0x0;
	lr =	simm.s32 $0x1  }
0x2: {  	[smem:$0x3F97] =	sst lr;
	_ =	strace $0xD0000000  }
0x3: {  	_ = 	snop  }
0x4: {  	_ = 	snop  }
0x5: {  	_ = 	snop  }
0x6: {  	_ = 	snop  }
0x7: {  	_ = 	snop  }
__scs_overlays_trampoline_lowered:
0x8: {  	[smem:$0x3FA6] =	sst s0  }
0x9: {  	[smem:$0x3FA7] =	sst s1  }
0xa: {  	[smem:$0x3FA8] =	sst s2  }
0xb: {  	[smem:$0x3FA9] =	sst s3  }
0xc: {  	[smem:$0x3FAA] =	sst s4  }
0xd: {  	[smem:$0x3FAB] =	sst s5  }
0xe: {  	[smem:$0x3FAC] =	sst s6  }
0xf: {  	[smem:$0x3FAD] =	sst s7  }
0x10: {  	[smem:$0x3FAE] =	sst s8  }
0x11: {  	[smem:$0x3FAF] =	sst s9;
	s0 =	simm.s32 @!p0 $0x0  }
0x12: {  	s1 =	sld [smem:$0x3F95];
	s0 =	simm.s32 @p0 $0x1  }
0x13: {  	[smem:$0x3FB0] =	sst s0;
	s0 =	simm.s32 @!p1 $0x0  }
0x14: {  	s2 =	sld [smem:$0x3F94];
	s0 =	simm.s32 @p1 $0x1  }
0x15: {  	[smem:$0x3FB1] =	sst s0;
	s0 =	simm.s32 @!p2 $0x0  }
0x16: {  	s3 =	sld [smem:$0x3FDB];
	s0 =	simm.s32 @p2 $0x1  }
0x17: {  	s4 =	simm.s32 $0x1BF5;
	[smem:$0x3FB3] =	sst s0  }
0x18: {  	s0 =	sld [smem:$0x3F96];
	_ =	swait.ge [sflag:s4], $0x0  }
0x19: {  	s7 =	sld [smem:$0x3F97]  }
0x1a: {  	s8 =	sadd.s32 $0xFFFFE003, lr  }
0x1b: {  	s9 =	sadd.s32 $0xFFFFFEF7, lr;
	s5 =	simm.s32 $0xFFFFFFFF;
	p2 =	slt.u32 s8, $0xFFFFF086  }
0x1c: {  	p1 =	slt.u32 s9, $0xF7A;
	s5 =	simm.s32 @!p2 $0x0  }
0x1d: {  	s5 =	simm.s32 @p1 $0x1;
	p0 =	seq.s32 s7, s2  }
0x1e: {  	s7 =	smul.u32 @!p0 $0xF7A, s2;
	p2 =	seq.s32 @!p0 s5, $0x0  }
0x1f: {  	s9 =	smul.u32 $0xF7A, s1;
	s8 =	simm.s32 @!p0 $0x1BF5;
	p2 =	por !p2, p0  }
0x20: {  	[sflag:s8] =	ssyncset.s32 @!p0 $0xFFFFF086;
	s6 =	sadd.s32 @!p0 s3, s7;
	s7 =	simm.s32 @!p0 $0x108  }
0x21: {  	s3 =	sadd.s32 s3, s9;
	s6 =	sadd.s32 @!p0 $0x88, s6;
	s7 =	simm.s32 @p2 $0x1082  }
0x22: {  	[simem:s7], [sflag:s8] =	dma.local @!p0 [hbm:s6], $0xF7A  }
0x23: {  	s9 =	sor.u32 $0xD0000000, s2;
	s6 =	simm.s32 $0x108;
	_ =	swait.ge @!p0 [sflag:s8], $0x0  }
0x24: {  	s3 =	sadd.s32 $0x88, s3;
	s6 =	simm.s32 @!p1 $0x1082;
	[sflag:s4] =	ssyncset.s32 $0xFFFFF086  }
0x25: {  	[simem:s6], [sflag:s4] =	dma.local [hbm:s3], $0xF7A  }
0x26: {  	[smem:$0x3F97] =	sst s1;
	(tag) =	ssettag s2;
	_ =	strace s9  }
0x27: {  	s1 =	sld [smem:$0x3FA7]  }
0x28: {  	s2 =	sld [smem:$0x3FA8]  }
0x29: {  	s4 =	sld [smem:$0x3FAA]  }
0x2a: {  	p0 =	seq.s32 s5, $0x0;
	s5 =	sld [smem:$0x3FAB]  }
0x2b: {  	s6 =	sld [smem:$0x3FAC]  }
0x2c: {  	s7 =	sld [smem:$0x3FAD]  }
0x2d: {  	s3 =	simm.s32 $0x108;
	s8 =	sld [smem:$0x3FAE]  }
0x2e: {  	s3 =	simm.s32 @!p0 $0x1082;
	s9 =	sld [smem:$0x3FAF]  }
0x2f: {  	lr =	sadd.s32 s0, s3;
	s0 =	sld [smem:$0x3FA6]  }
0x30: {  	s3 =	sld [smem:$0x3FA9]  }
0x31: {  	[smem:$0x3FB2] =	sst s10  }
0x32: {  	s10 =	sld [smem:$0x3FB0];
	_ =	sdelay $0x3  }
0x33: {  	p0 =	seq.s32 s10, $0x1;
	s10 =	sld [smem:$0x3FB2];
	_ =	sdelay $0x3  }
0x34: {  	[smem:$0x3FB2] =	sst s10  }
0x35: {  	s10 =	sld [smem:$0x3FB1];
	_ =	sdelay $0x3  }
0x36: {  	p1 =	seq.s32 s10, $0x1;
	s10 =	sld [smem:$0x3FB2];
	_ =	sdelay $0x3  }
0x37: {  	[smem:$0x3FB2] =	sst s10  }
0x38: {  	s10 =	sld [smem:$0x3FB3]  }
0x39: {  	_ = 	snop;
	(pc) =	sbr.ind lr, $3  }
0x3a: {  	_ = 	snop  }
0x3b: {  	_ = 	snop  }
0x3c: {  	p2 =	seq.s32 s10, $0x1;
	s10 =	sld [smem:$0x3FB2]  }
0x3d: {  	_ =	shalt  }
0x3e: {  	_ =	shalt  }
0x3f: {  	_ =	shalt  }
0x40: {  	_ =	shalt  }
0x41: {  	_ =	shalt  }
0x42: {  	_ =	shalt  }
0x43: {  	_ =	shalt  }
0x44: {  	_ =	shalt  }
0x45: {  	_ =	shalt  }
0x46: {  	_ =	shalt  }
0x47: {  	_ =	shalt  }
0x48: {  	_ =	shalt  }
0x49: {  	_ =	shalt  }
0x4a: {  	_ =	shalt  }
0x4b: {  	_ =	shalt  }
0x4c: {  	_ =	shalt  }
0x4d: {  	_ =	shalt  }
0x4e: {  	_ =	shalt  }
0x4f: {  	_ =	shalt  }
0x50: {  	_ =	shalt  }
0x51: {  	_ =	shalt  }
0x52: {  	_ =	shalt  }
0x53: {  	_ =	shalt  }
0x54: {  	_ =	shalt  }
0x55: {  	_ =	shalt  }
0x56: {  	_ =	shalt  }
0x57: {  	_ =	shalt  }
0x58: {  	_ =	shalt  }
0x59: {  	_ =	shalt  }
0x5a: {  	_ =	shalt  }
0x5b: {  	_ =	shalt  }
0x5c: {  	_ =	shalt  }
0x5d: {  	_ =	shalt  }
0x5e: {  	_ =	shalt  }
0x5f: {  	_ =	shalt  }
0x60: {  	_ =	shalt  }
0x61: {  	_ =	shalt  }
0x62: {  	_ =	shalt  }
0x63: {  	_ =	shalt  }
0x64: {  	_ =	shalt  }
0x65: {  	_ =	shalt  }
0x66: {  	_ =	shalt  }
0x67: {  	_ =	shalt  }
0x68: {  	_ =	shalt  }
0x69: {  	_ =	shalt  }
0x6a: {  	_ =	shalt  }
0x6b: {  	_ =	shalt  }
0x6c: {  	_ =	shalt  }
0x6d: {  	_ =	shalt  }
0x6e: {  	_ =	shalt  }
0x6f: {  	_ =	shalt  }
0x70: {  	_ =	shalt  }
0x71: {  	_ =	shalt  }
0x72: {  	_ =	shalt  }
0x73: {  	_ =	shalt  }
0x74: {  	_ =	shalt  }
0x75: {  	_ =	shalt  }
0x76: {  	_ =	shalt  }
0x77: {  	_ =	shalt  }
0x78: {  	_ =	shalt  }
0x79: {  	_ =	shalt  }
0x7a: {  	_ =	shalt  }
0x7b: {  	_ =	shalt  }
0x7c: {  	_ =	shalt  }
0x7d: {  	_ =	shalt  }
0x7e: {  	_ =	shalt  }
0x7f: {  	_ =	shalt  }
0x80: {  	_ =	shalt  }
0x81: {  	_ =	shalt  }
0x82: {  	_ =	shalt  }
0x83: {  	_ =	shalt  }
0x84: {  	_ =	shalt  }
0x85: {  	_ =	shalt  }
0x86: {  	_ =	shalt  }
0x87: {  	_ =	shalt  }
.Lfunc_end0:
.L_simem_size_0:
called_computation_lowered:
.L_overlay_start_0:
0x88: {  	s2 =	sld [smem:$0x3FD9]  }
0x89: {  	s3 =	sld [smem:$0x3FFE];
	_ =	sdelay $0x1  }
0x8a: {  	s1 =	srdreg.scid  }
0x8b: {  	s0 =	sand.u32 $0x1, s1  }
0x8c: {  	s17 =	sshll.u32 s0, $0xA;
	s2 =	sadd.s32 s3, s2  }
0x8d: {  	s2 =	sadd.s32 s2, s17  }
0x8e: {  	[smem:$0x3FBE] =	sst s2  }
0x8f: {  	_ = 	snop  }
0x90: {  	s2 =	sld [smem:$0x3FC8];
	(tm) =	ssettm $0x1  }
0x91: {  	s18 =	sld [smem:$0x3FFB];
	_ =	sdelay $0x3  }
0x92: {  	_ =	strace s18  }
0x93: {  	s3 =	sld [smem:$0x3FFC];
	_ =	sdelay $0x3  }
0x94: {  	_ =	strace s3  }
0x95: {  	s3 =	sld [smem:$0x3FFD];
	_ =	sdelay $0x3  }
0x96: {  	_ =	strace s3  }
0x97: {  	_ =	strace $0x8FFFFFFF  }
0x98: {  	s19 =	sld [smem:$0x3FDB];
	_ =	sdelay $0x1  }
0x99: {  	s4 =	simm.s32 $_scs_section_size  }
0x9a: {  	s5 =	simm.s32 $_size__tile_overlayer_lowered;
	s6 =	simm.s32 $_tile_overlayer_lowered  }
0x9b: {  	s22 =	simm.s32 $0x1BFF;
	s21 =	sshll.u32 s6, $0x1;
	s3 =	sadd.s32 s4, s19  }
0x9c: {  	s7 =	simm.s32 $0x0;
	s20 =	sshll.u32 s5, $0x1;
	s5 =	sadd.s32 s21, s3  }
0x9d: {  	[timem:s7], [sflag:s22] =	dma.local [hbm:s5], s20  }
0x9e: {  	_ =	swait.ge [sflag:s22], s20  }
0x9f: {  	s4 =	ssub.s32 $0x0, s20;
	[sflag:s22] =	ssyncset.done $0x0  }
0xa0: {  	[sflag:s22] =	ssyncadd.s32 s4;
	_ =	sdelay $0x1  }
0xa1: {  	s23 =	simm.s32 $0x1B8B  }
0xa2: {  	_ =	swait.ge [sflag:s23], $0x1  }
0xa3: {  	[sflag:s23] =	ssyncset.done $0x0  }
0xa4: {  	s25 =	simm.s32 $0x1B8E;
	s24 =	sld [smem:$0x3FFE];
	[sflag:s23] =	ssyncadd.s32 $0xFFFFFFFF  }
0xa5: {  	s26 =	simm.s32 $execute0_lowered;
	[smem:$0x3FD2] =	sst s25  }
0xa6: {  	s5 =	sshll.u32 s26, $0x1;
	_ =	strace $0x80000046;
	[dreg:$0x1] =	wrdreg $0xFFFFFFFF  }
0xa7: {  	s28 =	simm.s32 $_size_execute0_lowered;
	s3 =	sadd.s32 s3, s5;
	[dreg:$0x0] =	wrdreg $0x0  }
0xa8: {  	s5 =	sshll.u32 s28, $0x1;
	[dreg:$0x2] =	wrdreg s3  }
0xa9: {  	[dreg:$0x3] =	wrdreg s5  }
0xaa: {  	[dreg:$0x4] =	wrdreg $0xC0  }
0xab: {  	_ =	task [dreg:s7], $0x5FFFF  }
0xac: {  	[dreg:$0x1] =	wrdreg $0xFFFFFFFF  }
0xad: {  	[dreg:$0x0] =	wrdreg $0x60  }
0xae: {  	[dreg:$0x2] =	wrdreg s2  }
0xaf: {  	[dreg:$0x3] =	wrdreg s24  }
0xb0: {  	[dreg:$0x4] =	wrdreg $0x9  }
0xb1: {  	_ =	task.clear_ibuf [dreg:s7], $0x5FFFF;
	_ =	strace $0x90000046  }
0xb2: {  	s29 =	simm.s32 $0x9;
	_ =	strace $0x80000048  }
0xb3: {  	_ =	swait.ge [sflag:s29], $0x1  }
0xb4: {  	[sflag:s29] =	ssyncadd.s32 $0xFFFFFFFF  }
0xb5: {  	_ =	strace $0x90000048  }
0xb6: {  	_ =	sfence  }
0xb7: {  	s30 =	sld [smem:$0x0];
	_ =	sdelay $0x2  }
0xb8: {  	s31 =	sshll.u32 s1, $0xD;
	s1 =	sshrl.u32 s1, $0x2  }
0xb9: {  	s3 =	sand.u32 $0x4000, s31;
	s1 =	sadd.s32 s1, s30  }
0xba: {  	s0 =	sor.u32 s3, s0;
	s1 =	sshll.u32 s1, $0x11  }
0xbb: {  	s0 =	sor.u32 s1, s0  }
0xbc: {  	s0 =	sadd.s32 $0x8F2B, s0  }
0xbd: {  	[sflag:s0] =	ssyncadd.remote.s32 $0x1  }
0xbe: {  	_ =	sfence.sel $0xFFFF  }
0xbf: {  	[dreg:$0x0] =	wrdreg $0xFFFFFFFF;
	(pc) =	sbr.abs _section_cstart, $3  }
0xc0: {  	[dreg:$0x1] =	wrdreg $0xFFFFFFFF  }
0xc1: {  	_ =	task.clear_ibuf [dreg:s7], $0x2FFFF;
	_ =	strace $0x9FFFFFFF  }
0xc2: {  	(tm) =	ssettm $0x7FFFFFFF  }
0xc3: {  	_ =	shalt  }
tec
execute0_lowered:
.L_overlay_start_1:
0x0: {  	(tag) =	ssettag $0x1  }
0x1: {  	s1 =	srdreg.scid  }
0x2: {  	s0 =	stileid.u32;
	s2 =	rddreg [dreg:$0x0]  }
0x3: {  	s4 =	rddreg [dreg:$0x1];
	s3 =	simm.s32 $0x0;
	s14 =	simm.s32 $0x1  }
0x4: {  	s15 =	simm.s32 $0x2;
	s16 =	simm.s32 $0x3;
	s11 =	smul.u32 $0x18000, s0  }
0x5: {  	s17 =	simm.s32 $0x4;
	s6 =	sand.u32 $0x1, s1;
	s28 =	smul.u32 $0xC0000, s0  }
0x6: {  	s18 =	simm.s32 $0x0;
	s24 =	sshll.u32 s0, $0x1;
	s13 =	smul.u32 $0x60000, s6  }
0x7: {  	s1 =	rddreg [dreg:$0x2];
	s5 =	sor.u32 s6, s24;
	s30 =	smul.u32 $0xC000, s6  }
0x8: {  	[smem:$0x7FF] =	sst s3;
	s12 =	sadd.s32 $0x5A00, s4;
	s7 =	smul.u32 $0x180, s5  }
0x9: {  	_ =	strace $0x80000047;
	s9 =	ssub.s32 $0x2, s6;
	s8 =	smul.u32 $0x60000, s5  }
0xa: {  	s10 =	smul.u32 $0xC000, s5;
	s26 =	sshrl.u32 s9, $0x1;
	s31 =	sadd.s32 s11, s12  }
0xb: {  	s11 =	simm.s32 $0x80;
	s25 =	sadd.s32 s7, s4;
	s7 =	ssub.s32 s9, s26  }
0xc: {  	s8 =	sshrl.u32 s8, $0x3;
	s9 =	sadd.s32 s13, s28;
	s10 =	sadd.s32 s10, s12  }
0xd: {  	s13 =	simm.s32 $0x4C00;
	s4 =	sadd.s32 $0x2A00, s25;
	s5 =	smax.u32 s7, $0x1  }
0xe: {  	s29 =	sadd.s32 s12, s8;
	s8 =	sadd.s32 s30, s31;
	s9 =	sshrl.u32 s9, $0x3  }
0xf: {  	s7 =	sadd.s32 $0xB800, s10;
	s10 =	simm.s32 $0x5;
	s6 =	sadd.s32 $0xB000, s29  }
0x10: {  	s8 =	sadd.s32 $0x800, s8;
	s9 =	sadd.s32 s9, s12;
	s12 =	simm.s32 $0xC00  }
.LBB2_1:
0x11: {  	[tilespmem:s3], [sflag:$0x5] =	stream.linear.gather [hbm4b:s4+s3], $0xC00, $0x38;
	[tilespmem:$0x8C00] =	vst v63  }
0x12: {  	_ =	swait.ge [sflag:s10], $0xC00  }
0x13: {  	[sflag:s10] =	ssyncset.done $0x0  }
0x14: {  	[sflag:s10] =	ssyncadd.s32 $0xFFFFF400  }
0x15: {  	[tilespmem:s12], [sflag:$0x1] =	stream.indirect.gather [hbm4b:s2+s11], $0x80, s3, s11, $0xb8;
	[tilespmem:$0x8C00] =	vst v63  }
0x16: {  	_ = 	snop  }
0x17: {  	[tilespmem:s13], [sflag:$0x2] =	stream.indirect.gather [hbm4b:s2+s11], $0x80, s11, s11, $0xb8;
	[tilespmem:$0x8C00] =	vst v63  }
0x18: {  	_ =	swait.ge [sflag:s14], $0x4000  }
0x19: {  	[sflag:s14] =	ssyncset.done $0x0  }
0x1a: {  	s19 =	sadd.s32 $0x0, s9;
	[sflag:s14] =	ssyncadd.s32 $0xFFFFC000  }
0x1b: {  	[hbm4b:s19+s3] =	stream.linear.scatter [tilespmem:s12], [sflag:$0x3], $0x4000, $0x38;
	[tilespmem:$0x8C00] =	vst v63  }
0x1c: {  	_ =	swait.ge [sflag:s15], $0x4000  }
0x1d: {  	[sflag:s15] =	ssyncset.done $0x0  }
0x1e: {  	s30 =	sadd.s32 $0x0, s8;
	[sflag:s15] =	ssyncadd.s32 $0xFFFFC000  }
0x1f: {  	[hbm4b:s30+s3] =	stream.linear.scatter [tilespmem:s13], [sflag:$0x4], $0x4000, $0x38;
	[tilespmem:$0x8C00] =	vst v63  }
0x20: {  	_ =	swait.ge [sflag:s16], $0x4000  }
0x21: {  	[sflag:s16] =	ssyncset.done $0x0  }
0x22: {  	s31 =	simm.s32 $0x100;
	[sflag:s16] =	ssyncadd.s32 $0xFFFFC000  }
0x23: {  	[tilespmem:s12], [sflag:$0x1] =	stream.indirect.gather [hbm4b:s2+s11], $0x80, s31, s11, $0xb8;
	[tilespmem:$0x8C00] =	vst v63  }
0x24: {  	_ =	swait.ge [sflag:s17], $0x4000  }
0x25: {  	s20 =	simm.s32 $0x1000;
	[sflag:s17] =	ssyncset.done $0x0  }
0x26: {  	s21 =	simm.s32 $0x280;
	s19 =	simm.s32 $0x180;
	[sflag:s17] =	ssyncadd.s32 $0xFFFFC000  }
.LBB2_2:
0x27: {  	[tilespmem:s13], [sflag:$0x2] =	stream.indirect.gather [hbm4b:s2+s11], $0x80, s19, s11, $0xb8;
	[tilespmem:$0x8C00] =	vst v63  }
0x28: {  	s22 =	smov.u32 s20;
	s19 =	smov.u32 s21  }
0x29: {  	p0 =	sne.s32 s20, $0xA000;
	s20 =	sadd.s32 $0x1000, s20;
	_ =	swait.ge [sflag:s14], $0x4000  }
0x2a: {  	[sflag:s14] =	ssyncset.done $0x0  }
0x2b: {  	s23 =	sadd.s32 s22, s9;
	[sflag:s14] =	ssyncadd.s32 $0xFFFFC000  }
0x2c: {  	[hbm4b:s23+s3] =	stream.linear.scatter [tilespmem:s12], [sflag:$0x3], $0x4000, $0x38;
	[tilespmem:$0x8C00] =	vst v63  }
0x2d: {  	_ =	swait.ge [sflag:s15], $0x4000  }
0x2e: {  	[sflag:s15] =	ssyncset.done $0x0  }
0x2f: {  	s22 =	sadd.s32 s22, s8;
	[sflag:s15] =	ssyncadd.s32 $0xFFFFC000  }
0x30: {  	[hbm4b:s22+s3] =	stream.linear.scatter [tilespmem:s13], [sflag:$0x4], $0x4000, $0x38;
	[tilespmem:$0x8C00] =	vst v63  }
0x31: {  	_ =	swait.ge [sflag:s16], $0x4000  }
0x32: {  	[sflag:s16] =	ssyncset.done $0x0  }
.Ltmp0:
0x33: {  	s22 =	sadd.s32 $0xFFFFFF80, s21;
	[sflag:s16] =	ssyncadd.s32 $0xFFFFC000;
	(pc) =	sbr.rel @p0 .LBB2_2-.Ltmp0, $4  }
0x34: {  	[tilespmem:s12], [sflag:$0x1] =	stream.indirect.gather [hbm4b:s2+s11], $0x80, s22, s11, $0xb8;
	[tilespmem:$0x8C00] =	vst v63  }
0x35: {  	_ =	swait.ge [sflag:s17], $0x4000  }
0x36: {  	[sflag:s17] =	ssyncset.done $0x0  }
0x37: {  	s21 =	sadd.s32 $0x100, s21;
	[sflag:s17] =	ssyncadd.s32 $0xFFFFC000  }
0x38: {  	[tilespmem:s13], [sflag:$0x2] =	stream.indirect.gather [hbm4b:s2+s11], $0x80, s19, s11, $0xb8;
	[tilespmem:$0x8C00] =	vst v63  }
0x39: {  	_ =	swait.ge [sflag:s14], $0x4000  }
0x3a: {  	[sflag:s14] =	ssyncset.done $0x0  }
0x3b: {  	[sflag:s14] =	ssyncadd.s32 $0xFFFFC000  }
0x3c: {  	[hbm4b:s6+s3] =	stream.linear.scatter [tilespmem:s12], [sflag:$0x3], $0x4000, $0x38;
	[tilespmem:$0x8C00] =	vst v63  }
0x3d: {  	_ =	swait.ge [sflag:s15], $0x4000  }
0x3e: {  	[sflag:s15] =	ssyncset.done $0x0  }
0x3f: {  	s18 =	sadd.s32 $0x1, s18;
	[sflag:s15] =	ssyncadd.s32 $0xFFFFC000  }
0x40: {  	[hbm4b:s7+s3] =	stream.linear.scatter [tilespmem:s13], [sflag:$0x4], $0x4000, $0x38;
	[tilespmem:$0x8C00] =	vst v63  }
0x41: {  	p0 =	sne.s32 s18, s5;
	_ =	swait.ge [sflag:s16], $0x4000  }
.Ltmp1:
0x42: {  	[sflag:s16] =	ssyncset.done $0x0;
	(pc) =	sbr.rel @p0 .LBB2_1-.Ltmp1, $4  }
0x43: {  	[sflag:s16] =	ssyncadd.s32 $0xFFFFC000  }
0x44: {  	_ =	swait.ge [sflag:s17], $0x4000  }
0x45: {  	[sflag:s17] =	ssyncset.done $0x0  }
0x46: {  	[sflag:s17] =	ssyncadd.s32 $0xFFFFC000  }
0x47: {  	_ =	sfence.sel $0x180000  }
0x48: {  	[bflag:$0x0] =	sbarrier.arrive $0xFFFF  }
0x49: {  	p0 =	sne.s32 s0, $0x0;
	_ =	strace $0x90000047  }
0x4a: {  	s0 =	sadd.s32 @!p0 $0x100000, s1;
	[bflag:$0x2] =	sbarrier.arrive $0xFFFF  }
0x4b: {  	[sflag:s0] =	ssyncadd.tile.s32 @!p0 $0x1;
	_ =	shalt  }
.Lfunc_end2:
_tile_overlayer_lowered:
.L_overlay_start_2:
0x4c: {  	(tag) =	ssettag $0x2  }
0x4d: {  	s0 =	rddreg [dreg:$0x0];
	s2 =	stileid.u32  }
0x4e: {  	s1 =	rddreg [dreg:$0x1];
	p0 =	sne.s32 s2, $0x0  }
0x4f: {  	s3 =	rddreg [dreg:$0x2];
	[bflag:$0x3] =	sbarrier.arrive $0xFFFF;
	s2 =	simm.s32 @!p0 $0x1C05  }
0x50: {  	[timem:s3], [sflag:s2] =	dma.local @!p0 [hbm:s0], s1  }
0x51: {  	s0 =	simm.s32 @!p0 $0x5  }
0x52: {  	_ =	swait.ge @!p0 [sflag:s0], s1  }
0x53: {  	s1 =	ssub.s32 @!p0 $0x0, s1;
	[sflag:s0] =	ssyncset.done @!p0 $0x0  }
0x54: {  	[sflag:s0] =	ssyncadd.s32 @!p0 s1  }
0x55: {  	[bflag:$0x3] =	sbarrier.arrive $0xFFFF  }
0x56: {  	_ =	shalt  }

</sc_bundles>
